<compile_context>
chip_gen: v7x
topology: tpu7x:2x2x1
jax: 0.10.2.dev20260603
libtpu: 0.0.44.dev20260713+nightly
codegen_flags: <defaults>
</compile_context>

<pallas_src>
import functools

import jax
import jax.numpy as jnp
from jax import lax
from jax.experimental import pallas as pl
from jax.experimental.pallas import tpu as pltpu
from jax.experimental.pallas import tpu_sc as plsc

_K = 8
_N = 4096
_NW = 32
_RS = 1280
_WPB = 8
_RPW = _RS // _WPB
_NCH = _N // 16
_ROWS = 256
_INF = float("inf")


def _bf16_round(x):
    i = lax.bitcast_convert_type(x, jnp.int32)
    odd = lax.shift_right_logical(i, 16) & jnp.int32(1)
    i = i + jnp.int32(0x7FFF) + odd
    i = i & jnp.int32(-65536)
    return lax.bitcast_convert_type(i, jnp.float32)


def _fsqrt(x):
    i = lax.bitcast_convert_type(x, jnp.int32)
    i = jnp.int32(0x1FBD1DF5) + lax.shift_right_arithmetic(i, 1)
    y = lax.bitcast_convert_type(i, jnp.float32)
    for _ in range(3):
        y = jnp.float32(0.5) * (y + x / y)
    return y


def _sort_asc(v):
    return plsc.sort_key_val(v, v)[0]


def _sort_desc(v):
    return plsc.sort_key_val(v, v, descending=True)[0]


def _merge_sorted(regs):
    b = _sort_asc(regs[0])
    for m in regs[1:]:
        b = _sort_asc(jnp.minimum(b, _sort_desc(m)))
    return b


def _bubble(ms, v):
    out = []
    for m in ms:
        lo = jnp.minimum(m, v)
        v = jnp.maximum(m, v)
        out.append(lo)
    return tuple(out)


def _sc_body(xt_hbm, out_hbm, xs, ys, zs, ss, xr, yr, zr, accs):
    wid = lax.axis_index("s") * 2 + lax.axis_index("c")
    batch = wid // _WPB
    rowbase = (wid % _WPB) * _RPW

    base = batch * 3 * _N
    pltpu.sync_copy(xt_hbm.at[pl.ds(base, _N)], xs)
    pltpu.sync_copy(xt_hbm.at[pl.ds(base + _N, _N)], ys)
    pltpu.sync_copy(xt_hbm.at[pl.ds(base + 2 * _N, _N)], zs)

    lanes = lax.iota(jnp.int32, 16)
    inf16 = jnp.full((16,), _INF, jnp.float32)

    def _norms(j, carry):
        sl = pl.ds(j * 16, 16)
        xv, yv, zv = xs[sl], ys[sl], zs[sl]
        ss[sl] = xv * xv + yv * yv + zv * zv
        xr[sl] = _bf16_round(xv)
        yr[sl] = _bf16_round(yv)
        zr[sl] = _bf16_round(zv)
        return carry

    lax.fori_loop(0, _NCH, _norms, 0)

    def _row(r, acc):
        ridx = jnp.full((16,), rowbase + r, jnp.int32)
        qx = plsc.load_gather(xs, [ridx])
        qy = plsc.load_gather(ys, [ridx])
        qz = plsc.load_gather(zs, [ridx])
        ax = jnp.float32(-2.0) * plsc.load_gather(xr, [ridx])
        ay = jnp.float32(-2.0) * plsc.load_gather(yr, [ridx])
        az = jnp.float32(-2.0) * plsc.load_gather(zr, [ridx])
        sq_q = qx * qx + qy * qy + qz * qz

        def _chunk4(j, ms):
            sl = pl.ds(j * 16, 16)
            v = ss[sl] + ax * xr[sl] + ay * yr[sl] + az * zr[sl]
            return _bubble(ms, v)

        ms4 = lax.fori_loop(0, _NCH, _chunk4, (inf16,) * 4, unroll=8)
        b = _merge_sorted(list(ms4))
        v8 = b[7]
        suspect = plsc.all_reduce_population_count(ms4[3] <= v8)[0]

        def _exact(_):
            def _chunk8(j, ms):
                sl = pl.ds(j * 16, 16)
                v = ss[sl] + ax * xr[sl] + ay * yr[sl] + az * zr[sl]
                return _bubble(ms, v)

            ms8 = lax.fori_loop(0, _NCH, _chunk8, (inf16,) * 8, unroll=4)
            return _merge_sorted(list(ms8))

        vals = lax.cond(suspect > 0, _exact, lambda _: b, 0)

        d2 = jnp.maximum(vals + sq_q, jnp.float32(0.0))
        good = jnp.logical_and(d2 > 0, lanes < _K)
        root = jnp.where(good, _fsqrt(jnp.where(good, d2, 1.0)), 0.0)
        return acc + root

    acc = lax.fori_loop(0, _RPW, _row, jnp.zeros((16,), jnp.float32))
    accs[...] = acc
    pltpu.sync_copy(accs, out_hbm.at[wid])


def _tc_extract(regs, inf, sq_q):
    rows = regs[0].shape[0]
    acc = jnp.zeros((rows, 1), jnp.float32)
    needed = jnp.full((rows, 1), float(_K), jnp.float32)
    m = None
    for _ in range(_K):
        mm = regs[0]
        for reg in regs[1:]:
            mm = jnp.minimum(mm, reg)
        m = jnp.min(mm, axis=1, keepdims=True)
        eqs = [reg == m for reg in regs]
        cnt = jnp.zeros((rows, 1), jnp.float32)
        for eq in eqs:
            cnt = cnt + jnp.sum(eq.astype(jnp.float32), axis=1, keepdims=True)
        take = jnp.minimum(cnt, needed)
        d2m = m + sq_q
        root = jnp.where(d2m > 0, jnp.sqrt(jnp.where(d2m > 0, d2m, 1.0)), 0.0)
        acc = acc + jnp.where(take > 0, take * root, 0.0)
        needed = needed - take
        regs = [jnp.where(eq, inf, reg) for reg, eq in zip(regs, eqs)]
    return acc, m


def _tc_bubble(d2, depth, inf):
    nch = d2.shape[1] // 128
    regs = [jnp.full((d2.shape[0], 128), inf, jnp.float32)
            for _ in range(depth)]
    for c in range(nch):
        v = d2[:, c * 128:(c + 1) * 128]
        out = []
        for m in regs:
            lo = jnp.minimum(m, v)
            v = jnp.maximum(m, v)
            out.append(lo)
        regs = out
    return regs


def _tc_body(q_ref, yt_ref, out_ref):
    bi = pl.program_id(0)
    ji = pl.program_id(1)
    q = q_ref[0]
    yt = yt_ref[0]
    sq_q = jnp.sum(q * q, axis=1, keepdims=True)
    sq_y = jnp.sum(yt * yt, axis=0, keepdims=True)
    cross = jax.lax.dot_general(
        q, yt, (((1,), (0,)), ((), ())),
        preferred_element_type=jnp.float32)
    t = sq_y - 2.0 * cross

    inf = jnp.float32(jnp.inf)
    regs4 = _tc_bubble(t, 4, inf)
    acc, v8 = _tc_extract(list(regs4), inf, sq_q)
    suspect = jnp.max(jnp.where(regs4[3] <= v8, 1.0, 0.0))

    @pl.when(jnp.logical_and(bi == 0, ji == 0))
    def _():
        out_ref[...] = jnp.zeros_like(out_ref)

    out_ref[...] += acc

    @pl.when(suspect > 0)
    def _():
        acc8, _unused = _tc_extract(_tc_bubble(t, _K, inf), inf, sq_q)
        out_ref[...] += acc8 - acc


def kernel(generated):
    generated = generated.astype(jnp.float32)
    b, c, h, w = generated.shape
    n = h * w
    xt = generated.reshape(b * c * n)

    yt_tc = generated.reshape(b, c, n)
    q_tc = jnp.transpose(yt_tc, (0, 2, 1))
    j0 = _RS // _ROWS
    tc_part = pl.pallas_call(
        _tc_body,
        grid=(b, (n - _RS) // _ROWS),
        in_specs=[
            pl.BlockSpec((1, _ROWS, c), lambda i, j: (i, j + j0, 0)),
            pl.BlockSpec((1, c, n), lambda i, j: (i, 0, 0)),
        ],
        out_specs=pl.BlockSpec((_ROWS, 1), lambda i, j: (0, 0)),
        out_shape=jax.ShapeDtypeStruct((_ROWS, 1), jnp.float32),
    )(q_tc, yt_tc)

    mesh = plsc.VectorSubcoreMesh(core_axis_name="c", subcore_axis_name="s")
    run = pl.kernel(
        _sc_body,
        mesh=mesh,
        compiler_params=pltpu.CompilerParams(needs_layout_passes=False),
        out_type=jax.ShapeDtypeStruct((_NW, 16), jnp.float32),
        scratch_types=[
            pltpu.VMEM((n,), jnp.float32),
            pltpu.VMEM((n,), jnp.float32),
            pltpu.VMEM((n,), jnp.float32),
            pltpu.VMEM((n,), jnp.float32),
            pltpu.VMEM((n,), jnp.float32),
            pltpu.VMEM((n,), jnp.float32),
            pltpu.VMEM((n,), jnp.float32),
            pltpu.VMEM((16,), jnp.float32),
        ],
    )
    partial = run(xt)
    total = jnp.sum(partial) + jnp.sum(tc_part)
    return -total / jnp.float32(b * n * _K)

# --- scband reference (transcript-rebuilt; emitter-appended) ---
"""Pipeline reference for scband-color-diversity-loss-48679159333230 (READ-ONLY COPY).

The authoritative reference and input builder live on the scoring server;
editing this copy changes nothing except your own understanding.
"""

import jax, jax.numpy as jnp
import numpy as np

NUM_CLUSTERS = 8


def setup_inputs(seed: int = 0) -> dict:
    key = jax.random.key(seed)
    generated = jax.random.normal(key, (4, 3, 64, 64), dtype=jnp.float32)
    return {"generated": generated}


def _cdist(x):
    # x: [b, n, d] -> pairwise Euclidean distances [b, n, n]
    sq = jnp.sum(x * x, axis=-1)
    d2 = sq[:, :, None] + sq[:, None, :] - 2.0 * jnp.einsum('bnd,bmd->bnm', x, x)
    d2 = jnp.maximum(d2, 0.0)
    safe = jnp.where(d2 > 0, d2, 1.0)
    return jnp.where(d2 > 0, jnp.sqrt(safe), 0.0)


def reference(generated):
    generated = generated.astype(jnp.float32)
    b, c, h, w = generated.shape
    pixels = jnp.transpose(generated.reshape(b, 3, -1), (0, 2, 1))  # [b, h*w, 3]
    distances = _cdist(pixels)  # [b, n, n]
    # torch.topk(k, dim=1, largest=False): k smallest along dim 1 for each column j
    dT = jnp.transpose(distances, (0, 2, 1))  # put dim 1 last
    neg_top, _ = jax.lax.top_k(-dT, NUM_CLUSTERS)
    min_distances = -neg_top  # [b, n, k]
    loss = -jnp.mean(min_distances)
    return loss

if __name__ == "__main__":
    import jax
    _d = setup_inputs()
    print(jax.jit(kernel)(*tuple(_d.values())))

</pallas_src>

<mosaic_0001>
#map = affine_map<(d0, d1) -> (0)>
#map1 = affine_map<(d0, d1) -> (0, 0)>
module attributes {stable_mosaic.version = 14 : i64} {
  func.func @_sc_body(%arg0: i32, %arg1: i32, %arg2: memref<49152xf32, #tpu.memory_space<hbm>>, %arg3: memref<32x16xf32, #tpu.memory_space<hbm>>, %arg4: memref<4096xf32, #tpu.memory_space<vmem>>, %arg5: memref<4096xf32, #tpu.memory_space<vmem>>, %arg6: memref<4096xf32, #tpu.memory_space<vmem>>, %arg7: memref<4096xf32, #tpu.memory_space<vmem>>, %arg8: memref<4096xf32, #tpu.memory_space<vmem>>, %arg9: memref<4096xf32, #tpu.memory_space<vmem>>, %arg10: memref<4096xf32, #tpu.memory_space<vmem>>, %arg11: memref<16xf32, #tpu.memory_space<vmem>>) attributes {dimension_semantics = [#tpu.dimension_semantics<core_parallel>, #tpu.dimension_semantics<subcore_parallel>], iteration_bounds = array<i64: 2, 16>, scalar_prefetch = 0 : i64, scratch_operands = 8 : i64, tpu.core_type = #tpu.core_type<sc_vector_subcore>, window_params = [{transform_indices = #map}, {transform_indices = #map1}]} {
    %mul3A = arith.constant 2 : i32
    %mul3A_0 = arith.muli %arg1, %mul3A : i32
    %add3A = arith.addi %mul3A_0, %arg0 : i32
    %jit3A = arith.constant 8 : i32
    %div3A = arith.divsi %add3A, %jit3A : i32
    %sign3A = arith.constant 0 : i32
    %sign3A_1 = arith.cmpi sgt, %add3A, %sign3A : i32
    %sign3A_2 = arith.extui %sign3A_1 : i1 to i32
    %sign3A_3 = arith.constant 0 : i32
    %sign3A_4 = arith.cmpi slt, %add3A, %sign3A_3 : i32
    %sign3A_5 = arith.extui %sign3A_4 : i1 to i32
    %sign3A_6 = arith.subi %sign3A_2, %sign3A_5 : i32
    %sign3A_7 = arith.constant 0 : i32
    %sign3A_8 = arith.cmpi sgt, %jit3A, %sign3A_7 : i32
    %sign3A_9 = arith.extui %sign3A_8 : i1 to i32
    %sign3A_10 = arith.constant 0 : i32
    %sign3A_11 = arith.cmpi slt, %jit3A, %sign3A_10 : i32
    %sign3A_12 = arith.extui %sign3A_11 : i1 to i32
    %sign3A_13 = arith.subi %sign3A_9, %sign3A_12 : i32
    %ne3A = arith.cmpi ne, %sign3A_6, %sign3A_13 : i32
    %rem3A = arith.remsi %add3A, %jit3A : i32
    %ne3A_14 = arith.constant 0 : i32
    %ne3A_15 = arith.cmpi ne, %rem3A, %ne3A_14 : i32
    %and3A = arith.andi %ne3A, %ne3A_15 : i1
    %sub3A = arith.constant 1 : i32
    %sub3A_16 = arith.subi %div3A, %sub3A : i32
    %select_n3A = arith.select %and3A, %sub3A_16, %div3A : i32
    %jit3A_17 = arith.constant 8 : i32
    %eq3A = arith.constant 0 : i32
    %eq3A_18 = arith.cmpi eq, %jit3A_17, %eq3A : i32
    %jit3A_19 = arith.constant 1 : i32
    %select_n3A_20 = arith.select %eq3A_18, %jit3A_19, %jit3A_17 : i32
    %rem3A_21 = arith.remsi %add3A, %select_n3A_20 : i32
    %ne3A_22 = arith.constant 0 : i32
    %ne3A_23 = arith.cmpi ne, %rem3A_21, %ne3A_22 : i32
    %lt3A = arith.constant 0 : i32
    %lt3A_24 = arith.cmpi slt, %rem3A_21, %lt3A : i32
    %lt3A_25 = arith.constant 0 : i32
    %lt3A_26 = arith.cmpi slt, %select_n3A_20, %lt3A_25 : i32
    %ne3A_27 = arith.xori %lt3A_24, %lt3A_26 : i1
    %and3A_28 = arith.andi %ne3A_27, %ne3A_23 : i1
    %add3A_29 = arith.addi %rem3A_21, %select_n3A_20 : i32
    %select_n3A_30 = arith.select %and3A_28, %add3A_29, %rem3A_21 : i32
    %mul3A_31 = arith.constant 160 : i32
    %mul3A_32 = arith.muli %select_n3A_30, %mul3A_31 : i32
    %mul3A_33 = arith.constant 3 : i32
    %mul3A_34 = arith.muli %select_n3A, %mul3A_33 : i32
    %mul3A_35 = arith.constant 4096 : i32
    %mul3A_36 = arith.muli %mul3A_34, %mul3A_35 : i32
    "tpu.region"() ({
      %run_scoped3A = tpu.sem_alloc : memref<!tpu.dma_semaphore, #tpu.memory_space<semaphore_mem>>
      %dma_start3A = tpu.memref_slice %arg2[%mul3A_36] : memref<49152xf32, #tpu.memory_space<hbm>> -> memref<4096xf32, #tpu.memory_space<hbm>>
      %dma_start3A_56 = tpu.memref_slice %arg2[%mul3A_36] : memref<49152xf32, #tpu.memory_space<hbm>> -> memref<4096xf32, #tpu.memory_space<hbm>>
      tpu.enqueue_dma source(%dma_start3A_56 : memref<4096xf32, #tpu.memory_space<hbm>>) target(%arg4 : memref<4096xf32, #tpu.memory_space<vmem>>) target_semaphore(%run_scoped3A : memref<!tpu.dma_semaphore, #tpu.memory_space<semaphore_mem>>)
      %dma_wait3A = tpu.memref_slice %arg2[%mul3A_36] : memref<49152xf32, #tpu.memory_space<hbm>> -> memref<4096xf32, #tpu.memory_space<hbm>>
      %dma_wait3A_57 = tpu.memref_slice %arg2[%mul3A_36] : memref<49152xf32, #tpu.memory_space<hbm>> -> memref<4096xf32, #tpu.memory_space<hbm>>
      tpu.wait_dma2 semaphore(%run_scoped3A : memref<!tpu.dma_semaphore, #tpu.memory_space<semaphore_mem>>) src(%dma_wait3A_57 : memref<4096xf32, #tpu.memory_space<hbm>>) dst(%arg4 : memref<4096xf32, #tpu.memory_space<vmem>>)
      tpu.yield
    }) : () -> ()
    %add3A_37 = arith.constant 4096 : i32
    %add3A_38 = arith.addi %mul3A_36, %add3A_37 : i32
    "tpu.region"() ({
      %run_scoped3A = tpu.sem_alloc : memref<!tpu.dma_semaphore, #tpu.memory_space<semaphore_mem>>
      %dma_start3A = tpu.memref_slice %arg2[%add3A_38] : memref<49152xf32, #tpu.memory_space<hbm>> -> memref<4096xf32, #tpu.memory_space<hbm>>
      %dma_start3A_56 = tpu.memref_slice %arg2[%add3A_38] : memref<49152xf32, #tpu.memory_space<hbm>> -> memref<4096xf32, #tpu.memory_space<hbm>>
      tpu.enqueue_dma source(%dma_start3A_56 : memref<4096xf32, #tpu.memory_space<hbm>>) target(%arg5 : memref<4096xf32, #tpu.memory_space<vmem>>) target_semaphore(%run_scoped3A : memref<!tpu.dma_semaphore, #tpu.memory_space<semaphore_mem>>)
      %dma_wait3A = tpu.memref_slice %arg2[%add3A_38] : memref<49152xf32, #tpu.memory_space<hbm>> -> memref<4096xf32, #tpu.memory_space<hbm>>
      %dma_wait3A_57 = tpu.memref_slice %arg2[%add3A_38] : memref<49152xf32, #tpu.memory_space<hbm>> -> memref<4096xf32, #tpu.memory_space<hbm>>
      tpu.wait_dma2 semaphore(%run_scoped3A : memref<!tpu.dma_semaphore, #tpu.memory_space<semaphore_mem>>) src(%dma_wait3A_57 : memref<4096xf32, #tpu.memory_space<hbm>>) dst(%arg5 : memref<4096xf32, #tpu.memory_space<vmem>>)
      tpu.yield
    }) : () -> ()
    %add3A_39 = arith.constant 8192 : i32
    %add3A_40 = arith.addi %mul3A_36, %add3A_39 : i32
    "tpu.region"() ({
      %run_scoped3A = tpu.sem_alloc : memref<!tpu.dma_semaphore, #tpu.memory_space<semaphore_mem>>
      %dma_start3A = tpu.memref_slice %arg2[%add3A_40] : memref<49152xf32, #tpu.memory_space<hbm>> -> memref<4096xf32, #tpu.memory_space<hbm>>
      %dma_start3A_56 = tpu.memref_slice %arg2[%add3A_40] : memref<49152xf32, #tpu.memory_space<hbm>> -> memref<4096xf32, #tpu.memory_space<hbm>>
      tpu.enqueue_dma source(%dma_start3A_56 : memref<4096xf32, #tpu.memory_space<hbm>>) target(%arg6 : memref<4096xf32, #tpu.memory_space<vmem>>) target_semaphore(%run_scoped3A : memref<!tpu.dma_semaphore, #tpu.memory_space<semaphore_mem>>)
      %dma_wait3A = tpu.memref_slice %arg2[%add3A_40] : memref<49152xf32, #tpu.memory_space<hbm>> -> memref<4096xf32, #tpu.memory_space<hbm>>
      %dma_wait3A_57 = tpu.memref_slice %arg2[%add3A_40] : memref<49152xf32, #tpu.memory_space<hbm>> -> memref<4096xf32, #tpu.memory_space<hbm>>
      tpu.wait_dma2 semaphore(%run_scoped3A : memref<!tpu.dma_semaphore, #tpu.memory_space<semaphore_mem>>) src(%dma_wait3A_57 : memref<4096xf32, #tpu.memory_space<hbm>>) dst(%arg6 : memref<4096xf32, #tpu.memory_space<vmem>>)
      tpu.yield
    }) : () -> ()
    %iota3A = tpu.iota {dimensions = array<i32: 0>} : vector<16xi32>
    %broadcast_in_dim3A = arith.constant 0x7F800000 : f32
    %broadcast_in_dim3A_41 = vector.broadcast %broadcast_in_dim3A : f32 to vector<16xf32>
    %scan3A = arith.constant 0 : i32
    %scan3A_42 = arith.constant 0 : i32
    %scan3A_43 = arith.constant 256 : i32
    %scan3A_44 = arith.addi %scan3A_42, %scan3A_43 : i32
    %scan3A_45 = arith.constant 1 : i32
    scf.for %scan3A_56 = %scan3A_42 to %scan3A_44 step %scan3A_45  : i32 {
      %mul3A_57 = arith.constant 16 : i32
      %mul3A_58 = arith.muli %scan3A_56, %mul3A_57 : i32
      %get3A = arith.index_cast %mul3A_58 : i32 to index
      %get3A_59 = tpu.vector_load %arg4[%get3A] {strides = array<i32>} : memref<4096xf32, #tpu.memory_space<vmem>>, vector<16xf32>,
      %get3A_60 = arith.index_cast %mul3A_58 : i32 to index
      %get3A_61 = tpu.vector_load %arg5[%get3A_60] {strides = array<i32>} : memref<4096xf32, #tpu.memory_space<vmem>>, vector<16xf32>,
      %get3A_62 = arith.index_cast %mul3A_58 : i32 to index
      %get3A_63 = tpu.vector_load %arg6[%get3A_62] {strides = array<i32>} : memref<4096xf32, #tpu.memory_space<vmem>>, vector<16xf32>,
      %mul3A_64 = arith.mulf %get3A_59, %get3A_59 : vector<16xf32>
      %mul3A_65 = arith.mulf %get3A_61, %get3A_61 : vector<16xf32>
      %add3A_66 = arith.addf %mul3A_64, %mul3A_65 : vector<16xf32>
      %mul3A_67 = arith.mulf %get3A_63, %get3A_63 : vector<16xf32>
      %add3A_68 = arith.addf %add3A_66, %mul3A_67 : vector<16xf32>
      %swap3A_69 = arith.index_cast %mul3A_58 : i32 to index
      %swap3A_70 = tpu.vector_load %arg7[%swap3A_69] {strides = array<i32>} : memref<4096xf32, #tpu.memory_space<vmem>>, vector<16xf32>,
      tpu.vector_store %arg7[%swap3A_69], %add3A_68 {strides = array<i32>} : memref<4096xf32, #tpu.memory_space<vmem>>, vector<16xf32>,
      %bitcast_convert_type3A = tpu.bitcast %get3A_59 : vector<16xf32> -> vector<16xi32>
      %shift_right_logical3A = arith.constant 16 : i32
      %shift_right_logical3A_71 = vector.broadcast %shift_right_logical3A : i32 to vector<16xi32>
      %shift_right_logical3A_72 = arith.shrui %bitcast_convert_type3A, %shift_right_logical3A_71 : vector<16xi32>
      %and3A_73 = arith.constant 1 : i32
      %and3A_74 = vector.broadcast %and3A_73 : i32 to vector<16xi32>
      %and3A_75 = arith.andi %shift_right_logical3A_72, %and3A_74 : vector<16xi32>
      %add3A_76 = arith.constant 32767 : i32
      %add3A_77 = vector.broadcast %add3A_76 : i32 to vector<16xi32>
      %add3A_78 = arith.addi %bitcast_convert_type3A, %add3A_77 : vector<16xi32>
      %add3A_79 = arith.addi %add3A_78, %and3A_75 : vector<16xi32>
      %and3A_80 = arith.constant -65536 : i32
      %and3A_81 = vector.broadcast %and3A_80 : i32 to vector<16xi32>
      %and3A_82 = arith.andi %add3A_79, %and3A_81 : vector<16xi32>
      %bitcast_convert_type3A_83 = tpu.bitcast %and3A_82 : vector<16xi32> -> vector<16xf32>
      %swap3A_84 = arith.index_cast %mul3A_58 : i32 to index
      %swap3A_85 = tpu.vector_load %arg8[%swap3A_84] {strides = array<i32>} : memref<4096xf32, #tpu.memory_space<vmem>>, vector<16xf32>,
      tpu.vector_store %arg8[%swap3A_84], %bitcast_convert_type3A_83 {strides = array<i32>} : memref<4096xf32, #tpu.memory_space<vmem>>, vector<16xf32>,
      %bitcast_convert_type3A_86 = tpu.bitcast %get3A_61 : vector<16xf32> -> vector<16xi32>
      %shift_right_logical3A_87 = arith.constant 16 : i32
      %shift_right_logical3A_88 = vector.broadcast %shift_right_logical3A_87 : i32 to vector<16xi32>
      %shift_right_logical3A_89 = arith.shrui %bitcast_convert_type3A_86, %shift_right_logical3A_88 : vector<16xi32>
      %and3A_90 = arith.constant 1 : i32
      %and3A_91 = vector.broadcast %and3A_90 : i32 to vector<16xi32>
      %and3A_92 = arith.andi %shift_right_logical3A_89, %and3A_91 : vector<16xi32>
      %add3A_93 = arith.constant 32767 : i32
      %add3A_94 = vector.broadcast %add3A_93 : i32 to vector<16xi32>
      %add3A_95 = arith.addi %bitcast_convert_type3A_86, %add3A_94 : vector<16xi32>
      %add3A_96 = arith.addi %add3A_95, %and3A_92 : vector<16xi32>
      %and3A_97 = arith.constant -65536 : i32
      %and3A_98 = vector.broadcast %and3A_97 : i32 to vector<16xi32>
      %and3A_99 = arith.andi %add3A_96, %and3A_98 : vector<16xi32>
      %bitcast_convert_type3A_100 = tpu.bitcast %and3A_99 : vector<16xi32> -> vector<16xf32>
      %swap3A_101 = arith.index_cast %mul3A_58 : i32 to index
      %swap3A_102 = tpu.vector_load %arg9[%swap3A_101] {strides = array<i32>} : memref<4096xf32, #tpu.memory_space<vmem>>, vector<16xf32>,
      tpu.vector_store %arg9[%swap3A_101], %bitcast_convert_type3A_100 {strides = array<i32>} : memref<4096xf32, #tpu.memory_space<vmem>>, vector<16xf32>,
      %bitcast_convert_type3A_103 = tpu.bitcast %get3A_63 : vector<16xf32> -> vector<16xi32>
      %shift_right_logical3A_104 = arith.constant 16 : i32
      %shift_right_logical3A_105 = vector.broadcast %shift_right_logical3A_104 : i32 to vector<16xi32>
      %shift_right_logical3A_106 = arith.shrui %bitcast_convert_type3A_103, %shift_right_logical3A_105 : vector<16xi32>
      %and3A_107 = arith.constant 1 : i32
      %and3A_108 = vector.broadcast %and3A_107 : i32 to vector<16xi32>
      %and3A_109 = arith.andi %shift_right_logical3A_106, %and3A_108 : vector<16xi32>
      %add3A_110 = arith.constant 32767 : i32
      %add3A_111 = vector.broadcast %add3A_110 : i32 to vector<16xi32>
      %add3A_112 = arith.addi %bitcast_convert_type3A_103, %add3A_111 : vector<16xi32>
      %add3A_113 = arith.addi %add3A_112, %and3A_109 : vector<16xi32>
      %and3A_114 = arith.constant -65536 : i32
      %and3A_115 = vector.broadcast %and3A_114 : i32 to vector<16xi32>
      %and3A_116 = arith.andi %add3A_113, %and3A_115 : vector<16xi32>
      %bitcast_convert_type3A_117 = tpu.bitcast %and3A_116 : vector<16xi32> -> vector<16xf32>
      %swap3A_118 = arith.index_cast %mul3A_58 : i32 to index
      %swap3A_119 = tpu.vector_load %arg10[%swap3A_118] {strides = array<i32>} : memref<4096xf32, #tpu.memory_space<vmem>>, vector<16xf32>,
      tpu.vector_store %arg10[%swap3A_118], %bitcast_convert_type3A_117 {strides = array<i32>} : memref<4096xf32, #tpu.memory_space<vmem>>, vector<16xf32>,
    }
    %scan3A_46 = arith.constant 256 : i32
    %broadcast_in_dim3A_47 = arith.constant 0.000000e+00 : f32
    %broadcast_in_dim3A_48 = vector.broadcast %broadcast_in_dim3A_47 : f32 to vector<16xf32>
    %scan3A_49 = arith.constant 0 : i32
    %scan3A_50 = arith.constant 160 : i32
    %scan3A_51 = arith.addi %scan3A_49, %scan3A_50 : i32
    %scan3A_52 = arith.constant 1 : i32
    %scan3A_53 = scf.for %scan3A_56 = %scan3A_49 to %scan3A_51 step %scan3A_52 iter_args(%scan3A_57 = %broadcast_in_dim3A_48) -> (vector<16xf32>)  : i32 {
      %add3A_58 = arith.addi %mul3A_32, %scan3A_56 : i32
      %broadcast_in_dim3A_59 = vector.broadcast %add3A_58 : i32 to vector<16xi32>
      %gather3A = tpu.vector_load_idx %arg4[%broadcast_in_dim3A_59] : memref<4096xf32, #tpu.memory_space<vmem>>[vector<16xi32>], vector<16xf32>,
      %gather3A_60 = tpu.vector_load_idx %arg5[%broadcast_in_dim3A_59] : memref<4096xf32, #tpu.memory_space<vmem>>[vector<16xi32>], vector<16xf32>,
      %gather3A_61 = tpu.vector_load_idx %arg6[%broadcast_in_dim3A_59] : memref<4096xf32, #tpu.memory_space<vmem>>[vector<16xi32>], vector<16xf32>,
      %gather3A_62 = tpu.vector_load_idx %arg8[%broadcast_in_dim3A_59] : memref<4096xf32, #tpu.memory_space<vmem>>[vector<16xi32>], vector<16xf32>,
      %mul3A_63 = arith.constant -2.000000e+00 : f32
      %mul3A_64 = vector.broadcast %mul3A_63 : f32 to vector<16xf32>
      %mul3A_65 = arith.mulf %mul3A_64, %gather3A_62 : vector<16xf32>
      %gather3A_66 = tpu.vector_load_idx %arg9[%broadcast_in_dim3A_59] : memref<4096xf32, #tpu.memory_space<vmem>>[vector<16xi32>], vector<16xf32>,
      %mul3A_67 = arith.constant -2.000000e+00 : f32
      %mul3A_68 = vector.broadcast %mul3A_67 : f32 to vector<16xf32>
      %mul3A_69 = arith.mulf %mul3A_68, %gather3A_66 : vector<16xf32>
      %gather3A_70 = tpu.vector_load_idx %arg10[%broadcast_in_dim3A_59] : memref<4096xf32, #tpu.memory_space<vmem>>[vector<16xi32>], vector<16xf32>,
      %mul3A_71 = arith.constant -2.000000e+00 : f32
      %mul3A_72 = vector.broadcast %mul3A_71 : f32 to vector<16xf32>
      %mul3A_73 = arith.mulf %mul3A_72, %gather3A_70 : vector<16xf32>
      %mul3A_74 = arith.mulf %gather3A, %gather3A : vector<16xf32>
      %mul3A_75 = arith.mulf %gather3A_60, %gather3A_60 : vector<16xf32>
      %add3A_76 = arith.addf %mul3A_74, %mul3A_75 : vector<16xf32>
      %mul3A_77 = arith.mulf %gather3A_61, %gather3A_61 : vector<16xf32>
      %add3A_78 = arith.addf %add3A_76, %mul3A_77 : vector<16xf32>
      %scan3A_79 = arith.constant 0 : i32
      %scan3A_80 = arith.constant 256 : i32
      %scan3A_81 = arith.addi %scan3A_79, %scan3A_80 : i32
      %scan3A_82 = arith.constant 8 : i32
      %scan3A_83:4 = scf.for %scan3A_159 = %scan3A_79 to %scan3A_81 step %scan3A_82 iter_args(%scan3A_160 = %broadcast_in_dim3A_41, %scan3A_161 = %broadcast_in_dim3A_41, %scan3A_162 = %broadcast_in_dim3A_41, %scan3A_163 = %broadcast_in_dim3A_41) -> (vector<16xf32>, vector<16xf32>, vector<16xf32>, vector<16xf32>)  : i32 {
        %mul3A_164 = arith.constant 16 : i32
        %mul3A_165 = arith.muli %scan3A_159, %mul3A_164 : i32
        %get3A = arith.index_cast %mul3A_165 : i32 to index
        %get3A_166 = tpu.vector_load %arg7[%get3A] {strides = array<i32>} : memref<4096xf32, #tpu.memory_space<vmem>>, vector<16xf32>,
        %get3A_167 = arith.index_cast %mul3A_165 : i32 to index
        %get3A_168 = tpu.vector_load %arg8[%get3A_167] {strides = array<i32>} : memref<4096xf32, #tpu.memory_space<vmem>>, vector<16xf32>,
        %mul3A_169 = arith.mulf %mul3A_65, %get3A_168 : vector<16xf32>
        %add3A_170 = arith.addf %get3A_166, %mul3A_169 : vector<16xf32>
        %get3A_171 = arith.index_cast %mul3A_165 : i32 to index
        %get3A_172 = tpu.vector_load %arg9[%get3A_171] {strides = array<i32>} : memref<4096xf32, #tpu.memory_space<vmem>>, vector<16xf32>,
        %mul3A_173 = arith.mulf %mul3A_69, %get3A_172 : vector<16xf32>
        %add3A_174 = arith.addf %add3A_170, %mul3A_173 : vector<16xf32>
        %get3A_175 = arith.index_cast %mul3A_165 : i32 to index
        %get3A_176 = tpu.vector_load %arg10[%get3A_175] {strides = array<i32>} : memref<4096xf32, #tpu.memory_space<vmem>>, vector<16xf32>,
        %mul3A_177 = arith.mulf %mul3A_73, %get3A_176 : vector<16xf32>
        %add3A_178 = arith.addf %add3A_174, %mul3A_177 : vector<16xf32>
        %min3A_179 = arith.minimumf %scan3A_160, %add3A_178 : vector<16xf32>
        %max3A_180 = arith.maximumf %scan3A_160, %add3A_178 : vector<16xf32>
        %min3A_181 = arith.minimumf %scan3A_161, %max3A_180 : vector<16xf32>
        %max3A_182 = arith.maximumf %scan3A_161, %max3A_180 : vector<16xf32>
        %min3A_183 = arith.minimumf %scan3A_162, %max3A_182 : vector<16xf32>
        %max3A_184 = arith.maximumf %scan3A_162, %max3A_182 : vector<16xf32>
        %min3A_185 = arith.minimumf %scan3A_163, %max3A_184 : vector<16xf32>
        %max3A_186 = arith.maximumf %scan3A_163, %max3A_184 : vector<16xf32>
        %scan3A_187 = arith.constant 1 : i32
        %scan3A_188 = arith.addi %scan3A_159, %scan3A_187 : i32
        %mul3A_189 = arith.constant 16 : i32
        %mul3A_190 = arith.muli %scan3A_188, %mul3A_189 : i32
        %get3A_191 = arith.index_cast %mul3A_190 : i32 to index
        %get3A_192 = tpu.vector_load %arg7[%get3A_191] {strides = array<i32>} : memref<4096xf32, #tpu.memory_space<vmem>>, vector<16xf32>,
        %get3A_193 = arith.index_cast %mul3A_190 : i32 to index
        %get3A_194 = tpu.vector_load %arg8[%get3A_193] {strides = array<i32>} : memref<4096xf32, #tpu.memory_space<vmem>>, vector<16xf32>,
        %mul3A_195 = arith.mulf %mul3A_65, %get3A_194 : vector<16xf32>
        %add3A_196 = arith.addf %get3A_192, %mul3A_195 : vector<16xf32>
        %get3A_197 = arith.index_cast %mul3A_190 : i32 to index
        %get3A_198 = tpu.vector_load %arg9[%get3A_197] {strides = array<i32>} : memref<4096xf32, #tpu.memory_space<vmem>>, vector<16xf32>,
        %mul3A_199 = arith.mulf %mul3A_69, %get3A_198 : vector<16xf32>
        %add3A_200 = arith.addf %add3A_196, %mul3A_199 : vector<16xf32>
        %get3A_201 = arith.index_cast %mul3A_190 : i32 to index
        %get3A_202 = tpu.vector_load %arg10[%get3A_201] {strides = array<i32>} : memref<4096xf32, #tpu.memory_space<vmem>>, vector<16xf32>,
        %mul3A_203 = arith.mulf %mul3A_73, %get3A_202 : vector<16xf32>
        %add3A_204 = arith.addf %add3A_200, %mul3A_203 : vector<16xf32>
        %min3A_205 = arith.minimumf %min3A_179, %add3A_204 : vector<16xf32>
        %max3A_206 = arith.maximumf %min3A_179, %add3A_204 : vector<16xf32>
        %min3A_207 = arith.minimumf %min3A_181, %max3A_206 : vector<16xf32>
        %max3A_208 = arith.maximumf %min3A_181, %max3A_206 : vector<16xf32>
        %min3A_209 = arith.minimumf %min3A_183, %max3A_208 : vector<16xf32>
        %max3A_210 = arith.maximumf %min3A_183, %max3A_208 : vector<16xf32>
        %min3A_211 = arith.minimumf %min3A_185, %max3A_210 : vector<16xf32>
        %max3A_212 = arith.maximumf %min3A_185, %max3A_210 : vector<16xf32>
        %scan3A_213 = arith.constant 2 : i32
        %scan3A_214 = arith.addi %scan3A_159, %scan3A_213 : i32
        %mul3A_215 = arith.constant 16 : i32
        %mul3A_216 = arith.muli %scan3A_214, %mul3A_215 : i32
        %get3A_217 = arith.index_cast %mul3A_216 : i32 to index
        %get3A_218 = tpu.vector_load %arg7[%get3A_217] {strides = array<i32>} : memref<4096xf32, #tpu.memory_space<vmem>>, vector<16xf32>,
        %get3A_219 = arith.index_cast %mul3A_216 : i32 to index
        %get3A_220 = tpu.vector_load %arg8[%get3A_219] {strides = array<i32>} : memref<4096xf32, #tpu.memory_space<vmem>>, vector<16xf32>,
        %mul3A_221 = arith.mulf %mul3A_65, %get3A_220 : vector<16xf32>
        %add3A_222 = arith.addf %get3A_218, %mul3A_221 : vector<16xf32>
        %get3A_223 = arith.index_cast %mul3A_216 : i32 to index
        %get3A_224 = tpu.vector_load %arg9[%get3A_223] {strides = array<i32>} : memref<4096xf32, #tpu.memory_space<vmem>>, vector<16xf32>,
        %mul3A_225 = arith.mulf %mul3A_69, %get3A_224 : vector<16xf32>
        %add3A_226 = arith.addf %add3A_222, %mul3A_225 : vector<16xf32>
        %get3A_227 = arith.index_cast %mul3A_216 : i32 to index
        %get3A_228 = tpu.vector_load %arg10[%get3A_227] {strides = array<i32>} : memref<4096xf32, #tpu.memory_space<vmem>>, vector<16xf32>,
        %mul3A_229 = arith.mulf %mul3A_73, %get3A_228 : vector<16xf32>
        %add3A_230 = arith.addf %add3A_226, %mul3A_229 : vector<16xf32>
        %min3A_231 = arith.minimumf %min3A_205, %add3A_230 : vector<16xf32>
        %max3A_232 = arith.maximumf %min3A_205, %add3A_230 : vector<16xf32>
        %min3A_233 = arith.minimumf %min3A_207, %max3A_232 : vector<16xf32>
        %max3A_234 = arith.maximumf %min3A_207, %max3A_232 : vector<16xf32>
        %min3A_235 = arith.minimumf %min3A_209, %max3A_234 : vector<16xf32>
        %max3A_236 = arith.maximumf %min3A_209, %max3A_234 : vector<16xf32>
        %min3A_237 = arith.minimumf %min3A_211, %max3A_236 : vector<16xf32>
        %max3A_238 = arith.maximumf %min3A_211, %max3A_236 : vector<16xf32>
        %scan3A_239 = arith.constant 3 : i32
        %scan3A_240 = arith.addi %scan3A_159, %scan3A_239 : i32
        %mul3A_241 = arith.constant 16 : i32
        %mul3A_242 = arith.muli %scan3A_240, %mul3A_241 : i32
        %get3A_243 = arith.index_cast %mul3A_242 : i32 to index
        %get3A_244 = tpu.vector_load %arg7[%get3A_243] {strides = array<i32>} : memref<4096xf32, #tpu.memory_space<vmem>>, vector<16xf32>,
        %get3A_245 = arith.index_cast %mul3A_242 : i32 to index
        %get3A_246 = tpu.vector_load %arg8[%get3A_245] {strides = array<i32>} : memref<4096xf32, #tpu.memory_space<vmem>>, vector<16xf32>,
        %mul3A_247 = arith.mulf %mul3A_65, %get3A_246 : vector<16xf32>
        %add3A_248 = arith.addf %get3A_244, %mul3A_247 : vector<16xf32>
        %get3A_249 = arith.index_cast %mul3A_242 : i32 to index
        %get3A_250 = tpu.vector_load %arg9[%get3A_249] {strides = array<i32>} : memref<4096xf32, #tpu.memory_space<vmem>>, vector<16xf32>,
        %mul3A_251 = arith.mulf %mul3A_69, %get3A_250 : vector<16xf32>
        %add3A_252 = arith.addf %add3A_248, %mul3A_251 : vector<16xf32>
        %get3A_253 = arith.index_cast %mul3A_242 : i32 to index
        %get3A_254 = tpu.vector_load %arg10[%get3A_253] {strides = array<i32>} : memref<4096xf32, #tpu.memory_space<vmem>>, vector<16xf32>,
        %mul3A_255 = arith.mulf %mul3A_73, %get3A_254 : vector<16xf32>
        %add3A_256 = arith.addf %add3A_252, %mul3A_255 : vector<16xf32>
        %min3A_257 = arith.minimumf %min3A_231, %add3A_256 : vector<16xf32>
        %max3A_258 = arith.maximumf %min3A_231, %add3A_256 : vector<16xf32>
        %min3A_259 = arith.minimumf %min3A_233, %max3A_258 : vector<16xf32>
        %max3A_260 = arith.maximumf %min3A_233, %max3A_258 : vector<16xf32>
        %min3A_261 = arith.minimumf %min3A_235, %max3A_260 : vector<16xf32>
        %max3A_262 = arith.maximumf %min3A_235, %max3A_260 : vector<16xf32>
        %min3A_263 = arith.minimumf %min3A_237, %max3A_262 : vector<16xf32>
        %max3A_264 = arith.maximumf %min3A_237, %max3A_262 : vector<16xf32>
        %scan3A_265 = arith.constant 4 : i32
        %scan3A_266 = arith.addi %scan3A_159, %scan3A_265 : i32
        %mul3A_267 = arith.constant 16 : i32
        %mul3A_268 = arith.muli %scan3A_266, %mul3A_267 : i32
        %get3A_269 = arith.index_cast %mul3A_268 : i32 to index
        %get3A_270 = tpu.vector_load %arg7[%get3A_269] {strides = array<i32>} : memref<4096xf32, #tpu.memory_space<vmem>>, vector<16xf32>,
        %get3A_271 = arith.index_cast %mul3A_268 : i32 to index
        %get3A_272 = tpu.vector_load %arg8[%get3A_271] {strides = array<i32>} : memref<4096xf32, #tpu.memory_space<vmem>>, vector<16xf32>,
        %mul3A_273 = arith.mulf %mul3A_65, %get3A_272 : vector<16xf32>
        %add3A_274 = arith.addf %get3A_270, %mul3A_273 : vector<16xf32>
        %get3A_275 = arith.index_cast %mul3A_268 : i32 to index
        %get3A_276 = tpu.vector_load %arg9[%get3A_275] {strides = array<i32>} : memref<4096xf32, #tpu.memory_space<vmem>>, vector<16xf32>,
        %mul3A_277 = arith.mulf %mul3A_69, %get3A_276 : vector<16xf32>
        %add3A_278 = arith.addf %add3A_274, %mul3A_277 : vector<16xf32>
        %get3A_279 = arith.index_cast %mul3A_268 : i32 to index
        %get3A_280 = tpu.vector_load %arg10[%get3A_279] {strides = array<i32>} : memref<4096xf32, #tpu.memory_space<vmem>>, vector<16xf32>,
        %mul3A_281 = arith.mulf %mul3A_73, %get3A_280 : vector<16xf32>
        %add3A_282 = arith.addf %add3A_278, %mul3A_281 : vector<16xf32>
        %min3A_283 = arith.minimumf %min3A_257, %add3A_282 : vector<16xf32>
        %max3A_284 = arith.maximumf %min3A_257, %add3A_282 : vector<16xf32>
        %min3A_285 = arith.minimumf %min3A_259, %max3A_284 : vector<16xf32>
        %max3A_286 = arith.maximumf %min3A_259, %max3A_284 : vector<16xf32>
        %min3A_287 = arith.minimumf %min3A_261, %max3A_286 : vector<16xf32>
        %max3A_288 = arith.maximumf %min3A_261, %max3A_286 : vector<16xf32>
        %min3A_289 = arith.minimumf %min3A_263, %max3A_288 : vector<16xf32>
        %max3A_290 = arith.maximumf %min3A_263, %max3A_288 : vector<16xf32>
        %scan3A_291 = arith.constant 5 : i32
        %scan3A_292 = arith.addi %scan3A_159, %scan3A_291 : i32
        %mul3A_293 = arith.constant 16 : i32
        %mul3A_294 = arith.muli %scan3A_292, %mul3A_293 : i32
        %get3A_295 = arith.index_cast %mul3A_294 : i32 to index
        %get3A_296 = tpu.vector_load %arg7[%get3A_295] {strides = array<i32>} : memref<4096xf32, #tpu.memory_space<vmem>>, vector<16xf32>,
        %get3A_297 = arith.index_cast %mul3A_294 : i32 to index
        %get3A_298 = tpu.vector_load %arg8[%get3A_297] {strides = array<i32>} : memref<4096xf32, #tpu.memory_space<vmem>>, vector<16xf32>,
        %mul3A_299 = arith.mulf %mul3A_65, %get3A_298 : vector<16xf32>
        %add3A_300 = arith.addf %get3A_296, %mul3A_299 : vector<16xf32>
        %get3A_301 = arith.index_cast %mul3A_294 : i32 to index
        %get3A_302 = tpu.vector_load %arg9[%get3A_301] {strides = array<i32>} : memref<4096xf32, #tpu.memory_space<vmem>>, vector<16xf32>,
        %mul3A_303 = arith.mulf %mul3A_69, %get3A_302 : vector<16xf32>
        %add3A_304 = arith.addf %add3A_300, %mul3A_303 : vector<16xf32>
        %get3A_305 = arith.index_cast %mul3A_294 : i32 to index
        %get3A_306 = tpu.vector_load %arg10[%get3A_305] {strides = array<i32>} : memref<4096xf32, #tpu.memory_space<vmem>>, vector<16xf32>,
        %mul3A_307 = arith.mulf %mul3A_73, %get3A_306 : vector<16xf32>
        %add3A_308 = arith.addf %add3A_304, %mul3A_307 : vector<16xf32>
        %min3A_309 = arith.minimumf %min3A_283, %add3A_308 : vector<16xf32>
        %max3A_310 = arith.maximumf %min3A_283, %add3A_308 : vector<16xf32>
        %min3A_311 = arith.minimumf %min3A_285, %max3A_310 : vector<16xf32>
        %max3A_312 = arith.maximumf %min3A_285, %max3A_310 : vector<16xf32>
        %min3A_313 = arith.minimumf %min3A_287, %max3A_312 : vector<16xf32>
        %max3A_314 = arith.maximumf %min3A_287, %max3A_312 : vector<16xf32>
        %min3A_315 = arith.minimumf %min3A_289, %max3A_314 : vector<16xf32>
        %max3A_316 = arith.maximumf %min3A_289, %max3A_314 : vector<16xf32>
        %scan3A_317 = arith.constant 6 : i32
        %scan3A_318 = arith.addi %scan3A_159, %scan3A_317 : i32
        %mul3A_319 = arith.constant 16 : i32
        %mul3A_320 = arith.muli %scan3A_318, %mul3A_319 : i32
        %get3A_321 = arith.index_cast %mul3A_320 : i32 to index
        %get3A_322 = tpu.vector_load %arg7[%get3A_321] {strides = array<i32>} : memref<4096xf32, #tpu.memory_space<vmem>>, vector<16xf32>,
        %get3A_323 = arith.index_cast %mul3A_320 : i32 to index
        %get3A_324 = tpu.vector_load %arg8[%get3A_323] {strides = array<i32>} : memref<4096xf32, #tpu.memory_space<vmem>>, vector<16xf32>,
        %mul3A_325 = arith.mulf %mul3A_65, %get3A_324 : vector<16xf32>
        %add3A_326 = arith.addf %get3A_322, %mul3A_325 : vector<16xf32>
        %get3A_327 = arith.index_cast %mul3A_320 : i32 to index
        %get3A_328 = tpu.vector_load %arg9[%get3A_327] {strides = array<i32>} : memref<4096xf32, #tpu.memory_space<vmem>>, vector<16xf32>,
        %mul3A_329 = arith.mulf %mul3A_69, %get3A_328 : vector<16xf32>
        %add3A_330 = arith.addf %add3A_326, %mul3A_329 : vector<16xf32>
        %get3A_331 = arith.index_cast %mul3A_320 : i32 to index
        %get3A_332 = tpu.vector_load %arg10[%get3A_331] {strides = array<i32>} : memref<4096xf32, #tpu.memory_space<vmem>>, vector<16xf32>,
        %mul3A_333 = arith.mulf %mul3A_73, %get3A_332 : vector<16xf32>
        %add3A_334 = arith.addf %add3A_330, %mul3A_333 : vector<16xf32>
        %min3A_335 = arith.minimumf %min3A_309, %add3A_334 : vector<16xf32>
        %max3A_336 = arith.maximumf %min3A_309, %add3A_334 : vector<16xf32>
        %min3A_337 = arith.minimumf %min3A_311, %max3A_336 : vector<16xf32>
        %max3A_338 = arith.maximumf %min3A_311, %max3A_336 : vector<16xf32>
        %min3A_339 = arith.minimumf %min3A_313, %max3A_338 : vector<16xf32>
        %max3A_340 = arith.maximumf %min3A_313, %max3A_338 : vector<16xf32>
        %min3A_341 = arith.minimumf %min3A_315, %max3A_340 : vector<16xf32>
        %max3A_342 = arith.maximumf %min3A_315, %max3A_340 : vector<16xf32>
        %scan3A_343 = arith.constant 7 : i32
        %scan3A_344 = arith.addi %scan3A_159, %scan3A_343 : i32
        %mul3A_345 = arith.constant 16 : i32
        %mul3A_346 = arith.muli %scan3A_344, %mul3A_345 : i32
        %get3A_347 = arith.index_cast %mul3A_346 : i32 to index
        %get3A_348 = tpu.vector_load %arg7[%get3A_347] {strides = array<i32>} : memref<4096xf32, #tpu.memory_space<vmem>>, vector<16xf32>,
        %get3A_349 = arith.index_cast %mul3A_346 : i32 to index
        %get3A_350 = tpu.vector_load %arg8[%get3A_349] {strides = array<i32>} : memref<4096xf32, #tpu.memory_space<vmem>>, vector<16xf32>,
        %mul3A_351 = arith.mulf %mul3A_65, %get3A_350 : vector<16xf32>
        %add3A_352 = arith.addf %get3A_348, %mul3A_351 : vector<16xf32>
        %get3A_353 = arith.index_cast %mul3A_346 : i32 to index
        %get3A_354 = tpu.vector_load %arg9[%get3A_353] {strides = array<i32>} : memref<4096xf32, #tpu.memory_space<vmem>>, vector<16xf32>,
        %mul3A_355 = arith.mulf %mul3A_69, %get3A_354 : vector<16xf32>
        %add3A_356 = arith.addf %add3A_352, %mul3A_355 : vector<16xf32>
        %get3A_357 = arith.index_cast %mul3A_346 : i32 to index
        %get3A_358 = tpu.vector_load %arg10[%get3A_357] {strides = array<i32>} : memref<4096xf32, #tpu.memory_space<vmem>>, vector<16xf32>,
        %mul3A_359 = arith.mulf %mul3A_73, %get3A_358 : vector<16xf32>
        %add3A_360 = arith.addf %add3A_356, %mul3A_359 : vector<16xf32>
        %min3A_361 = arith.minimumf %min3A_335, %add3A_360 : vector<16xf32>
        %max3A_362 = arith.maximumf %min3A_335, %add3A_360 : vector<16xf32>
        %min3A_363 = arith.minimumf %min3A_337, %max3A_362 : vector<16xf32>
        %max3A_364 = arith.maximumf %min3A_337, %max3A_362 : vector<16xf32>
        %min3A_365 = arith.minimumf %min3A_339, %max3A_364 : vector<16xf32>
        %max3A_366 = arith.maximumf %min3A_339, %max3A_364 : vector<16xf32>
        %min3A_367 = arith.minimumf %min3A_341, %max3A_366 : vector<16xf32>
        %max3A_368 = arith.maximumf %min3A_341, %max3A_366 : vector<16xf32>
        scf.yield %min3A_361, %min3A_363, %min3A_365, %min3A_367 : vector<16xf32>, vector<16xf32>, vector<16xf32>, vector<16xf32>
      }
      %scan3A_84 = arith.constant 256 : i32
      %masked_sort3A = arith.constant dense<true> : vector<16xi1>
      %masked_sort3A_85, %masked_sort3A_86, %masked_sort3A_87 = tpu.sort %scan3A_83#0, %scan3A_83#0 masked %masked_sort3A : (vector<16xf32>, vector<16xf32>, vector<16xi1>) -> (vector<16xi1>, vector<16xf32>, vector<16xf32>)
      %masked_sort3A_88 = arith.constant dense<true> : vector<16xi1>
      %masked_sort3A_89, %masked_sort3A_90, %masked_sort3A_91 = tpu.sort %scan3A_83#1, %scan3A_83#1 masked %masked_sort3A_88 {descending = true} : (vector<16xf32>, vector<16xf32>, vector<16xi1>) -> (vector<16xi1>, vector<16xf32>, vector<16xf32>)
      %min3A = arith.minimumf %masked_sort3A_86, %masked_sort3A_90 : vector<16xf32>
      %masked_sort3A_92 = arith.constant dense<true> : vector<16xi1>
      %masked_sort3A_93, %masked_sort3A_94, %masked_sort3A_95 = tpu.sort %min3A, %min3A masked %masked_sort3A_92 : (vector<16xf32>, vector<16xf32>, vector<16xi1>) -> (vector<16xi1>, vector<16xf32>, vector<16xf32>)
      %masked_sort3A_96 = arith.constant dense<true> : vector<16xi1>
      %masked_sort3A_97, %masked_sort3A_98, %masked_sort3A_99 = tpu.sort %scan3A_83#2, %scan3A_83#2 masked %masked_sort3A_96 {descending = true} : (vector<16xf32>, vector<16xf32>, vector<16xi1>) -> (vector<16xi1>, vector<16xf32>, vector<16xf32>)
      %min3A_100 = arith.minimumf %masked_sort3A_94, %masked_sort3A_98 : vector<16xf32>
      %masked_sort3A_101 = arith.constant dense<true> : vector<16xi1>
      %masked_sort3A_102, %masked_sort3A_103, %masked_sort3A_104 = tpu.sort %min3A_100, %min3A_100 masked %masked_sort3A_101 : (vector<16xf32>, vector<16xf32>, vector<16xi1>) -> (vector<16xi1>, vector<16xf32>, vector<16xf32>)
      %masked_sort3A_105 = arith.constant dense<true> : vector<16xi1>
      %masked_sort3A_106, %masked_sort3A_107, %masked_sort3A_108 = tpu.sort %scan3A_83#3, %scan3A_83#3 masked %masked_sort3A_105 {descending = true} : (vector<16xf32>, vector<16xf32>, vector<16xi1>) -> (vector<16xi1>, vector<16xf32>, vector<16xf32>)
      %min3A_109 = arith.minimumf %masked_sort3A_103, %masked_sort3A_107 : vector<16xf32>
      %masked_sort3A_110 = arith.constant dense<true> : vector<16xi1>
      %masked_sort3A_111, %masked_sort3A_112, %masked_sort3A_113 = tpu.sort %min3A_109, %min3A_109 masked %masked_sort3A_110 : (vector<16xf32>, vector<16xf32>, vector<16xi1>) -> (vector<16xi1>, vector<16xf32>, vector<16xf32>)
      %slice3A = vector.extract_strided_slice %masked_sort3A_112 {offsets = [7], sizes = [1], strides = [1]} : vector<16xf32> to vector<1xf32>
      %squeeze3A = vector.extract %slice3A[0] : f32 from vector<1xf32>
      %le3A = vector.broadcast %squeeze3A : f32 to vector<16xf32>
      %le3A_114 = arith.cmpf ole, %scan3A_83#3, %le3A : vector<16xf32>
      %all_reduce_population_count3A = tpu.all_reduce %le3A_114 {dim = 0 : i64, kind = #tpu.reduction_kind<sum>} : vector<16xi1> -> vector<16xi32>
      %slice3A_115 = vector.extract_strided_slice %all_reduce_population_count3A {offsets = [0], sizes = [1], strides = [1]} : vector<16xi32> to vector<1xi32>
      %squeeze3A_116 = vector.extract %slice3A_115[0] : i32 from vector<1xi32>
      %gt3A = arith.constant 0 : i32
      %gt3A_117 = arith.cmpi sgt, %squeeze3A_116, %gt3A : i32
      %convert_element_type3A = arith.extui %gt3A_117 : i1 to i32
      %cond3A = arith.constant 0 : i32
      %cond3A_118 = arith.constant 0 : i32
      %cond3A_119 = arith.cmpi ne, %convert_element_type3A, %cond3A_118 : i32
      %cond3A_120 = scf.if %cond3A_119 -> (vector<16xf32>) {
        %scan3A_159 = arith.constant 0 : i32
        %scan3A_160 = arith.constant 256 : i32
        %scan3A_161 = arith.addi %scan3A_159, %scan3A_160 : i32
        %scan3A_162 = arith.constant 4 : i32
        %scan3A_163:8 = scf.for %scan3A_232 = %scan3A_159 to %scan3A_161 step %scan3A_162 iter_args(%scan3A_233 = %broadcast_in_dim3A_41, %scan3A_234 = %broadcast_in_dim3A_41, %scan3A_235 = %broadcast_in_dim3A_41, %scan3A_236 = %broadcast_in_dim3A_41, %scan3A_237 = %broadcast_in_dim3A_41, %scan3A_238 = %broadcast_in_dim3A_41, %scan3A_239 = %broadcast_in_dim3A_41, %scan3A_240 = %broadcast_in_dim3A_41) -> (vector<16xf32>, vector<16xf32>, vector<16xf32>, vector<16xf32>, vector<16xf32>, vector<16xf32>, vector<16xf32>, vector<16xf32>)  : i32 {
          %mul3A_241 = arith.constant 16 : i32
          %mul3A_242 = arith.muli %scan3A_232, %mul3A_241 : i32
          %get3A = arith.index_cast %mul3A_242 : i32 to index
          %get3A_243 = tpu.vector_load %arg7[%get3A] {strides = array<i32>} : memref<4096xf32, #tpu.memory_space<vmem>>, vector<16xf32>,
          %get3A_244 = arith.index_cast %mul3A_242 : i32 to index
          %get3A_245 = tpu.vector_load %arg8[%get3A_244] {strides = array<i32>} : memref<4096xf32, #tpu.memory_space<vmem>>, vector<16xf32>,
          %mul3A_246 = arith.mulf %mul3A_65, %get3A_245 : vector<16xf32>
          %add3A_247 = arith.addf %get3A_243, %mul3A_246 : vector<16xf32>
          %get3A_248 = arith.index_cast %mul3A_242 : i32 to index
          %get3A_249 = tpu.vector_load %arg9[%get3A_248] {strides = array<i32>} : memref<4096xf32, #tpu.memory_space<vmem>>, vector<16xf32>,
          %mul3A_250 = arith.mulf %mul3A_69, %get3A_249 : vector<16xf32>
          %add3A_251 = arith.addf %add3A_247, %mul3A_250 : vector<16xf32>
          %get3A_252 = arith.index_cast %mul3A_242 : i32 to index
          %get3A_253 = tpu.vector_load %arg10[%get3A_252] {strides = array<i32>} : memref<4096xf32, #tpu.memory_space<vmem>>, vector<16xf32>,
          %mul3A_254 = arith.mulf %mul3A_73, %get3A_253 : vector<16xf32>
          %add3A_255 = arith.addf %add3A_251, %mul3A_254 : vector<16xf32>
          %min3A_256 = arith.minimumf %scan3A_233, %add3A_255 : vector<16xf32>
          %max3A_257 = arith.maximumf %scan3A_233, %add3A_255 : vector<16xf32>
          %min3A_258 = arith.minimumf %scan3A_234, %max3A_257 : vector<16xf32>
          %max3A_259 = arith.maximumf %scan3A_234, %max3A_257 : vector<16xf32>
          %min3A_260 = arith.minimumf %scan3A_235, %max3A_259 : vector<16xf32>
          %max3A_261 = arith.maximumf %scan3A_235, %max3A_259 : vector<16xf32>
          %min3A_262 = arith.minimumf %scan3A_236, %max3A_261 : vector<16xf32>
          %max3A_263 = arith.maximumf %scan3A_236, %max3A_261 : vector<16xf32>
          %min3A_264 = arith.minimumf %scan3A_237, %max3A_263 : vector<16xf32>
          %max3A_265 = arith.maximumf %scan3A_237, %max3A_263 : vector<16xf32>
          %min3A_266 = arith.minimumf %scan3A_238, %max3A_265 : vector<16xf32>
          %max3A_267 = arith.maximumf %scan3A_238, %max3A_265 : vector<16xf32>
          %min3A_268 = arith.minimumf %scan3A_239, %max3A_267 : vector<16xf32>
          %max3A_269 = arith.maximumf %scan3A_239, %max3A_267 : vector<16xf32>
          %min3A_270 = arith.minimumf %scan3A_240, %max3A_269 : vector<16xf32>
          %max3A_271 = arith.maximumf %scan3A_240, %max3A_269 : vector<16xf32>
          %scan3A_272 = arith.constant 1 : i32
          %scan3A_273 = arith.addi %scan3A_232, %scan3A_272 : i32
          %mul3A_274 = arith.constant 16 : i32
          %mul3A_275 = arith.muli %scan3A_273, %mul3A_274 : i32
          %get3A_276 = arith.index_cast %mul3A_275 : i32 to index
          %get3A_277 = tpu.vector_load %arg7[%get3A_276] {strides = array<i32>} : memref<4096xf32, #tpu.memory_space<vmem>>, vector<16xf32>,
          %get3A_278 = arith.index_cast %mul3A_275 : i32 to index
          %get3A_279 = tpu.vector_load %arg8[%get3A_278] {strides = array<i32>} : memref<4096xf32, #tpu.memory_space<vmem>>, vector<16xf32>,
          %mul3A_280 = arith.mulf %mul3A_65, %get3A_279 : vector<16xf32>
          %add3A_281 = arith.addf %get3A_277, %mul3A_280 : vector<16xf32>
          %get3A_282 = arith.index_cast %mul3A_275 : i32 to index
          %get3A_283 = tpu.vector_load %arg9[%get3A_282] {strides = array<i32>} : memref<4096xf32, #tpu.memory_space<vmem>>, vector<16xf32>,
          %mul3A_284 = arith.mulf %mul3A_69, %get3A_283 : vector<16xf32>
          %add3A_285 = arith.addf %add3A_281, %mul3A_284 : vector<16xf32>
          %get3A_286 = arith.index_cast %mul3A_275 : i32 to index
          %get3A_287 = tpu.vector_load %arg10[%get3A_286] {strides = array<i32>} : memref<4096xf32, #tpu.memory_space<vmem>>, vector<16xf32>,
          %mul3A_288 = arith.mulf %mul3A_73, %get3A_287 : vector<16xf32>
          %add3A_289 = arith.addf %add3A_285, %mul3A_288 : vector<16xf32>
          %min3A_290 = arith.minimumf %min3A_256, %add3A_289 : vector<16xf32>
          %max3A_291 = arith.maximumf %min3A_256, %add3A_289 : vector<16xf32>
          %min3A_292 = arith.minimumf %min3A_258, %max3A_291 : vector<16xf32>
          %max3A_293 = arith.maximumf %min3A_258, %max3A_291 : vector<16xf32>
          %min3A_294 = arith.minimumf %min3A_260, %max3A_293 : vector<16xf32>
          %max3A_295 = arith.maximumf %min3A_260, %max3A_293 : vector<16xf32>
          %min3A_296 = arith.minimumf %min3A_262, %max3A_295 : vector<16xf32>
          %max3A_297 = arith.maximumf %min3A_262, %max3A_295 : vector<16xf32>
          %min3A_298 = arith.minimumf %min3A_264, %max3A_297 : vector<16xf32>
          %max3A_299 = arith.maximumf %min3A_264, %max3A_297 : vector<16xf32>
          %min3A_300 = arith.minimumf %min3A_266, %max3A_299 : vector<16xf32>
          %max3A_301 = arith.maximumf %min3A_266, %max3A_299 : vector<16xf32>
          %min3A_302 = arith.minimumf %min3A_268, %max3A_301 : vector<16xf32>
          %max3A_303 = arith.maximumf %min3A_268, %max3A_301 : vector<16xf32>
          %min3A_304 = arith.minimumf %min3A_270, %max3A_303 : vector<16xf32>
          %max3A_305 = arith.maximumf %min3A_270, %max3A_303 : vector<16xf32>
          %scan3A_306 = arith.constant 2 : i32
          %scan3A_307 = arith.addi %scan3A_232, %scan3A_306 : i32
          %mul3A_308 = arith.constant 16 : i32
          %mul3A_309 = arith.muli %scan3A_307, %mul3A_308 : i32
          %get3A_310 = arith.index_cast %mul3A_309 : i32 to index
          %get3A_311 = tpu.vector_load %arg7[%get3A_310] {strides = array<i32>} : memref<4096xf32, #tpu.memory_space<vmem>>, vector<16xf32>,
          %get3A_312 = arith.index_cast %mul3A_309 : i32 to index
          %get3A_313 = tpu.vector_load %arg8[%get3A_312] {strides = array<i32>} : memref<4096xf32, #tpu.memory_space<vmem>>, vector<16xf32>,
          %mul3A_314 = arith.mulf %mul3A_65, %get3A_313 : vector<16xf32>
          %add3A_315 = arith.addf %get3A_311, %mul3A_314 : vector<16xf32>
          %get3A_316 = arith.index_cast %mul3A_309 : i32 to index
          %get3A_317 = tpu.vector_load %arg9[%get3A_316] {strides = array<i32>} : memref<4096xf32, #tpu.memory_space<vmem>>, vector<16xf32>,
          %mul3A_318 = arith.mulf %mul3A_69, %get3A_317 : vector<16xf32>
          %add3A_319 = arith.addf %add3A_315, %mul3A_318 : vector<16xf32>
          %get3A_320 = arith.index_cast %mul3A_309 : i32 to index
          %get3A_321 = tpu.vector_load %arg10[%get3A_320] {strides = array<i32>} : memref<4096xf32, #tpu.memory_space<vmem>>, vector<16xf32>,
          %mul3A_322 = arith.mulf %mul3A_73, %get3A_321 : vector<16xf32>
          %add3A_323 = arith.addf %add3A_319, %mul3A_322 : vector<16xf32>
          %min3A_324 = arith.minimumf %min3A_290, %add3A_323 : vector<16xf32>
          %max3A_325 = arith.maximumf %min3A_290, %add3A_323 : vector<16xf32>
          %min3A_326 = arith.minimumf %min3A_292, %max3A_325 : vector<16xf32>
          %max3A_327 = arith.maximumf %min3A_292, %max3A_325 : vector<16xf32>
          %min3A_328 = arith.minimumf %min3A_294, %max3A_327 : vector<16xf32>
          %max3A_329 = arith.maximumf %min3A_294, %max3A_327 : vector<16xf32>
          %min3A_330 = arith.minimumf %min3A_296, %max3A_329 : vector<16xf32>
          %max3A_331 = arith.maximumf %min3A_296, %max3A_329 : vector<16xf32>
          %min3A_332 = arith.minimumf %min3A_298, %max3A_331 : vector<16xf32>
          %max3A_333 = arith.maximumf %min3A_298, %max3A_331 : vector<16xf32>
          %min3A_334 = arith.minimumf %min3A_300, %max3A_333 : vector<16xf32>
          %max3A_335 = arith.maximumf %min3A_300, %max3A_333 : vector<16xf32>
          %min3A_336 = arith.minimumf %min3A_302, %max3A_335 : vector<16xf32>
          %max3A_337 = arith.maximumf %min3A_302, %max3A_335 : vector<16xf32>
          %min3A_338 = arith.minimumf %min3A_304, %max3A_337 : vector<16xf32>
          %max3A_339 = arith.maximumf %min3A_304, %max3A_337 : vector<16xf32>
          %scan3A_340 = arith.constant 3 : i32
          %scan3A_341 = arith.addi %scan3A_232, %scan3A_340 : i32
          %mul3A_342 = arith.constant 16 : i32
          %mul3A_343 = arith.muli %scan3A_341, %mul3A_342 : i32
          %get3A_344 = arith.index_cast %mul3A_343 : i32 to index
          %get3A_345 = tpu.vector_load %arg7[%get3A_344] {strides = array<i32>} : memref<4096xf32, #tpu.memory_space<vmem>>, vector<16xf32>,
          %get3A_346 = arith.index_cast %mul3A_343 : i32 to index
          %get3A_347 = tpu.vector_load %arg8[%get3A_346] {strides = array<i32>} : memref<4096xf32, #tpu.memory_space<vmem>>, vector<16xf32>,
          %mul3A_348 = arith.mulf %mul3A_65, %get3A_347 : vector<16xf32>
          %add3A_349 = arith.addf %get3A_345, %mul3A_348 : vector<16xf32>
          %get3A_350 = arith.index_cast %mul3A_343 : i32 to index
          %get3A_351 = tpu.vector_load %arg9[%get3A_350] {strides = array<i32>} : memref<4096xf32, #tpu.memory_space<vmem>>, vector<16xf32>,
          %mul3A_352 = arith.mulf %mul3A_69, %get3A_351 : vector<16xf32>
          %add3A_353 = arith.addf %add3A_349, %mul3A_352 : vector<16xf32>
          %get3A_354 = arith.index_cast %mul3A_343 : i32 to index
          %get3A_355 = tpu.vector_load %arg10[%get3A_354] {strides = array<i32>} : memref<4096xf32, #tpu.memory_space<vmem>>, vector<16xf32>,
          %mul3A_356 = arith.mulf %mul3A_73, %get3A_355 : vector<16xf32>
          %add3A_357 = arith.addf %add3A_353, %mul3A_356 : vector<16xf32>
          %min3A_358 = arith.minimumf %min3A_324, %add3A_357 : vector<16xf32>
          %max3A_359 = arith.maximumf %min3A_324, %add3A_357 : vector<16xf32>
          %min3A_360 = arith.minimumf %min3A_326, %max3A_359 : vector<16xf32>
          %max3A_361 = arith.maximumf %min3A_326, %max3A_359 : vector<16xf32>
          %min3A_362 = arith.minimumf %min3A_328, %max3A_361 : vector<16xf32>
          %max3A_363 = arith.maximumf %min3A_328, %max3A_361 : vector<16xf32>
          %min3A_364 = arith.minimumf %min3A_330, %max3A_363 : vector<16xf32>
          %max3A_365 = arith.maximumf %min3A_330, %max3A_363 : vector<16xf32>
          %min3A_366 = arith.minimumf %min3A_332, %max3A_365 : vector<16xf32>
          %max3A_367 = arith.maximumf %min3A_332, %max3A_365 : vector<16xf32>
          %min3A_368 = arith.minimumf %min3A_334, %max3A_367 : vector<16xf32>
          %max3A_369 = arith.maximumf %min3A_334, %max3A_367 : vector<16xf32>
          %min3A_370 = arith.minimumf %min3A_336, %max3A_369 : vector<16xf32>
          %max3A_371 = arith.maximumf %min3A_336, %max3A_369 : vector<16xf32>
          %min3A_372 = arith.minimumf %min3A_338, %max3A_371 : vector<16xf32>
          %max3A_373 = arith.maximumf %min3A_338, %max3A_371 : vector<16xf32>
          scf.yield %min3A_358, %min3A_360, %min3A_362, %min3A_364, %min3A_366, %min3A_368, %min3A_370, %min3A_372 : vector<16xf32>, vector<16xf32>, vector<16xf32>, vector<16xf32>, vector<16xf32>, vector<16xf32>, vector<16xf32>, vector<16xf32>
        }
        %scan3A_164 = arith.constant 256 : i32
        %masked_sort3A_165 = arith.constant dense<true> : vector<16xi1>
        %masked_sort3A_166, %masked_sort3A_167, %masked_sort3A_168 = tpu.sort %scan3A_163#0, %scan3A_163#0 masked %masked_sort3A_165 : (vector<16xf32>, vector<16xf32>, vector<16xi1>) -> (vector<16xi1>, vector<16xf32>, vector<16xf32>)
        %masked_sort3A_169 = arith.constant dense<true> : vector<16xi1>
        %masked_sort3A_170, %masked_sort3A_171, %masked_sort3A_172 = tpu.sort %scan3A_163#1, %scan3A_163#1 masked %masked_sort3A_169 {descending = true} : (vector<16xf32>, vector<16xf32>, vector<16xi1>) -> (vector<16xi1>, vector<16xf32>, vector<16xf32>)
        %min3A_173 = arith.minimumf %masked_sort3A_167, %masked_sort3A_171 : vector<16xf32>
        %masked_sort3A_174 = arith.constant dense<true> : vector<16xi1>
        %masked_sort3A_175, %masked_sort3A_176, %masked_sort3A_177 = tpu.sort %min3A_173, %min3A_173 masked %masked_sort3A_174 : (vector<16xf32>, vector<16xf32>, vector<16xi1>) -> (vector<16xi1>, vector<16xf32>, vector<16xf32>)
        %masked_sort3A_178 = arith.constant dense<true> : vector<16xi1>
        %masked_sort3A_179, %masked_sort3A_180, %masked_sort3A_181 = tpu.sort %scan3A_163#2, %scan3A_163#2 masked %masked_sort3A_178 {descending = true} : (vector<16xf32>, vector<16xf32>, vector<16xi1>) -> (vector<16xi1>, vector<16xf32>, vector<16xf32>)
        %min3A_182 = arith.minimumf %masked_sort3A_176, %masked_sort3A_180 : vector<16xf32>
        %masked_sort3A_183 = arith.constant dense<true> : vector<16xi1>
        %masked_sort3A_184, %masked_sort3A_185, %masked_sort3A_186 = tpu.sort %min3A_182, %min3A_182 masked %masked_sort3A_183 : (vector<16xf32>, vector<16xf32>, vector<16xi1>) -> (vector<16xi1>, vector<16xf32>, vector<16xf32>)
        %masked_sort3A_187 = arith.constant dense<true> : vector<16xi1>
        %masked_sort3A_188, %masked_sort3A_189, %masked_sort3A_190 = tpu.sort %scan3A_163#3, %scan3A_163#3 masked %masked_sort3A_187 {descending = true} : (vector<16xf32>, vector<16xf32>, vector<16xi1>) -> (vector<16xi1>, vector<16xf32>, vector<16xf32>)
        %min3A_191 = arith.minimumf %masked_sort3A_185, %masked_sort3A_189 : vector<16xf32>
        %masked_sort3A_192 = arith.constant dense<true> : vector<16xi1>
        %masked_sort3A_193, %masked_sort3A_194, %masked_sort3A_195 = tpu.sort %min3A_191, %min3A_191 masked %masked_sort3A_192 : (vector<16xf32>, vector<16xf32>, vector<16xi1>) -> (vector<16xi1>, vector<16xf32>, vector<16xf32>)
        %masked_sort3A_196 = arith.constant dense<true> : vector<16xi1>
        %masked_sort3A_197, %masked_sort3A_198, %masked_sort3A_199 = tpu.sort %scan3A_163#4, %scan3A_163#4 masked %masked_sort3A_196 {descending = true} : (vector<16xf32>, vector<16xf32>, vector<16xi1>) -> (vector<16xi1>, vector<16xf32>, vector<16xf32>)
        %min3A_200 = arith.minimumf %masked_sort3A_194, %masked_sort3A_198 : vector<16xf32>
        %masked_sort3A_201 = arith.constant dense<true> : vector<16xi1>
        %masked_sort3A_202, %masked_sort3A_203, %masked_sort3A_204 = tpu.sort %min3A_200, %min3A_200 masked %masked_sort3A_201 : (vector<16xf32>, vector<16xf32>, vector<16xi1>) -> (vector<16xi1>, vector<16xf32>, vector<16xf32>)
        %masked_sort3A_205 = arith.constant dense<true> : vector<16xi1>
        %masked_sort3A_206, %masked_sort3A_207, %masked_sort3A_208 = tpu.sort %scan3A_163#5, %scan3A_163#5 masked %masked_sort3A_205 {descending = true} : (vector<16xf32>, vector<16xf32>, vector<16xi1>) -> (vector<16xi1>, vector<16xf32>, vector<16xf32>)
        %min3A_209 = arith.minimumf %masked_sort3A_203, %masked_sort3A_207 : vector<16xf32>
        %masked_sort3A_210 = arith.constant dense<true> : vector<16xi1>
        %masked_sort3A_211, %masked_sort3A_212, %masked_sort3A_213 = tpu.sort %min3A_209, %min3A_209 masked %masked_sort3A_210 : (vector<16xf32>, vector<16xf32>, vector<16xi1>) -> (vector<16xi1>, vector<16xf32>, vector<16xf32>)
        %masked_sort3A_214 = arith.constant dense<true> : vector<16xi1>
        %masked_sort3A_215, %masked_sort3A_216, %masked_sort3A_217 = tpu.sort %scan3A_163#6, %scan3A_163#6 masked %masked_sort3A_214 {descending = true} : (vector<16xf32>, vector<16xf32>, vector<16xi1>) -> (vector<16xi1>, vector<16xf32>, vector<16xf32>)
        %min3A_218 = arith.minimumf %masked_sort3A_212, %masked_sort3A_216 : vector<16xf32>
        %masked_sort3A_219 = arith.constant dense<true> : vector<16xi1>
        %masked_sort3A_220, %masked_sort3A_221, %masked_sort3A_222 = tpu.sort %min3A_218, %min3A_218 masked %masked_sort3A_219 : (vector<16xf32>, vector<16xf32>, vector<16xi1>) -> (vector<16xi1>, vector<16xf32>, vector<16xf32>)
        %masked_sort3A_223 = arith.constant dense<true> : vector<16xi1>
        %masked_sort3A_224, %masked_sort3A_225, %masked_sort3A_226 = tpu.sort %scan3A_163#7, %scan3A_163#7 masked %masked_sort3A_223 {descending = true} : (vector<16xf32>, vector<16xf32>, vector<16xi1>) -> (vector<16xi1>, vector<16xf32>, vector<16xf32>)
        %min3A_227 = arith.minimumf %masked_sort3A_221, %masked_sort3A_225 : vector<16xf32>
        %masked_sort3A_228 = arith.constant dense<true> : vector<16xi1>
        %masked_sort3A_229, %masked_sort3A_230, %masked_sort3A_231 = tpu.sort %min3A_227, %min3A_227 masked %masked_sort3A_228 : (vector<16xf32>, vector<16xf32>, vector<16xi1>) -> (vector<16xi1>, vector<16xf32>, vector<16xf32>)
        scf.yield %masked_sort3A_230 : vector<16xf32>
      } else {
        scf.yield %masked_sort3A_112 : vector<16xf32>
      }
      %add3A_121 = arith.addf %cond3A_120, %add3A_78 : vector<16xf32>
      %max3A = arith.constant 0.000000e+00 : f32
      %max3A_122 = vector.broadcast %max3A : f32 to vector<16xf32>
      %max3A_123 = arith.maximumf %add3A_121, %max3A_122 : vector<16xf32>
      %gt3A_124 = arith.constant 0.000000e+00 : f32
      %gt3A_125 = vector.broadcast %gt3A_124 : f32 to vector<16xf32>
      %gt3A_126 = arith.cmpf ogt, %max3A_123, %gt3A_125 : vector<16xf32>
      %lt3A_127 = arith.constant 8 : i32
      %lt3A_128 = vector.broadcast %lt3A_127 : i32 to vector<16xi32>
      %lt3A_129 = arith.cmpi slt, %iota3A, %lt3A_128 : vector<16xi32>
      %and3A_130 = arith.andi %gt3A_126, %lt3A_129 : vector<16xi1>
      %jit3A_131 = arith.constant 1.000000e+00 : f32
      %broadcast_in_dim3A_132 = vector.broadcast %jit3A_131 : f32 to vector<16xf32>
      %select_n3A_133 = arith.select %and3A_130, %max3A_123, %broadcast_in_dim3A_132 : vector<16xi1>, vector<16xf32>
      %bitcast_convert_type3A = tpu.bitcast %select_n3A_133 : vector<16xf32> -> vector<16xi32>
      %shift_right_arithmetic3A = arith.constant 1 : i32
      %shift_right_arithmetic3A_134 = vector.broadcast %shift_right_arithmetic3A : i32 to vector<16xi32>
      %shift_right_arithmetic3A_135 = arith.shrsi %bitcast_convert_type3A, %shift_right_arithmetic3A_134 : vector<16xi32>
      %add3A_136 = arith.constant 532487669 : i32
      %add3A_137 = vector.broadcast %add3A_136 : i32 to vector<16xi32>
      %add3A_138 = arith.addi %add3A_137, %shift_right_arithmetic3A_135 : vector<16xi32>
      %bitcast_convert_type3A_139 = tpu.bitcast %add3A_138 : vector<16xi32> -> vector<16xf32>
      %div3A_140 = arith.divf %select_n3A_133, %bitcast_convert_type3A_139 : vector<16xf32>
      %add3A_141 = arith.addf %bitcast_convert_type3A_139, %div3A_140 : vector<16xf32>
      %mul3A_142 = arith.constant 5.000000e-01 : f32
      %mul3A_143 = vector.broadcast %mul3A_142 : f32 to vector<16xf32>
      %mul3A_144 = arith.mulf %mul3A_143, %add3A_141 : vector<16xf32>
      %div3A_145 = arith.divf %select_n3A_133, %mul3A_144 : vector<16xf32>
      %add3A_146 = arith.addf %mul3A_144, %div3A_145 : vector<16xf32>
      %mul3A_147 = arith.constant 5.000000e-01 : f32
      %mul3A_148 = vector.broadcast %mul3A_147 : f32 to vector<16xf32>
      %mul3A_149 = arith.mulf %mul3A_148, %add3A_146 : vector<16xf32>
      %div3A_150 = arith.divf %select_n3A_133, %mul3A_149 : vector<16xf32>
      %add3A_151 = arith.addf %mul3A_149, %div3A_150 : vector<16xf32>
      %mul3A_152 = arith.constant 5.000000e-01 : f32
      %mul3A_153 = vector.broadcast %mul3A_152 : f32 to vector<16xf32>
      %mul3A_154 = arith.mulf %mul3A_153, %add3A_151 : vector<16xf32>
      %jit3A_155 = arith.constant 0.000000e+00 : f32
      %broadcast_in_dim3A_156 = vector.broadcast %jit3A_155 : f32 to vector<16xf32>
      %select_n3A_157 = arith.select %and3A_130, %mul3A_154, %broadcast_in_dim3A_156 : vector<16xi1>, vector<16xf32>
      %add3A_158 = arith.addf %scan3A_57, %select_n3A_157 : vector<16xf32>
      scf.yield %add3A_158 : vector<16xf32>
    }
    %scan3A_54 = arith.constant 160 : i32
    %swap3A = arith.constant 0 : index
    %swap3A_55 = tpu.vector_load %arg11[%swap3A] {strides = array<i32>} : memref<16xf32, #tpu.memory_space<vmem>>, vector<16xf32>,
    tpu.vector_store %arg11[%swap3A], %scan3A_53 {strides = array<i32>} : memref<16xf32, #tpu.memory_space<vmem>>, vector<16xf32>,
    "tpu.region"() ({
      %run_scoped3A = tpu.sem_alloc : memref<!tpu.dma_semaphore, #tpu.memory_space<semaphore_mem>>
      %dma_start3A = arith.constant 0 : i32
      %dma_start3A_56 = tpu.memref_slice %arg3[%add3A, %dma_start3A] : memref<32x16xf32, #tpu.memory_space<hbm>> -> memref<1x16xf32, #tpu.memory_space<hbm>>
      %dma_start3A_57 = tpu.memref_squeeze %dma_start3A_56 : memref<1x16xf32, #tpu.memory_space<hbm>> -> memref<16xf32, #tpu.memory_space<hbm>>
      %dma_start3A_58 = arith.constant 0 : i32
      %dma_start3A_59 = tpu.memref_slice %arg3[%add3A, %dma_start3A_58] : memref<32x16xf32, #tpu.memory_space<hbm>> -> memref<1x16xf32, #tpu.memory_space<hbm>>
      %dma_start3A_60 = tpu.memref_squeeze %dma_start3A_59 : memref<1x16xf32, #tpu.memory_space<hbm>> -> memref<16xf32, #tpu.memory_space<hbm>>
      tpu.enqueue_dma source(%arg11 : memref<16xf32, #tpu.memory_space<vmem>>) target(%dma_start3A_60 : memref<16xf32, #tpu.memory_space<hbm>>) target_semaphore(%run_scoped3A : memref<!tpu.dma_semaphore, #tpu.memory_space<semaphore_mem>>)
      %dma_wait3A = arith.constant 0 : i32
      %dma_wait3A_61 = tpu.memref_slice %arg3[%add3A, %dma_wait3A] : memref<32x16xf32, #tpu.memory_space<hbm>> -> memref<1x16xf32, #tpu.memory_space<hbm>>
      %dma_wait3A_62 = tpu.memref_squeeze %dma_wait3A_61 : memref<1x16xf32, #tpu.memory_space<hbm>> -> memref<16xf32, #tpu.memory_space<hbm>>
      %dma_wait3A_63 = arith.constant 0 : i32
      %dma_wait3A_64 = tpu.memref_slice %arg3[%add3A, %dma_wait3A_63] : memref<32x16xf32, #tpu.memory_space<hbm>> -> memref<1x16xf32, #tpu.memory_space<hbm>>
      %dma_wait3A_65 = tpu.memref_squeeze %dma_wait3A_64 : memref<1x16xf32, #tpu.memory_space<hbm>> -> memref<16xf32, #tpu.memory_space<hbm>>
      tpu.wait_dma2 semaphore(%run_scoped3A : memref<!tpu.dma_semaphore, #tpu.memory_space<semaphore_mem>>) src(%arg11 : memref<16xf32, #tpu.memory_space<vmem>>) dst(%dma_wait3A_65 : memref<16xf32, #tpu.memory_space<hbm>>)
      tpu.yield
    }) : () -> ()
    return
  }
}

module attributes {stable_mosaic.version = 14 : i64} {
  func.func @_tc_body(%arg0: i32, %arg1: i32, %arg2: memref<1x256x3xf32, #tpu.memory_space<vmem>>, %arg3: memref<1x3x4096xf32, #tpu.memory_space<vmem>>, %arg4: memref<256x1xf32, #tpu.memory_space<vmem>>) attributes {dimension_semantics = [#tpu.dimension_semantics<arbitrary>, #tpu.dimension_semantics<arbitrary>], iteration_bounds = array<i64: 4, 11>, scalar_prefetch = 0 : i64, scratch_operands = 0 : i64, tpu.core_type = #tpu.core_type<tc>, window_params = [{transform_indices = @transform_0, window_bounds = array<i64: 1, 256, 3>}, {transform_indices = @transform_1, window_bounds = array<i64: 1, 3, 4096>}, {pipeline_mode = #tpu.pipeline_mode<synchronous>, transform_indices = @transform_2, window_bounds = array<i64: 256, 1>}]} {
    %get3A = arith.constant 0 : index
    %get3A_0 = arith.constant 0 : index
    %get3A_1 = arith.constant 0 : index
    %get3A_2 = vector.load %arg2[%get3A, %get3A_0, %get3A_1] : memref<1x256x3xf32, #tpu.memory_space<vmem>>, vector<1x256x3xf32>
    %get3A_3 = vector.shape_cast %get3A_2 : vector<1x256x3xf32> to vector<256x3xf32>
    %get3A_4 = arith.constant 0 : index
    %get3A_5 = arith.constant 0 : index
    %get3A_6 = arith.constant 0 : index
    %get3A_7 = vector.load %arg3[%get3A_4, %get3A_5, %get3A_6] : memref<1x3x4096xf32, #tpu.memory_space<vmem>>, vector<1x3x4096xf32>
    %get3A_8 = vector.shape_cast %get3A_7 : vector<1x3x4096xf32> to vector<3x4096xf32>
    %mul3A = arith.mulf %get3A_3, %get3A_3 : vector<256x3xf32>
    %reduce_sum3A = arith.constant dense<0.000000e+00> : vector<256xf32>
    %reduce_sum3A_9 = vector.multi_reduction <add>, %mul3A, %reduce_sum3A [1] : vector<256x3xf32> to vector<256xf32>
    %broadcast_in_dim3A = vector.shape_cast %reduce_sum3A_9 : vector<256xf32> to vector<256x1xf32>
    %mul3A_10 = arith.mulf %get3A_8, %get3A_8 : vector<3x4096xf32>
    %reduce_sum3A_11 = arith.constant dense<0.000000e+00> : vector<4096xf32>
    %reduce_sum3A_12 = vector.multi_reduction <add>, %mul3A_10, %reduce_sum3A_11 [0] : vector<3x4096xf32> to vector<4096xf32>
    %broadcast_in_dim3A_13 = vector.shape_cast %reduce_sum3A_12 : vector<4096xf32> to vector<1x4096xf32>
    %dot_general3A = arith.constant dense<0.000000e+00> : vector<256x4096xf32>
    %dot_general3A_14 = tpu.matmul %get3A_3, %get3A_8, %dot_general3A {dimension_numbers = #tpu.dot_dimension_numbers<[1], [0], [0], [1], [0, 0, 1, 1], [], []>, transpose_lhs_hint = false} : vector<256x3xf32>, vector<3x4096xf32>, vector<256x4096xf32> -> vector<256x4096xf32>
    %mul3A_15 = arith.constant 2.000000e+00 : f32
    %mul3A_16 = vector.broadcast %mul3A_15 : f32 to vector<256x4096xf32>
    %mul3A_17 = arith.mulf %mul3A_16, %dot_general3A_14 : vector<256x4096xf32>
    %sub3A = vector.broadcast %broadcast_in_dim3A_13 : vector<1x4096xf32> to vector<256x4096xf32>
    %sub3A_18 = arith.subf %sub3A, %mul3A_17 : vector<256x4096xf32>
    %broadcast_in_dim3A_19 = arith.constant 0x7F800000 : f32
    %broadcast_in_dim3A_20 = vector.broadcast %broadcast_in_dim3A_19 : f32 to vector<256x128xf32>
    %broadcast_in_dim3A_21 = arith.constant 0x7F800000 : f32
    %broadcast_in_dim3A_22 = vector.broadcast %broadcast_in_dim3A_21 : f32 to vector<256x128xf32>
    %broadcast_in_dim3A_23 = arith.constant 0x7F800000 : f32
    %broadcast_in_dim3A_24 = vector.broadcast %broadcast_in_dim3A_23 : f32 to vector<256x128xf32>
    %broadcast_in_dim3A_25 = arith.constant 0x7F800000 : f32
    %broadcast_in_dim3A_26 = vector.broadcast %broadcast_in_dim3A_25 : f32 to vector<256x128xf32>
    %slice3A = vector.extract_strided_slice %sub3A_18 {offsets = [0, 0], sizes = [256, 128], strides = [1, 1]} : vector<256x4096xf32> to vector<256x128xf32>
    %min3A = arith.minimumf %broadcast_in_dim3A_20, %slice3A : vector<256x128xf32>
    %max3A = arith.maximumf %broadcast_in_dim3A_20, %slice3A : vector<256x128xf32>
    %min3A_27 = arith.minimumf %broadcast_in_dim3A_22, %max3A : vector<256x128xf32>
    %max3A_28 = arith.maximumf %broadcast_in_dim3A_22, %max3A : vector<256x128xf32>
    %min3A_29 = arith.minimumf %broadcast_in_dim3A_24, %max3A_28 : vector<256x128xf32>
    %max3A_30 = arith.maximumf %broadcast_in_dim3A_24, %max3A_28 : vector<256x128xf32>
    %min3A_31 = arith.minimumf %broadcast_in_dim3A_26, %max3A_30 : vector<256x128xf32>
    %slice3A_32 = vector.extract_strided_slice %sub3A_18 {offsets = [0, 128], sizes = [256, 128], strides = [1, 1]} : vector<256x4096xf32> to vector<256x128xf32>
    %min3A_33 = arith.minimumf %min3A, %slice3A_32 : vector<256x128xf32>
    %max3A_34 = arith.maximumf %min3A, %slice3A_32 : vector<256x128xf32>
    %min3A_35 = arith.minimumf %min3A_27, %max3A_34 : vector<256x128xf32>
    %max3A_36 = arith.maximumf %min3A_27, %max3A_34 : vector<256x128xf32>
    %min3A_37 = arith.minimumf %min3A_29, %max3A_36 : vector<256x128xf32>
    %max3A_38 = arith.maximumf %min3A_29, %max3A_36 : vector<256x128xf32>
    %min3A_39 = arith.minimumf %min3A_31, %max3A_38 : vector<256x128xf32>
    %slice3A_40 = vector.extract_strided_slice %sub3A_18 {offsets = [0, 256], sizes = [256, 128], strides = [1, 1]} : vector<256x4096xf32> to vector<256x128xf32>
    %min3A_41 = arith.minimumf %min3A_33, %slice3A_40 : vector<256x128xf32>
    %max3A_42 = arith.maximumf %min3A_33, %slice3A_40 : vector<256x128xf32>
    %min3A_43 = arith.minimumf %min3A_35, %max3A_42 : vector<256x128xf32>
    %max3A_44 = arith.maximumf %min3A_35, %max3A_42 : vector<256x128xf32>
    %min3A_45 = arith.minimumf %min3A_37, %max3A_44 : vector<256x128xf32>
    %max3A_46 = arith.maximumf %min3A_37, %max3A_44 : vector<256x128xf32>
    %min3A_47 = arith.minimumf %min3A_39, %max3A_46 : vector<256x128xf32>
    %slice3A_48 = vector.extract_strided_slice %sub3A_18 {offsets = [0, 384], sizes = [256, 128], strides = [1, 1]} : vector<256x4096xf32> to vector<256x128xf32>
    %min3A_49 = arith.minimumf %min3A_41, %slice3A_48 : vector<256x128xf32>
    %max3A_50 = arith.maximumf %min3A_41, %slice3A_48 : vector<256x128xf32>
    %min3A_51 = arith.minimumf %min3A_43, %max3A_50 : vector<256x128xf32>
    %max3A_52 = arith.maximumf %min3A_43, %max3A_50 : vector<256x128xf32>
    %min3A_53 = arith.minimumf %min3A_45, %max3A_52 : vector<256x128xf32>
    %max3A_54 = arith.maximumf %min3A_45, %max3A_52 : vector<256x128xf32>
    %min3A_55 = arith.minimumf %min3A_47, %max3A_54 : vector<256x128xf32>
    %slice3A_56 = vector.extract_strided_slice %sub3A_18 {offsets = [0, 512], sizes = [256, 128], strides = [1, 1]} : vector<256x4096xf32> to vector<256x128xf32>
    %min3A_57 = arith.minimumf %min3A_49, %slice3A_56 : vector<256x128xf32>
    %max3A_58 = arith.maximumf %min3A_49, %slice3A_56 : vector<256x128xf32>
    %min3A_59 = arith.minimumf %min3A_51, %max3A_58 : vector<256x128xf32>
    %max3A_60 = arith.maximumf %min3A_51, %max3A_58 : vector<256x128xf32>
    %min3A_61 = arith.minimumf %min3A_53, %max3A_60 : vector<256x128xf32>
    %max3A_62 = arith.maximumf %min3A_53, %max3A_60 : vector<256x128xf32>
    %min3A_63 = arith.minimumf %min3A_55, %max3A_62 : vector<256x128xf32>
    %slice3A_64 = vector.extract_strided_slice %sub3A_18 {offsets = [0, 640], sizes = [256, 128], strides = [1, 1]} : vector<256x4096xf32> to vector<256x128xf32>
    %min3A_65 = arith.minimumf %min3A_57, %slice3A_64 : vector<256x128xf32>
    %max3A_66 = arith.maximumf %min3A_57, %slice3A_64 : vector<256x128xf32>
    %min3A_67 = arith.minimumf %min3A_59, %max3A_66 : vector<256x128xf32>
    %max3A_68 = arith.maximumf %min3A_59, %max3A_66 : vector<256x128xf32>
    %min3A_69 = arith.minimumf %min3A_61, %max3A_68 : vector<256x128xf32>
    %max3A_70 = arith.maximumf %min3A_61, %max3A_68 : vector<256x128xf32>
    %min3A_71 = arith.minimumf %min3A_63, %max3A_70 : vector<256x128xf32>
    %slice3A_72 = vector.extract_strided_slice %sub3A_18 {offsets = [0, 768], sizes = [256, 128], strides = [1, 1]} : vector<256x4096xf32> to vector<256x128xf32>
    %min3A_73 = arith.minimumf %min3A_65, %slice3A_72 : vector<256x128xf32>
    %max3A_74 = arith.maximumf %min3A_65, %slice3A_72 : vector<256x128xf32>
    %min3A_75 = arith.minimumf %min3A_67, %max3A_74 : vector<256x128xf32>
    %max3A_76 = arith.maximumf %min3A_67, %max3A_74 : vector<256x128xf32>
    %min3A_77 = arith.minimumf %min3A_69, %max3A_76 : vector<256x128xf32>
    %max3A_78 = arith.maximumf %min3A_69, %max3A_76 : vector<256x128xf32>
    %min3A_79 = arith.minimumf %min3A_71, %max3A_78 : vector<256x128xf32>
    %slice3A_80 = vector.extract_strided_slice %sub3A_18 {offsets = [0, 896], sizes = [256, 128], strides = [1, 1]} : vector<256x4096xf32> to vector<256x128xf32>
    %min3A_81 = arith.minimumf %min3A_73, %slice3A_80 : vector<256x128xf32>
    %max3A_82 = arith.maximumf %min3A_73, %slice3A_80 : vector<256x128xf32>
    %min3A_83 = arith.minimumf %min3A_75, %max3A_82 : vector<256x128xf32>
    %max3A_84 = arith.maximumf %min3A_75, %max3A_82 : vector<256x128xf32>
    %min3A_85 = arith.minimumf %min3A_77, %max3A_84 : vector<256x128xf32>
    %max3A_86 = arith.maximumf %min3A_77, %max3A_84 : vector<256x128xf32>
    %min3A_87 = arith.minimumf %min3A_79, %max3A_86 : vector<256x128xf32>
    %slice3A_88 = vector.extract_strided_slice %sub3A_18 {offsets = [0, 1024], sizes = [256, 128], strides = [1, 1]} : vector<256x4096xf32> to vector<256x128xf32>
    %min3A_89 = arith.minimumf %min3A_81, %slice3A_88 : vector<256x128xf32>
    %max3A_90 = arith.maximumf %min3A_81, %slice3A_88 : vector<256x128xf32>
    %min3A_91 = arith.minimumf %min3A_83, %max3A_90 : vector<256x128xf32>
    %max3A_92 = arith.maximumf %min3A_83, %max3A_90 : vector<256x128xf32>
    %min3A_93 = arith.minimumf %min3A_85, %max3A_92 : vector<256x128xf32>
    %max3A_94 = arith.maximumf %min3A_85, %max3A_92 : vector<256x128xf32>
    %min3A_95 = arith.minimumf %min3A_87, %max3A_94 : vector<256x128xf32>
    %slice3A_96 = vector.extract_strided_slice %sub3A_18 {offsets = [0, 1152], sizes = [256, 128], strides = [1, 1]} : vector<256x4096xf32> to vector<256x128xf32>
    %min3A_97 = arith.minimumf %min3A_89, %slice3A_96 : vector<256x128xf32>
    %max3A_98 = arith.maximumf %min3A_89, %slice3A_96 : vector<256x128xf32>
    %min3A_99 = arith.minimumf %min3A_91, %max3A_98 : vector<256x128xf32>
    %max3A_100 = arith.maximumf %min3A_91, %max3A_98 : vector<256x128xf32>
    %min3A_101 = arith.minimumf %min3A_93, %max3A_100 : vector<256x128xf32>
    %max3A_102 = arith.maximumf %min3A_93, %max3A_100 : vector<256x128xf32>
    %min3A_103 = arith.minimumf %min3A_95, %max3A_102 : vector<256x128xf32>
    %slice3A_104 = vector.extract_strided_slice %sub3A_18 {offsets = [0, 1280], sizes = [256, 128], strides = [1, 1]} : vector<256x4096xf32> to vector<256x128xf32>
    %min3A_105 = arith.minimumf %min3A_97, %slice3A_104 : vector<256x128xf32>
    %max3A_106 = arith.maximumf %min3A_97, %slice3A_104 : vector<256x128xf32>
    %min3A_107 = arith.minimumf %min3A_99, %max3A_106 : vector<256x128xf32>
    %max3A_108 = arith.maximumf %min3A_99, %max3A_106 : vector<256x128xf32>
    %min3A_109 = arith.minimumf %min3A_101, %max3A_108 : vector<256x128xf32>
    %max3A_110 = arith.maximumf %min3A_101, %max3A_108 : vector<256x128xf32>
    %min3A_111 = arith.minimumf %min3A_103, %max3A_110 : vector<256x128xf32>
    %slice3A_112 = vector.extract_strided_slice %sub3A_18 {offsets = [0, 1408], sizes = [256, 128], strides = [1, 1]} : vector<256x4096xf32> to vector<256x128xf32>
    %min3A_113 = arith.minimumf %min3A_105, %slice3A_112 : vector<256x128xf32>
    %max3A_114 = arith.maximumf %min3A_105, %slice3A_112 : vector<256x128xf32>
    %min3A_115 = arith.minimumf %min3A_107, %max3A_114 : vector<256x128xf32>
    %max3A_116 = arith.maximumf %min3A_107, %max3A_114 : vector<256x128xf32>
    %min3A_117 = arith.minimumf %min3A_109, %max3A_116 : vector<256x128xf32>
    %max3A_118 = arith.maximumf %min3A_109, %max3A_116 : vector<256x128xf32>
    %min3A_119 = arith.minimumf %min3A_111, %max3A_118 : vector<256x128xf32>
    %slice3A_120 = vector.extract_strided_slice %sub3A_18 {offsets = [0, 1536], sizes = [256, 128], strides = [1, 1]} : vector<256x4096xf32> to vector<256x128xf32>
    %min3A_121 = arith.minimumf %min3A_113, %slice3A_120 : vector<256x128xf32>
    %max3A_122 = arith.maximumf %min3A_113, %slice3A_120 : vector<256x128xf32>
    %min3A_123 = arith.minimumf %min3A_115, %max3A_122 : vector<256x128xf32>
    %max3A_124 = arith.maximumf %min3A_115, %max3A_122 : vector<256x128xf32>
    %min3A_125 = arith.minimumf %min3A_117, %max3A_124 : vector<256x128xf32>
    %max3A_126 = arith.maximumf %min3A_117, %max3A_124 : vector<256x128xf32>
    %min3A_127 = arith.minimumf %min3A_119, %max3A_126 : vector<256x128xf32>
    %slice3A_128 = vector.extract_strided_slice %sub3A_18 {offsets = [0, 1664], sizes = [256, 128], strides = [1, 1]} : vector<256x4096xf32> to vector<256x128xf32>
    %min3A_129 = arith.minimumf %min3A_121, %slice3A_128 : vector<256x128xf32>
    %max3A_130 = arith.maximumf %min3A_121, %slice3A_128 : vector<256x128xf32>
    %min3A_131 = arith.minimumf %min3A_123, %max3A_130 : vector<256x128xf32>
    %max3A_132 = arith.maximumf %min3A_123, %max3A_130 : vector<256x128xf32>
    %min3A_133 = arith.minimumf %min3A_125, %max3A_132 : vector<256x128xf32>
    %max3A_134 = arith.maximumf %min3A_125, %max3A_132 : vector<256x128xf32>
    %min3A_135 = arith.minimumf %min3A_127, %max3A_134 : vector<256x128xf32>
    %slice3A_136 = vector.extract_strided_slice %sub3A_18 {offsets = [0, 1792], sizes = [256, 128], strides = [1, 1]} : vector<256x4096xf32> to vector<256x128xf32>
    %min3A_137 = arith.minimumf %min3A_129, %slice3A_136 : vector<256x128xf32>
    %max3A_138 = arith.maximumf %min3A_129, %slice3A_136 : vector<256x128xf32>
    %min3A_139 = arith.minimumf %min3A_131, %max3A_138 : vector<256x128xf32>
    %max3A_140 = arith.maximumf %min3A_131, %max3A_138 : vector<256x128xf32>
    %min3A_141 = arith.minimumf %min3A_133, %max3A_140 : vector<256x128xf32>
    %max3A_142 = arith.maximumf %min3A_133, %max3A_140 : vector<256x128xf32>
    %min3A_143 = arith.minimumf %min3A_135, %max3A_142 : vector<256x128xf32>
    %slice3A_144 = vector.extract_strided_slice %sub3A_18 {offsets = [0, 1920], sizes = [256, 128], strides = [1, 1]} : vector<256x4096xf32> to vector<256x128xf32>
    %min3A_145 = arith.minimumf %min3A_137, %slice3A_144 : vector<256x128xf32>
    %max3A_146 = arith.maximumf %min3A_137, %slice3A_144 : vector<256x128xf32>
    %min3A_147 = arith.minimumf %min3A_139, %max3A_146 : vector<256x128xf32>
    %max3A_148 = arith.maximumf %min3A_139, %max3A_146 : vector<256x128xf32>
    %min3A_149 = arith.minimumf %min3A_141, %max3A_148 : vector<256x128xf32>
    %max3A_150 = arith.maximumf %min3A_141, %max3A_148 : vector<256x128xf32>
    %min3A_151 = arith.minimumf %min3A_143, %max3A_150 : vector<256x128xf32>
    %slice3A_152 = vector.extract_strided_slice %sub3A_18 {offsets = [0, 2048], sizes = [256, 128], strides = [1, 1]} : vector<256x4096xf32> to vector<256x128xf32>
    %min3A_153 = arith.minimumf %min3A_145, %slice3A_152 : vector<256x128xf32>
    %max3A_154 = arith.maximumf %min3A_145, %slice3A_152 : vector<256x128xf32>
    %min3A_155 = arith.minimumf %min3A_147, %max3A_154 : vector<256x128xf32>
    %max3A_156 = arith.maximumf %min3A_147, %max3A_154 : vector<256x128xf32>
    %min3A_157 = arith.minimumf %min3A_149, %max3A_156 : vector<256x128xf32>
    %max3A_158 = arith.maximumf %min3A_149, %max3A_156 : vector<256x128xf32>
    %min3A_159 = arith.minimumf %min3A_151, %max3A_158 : vector<256x128xf32>
    %slice3A_160 = vector.extract_strided_slice %sub3A_18 {offsets = [0, 2176], sizes = [256, 128], strides = [1, 1]} : vector<256x4096xf32> to vector<256x128xf32>
    %min3A_161 = arith.minimumf %min3A_153, %slice3A_160 : vector<256x128xf32>
    %max3A_162 = arith.maximumf %min3A_153, %slice3A_160 : vector<256x128xf32>
    %min3A_163 = arith.minimumf %min3A_155, %max3A_162 : vector<256x128xf32>
    %max3A_164 = arith.maximumf %min3A_155, %max3A_162 : vector<256x128xf32>
    %min3A_165 = arith.minimumf %min3A_157, %max3A_164 : vector<256x128xf32>
    %max3A_166 = arith.maximumf %min3A_157, %max3A_164 : vector<256x128xf32>
    %min3A_167 = arith.minimumf %min3A_159, %max3A_166 : vector<256x128xf32>
    %slice3A_168 = vector.extract_strided_slice %sub3A_18 {offsets = [0, 2304], sizes = [256, 128], strides = [1, 1]} : vector<256x4096xf32> to vector<256x128xf32>
    %min3A_169 = arith.minimumf %min3A_161, %slice3A_168 : vector<256x128xf32>
    %max3A_170 = arith.maximumf %min3A_161, %slice3A_168 : vector<256x128xf32>
    %min3A_171 = arith.minimumf %min3A_163, %max3A_170 : vector<256x128xf32>
    %max3A_172 = arith.maximumf %min3A_163, %max3A_170 : vector<256x128xf32>
    %min3A_173 = arith.minimumf %min3A_165, %max3A_172 : vector<256x128xf32>
    %max3A_174 = arith.maximumf %min3A_165, %max3A_172 : vector<256x128xf32>
    %min3A_175 = arith.minimumf %min3A_167, %max3A_174 : vector<256x128xf32>
    %slice3A_176 = vector.extract_strided_slice %sub3A_18 {offsets = [0, 2432], sizes = [256, 128], strides = [1, 1]} : vector<256x4096xf32> to vector<256x128xf32>
    %min3A_177 = arith.minimumf %min3A_169, %slice3A_176 : vector<256x128xf32>
    %max3A_178 = arith.maximumf %min3A_169, %slice3A_176 : vector<256x128xf32>
    %min3A_179 = arith.minimumf %min3A_171, %max3A_178 : vector<256x128xf32>
    %max3A_180 = arith.maximumf %min3A_171, %max3A_178 : vector<256x128xf32>
    %min3A_181 = arith.minimumf %min3A_173, %max3A_180 : vector<256x128xf32>
    %max3A_182 = arith.maximumf %min3A_173, %max3A_180 : vector<256x128xf32>
    %min3A_183 = arith.minimumf %min3A_175, %max3A_182 : vector<256x128xf32>
    %slice3A_184 = vector.extract_strided_slice %sub3A_18 {offsets = [0, 2560], sizes = [256, 128], strides = [1, 1]} : vector<256x4096xf32> to vector<256x128xf32>
    %min3A_185 = arith.minimumf %min3A_177, %slice3A_184 : vector<256x128xf32>
    %max3A_186 = arith.maximumf %min3A_177, %slice3A_184 : vector<256x128xf32>
    %min3A_187 = arith.minimumf %min3A_179, %max3A_186 : vector<256x128xf32>
    %max3A_188 = arith.maximumf %min3A_179, %max3A_186 : vector<256x128xf32>
    %min3A_189 = arith.minimumf %min3A_181, %max3A_188 : vector<256x128xf32>
    %max3A_190 = arith.maximumf %min3A_181, %max3A_188 : vector<256x128xf32>
    %min3A_191 = arith.minimumf %min3A_183, %max3A_190 : vector<256x128xf32>
    %slice3A_192 = vector.extract_strided_slice %sub3A_18 {offsets = [0, 2688], sizes = [256, 128], strides = [1, 1]} : vector<256x4096xf32> to vector<256x128xf32>
    %min3A_193 = arith.minimumf %min3A_185, %slice3A_192 : vector<256x128xf32>
    %max3A_194 = arith.maximumf %min3A_185, %slice3A_192 : vector<256x128xf32>
    %min3A_195 = arith.minimumf %min3A_187, %max3A_194 : vector<256x128xf32>
    %max3A_196 = arith.maximumf %min3A_187, %max3A_194 : vector<256x128xf32>
    %min3A_197 = arith.minimumf %min3A_189, %max3A_196 : vector<256x128xf32>
    %max3A_198 = arith.maximumf %min3A_189, %max3A_196 : vector<256x128xf32>
    %min3A_199 = arith.minimumf %min3A_191, %max3A_198 : vector<256x128xf32>
    %slice3A_200 = vector.extract_strided_slice %sub3A_18 {offsets = [0, 2816], sizes = [256, 128], strides = [1, 1]} : vector<256x4096xf32> to vector<256x128xf32>
    %min3A_201 = arith.minimumf %min3A_193, %slice3A_200 : vector<256x128xf32>
    %max3A_202 = arith.maximumf %min3A_193, %slice3A_200 : vector<256x128xf32>
    %min3A_203 = arith.minimumf %min3A_195, %max3A_202 : vector<256x128xf32>
    %max3A_204 = arith.maximumf %min3A_195, %max3A_202 : vector<256x128xf32>
    %min3A_205 = arith.minimumf %min3A_197, %max3A_204 : vector<256x128xf32>
    %max3A_206 = arith.maximumf %min3A_197, %max3A_204 : vector<256x128xf32>
    %min3A_207 = arith.minimumf %min3A_199, %max3A_206 : vector<256x128xf32>
    %slice3A_208 = vector.extract_strided_slice %sub3A_18 {offsets = [0, 2944], sizes = [256, 128], strides = [1, 1]} : vector<256x4096xf32> to vector<256x128xf32>
    %min3A_209 = arith.minimumf %min3A_201, %slice3A_208 : vector<256x128xf32>
    %max3A_210 = arith.maximumf %min3A_201, %slice3A_208 : vector<256x128xf32>
    %min3A_211 = arith.minimumf %min3A_203, %max3A_210 : vector<256x128xf32>
    %max3A_212 = arith.maximumf %min3A_203, %max3A_210 : vector<256x128xf32>
    %min3A_213 = arith.minimumf %min3A_205, %max3A_212 : vector<256x128xf32>
    %max3A_214 = arith.maximumf %min3A_205, %max3A_212 : vector<256x128xf32>
    %min3A_215 = arith.minimumf %min3A_207, %max3A_214 : vector<256x128xf32>
    %slice3A_216 = vector.extract_strided_slice %sub3A_18 {offsets = [0, 3072], sizes = [256, 128], strides = [1, 1]} : vector<256x4096xf32> to vector<256x128xf32>
    %min3A_217 = arith.minimumf %min3A_209, %slice3A_216 : vector<256x128xf32>
    %max3A_218 = arith.maximumf %min3A_209, %slice3A_216 : vector<256x128xf32>
    %min3A_219 = arith.minimumf %min3A_211, %max3A_218 : vector<256x128xf32>
    %max3A_220 = arith.maximumf %min3A_211, %max3A_218 : vector<256x128xf32>
    %min3A_221 = arith.minimumf %min3A_213, %max3A_220 : vector<256x128xf32>
    %max3A_222 = arith.maximumf %min3A_213, %max3A_220 : vector<256x128xf32>
    %min3A_223 = arith.minimumf %min3A_215, %max3A_222 : vector<256x128xf32>
    %slice3A_224 = vector.extract_strided_slice %sub3A_18 {offsets = [0, 3200], sizes = [256, 128], strides = [1, 1]} : vector<256x4096xf32> to vector<256x128xf32>
    %min3A_225 = arith.minimumf %min3A_217, %slice3A_224 : vector<256x128xf32>
    %max3A_226 = arith.maximumf %min3A_217, %slice3A_224 : vector<256x128xf32>
    %min3A_227 = arith.minimumf %min3A_219, %max3A_226 : vector<256x128xf32>
    %max3A_228 = arith.maximumf %min3A_219, %max3A_226 : vector<256x128xf32>
    %min3A_229 = arith.minimumf %min3A_221, %max3A_228 : vector<256x128xf32>
    %max3A_230 = arith.maximumf %min3A_221, %max3A_228 : vector<256x128xf32>
    %min3A_231 = arith.minimumf %min3A_223, %max3A_230 : vector<256x128xf32>
    %slice3A_232 = vector.extract_strided_slice %sub3A_18 {offsets = [0, 3328], sizes = [256, 128], strides = [1, 1]} : vector<256x4096xf32> to vector<256x128xf32>
    %min3A_233 = arith.minimumf %min3A_225, %slice3A_232 : vector<256x128xf32>
    %max3A_234 = arith.maximumf %min3A_225, %slice3A_232 : vector<256x128xf32>
    %min3A_235 = arith.minimumf %min3A_227, %max3A_234 : vector<256x128xf32>
    %max3A_236 = arith.maximumf %min3A_227, %max3A_234 : vector<256x128xf32>
    %min3A_237 = arith.minimumf %min3A_229, %max3A_236 : vector<256x128xf32>
    %max3A_238 = arith.maximumf %min3A_229, %max3A_236 : vector<256x128xf32>
    %min3A_239 = arith.minimumf %min3A_231, %max3A_238 : vector<256x128xf32>
    %slice3A_240 = vector.extract_strided_slice %sub3A_18 {offsets = [0, 3456], sizes = [256, 128], strides = [1, 1]} : vector<256x4096xf32> to vector<256x128xf32>
    %min3A_241 = arith.minimumf %min3A_233, %slice3A_240 : vector<256x128xf32>
    %max3A_242 = arith.maximumf %min3A_233, %slice3A_240 : vector<256x128xf32>
    %min3A_243 = arith.minimumf %min3A_235, %max3A_242 : vector<256x128xf32>
    %max3A_244 = arith.maximumf %min3A_235, %max3A_242 : vector<256x128xf32>
    %min3A_245 = arith.minimumf %min3A_237, %max3A_244 : vector<256x128xf32>
    %max3A_246 = arith.maximumf %min3A_237, %max3A_244 : vector<256x128xf32>
    %min3A_247 = arith.minimumf %min3A_239, %max3A_246 : vector<256x128xf32>
    %slice3A_248 = vector.extract_strided_slice %sub3A_18 {offsets = [0, 3584], sizes = [256, 128], strides = [1, 1]} : vector<256x4096xf32> to vector<256x128xf32>
    %min3A_249 = arith.minimumf %min3A_241, %slice3A_248 : vector<256x128xf32>
    %max3A_250 = arith.maximumf %min3A_241, %slice3A_248 : vector<256x128xf32>
    %min3A_251 = arith.minimumf %min3A_243, %max3A_250 : vector<256x128xf32>
    %max3A_252 = arith.maximumf %min3A_243, %max3A_250 : vector<256x128xf32>
    %min3A_253 = arith.minimumf %min3A_245, %max3A_252 : vector<256x128xf32>
    %max3A_254 = arith.maximumf %min3A_245, %max3A_252 : vector<256x128xf32>
    %min3A_255 = arith.minimumf %min3A_247, %max3A_254 : vector<256x128xf32>
    %slice3A_256 = vector.extract_strided_slice %sub3A_18 {offsets = [0, 3712], sizes = [256, 128], strides = [1, 1]} : vector<256x4096xf32> to vector<256x128xf32>
    %min3A_257 = arith.minimumf %min3A_249, %slice3A_256 : vector<256x128xf32>
    %max3A_258 = arith.maximumf %min3A_249, %slice3A_256 : vector<256x128xf32>
    %min3A_259 = arith.minimumf %min3A_251, %max3A_258 : vector<256x128xf32>
    %max3A_260 = arith.maximumf %min3A_251, %max3A_258 : vector<256x128xf32>
    %min3A_261 = arith.minimumf %min3A_253, %max3A_260 : vector<256x128xf32>
    %max3A_262 = arith.maximumf %min3A_253, %max3A_260 : vector<256x128xf32>
    %min3A_263 = arith.minimumf %min3A_255, %max3A_262 : vector<256x128xf32>
    %slice3A_264 = vector.extract_strided_slice %sub3A_18 {offsets = [0, 3840], sizes = [256, 128], strides = [1, 1]} : vector<256x4096xf32> to vector<256x128xf32>
    %min3A_265 = arith.minimumf %min3A_257, %slice3A_264 : vector<256x128xf32>
    %max3A_266 = arith.maximumf %min3A_257, %slice3A_264 : vector<256x128xf32>
    %min3A_267 = arith.minimumf %min3A_259, %max3A_266 : vector<256x128xf32>
    %max3A_268 = arith.maximumf %min3A_259, %max3A_266 : vector<256x128xf32>
    %min3A_269 = arith.minimumf %min3A_261, %max3A_268 : vector<256x128xf32>
    %max3A_270 = arith.maximumf %min3A_261, %max3A_268 : vector<256x128xf32>
    %min3A_271 = arith.minimumf %min3A_263, %max3A_270 : vector<256x128xf32>
    %slice3A_272 = vector.extract_strided_slice %sub3A_18 {offsets = [0, 3968], sizes = [256, 128], strides = [1, 1]} : vector<256x4096xf32> to vector<256x128xf32>
    %min3A_273 = arith.minimumf %min3A_265, %slice3A_272 : vector<256x128xf32>
    %max3A_274 = arith.maximumf %min3A_265, %slice3A_272 : vector<256x128xf32>
    %min3A_275 = arith.minimumf %min3A_267, %max3A_274 : vector<256x128xf32>
    %max3A_276 = arith.maximumf %min3A_267, %max3A_274 : vector<256x128xf32>
    %min3A_277 = arith.minimumf %min3A_269, %max3A_276 : vector<256x128xf32>
    %max3A_278 = arith.maximumf %min3A_269, %max3A_276 : vector<256x128xf32>
    %min3A_279 = arith.minimumf %min3A_271, %max3A_278 : vector<256x128xf32>
    %broadcast_in_dim3A_280 = arith.constant 0.000000e+00 : f32
    %broadcast_in_dim3A_281 = vector.broadcast %broadcast_in_dim3A_280 : f32 to vector<256x1xf32>
    %broadcast_in_dim3A_282 = arith.constant 8.000000e+00 : f32
    %broadcast_in_dim3A_283 = vector.broadcast %broadcast_in_dim3A_282 : f32 to vector<256x1xf32>
    %min3A_284 = arith.minimumf %min3A_273, %min3A_275 : vector<256x128xf32>
    %min3A_285 = arith.minimumf %min3A_284, %min3A_277 : vector<256x128xf32>
    %min3A_286 = arith.minimumf %min3A_285, %min3A_279 : vector<256x128xf32>
    %reduce_min3A = arith.constant dense<0x7F800000> : vector<256xf32>
    %reduce_min3A_287 = vector.multi_reduction <minimumf>, %min3A_286, %reduce_min3A [1] : vector<256x128xf32> to vector<256xf32>
    %broadcast_in_dim3A_288 = vector.shape_cast %reduce_min3A_287 : vector<256xf32> to vector<256x1xf32>
    %eq3A = vector.broadcast %broadcast_in_dim3A_288 : vector<256x1xf32> to vector<256x128xf32>
    %eq3A_289 = arith.cmpf oeq, %min3A_273, %eq3A : vector<256x128xf32>
    %eq3A_290 = vector.broadcast %broadcast_in_dim3A_288 : vector<256x1xf32> to vector<256x128xf32>
    %eq3A_291 = arith.cmpf oeq, %min3A_275, %eq3A_290 : vector<256x128xf32>
    %eq3A_292 = vector.broadcast %broadcast_in_dim3A_288 : vector<256x1xf32> to vector<256x128xf32>
    %eq3A_293 = arith.cmpf oeq, %min3A_277, %eq3A_292 : vector<256x128xf32>
    %eq3A_294 = vector.broadcast %broadcast_in_dim3A_288 : vector<256x1xf32> to vector<256x128xf32>
    %eq3A_295 = arith.cmpf oeq, %min3A_279, %eq3A_294 : vector<256x128xf32>
    %broadcast_in_dim3A_296 = arith.constant 0.000000e+00 : f32
    %broadcast_in_dim3A_297 = vector.broadcast %broadcast_in_dim3A_296 : f32 to vector<256x1xf32>
    %convert_element_type3A = arith.extui %eq3A_289 : vector<256x128xi1> to vector<256x128xi32>
    %convert_element_type3A_298 = arith.sitofp %convert_element_type3A : vector<256x128xi32> to vector<256x128xf32>
    %reduce_sum3A_299 = arith.constant dense<0.000000e+00> : vector<256xf32>
    %reduce_sum3A_300 = vector.multi_reduction <add>, %convert_element_type3A_298, %reduce_sum3A_299 [1] : vector<256x128xf32> to vector<256xf32>
    %broadcast_in_dim3A_301 = vector.shape_cast %reduce_sum3A_300 : vector<256xf32> to vector<256x1xf32>
    %add3A = arith.addf %broadcast_in_dim3A_297, %broadcast_in_dim3A_301 : vector<256x1xf32>
    %convert_element_type3A_302 = arith.extui %eq3A_291 : vector<256x128xi1> to vector<256x128xi32>
    %convert_element_type3A_303 = arith.sitofp %convert_element_type3A_302 : vector<256x128xi32> to vector<256x128xf32>
    %reduce_sum3A_304 = arith.constant dense<0.000000e+00> : vector<256xf32>
    %reduce_sum3A_305 = vector.multi_reduction <add>, %convert_element_type3A_303, %reduce_sum3A_304 [1] : vector<256x128xf32> to vector<256xf32>
    %broadcast_in_dim3A_306 = vector.shape_cast %reduce_sum3A_305 : vector<256xf32> to vector<256x1xf32>
    %add3A_307 = arith.addf %add3A, %broadcast_in_dim3A_306 : vector<256x1xf32>
    %convert_element_type3A_308 = arith.extui %eq3A_293 : vector<256x128xi1> to vector<256x128xi32>
    %convert_element_type3A_309 = arith.sitofp %convert_element_type3A_308 : vector<256x128xi32> to vector<256x128xf32>
    %reduce_sum3A_310 = arith.constant dense<0.000000e+00> : vector<256xf32>
    %reduce_sum3A_311 = vector.multi_reduction <add>, %convert_element_type3A_309, %reduce_sum3A_310 [1] : vector<256x128xf32> to vector<256xf32>
    %broadcast_in_dim3A_312 = vector.shape_cast %reduce_sum3A_311 : vector<256xf32> to vector<256x1xf32>
    %add3A_313 = arith.addf %add3A_307, %broadcast_in_dim3A_312 : vector<256x1xf32>
    %convert_element_type3A_314 = arith.extui %eq3A_295 : vector<256x128xi1> to vector<256x128xi32>
    %convert_element_type3A_315 = arith.sitofp %convert_element_type3A_314 : vector<256x128xi32> to vector<256x128xf32>
    %reduce_sum3A_316 = arith.constant dense<0.000000e+00> : vector<256xf32>
    %reduce_sum3A_317 = vector.multi_reduction <add>, %convert_element_type3A_315, %reduce_sum3A_316 [1] : vector<256x128xf32> to vector<256xf32>
    %broadcast_in_dim3A_318 = vector.shape_cast %reduce_sum3A_317 : vector<256xf32> to vector<256x1xf32>
    %add3A_319 = arith.addf %add3A_313, %broadcast_in_dim3A_318 : vector<256x1xf32>
    %min3A_320 = arith.minimumf %add3A_319, %broadcast_in_dim3A_283 : vector<256x1xf32>
    %add3A_321 = arith.addf %broadcast_in_dim3A_288, %broadcast_in_dim3A : vector<256x1xf32>
    %gt3A = arith.constant 0.000000e+00 : f32
    %gt3A_322 = vector.broadcast %gt3A : f32 to vector<256x1xf32>
    %gt3A_323 = arith.cmpf ogt, %add3A_321, %gt3A_322 : vector<256x1xf32>
    %gt3A_324 = arith.constant 0.000000e+00 : f32
    %gt3A_325 = vector.broadcast %gt3A_324 : f32 to vector<256x1xf32>
    %gt3A_326 = arith.cmpf ogt, %add3A_321, %gt3A_325 : vector<256x1xf32>
    %jit3A = arith.constant 1.000000e+00 : f32
    %broadcast_in_dim3A_327 = vector.broadcast %jit3A : f32 to vector<256x1xf32>
    %select_n3A = arith.select %gt3A_326, %add3A_321, %broadcast_in_dim3A_327 : vector<256x1xi1>, vector<256x1xf32>
    %sqrt3A = math.sqrt %select_n3A : vector<256x1xf32>
    %jit3A_328 = arith.constant 0.000000e+00 : f32
    %broadcast_in_dim3A_329 = vector.broadcast %jit3A_328 : f32 to vector<256x1xf32>
    %select_n3A_330 = arith.select %gt3A_323, %sqrt3A, %broadcast_in_dim3A_329 : vector<256x1xi1>, vector<256x1xf32>
    %gt3A_331 = arith.constant 0.000000e+00 : f32
    %gt3A_332 = vector.broadcast %gt3A_331 : f32 to vector<256x1xf32>
    %gt3A_333 = arith.cmpf ogt, %min3A_320, %gt3A_332 : vector<256x1xf32>
    %mul3A_334 = arith.mulf %min3A_320, %select_n3A_330 : vector<256x1xf32>
    %jit3A_335 = arith.constant 0.000000e+00 : f32
    %broadcast_in_dim3A_336 = vector.broadcast %jit3A_335 : f32 to vector<256x1xf32>
    %select_n3A_337 = arith.select %gt3A_333, %mul3A_334, %broadcast_in_dim3A_336 : vector<256x1xi1>, vector<256x1xf32>
    %add3A_338 = arith.addf %broadcast_in_dim3A_281, %select_n3A_337 : vector<256x1xf32>
    %sub3A_339 = arith.subf %broadcast_in_dim3A_283, %min3A_320 : vector<256x1xf32>
    %jit3A_340 = arith.constant 0x7F800000 : f32
    %broadcast_in_dim3A_341 = vector.broadcast %jit3A_340 : f32 to vector<256x128xf32>
    %select_n3A_342 = arith.select %eq3A_289, %broadcast_in_dim3A_341, %min3A_273 : vector<256x128xi1>, vector<256x128xf32>
    %jit3A_343 = arith.constant 0x7F800000 : f32
    %broadcast_in_dim3A_344 = vector.broadcast %jit3A_343 : f32 to vector<256x128xf32>
    %select_n3A_345 = arith.select %eq3A_291, %broadcast_in_dim3A_344, %min3A_275 : vector<256x128xi1>, vector<256x128xf32>
    %jit3A_346 = arith.constant 0x7F800000 : f32
    %broadcast_in_dim3A_347 = vector.broadcast %jit3A_346 : f32 to vector<256x128xf32>
    %select_n3A_348 = arith.select %eq3A_293, %broadcast_in_dim3A_347, %min3A_277 : vector<256x128xi1>, vector<256x128xf32>
    %jit3A_349 = arith.constant 0x7F800000 : f32
    %broadcast_in_dim3A_350 = vector.broadcast %jit3A_349 : f32 to vector<256x128xf32>
    %select_n3A_351 = arith.select %eq3A_295, %broadcast_in_dim3A_350, %min3A_279 : vector<256x128xi1>, vector<256x128xf32>
    %min3A_352 = arith.minimumf %select_n3A_342, %select_n3A_345 : vector<256x128xf32>
    %min3A_353 = arith.minimumf %min3A_352, %select_n3A_348 : vector<256x128xf32>
    %min3A_354 = arith.minimumf %min3A_353, %select_n3A_351 : vector<256x128xf32>
    %reduce_min3A_355 = arith.constant dense<0x7F800000> : vector<256xf32>
    %reduce_min3A_356 = vector.multi_reduction <minimumf>, %min3A_354, %reduce_min3A_355 [1] : vector<256x128xf32> to vector<256xf32>
    %broadcast_in_dim3A_357 = vector.shape_cast %reduce_min3A_356 : vector<256xf32> to vector<256x1xf32>
    %eq3A_358 = vector.broadcast %broadcast_in_dim3A_357 : vector<256x1xf32> to vector<256x128xf32>
    %eq3A_359 = arith.cmpf oeq, %select_n3A_342, %eq3A_358 : vector<256x128xf32>
    %eq3A_360 = vector.broadcast %broadcast_in_dim3A_357 : vector<256x1xf32> to vector<256x128xf32>
    %eq3A_361 = arith.cmpf oeq, %select_n3A_345, %eq3A_360 : vector<256x128xf32>
    %eq3A_362 = vector.broadcast %broadcast_in_dim3A_357 : vector<256x1xf32> to vector<256x128xf32>
    %eq3A_363 = arith.cmpf oeq, %select_n3A_348, %eq3A_362 : vector<256x128xf32>
    %eq3A_364 = vector.broadcast %broadcast_in_dim3A_357 : vector<256x1xf32> to vector<256x128xf32>
    %eq3A_365 = arith.cmpf oeq, %select_n3A_351, %eq3A_364 : vector<256x128xf32>
    %broadcast_in_dim3A_366 = arith.constant 0.000000e+00 : f32
    %broadcast_in_dim3A_367 = vector.broadcast %broadcast_in_dim3A_366 : f32 to vector<256x1xf32>
    %convert_element_type3A_368 = arith.extui %eq3A_359 : vector<256x128xi1> to vector<256x128xi32>
    %convert_element_type3A_369 = arith.sitofp %convert_element_type3A_368 : vector<256x128xi32> to vector<256x128xf32>
    %reduce_sum3A_370 = arith.constant dense<0.000000e+00> : vector<256xf32>
    %reduce_sum3A_371 = vector.multi_reduction <add>, %convert_element_type3A_369, %reduce_sum3A_370 [1] : vector<256x128xf32> to vector<256xf32>
    %broadcast_in_dim3A_372 = vector.shape_cast %reduce_sum3A_371 : vector<256xf32> to vector<256x1xf32>
    %add3A_373 = arith.addf %broadcast_in_dim3A_367, %broadcast_in_dim3A_372 : vector<256x1xf32>
    %convert_element_type3A_374 = arith.extui %eq3A_361 : vector<256x128xi1> to vector<256x128xi32>
    %convert_element_type3A_375 = arith.sitofp %convert_element_type3A_374 : vector<256x128xi32> to vector<256x128xf32>
    %reduce_sum3A_376 = arith.constant dense<0.000000e+00> : vector<256xf32>
    %reduce_sum3A_377 = vector.multi_reduction <add>, %convert_element_type3A_375, %reduce_sum3A_376 [1] : vector<256x128xf32> to vector<256xf32>
    %broadcast_in_dim3A_378 = vector.shape_cast %reduce_sum3A_377 : vector<256xf32> to vector<256x1xf32>
    %add3A_379 = arith.addf %add3A_373, %broadcast_in_dim3A_378 : vector<256x1xf32>
    %convert_element_type3A_380 = arith.extui %eq3A_363 : vector<256x128xi1> to vector<256x128xi32>
    %convert_element_type3A_381 = arith.sitofp %convert_element_type3A_380 : vector<256x128xi32> to vector<256x128xf32>
    %reduce_sum3A_382 = arith.constant dense<0.000000e+00> : vector<256xf32>
    %reduce_sum3A_383 = vector.multi_reduction <add>, %convert_element_type3A_381, %reduce_sum3A_382 [1] : vector<256x128xf32> to vector<256xf32>
    %broadcast_in_dim3A_384 = vector.shape_cast %reduce_sum3A_383 : vector<256xf32> to vector<256x1xf32>
    %add3A_385 = arith.addf %add3A_379, %broadcast_in_dim3A_384 : vector<256x1xf32>
    %convert_element_type3A_386 = arith.extui %eq3A_365 : vector<256x128xi1> to vector<256x128xi32>
    %convert_element_type3A_387 = arith.sitofp %convert_element_type3A_386 : vector<256x128xi32> to vector<256x128xf32>
    %reduce_sum3A_388 = arith.constant dense<0.000000e+00> : vector<256xf32>
    %reduce_sum3A_389 = vector.multi_reduction <add>, %convert_element_type3A_387, %reduce_sum3A_388 [1] : vector<256x128xf32> to vector<256xf32>
    %broadcast_in_dim3A_390 = vector.shape_cast %reduce_sum3A_389 : vector<256xf32> to vector<256x1xf32>
    %add3A_391 = arith.addf %add3A_385, %broadcast_in_dim3A_390 : vector<256x1xf32>
    %min3A_392 = arith.minimumf %add3A_391, %sub3A_339 : vector<256x1xf32>
    %add3A_393 = arith.addf %broadcast_in_dim3A_357, %broadcast_in_dim3A : vector<256x1xf32>
    %gt3A_394 = arith.constant 0.000000e+00 : f32
    %gt3A_395 = vector.broadcast %gt3A_394 : f32 to vector<256x1xf32>
    %gt3A_396 = arith.cmpf ogt, %add3A_393, %gt3A_395 : vector<256x1xf32>
    %gt3A_397 = arith.constant 0.000000e+00 : f32
    %gt3A_398 = vector.broadcast %gt3A_397 : f32 to vector<256x1xf32>
    %gt3A_399 = arith.cmpf ogt, %add3A_393, %gt3A_398 : vector<256x1xf32>
    %jit3A_400 = arith.constant 1.000000e+00 : f32
    %broadcast_in_dim3A_401 = vector.broadcast %jit3A_400 : f32 to vector<256x1xf32>
    %select_n3A_402 = arith.select %gt3A_399, %add3A_393, %broadcast_in_dim3A_401 : vector<256x1xi1>, vector<256x1xf32>
    %sqrt3A_403 = math.sqrt %select_n3A_402 : vector<256x1xf32>
    %jit3A_404 = arith.constant 0.000000e+00 : f32
    %broadcast_in_dim3A_405 = vector.broadcast %jit3A_404 : f32 to vector<256x1xf32>
    %select_n3A_406 = arith.select %gt3A_396, %sqrt3A_403, %broadcast_in_dim3A_405 : vector<256x1xi1>, vector<256x1xf32>
    %gt3A_407 = arith.constant 0.000000e+00 : f32
    %gt3A_408 = vector.broadcast %gt3A_407 : f32 to vector<256x1xf32>
    %gt3A_409 = arith.cmpf ogt, %min3A_392, %gt3A_408 : vector<256x1xf32>
    %mul3A_410 = arith.mulf %min3A_392, %select_n3A_406 : vector<256x1xf32>
    %jit3A_411 = arith.constant 0.000000e+00 : f32
    %broadcast_in_dim3A_412 = vector.broadcast %jit3A_411 : f32 to vector<256x1xf32>
    %select_n3A_413 = arith.select %gt3A_409, %mul3A_410, %broadcast_in_dim3A_412 : vector<256x1xi1>, vector<256x1xf32>
    %add3A_414 = arith.addf %add3A_338, %select_n3A_413 : vector<256x1xf32>
    %sub3A_415 = arith.subf %sub3A_339, %min3A_392 : vector<256x1xf32>
    %jit3A_416 = arith.constant 0x7F800000 : f32
    %broadcast_in_dim3A_417 = vector.broadcast %jit3A_416 : f32 to vector<256x128xf32>
    %select_n3A_418 = arith.select %eq3A_359, %broadcast_in_dim3A_417, %select_n3A_342 : vector<256x128xi1>, vector<256x128xf32>
    %jit3A_419 = arith.constant 0x7F800000 : f32
    %broadcast_in_dim3A_420 = vector.broadcast %jit3A_419 : f32 to vector<256x128xf32>
    %select_n3A_421 = arith.select %eq3A_361, %broadcast_in_dim3A_420, %select_n3A_345 : vector<256x128xi1>, vector<256x128xf32>
    %jit3A_422 = arith.constant 0x7F800000 : f32
    %broadcast_in_dim3A_423 = vector.broadcast %jit3A_422 : f32 to vector<256x128xf32>
    %select_n3A_424 = arith.select %eq3A_363, %broadcast_in_dim3A_423, %select_n3A_348 : vector<256x128xi1>, vector<256x128xf32>
    %jit3A_425 = arith.constant 0x7F800000 : f32
    %broadcast_in_dim3A_426 = vector.broadcast %jit3A_425 : f32 to vector<256x128xf32>
    %select_n3A_427 = arith.select %eq3A_365, %broadcast_in_dim3A_426, %select_n3A_351 : vector<256x128xi1>, vector<256x128xf32>
    %min3A_428 = arith.minimumf %select_n3A_418, %select_n3A_421 : vector<256x128xf32>
    %min3A_429 = arith.minimumf %min3A_428, %select_n3A_424 : vector<256x128xf32>
    %min3A_430 = arith.minimumf %min3A_429, %select_n3A_427 : vector<256x128xf32>
    %reduce_min3A_431 = arith.constant dense<0x7F800000> : vector<256xf32>
    %reduce_min3A_432 = vector.multi_reduction <minimumf>, %min3A_430, %reduce_min3A_431 [1] : vector<256x128xf32> to vector<256xf32>
    %broadcast_in_dim3A_433 = vector.shape_cast %reduce_min3A_432 : vector<256xf32> to vector<256x1xf32>
    %eq3A_434 = vector.broadcast %broadcast_in_dim3A_433 : vector<256x1xf32> to vector<256x128xf32>
    %eq3A_435 = arith.cmpf oeq, %select_n3A_418, %eq3A_434 : vector<256x128xf32>
    %eq3A_436 = vector.broadcast %broadcast_in_dim3A_433 : vector<256x1xf32> to vector<256x128xf32>
    %eq3A_437 = arith.cmpf oeq, %select_n3A_421, %eq3A_436 : vector<256x128xf32>
    %eq3A_438 = vector.broadcast %broadcast_in_dim3A_433 : vector<256x1xf32> to vector<256x128xf32>
    %eq3A_439 = arith.cmpf oeq, %select_n3A_424, %eq3A_438 : vector<256x128xf32>
    %eq3A_440 = vector.broadcast %broadcast_in_dim3A_433 : vector<256x1xf32> to vector<256x128xf32>
    %eq3A_441 = arith.cmpf oeq, %select_n3A_427, %eq3A_440 : vector<256x128xf32>
    %broadcast_in_dim3A_442 = arith.constant 0.000000e+00 : f32
    %broadcast_in_dim3A_443 = vector.broadcast %broadcast_in_dim3A_442 : f32 to vector<256x1xf32>
    %convert_element_type3A_444 = arith.extui %eq3A_435 : vector<256x128xi1> to vector<256x128xi32>
    %convert_element_type3A_445 = arith.sitofp %convert_element_type3A_444 : vector<256x128xi32> to vector<256x128xf32>
    %reduce_sum3A_446 = arith.constant dense<0.000000e+00> : vector<256xf32>
    %reduce_sum3A_447 = vector.multi_reduction <add>, %convert_element_type3A_445, %reduce_sum3A_446 [1] : vector<256x128xf32> to vector<256xf32>
    %broadcast_in_dim3A_448 = vector.shape_cast %reduce_sum3A_447 : vector<256xf32> to vector<256x1xf32>
    %add3A_449 = arith.addf %broadcast_in_dim3A_443, %broadcast_in_dim3A_448 : vector<256x1xf32>
    %convert_element_type3A_450 = arith.extui %eq3A_437 : vector<256x128xi1> to vector<256x128xi32>
    %convert_element_type3A_451 = arith.sitofp %convert_element_type3A_450 : vector<256x128xi32> to vector<256x128xf32>
    %reduce_sum3A_452 = arith.constant dense<0.000000e+00> : vector<256xf32>
    %reduce_sum3A_453 = vector.multi_reduction <add>, %convert_element_type3A_451, %reduce_sum3A_452 [1] : vector<256x128xf32> to vector<256xf32>
    %broadcast_in_dim3A_454 = vector.shape_cast %reduce_sum3A_453 : vector<256xf32> to vector<256x1xf32>
    %add3A_455 = arith.addf %add3A_449, %broadcast_in_dim3A_454 : vector<256x1xf32>
    %convert_element_type3A_456 = arith.extui %eq3A_439 : vector<256x128xi1> to vector<256x128xi32>
    %convert_element_type3A_457 = arith.sitofp %convert_element_type3A_456 : vector<256x128xi32> to vector<256x128xf32>
    %reduce_sum3A_458 = arith.constant dense<0.000000e+00> : vector<256xf32>
    %reduce_sum3A_459 = vector.multi_reduction <add>, %convert_element_type3A_457, %reduce_sum3A_458 [1] : vector<256x128xf32> to vector<256xf32>
    %broadcast_in_dim3A_460 = vector.shape_cast %reduce_sum3A_459 : vector<256xf32> to vector<256x1xf32>
    %add3A_461 = arith.addf %add3A_455, %broadcast_in_dim3A_460 : vector<256x1xf32>
    %convert_element_type3A_462 = arith.extui %eq3A_441 : vector<256x128xi1> to vector<256x128xi32>
    %convert_element_type3A_463 = arith.sitofp %convert_element_type3A_462 : vector<256x128xi32> to vector<256x128xf32>
    %reduce_sum3A_464 = arith.constant dense<0.000000e+00> : vector<256xf32>
    %reduce_sum3A_465 = vector.multi_reduction <add>, %convert_element_type3A_463, %reduce_sum3A_464 [1] : vector<256x128xf32> to vector<256xf32>
    %broadcast_in_dim3A_466 = vector.shape_cast %reduce_sum3A_465 : vector<256xf32> to vector<256x1xf32>
    %add3A_467 = arith.addf %add3A_461, %broadcast_in_dim3A_466 : vector<256x1xf32>
    %min3A_468 = arith.minimumf %add3A_467, %sub3A_415 : vector<256x1xf32>
    %add3A_469 = arith.addf %broadcast_in_dim3A_433, %broadcast_in_dim3A : vector<256x1xf32>
    %gt3A_470 = arith.constant 0.000000e+00 : f32
    %gt3A_471 = vector.broadcast %gt3A_470 : f32 to vector<256x1xf32>
    %gt3A_472 = arith.cmpf ogt, %add3A_469, %gt3A_471 : vector<256x1xf32>
    %gt3A_473 = arith.constant 0.000000e+00 : f32
    %gt3A_474 = vector.broadcast %gt3A_473 : f32 to vector<256x1xf32>
    %gt3A_475 = arith.cmpf ogt, %add3A_469, %gt3A_474 : vector<256x1xf32>
    %jit3A_476 = arith.constant 1.000000e+00 : f32
    %broadcast_in_dim3A_477 = vector.broadcast %jit3A_476 : f32 to vector<256x1xf32>
    %select_n3A_478 = arith.select %gt3A_475, %add3A_469, %broadcast_in_dim3A_477 : vector<256x1xi1>, vector<256x1xf32>
    %sqrt3A_479 = math.sqrt %select_n3A_478 : vector<256x1xf32>
    %jit3A_480 = arith.constant 0.000000e+00 : f32
    %broadcast_in_dim3A_481 = vector.broadcast %jit3A_480 : f32 to vector<256x1xf32>
    %select_n3A_482 = arith.select %gt3A_472, %sqrt3A_479, %broadcast_in_dim3A_481 : vector<256x1xi1>, vector<256x1xf32>
    %gt3A_483 = arith.constant 0.000000e+00 : f32
    %gt3A_484 = vector.broadcast %gt3A_483 : f32 to vector<256x1xf32>
    %gt3A_485 = arith.cmpf ogt, %min3A_468, %gt3A_484 : vector<256x1xf32>
    %mul3A_486 = arith.mulf %min3A_468, %select_n3A_482 : vector<256x1xf32>
    %jit3A_487 = arith.constant 0.000000e+00 : f32
    %broadcast_in_dim3A_488 = vector.broadcast %jit3A_487 : f32 to vector<256x1xf32>
    %select_n3A_489 = arith.select %gt3A_485, %mul3A_486, %broadcast_in_dim3A_488 : vector<256x1xi1>, vector<256x1xf32>
    %add3A_490 = arith.addf %add3A_414, %select_n3A_489 : vector<256x1xf32>
    %sub3A_491 = arith.subf %sub3A_415, %min3A_468 : vector<256x1xf32>
    %jit3A_492 = arith.constant 0x7F800000 : f32
    %broadcast_in_dim3A_493 = vector.broadcast %jit3A_492 : f32 to vector<256x128xf32>
    %select_n3A_494 = arith.select %eq3A_435, %broadcast_in_dim3A_493, %select_n3A_418 : vector<256x128xi1>, vector<256x128xf32>
    %jit3A_495 = arith.constant 0x7F800000 : f32
    %broadcast_in_dim3A_496 = vector.broadcast %jit3A_495 : f32 to vector<256x128xf32>
    %select_n3A_497 = arith.select %eq3A_437, %broadcast_in_dim3A_496, %select_n3A_421 : vector<256x128xi1>, vector<256x128xf32>
    %jit3A_498 = arith.constant 0x7F800000 : f32
    %broadcast_in_dim3A_499 = vector.broadcast %jit3A_498 : f32 to vector<256x128xf32>
    %select_n3A_500 = arith.select %eq3A_439, %broadcast_in_dim3A_499, %select_n3A_424 : vector<256x128xi1>, vector<256x128xf32>
    %jit3A_501 = arith.constant 0x7F800000 : f32
    %broadcast_in_dim3A_502 = vector.broadcast %jit3A_501 : f32 to vector<256x128xf32>
    %select_n3A_503 = arith.select %eq3A_441, %broadcast_in_dim3A_502, %select_n3A_427 : vector<256x128xi1>, vector<256x128xf32>
    %min3A_504 = arith.minimumf %select_n3A_494, %select_n3A_497 : vector<256x128xf32>
    %min3A_505 = arith.minimumf %min3A_504, %select_n3A_500 : vector<256x128xf32>
    %min3A_506 = arith.minimumf %min3A_505, %select_n3A_503 : vector<256x128xf32>
    %reduce_min3A_507 = arith.constant dense<0x7F800000> : vector<256xf32>
    %reduce_min3A_508 = vector.multi_reduction <minimumf>, %min3A_506, %reduce_min3A_507 [1] : vector<256x128xf32> to vector<256xf32>
    %broadcast_in_dim3A_509 = vector.shape_cast %reduce_min3A_508 : vector<256xf32> to vector<256x1xf32>
    %eq3A_510 = vector.broadcast %broadcast_in_dim3A_509 : vector<256x1xf32> to vector<256x128xf32>
    %eq3A_511 = arith.cmpf oeq, %select_n3A_494, %eq3A_510 : vector<256x128xf32>
    %eq3A_512 = vector.broadcast %broadcast_in_dim3A_509 : vector<256x1xf32> to vector<256x128xf32>
    %eq3A_513 = arith.cmpf oeq, %select_n3A_497, %eq3A_512 : vector<256x128xf32>
    %eq3A_514 = vector.broadcast %broadcast_in_dim3A_509 : vector<256x1xf32> to vector<256x128xf32>
    %eq3A_515 = arith.cmpf oeq, %select_n3A_500, %eq3A_514 : vector<256x128xf32>
    %eq3A_516 = vector.broadcast %broadcast_in_dim3A_509 : vector<256x1xf32> to vector<256x128xf32>
    %eq3A_517 = arith.cmpf oeq, %select_n3A_503, %eq3A_516 : vector<256x128xf32>
    %broadcast_in_dim3A_518 = arith.constant 0.000000e+00 : f32
    %broadcast_in_dim3A_519 = vector.broadcast %broadcast_in_dim3A_518 : f32 to vector<256x1xf32>
    %convert_element_type3A_520 = arith.extui %eq3A_511 : vector<256x128xi1> to vector<256x128xi32>
    %convert_element_type3A_521 = arith.sitofp %convert_element_type3A_520 : vector<256x128xi32> to vector<256x128xf32>
    %reduce_sum3A_522 = arith.constant dense<0.000000e+00> : vector<256xf32>
    %reduce_sum3A_523 = vector.multi_reduction <add>, %convert_element_type3A_521, %reduce_sum3A_522 [1] : vector<256x128xf32> to vector<256xf32>
    %broadcast_in_dim3A_524 = vector.shape_cast %reduce_sum3A_523 : vector<256xf32> to vector<256x1xf32>
    %add3A_525 = arith.addf %broadcast_in_dim3A_519, %broadcast_in_dim3A_524 : vector<256x1xf32>
    %convert_element_type3A_526 = arith.extui %eq3A_513 : vector<256x128xi1> to vector<256x128xi32>
    %convert_element_type3A_527 = arith.sitofp %convert_element_type3A_526 : vector<256x128xi32> to vector<256x128xf32>
    %reduce_sum3A_528 = arith.constant dense<0.000000e+00> : vector<256xf32>
    %reduce_sum3A_529 = vector.multi_reduction <add>, %convert_element_type3A_527, %reduce_sum3A_528 [1] : vector<256x128xf32> to vector<256xf32>
    %broadcast_in_dim3A_530 = vector.shape_cast %reduce_sum3A_529 : vector<256xf32> to vector<256x1xf32>
    %add3A_531 = arith.addf %add3A_525, %broadcast_in_dim3A_530 : vector<256x1xf32>
    %convert_element_type3A_532 = arith.extui %eq3A_515 : vector<256x128xi1> to vector<256x128xi32>
    %convert_element_type3A_533 = arith.sitofp %convert_element_type3A_532 : vector<256x128xi32> to vector<256x128xf32>
    %reduce_sum3A_534 = arith.constant dense<0.000000e+00> : vector<256xf32>
    %reduce_sum3A_535 = vector.multi_reduction <add>, %convert_element_type3A_533, %reduce_sum3A_534 [1] : vector<256x128xf32> to vector<256xf32>
    %broadcast_in_dim3A_536 = vector.shape_cast %reduce_sum3A_535 : vector<256xf32> to vector<256x1xf32>
    %add3A_537 = arith.addf %add3A_531, %broadcast_in_dim3A_536 : vector<256x1xf32>
    %convert_element_type3A_538 = arith.extui %eq3A_517 : vector<256x128xi1> to vector<256x128xi32>
    %convert_element_type3A_539 = arith.sitofp %convert_element_type3A_538 : vector<256x128xi32> to vector<256x128xf32>
    %reduce_sum3A_540 = arith.constant dense<0.000000e+00> : vector<256xf32>
    %reduce_sum3A_541 = vector.multi_reduction <add>, %convert_element_type3A_539, %reduce_sum3A_540 [1] : vector<256x128xf32> to vector<256xf32>
    %broadcast_in_dim3A_542 = vector.shape_cast %reduce_sum3A_541 : vector<256xf32> to vector<256x1xf32>
    %add3A_543 = arith.addf %add3A_537, %broadcast_in_dim3A_542 : vector<256x1xf32>
    %min3A_544 = arith.minimumf %add3A_543, %sub3A_491 : vector<256x1xf32>
    %add3A_545 = arith.addf %broadcast_in_dim3A_509, %broadcast_in_dim3A : vector<256x1xf32>
    %gt3A_546 = arith.constant 0.000000e+00 : f32
    %gt3A_547 = vector.broadcast %gt3A_546 : f32 to vector<256x1xf32>
    %gt3A_548 = arith.cmpf ogt, %add3A_545, %gt3A_547 : vector<256x1xf32>
    %gt3A_549 = arith.constant 0.000000e+00 : f32
    %gt3A_550 = vector.broadcast %gt3A_549 : f32 to vector<256x1xf32>
    %gt3A_551 = arith.cmpf ogt, %add3A_545, %gt3A_550 : vector<256x1xf32>
    %jit3A_552 = arith.constant 1.000000e+00 : f32
    %broadcast_in_dim3A_553 = vector.broadcast %jit3A_552 : f32 to vector<256x1xf32>
    %select_n3A_554 = arith.select %gt3A_551, %add3A_545, %broadcast_in_dim3A_553 : vector<256x1xi1>, vector<256x1xf32>
    %sqrt3A_555 = math.sqrt %select_n3A_554 : vector<256x1xf32>
    %jit3A_556 = arith.constant 0.000000e+00 : f32
    %broadcast_in_dim3A_557 = vector.broadcast %jit3A_556 : f32 to vector<256x1xf32>
    %select_n3A_558 = arith.select %gt3A_548, %sqrt3A_555, %broadcast_in_dim3A_557 : vector<256x1xi1>, vector<256x1xf32>
    %gt3A_559 = arith.constant 0.000000e+00 : f32
    %gt3A_560 = vector.broadcast %gt3A_559 : f32 to vector<256x1xf32>
    %gt3A_561 = arith.cmpf ogt, %min3A_544, %gt3A_560 : vector<256x1xf32>
    %mul3A_562 = arith.mulf %min3A_544, %select_n3A_558 : vector<256x1xf32>
    %jit3A_563 = arith.constant 0.000000e+00 : f32
    %broadcast_in_dim3A_564 = vector.broadcast %jit3A_563 : f32 to vector<256x1xf32>
    %select_n3A_565 = arith.select %gt3A_561, %mul3A_562, %broadcast_in_dim3A_564 : vector<256x1xi1>, vector<256x1xf32>
    %add3A_566 = arith.addf %add3A_490, %select_n3A_565 : vector<256x1xf32>
    %sub3A_567 = arith.subf %sub3A_491, %min3A_544 : vector<256x1xf32>
    %jit3A_568 = arith.constant 0x7F800000 : f32
    %broadcast_in_dim3A_569 = vector.broadcast %jit3A_568 : f32 to vector<256x128xf32>
    %select_n3A_570 = arith.select %eq3A_511, %broadcast_in_dim3A_569, %select_n3A_494 : vector<256x128xi1>, vector<256x128xf32>
    %jit3A_571 = arith.constant 0x7F800000 : f32
    %broadcast_in_dim3A_572 = vector.broadcast %jit3A_571 : f32 to vector<256x128xf32>
    %select_n3A_573 = arith.select %eq3A_513, %broadcast_in_dim3A_572, %select_n3A_497 : vector<256x128xi1>, vector<256x128xf32>
    %jit3A_574 = arith.constant 0x7F800000 : f32
    %broadcast_in_dim3A_575 = vector.broadcast %jit3A_574 : f32 to vector<256x128xf32>
    %select_n3A_576 = arith.select %eq3A_515, %broadcast_in_dim3A_575, %select_n3A_500 : vector<256x128xi1>, vector<256x128xf32>
    %jit3A_577 = arith.constant 0x7F800000 : f32
    %broadcast_in_dim3A_578 = vector.broadcast %jit3A_577 : f32 to vector<256x128xf32>
    %select_n3A_579 = arith.select %eq3A_517, %broadcast_in_dim3A_578, %select_n3A_503 : vector<256x128xi1>, vector<256x128xf32>
    %min3A_580 = arith.minimumf %select_n3A_570, %select_n3A_573 : vector<256x128xf32>
    %min3A_581 = arith.minimumf %min3A_580, %select_n3A_576 : vector<256x128xf32>
    %min3A_582 = arith.minimumf %min3A_581, %select_n3A_579 : vector<256x128xf32>
    %reduce_min3A_583 = arith.constant dense<0x7F800000> : vector<256xf32>
    %reduce_min3A_584 = vector.multi_reduction <minimumf>, %min3A_582, %reduce_min3A_583 [1] : vector<256x128xf32> to vector<256xf32>
    %broadcast_in_dim3A_585 = vector.shape_cast %reduce_min3A_584 : vector<256xf32> to vector<256x1xf32>
    %eq3A_586 = vector.broadcast %broadcast_in_dim3A_585 : vector<256x1xf32> to vector<256x128xf32>
    %eq3A_587 = arith.cmpf oeq, %select_n3A_570, %eq3A_586 : vector<256x128xf32>
    %eq3A_588 = vector.broadcast %broadcast_in_dim3A_585 : vector<256x1xf32> to vector<256x128xf32>
    %eq3A_589 = arith.cmpf oeq, %select_n3A_573, %eq3A_588 : vector<256x128xf32>
    %eq3A_590 = vector.broadcast %broadcast_in_dim3A_585 : vector<256x1xf32> to vector<256x128xf32>
    %eq3A_591 = arith.cmpf oeq, %select_n3A_576, %eq3A_590 : vector<256x128xf32>
    %eq3A_592 = vector.broadcast %broadcast_in_dim3A_585 : vector<256x1xf32> to vector<256x128xf32>
    %eq3A_593 = arith.cmpf oeq, %select_n3A_579, %eq3A_592 : vector<256x128xf32>
    %broadcast_in_dim3A_594 = arith.constant 0.000000e+00 : f32
    %broadcast_in_dim3A_595 = vector.broadcast %broadcast_in_dim3A_594 : f32 to vector<256x1xf32>
    %convert_element_type3A_596 = arith.extui %eq3A_587 : vector<256x128xi1> to vector<256x128xi32>
    %convert_element_type3A_597 = arith.sitofp %convert_element_type3A_596 : vector<256x128xi32> to vector<256x128xf32>
    %reduce_sum3A_598 = arith.constant dense<0.000000e+00> : vector<256xf32>
    %reduce_sum3A_599 = vector.multi_reduction <add>, %convert_element_type3A_597, %reduce_sum3A_598 [1] : vector<256x128xf32> to vector<256xf32>
    %broadcast_in_dim3A_600 = vector.shape_cast %reduce_sum3A_599 : vector<256xf32> to vector<256x1xf32>
    %add3A_601 = arith.addf %broadcast_in_dim3A_595, %broadcast_in_dim3A_600 : vector<256x1xf32>
    %convert_element_type3A_602 = arith.extui %eq3A_589 : vector<256x128xi1> to vector<256x128xi32>
    %convert_element_type3A_603 = arith.sitofp %convert_element_type3A_602 : vector<256x128xi32> to vector<256x128xf32>
    %reduce_sum3A_604 = arith.constant dense<0.000000e+00> : vector<256xf32>
    %reduce_sum3A_605 = vector.multi_reduction <add>, %convert_element_type3A_603, %reduce_sum3A_604 [1] : vector<256x128xf32> to vector<256xf32>
    %broadcast_in_dim3A_606 = vector.shape_cast %reduce_sum3A_605 : vector<256xf32> to vector<256x1xf32>
    %add3A_607 = arith.addf %add3A_601, %broadcast_in_dim3A_606 : vector<256x1xf32>
    %convert_element_type3A_608 = arith.extui %eq3A_591 : vector<256x128xi1> to vector<256x128xi32>
    %convert_element_type3A_609 = arith.sitofp %convert_element_type3A_608 : vector<256x128xi32> to vector<256x128xf32>
    %reduce_sum3A_610 = arith.constant dense<0.000000e+00> : vector<256xf32>
    %reduce_sum3A_611 = vector.multi_reduction <add>, %convert_element_type3A_609, %reduce_sum3A_610 [1] : vector<256x128xf32> to vector<256xf32>
    %broadcast_in_dim3A_612 = vector.shape_cast %reduce_sum3A_611 : vector<256xf32> to vector<256x1xf32>
    %add3A_613 = arith.addf %add3A_607, %broadcast_in_dim3A_612 : vector<256x1xf32>
    %convert_element_type3A_614 = arith.extui %eq3A_593 : vector<256x128xi1> to vector<256x128xi32>
    %convert_element_type3A_615 = arith.sitofp %convert_element_type3A_614 : vector<256x128xi32> to vector<256x128xf32>
    %reduce_sum3A_616 = arith.constant dense<0.000000e+00> : vector<256xf32>
    %reduce_sum3A_617 = vector.multi_reduction <add>, %convert_element_type3A_615, %reduce_sum3A_616 [1] : vector<256x128xf32> to vector<256xf32>
    %broadcast_in_dim3A_618 = vector.shape_cast %reduce_sum3A_617 : vector<256xf32> to vector<256x1xf32>
    %add3A_619 = arith.addf %add3A_613, %broadcast_in_dim3A_618 : vector<256x1xf32>
    %min3A_620 = arith.minimumf %add3A_619, %sub3A_567 : vector<256x1xf32>
    %add3A_621 = arith.addf %broadcast_in_dim3A_585, %broadcast_in_dim3A : vector<256x1xf32>
    %gt3A_622 = arith.constant 0.000000e+00 : f32
    %gt3A_623 = vector.broadcast %gt3A_622 : f32 to vector<256x1xf32>
    %gt3A_624 = arith.cmpf ogt, %add3A_621, %gt3A_623 : vector<256x1xf32>
    %gt3A_625 = arith.constant 0.000000e+00 : f32
    %gt3A_626 = vector.broadcast %gt3A_625 : f32 to vector<256x1xf32>
    %gt3A_627 = arith.cmpf ogt, %add3A_621, %gt3A_626 : vector<256x1xf32>
    %jit3A_628 = arith.constant 1.000000e+00 : f32
    %broadcast_in_dim3A_629 = vector.broadcast %jit3A_628 : f32 to vector<256x1xf32>
    %select_n3A_630 = arith.select %gt3A_627, %add3A_621, %broadcast_in_dim3A_629 : vector<256x1xi1>, vector<256x1xf32>
    %sqrt3A_631 = math.sqrt %select_n3A_630 : vector<256x1xf32>
    %jit3A_632 = arith.constant 0.000000e+00 : f32
    %broadcast_in_dim3A_633 = vector.broadcast %jit3A_632 : f32 to vector<256x1xf32>
    %select_n3A_634 = arith.select %gt3A_624, %sqrt3A_631, %broadcast_in_dim3A_633 : vector<256x1xi1>, vector<256x1xf32>
    %gt3A_635 = arith.constant 0.000000e+00 : f32
    %gt3A_636 = vector.broadcast %gt3A_635 : f32 to vector<256x1xf32>
    %gt3A_637 = arith.cmpf ogt, %min3A_620, %gt3A_636 : vector<256x1xf32>
    %mul3A_638 = arith.mulf %min3A_620, %select_n3A_634 : vector<256x1xf32>
    %jit3A_639 = arith.constant 0.000000e+00 : f32
    %broadcast_in_dim3A_640 = vector.broadcast %jit3A_639 : f32 to vector<256x1xf32>
    %select_n3A_641 = arith.select %gt3A_637, %mul3A_638, %broadcast_in_dim3A_640 : vector<256x1xi1>, vector<256x1xf32>
    %add3A_642 = arith.addf %add3A_566, %select_n3A_641 : vector<256x1xf32>
    %sub3A_643 = arith.subf %sub3A_567, %min3A_620 : vector<256x1xf32>
    %jit3A_644 = arith.constant 0x7F800000 : f32
    %broadcast_in_dim3A_645 = vector.broadcast %jit3A_644 : f32 to vector<256x128xf32>
    %select_n3A_646 = arith.select %eq3A_587, %broadcast_in_dim3A_645, %select_n3A_570 : vector<256x128xi1>, vector<256x128xf32>
    %jit3A_647 = arith.constant 0x7F800000 : f32
    %broadcast_in_dim3A_648 = vector.broadcast %jit3A_647 : f32 to vector<256x128xf32>
    %select_n3A_649 = arith.select %eq3A_589, %broadcast_in_dim3A_648, %select_n3A_573 : vector<256x128xi1>, vector<256x128xf32>
    %jit3A_650 = arith.constant 0x7F800000 : f32
    %broadcast_in_dim3A_651 = vector.broadcast %jit3A_650 : f32 to vector<256x128xf32>
    %select_n3A_652 = arith.select %eq3A_591, %broadcast_in_dim3A_651, %select_n3A_576 : vector<256x128xi1>, vector<256x128xf32>
    %jit3A_653 = arith.constant 0x7F800000 : f32
    %broadcast_in_dim3A_654 = vector.broadcast %jit3A_653 : f32 to vector<256x128xf32>
    %select_n3A_655 = arith.select %eq3A_593, %broadcast_in_dim3A_654, %select_n3A_579 : vector<256x128xi1>, vector<256x128xf32>
    %min3A_656 = arith.minimumf %select_n3A_646, %select_n3A_649 : vector<256x128xf32>
    %min3A_657 = arith.minimumf %min3A_656, %select_n3A_652 : vector<256x128xf32>
    %min3A_658 = arith.minimumf %min3A_657, %select_n3A_655 : vector<256x128xf32>
    %reduce_min3A_659 = arith.constant dense<0x7F800000> : vector<256xf32>
    %reduce_min3A_660 = vector.multi_reduction <minimumf>, %min3A_658, %reduce_min3A_659 [1] : vector<256x128xf32> to vector<256xf32>
    %broadcast_in_dim3A_661 = vector.shape_cast %reduce_min3A_660 : vector<256xf32> to vector<256x1xf32>
    %eq3A_662 = vector.broadcast %broadcast_in_dim3A_661 : vector<256x1xf32> to vector<256x128xf32>
    %eq3A_663 = arith.cmpf oeq, %select_n3A_646, %eq3A_662 : vector<256x128xf32>
    %eq3A_664 = vector.broadcast %broadcast_in_dim3A_661 : vector<256x1xf32> to vector<256x128xf32>
    %eq3A_665 = arith.cmpf oeq, %select_n3A_649, %eq3A_664 : vector<256x128xf32>
    %eq3A_666 = vector.broadcast %broadcast_in_dim3A_661 : vector<256x1xf32> to vector<256x128xf32>
    %eq3A_667 = arith.cmpf oeq, %select_n3A_652, %eq3A_666 : vector<256x128xf32>
    %eq3A_668 = vector.broadcast %broadcast_in_dim3A_661 : vector<256x1xf32> to vector<256x128xf32>
    %eq3A_669 = arith.cmpf oeq, %select_n3A_655, %eq3A_668 : vector<256x128xf32>
    %broadcast_in_dim3A_670 = arith.constant 0.000000e+00 : f32
    %broadcast_in_dim3A_671 = vector.broadcast %broadcast_in_dim3A_670 : f32 to vector<256x1xf32>
    %convert_element_type3A_672 = arith.extui %eq3A_663 : vector<256x128xi1> to vector<256x128xi32>
    %convert_element_type3A_673 = arith.sitofp %convert_element_type3A_672 : vector<256x128xi32> to vector<256x128xf32>
    %reduce_sum3A_674 = arith.constant dense<0.000000e+00> : vector<256xf32>
    %reduce_sum3A_675 = vector.multi_reduction <add>, %convert_element_type3A_673, %reduce_sum3A_674 [1] : vector<256x128xf32> to vector<256xf32>
    %broadcast_in_dim3A_676 = vector.shape_cast %reduce_sum3A_675 : vector<256xf32> to vector<256x1xf32>
    %add3A_677 = arith.addf %broadcast_in_dim3A_671, %broadcast_in_dim3A_676 : vector<256x1xf32>
    %convert_element_type3A_678 = arith.extui %eq3A_665 : vector<256x128xi1> to vector<256x128xi32>
    %convert_element_type3A_679 = arith.sitofp %convert_element_type3A_678 : vector<256x128xi32> to vector<256x128xf32>
    %reduce_sum3A_680 = arith.constant dense<0.000000e+00> : vector<256xf32>
    %reduce_sum3A_681 = vector.multi_reduction <add>, %convert_element_type3A_679, %reduce_sum3A_680 [1] : vector<256x128xf32> to vector<256xf32>
    %broadcast_in_dim3A_682 = vector.shape_cast %reduce_sum3A_681 : vector<256xf32> to vector<256x1xf32>
    %add3A_683 = arith.addf %add3A_677, %broadcast_in_dim3A_682 : vector<256x1xf32>
    %convert_element_type3A_684 = arith.extui %eq3A_667 : vector<256x128xi1> to vector<256x128xi32>
    %convert_element_type3A_685 = arith.sitofp %convert_element_type3A_684 : vector<256x128xi32> to vector<256x128xf32>
    %reduce_sum3A_686 = arith.constant dense<0.000000e+00> : vector<256xf32>
    %reduce_sum3A_687 = vector.multi_reduction <add>, %convert_element_type3A_685, %reduce_sum3A_686 [1] : vector<256x128xf32> to vector<256xf32>
    %broadcast_in_dim3A_688 = vector.shape_cast %reduce_sum3A_687 : vector<256xf32> to vector<256x1xf32>
    %add3A_689 = arith.addf %add3A_683, %broadcast_in_dim3A_688 : vector<256x1xf32>
    %convert_element_type3A_690 = arith.extui %eq3A_669 : vector<256x128xi1> to vector<256x128xi32>
    %convert_element_type3A_691 = arith.sitofp %convert_element_type3A_690 : vector<256x128xi32> to vector<256x128xf32>
    %reduce_sum3A_692 = arith.constant dense<0.000000e+00> : vector<256xf32>
    %reduce_sum3A_693 = vector.multi_reduction <add>, %convert_element_type3A_691, %reduce_sum3A_692 [1] : vector<256x128xf32> to vector<256xf32>
    %broadcast_in_dim3A_694 = vector.shape_cast %reduce_sum3A_693 : vector<256xf32> to vector<256x1xf32>
    %add3A_695 = arith.addf %add3A_689, %broadcast_in_dim3A_694 : vector<256x1xf32>
    %min3A_696 = arith.minimumf %add3A_695, %sub3A_643 : vector<256x1xf32>
    %add3A_697 = arith.addf %broadcast_in_dim3A_661, %broadcast_in_dim3A : vector<256x1xf32>
    %gt3A_698 = arith.constant 0.000000e+00 : f32
    %gt3A_699 = vector.broadcast %gt3A_698 : f32 to vector<256x1xf32>
    %gt3A_700 = arith.cmpf ogt, %add3A_697, %gt3A_699 : vector<256x1xf32>
    %gt3A_701 = arith.constant 0.000000e+00 : f32
    %gt3A_702 = vector.broadcast %gt3A_701 : f32 to vector<256x1xf32>
    %gt3A_703 = arith.cmpf ogt, %add3A_697, %gt3A_702 : vector<256x1xf32>
    %jit3A_704 = arith.constant 1.000000e+00 : f32
    %broadcast_in_dim3A_705 = vector.broadcast %jit3A_704 : f32 to vector<256x1xf32>
    %select_n3A_706 = arith.select %gt3A_703, %add3A_697, %broadcast_in_dim3A_705 : vector<256x1xi1>, vector<256x1xf32>
    %sqrt3A_707 = math.sqrt %select_n3A_706 : vector<256x1xf32>
    %jit3A_708 = arith.constant 0.000000e+00 : f32
    %broadcast_in_dim3A_709 = vector.broadcast %jit3A_708 : f32 to vector<256x1xf32>
    %select_n3A_710 = arith.select %gt3A_700, %sqrt3A_707, %broadcast_in_dim3A_709 : vector<256x1xi1>, vector<256x1xf32>
    %gt3A_711 = arith.constant 0.000000e+00 : f32
    %gt3A_712 = vector.broadcast %gt3A_711 : f32 to vector<256x1xf32>
    %gt3A_713 = arith.cmpf ogt, %min3A_696, %gt3A_712 : vector<256x1xf32>
    %mul3A_714 = arith.mulf %min3A_696, %select_n3A_710 : vector<256x1xf32>
    %jit3A_715 = arith.constant 0.000000e+00 : f32
    %broadcast_in_dim3A_716 = vector.broadcast %jit3A_715 : f32 to vector<256x1xf32>
    %select_n3A_717 = arith.select %gt3A_713, %mul3A_714, %broadcast_in_dim3A_716 : vector<256x1xi1>, vector<256x1xf32>
    %add3A_718 = arith.addf %add3A_642, %select_n3A_717 : vector<256x1xf32>
    %sub3A_719 = arith.subf %sub3A_643, %min3A_696 : vector<256x1xf32>
    %jit3A_720 = arith.constant 0x7F800000 : f32
    %broadcast_in_dim3A_721 = vector.broadcast %jit3A_720 : f32 to vector<256x128xf32>
    %select_n3A_722 = arith.select %eq3A_663, %broadcast_in_dim3A_721, %select_n3A_646 : vector<256x128xi1>, vector<256x128xf32>
    %jit3A_723 = arith.constant 0x7F800000 : f32
    %broadcast_in_dim3A_724 = vector.broadcast %jit3A_723 : f32 to vector<256x128xf32>
    %select_n3A_725 = arith.select %eq3A_665, %broadcast_in_dim3A_724, %select_n3A_649 : vector<256x128xi1>, vector<256x128xf32>
    %jit3A_726 = arith.constant 0x7F800000 : f32
    %broadcast_in_dim3A_727 = vector.broadcast %jit3A_726 : f32 to vector<256x128xf32>
    %select_n3A_728 = arith.select %eq3A_667, %broadcast_in_dim3A_727, %select_n3A_652 : vector<256x128xi1>, vector<256x128xf32>
    %jit3A_729 = arith.constant 0x7F800000 : f32
    %broadcast_in_dim3A_730 = vector.broadcast %jit3A_729 : f32 to vector<256x128xf32>
    %select_n3A_731 = arith.select %eq3A_669, %broadcast_in_dim3A_730, %select_n3A_655 : vector<256x128xi1>, vector<256x128xf32>
    %min3A_732 = arith.minimumf %select_n3A_722, %select_n3A_725 : vector<256x128xf32>
    %min3A_733 = arith.minimumf %min3A_732, %select_n3A_728 : vector<256x128xf32>
    %min3A_734 = arith.minimumf %min3A_733, %select_n3A_731 : vector<256x128xf32>
    %reduce_min3A_735 = arith.constant dense<0x7F800000> : vector<256xf32>
    %reduce_min3A_736 = vector.multi_reduction <minimumf>, %min3A_734, %reduce_min3A_735 [1] : vector<256x128xf32> to vector<256xf32>
    %broadcast_in_dim3A_737 = vector.shape_cast %reduce_min3A_736 : vector<256xf32> to vector<256x1xf32>
    %eq3A_738 = vector.broadcast %broadcast_in_dim3A_737 : vector<256x1xf32> to vector<256x128xf32>
    %eq3A_739 = arith.cmpf oeq, %select_n3A_722, %eq3A_738 : vector<256x128xf32>
    %eq3A_740 = vector.broadcast %broadcast_in_dim3A_737 : vector<256x1xf32> to vector<256x128xf32>
    %eq3A_741 = arith.cmpf oeq, %select_n3A_725, %eq3A_740 : vector<256x128xf32>
    %eq3A_742 = vector.broadcast %broadcast_in_dim3A_737 : vector<256x1xf32> to vector<256x128xf32>
    %eq3A_743 = arith.cmpf oeq, %select_n3A_728, %eq3A_742 : vector<256x128xf32>
    %eq3A_744 = vector.broadcast %broadcast_in_dim3A_737 : vector<256x1xf32> to vector<256x128xf32>
    %eq3A_745 = arith.cmpf oeq, %select_n3A_731, %eq3A_744 : vector<256x128xf32>
    %broadcast_in_dim3A_746 = arith.constant 0.000000e+00 : f32
    %broadcast_in_dim3A_747 = vector.broadcast %broadcast_in_dim3A_746 : f32 to vector<256x1xf32>
    %convert_element_type3A_748 = arith.extui %eq3A_739 : vector<256x128xi1> to vector<256x128xi32>
    %convert_element_type3A_749 = arith.sitofp %convert_element_type3A_748 : vector<256x128xi32> to vector<256x128xf32>
    %reduce_sum3A_750 = arith.constant dense<0.000000e+00> : vector<256xf32>
    %reduce_sum3A_751 = vector.multi_reduction <add>, %convert_element_type3A_749, %reduce_sum3A_750 [1] : vector<256x128xf32> to vector<256xf32>
    %broadcast_in_dim3A_752 = vector.shape_cast %reduce_sum3A_751 : vector<256xf32> to vector<256x1xf32>
    %add3A_753 = arith.addf %broadcast_in_dim3A_747, %broadcast_in_dim3A_752 : vector<256x1xf32>
    %convert_element_type3A_754 = arith.extui %eq3A_741 : vector<256x128xi1> to vector<256x128xi32>
    %convert_element_type3A_755 = arith.sitofp %convert_element_type3A_754 : vector<256x128xi32> to vector<256x128xf32>
    %reduce_sum3A_756 = arith.constant dense<0.000000e+00> : vector<256xf32>
    %reduce_sum3A_757 = vector.multi_reduction <add>, %convert_element_type3A_755, %reduce_sum3A_756 [1] : vector<256x128xf32> to vector<256xf32>
    %broadcast_in_dim3A_758 = vector.shape_cast %reduce_sum3A_757 : vector<256xf32> to vector<256x1xf32>
    %add3A_759 = arith.addf %add3A_753, %broadcast_in_dim3A_758 : vector<256x1xf32>
    %convert_element_type3A_760 = arith.extui %eq3A_743 : vector<256x128xi1> to vector<256x128xi32>
    %convert_element_type3A_761 = arith.sitofp %convert_element_type3A_760 : vector<256x128xi32> to vector<256x128xf32>
    %reduce_sum3A_762 = arith.constant dense<0.000000e+00> : vector<256xf32>
    %reduce_sum3A_763 = vector.multi_reduction <add>, %convert_element_type3A_761, %reduce_sum3A_762 [1] : vector<256x128xf32> to vector<256xf32>
    %broadcast_in_dim3A_764 = vector.shape_cast %reduce_sum3A_763 : vector<256xf32> to vector<256x1xf32>
    %add3A_765 = arith.addf %add3A_759, %broadcast_in_dim3A_764 : vector<256x1xf32>
    %convert_element_type3A_766 = arith.extui %eq3A_745 : vector<256x128xi1> to vector<256x128xi32>
    %convert_element_type3A_767 = arith.sitofp %convert_element_type3A_766 : vector<256x128xi32> to vector<256x128xf32>
    %reduce_sum3A_768 = arith.constant dense<0.000000e+00> : vector<256xf32>
    %reduce_sum3A_769 = vector.multi_reduction <add>, %convert_element_type3A_767, %reduce_sum3A_768 [1] : vector<256x128xf32> to vector<256xf32>
    %broadcast_in_dim3A_770 = vector.shape_cast %reduce_sum3A_769 : vector<256xf32> to vector<256x1xf32>
    %add3A_771 = arith.addf %add3A_765, %broadcast_in_dim3A_770 : vector<256x1xf32>
    %min3A_772 = arith.minimumf %add3A_771, %sub3A_719 : vector<256x1xf32>
    %add3A_773 = arith.addf %broadcast_in_dim3A_737, %broadcast_in_dim3A : vector<256x1xf32>
    %gt3A_774 = arith.constant 0.000000e+00 : f32
    %gt3A_775 = vector.broadcast %gt3A_774 : f32 to vector<256x1xf32>
    %gt3A_776 = arith.cmpf ogt, %add3A_773, %gt3A_775 : vector<256x1xf32>
    %gt3A_777 = arith.constant 0.000000e+00 : f32
    %gt3A_778 = vector.broadcast %gt3A_777 : f32 to vector<256x1xf32>
    %gt3A_779 = arith.cmpf ogt, %add3A_773, %gt3A_778 : vector<256x1xf32>
    %jit3A_780 = arith.constant 1.000000e+00 : f32
    %broadcast_in_dim3A_781 = vector.broadcast %jit3A_780 : f32 to vector<256x1xf32>
    %select_n3A_782 = arith.select %gt3A_779, %add3A_773, %broadcast_in_dim3A_781 : vector<256x1xi1>, vector<256x1xf32>
    %sqrt3A_783 = math.sqrt %select_n3A_782 : vector<256x1xf32>
    %jit3A_784 = arith.constant 0.000000e+00 : f32
    %broadcast_in_dim3A_785 = vector.broadcast %jit3A_784 : f32 to vector<256x1xf32>
    %select_n3A_786 = arith.select %gt3A_776, %sqrt3A_783, %broadcast_in_dim3A_785 : vector<256x1xi1>, vector<256x1xf32>
    %gt3A_787 = arith.constant 0.000000e+00 : f32
    %gt3A_788 = vector.broadcast %gt3A_787 : f32 to vector<256x1xf32>
    %gt3A_789 = arith.cmpf ogt, %min3A_772, %gt3A_788 : vector<256x1xf32>
    %mul3A_790 = arith.mulf %min3A_772, %select_n3A_786 : vector<256x1xf32>
    %jit3A_791 = arith.constant 0.000000e+00 : f32
    %broadcast_in_dim3A_792 = vector.broadcast %jit3A_791 : f32 to vector<256x1xf32>
    %select_n3A_793 = arith.select %gt3A_789, %mul3A_790, %broadcast_in_dim3A_792 : vector<256x1xi1>, vector<256x1xf32>
    %add3A_794 = arith.addf %add3A_718, %select_n3A_793 : vector<256x1xf32>
    %sub3A_795 = arith.subf %sub3A_719, %min3A_772 : vector<256x1xf32>
    %jit3A_796 = arith.constant 0x7F800000 : f32
    %broadcast_in_dim3A_797 = vector.broadcast %jit3A_796 : f32 to vector<256x128xf32>
    %select_n3A_798 = arith.select %eq3A_739, %broadcast_in_dim3A_797, %select_n3A_722 : vector<256x128xi1>, vector<256x128xf32>
    %jit3A_799 = arith.constant 0x7F800000 : f32
    %broadcast_in_dim3A_800 = vector.broadcast %jit3A_799 : f32 to vector<256x128xf32>
    %select_n3A_801 = arith.select %eq3A_741, %broadcast_in_dim3A_800, %select_n3A_725 : vector<256x128xi1>, vector<256x128xf32>
    %jit3A_802 = arith.constant 0x7F800000 : f32
    %broadcast_in_dim3A_803 = vector.broadcast %jit3A_802 : f32 to vector<256x128xf32>
    %select_n3A_804 = arith.select %eq3A_743, %broadcast_in_dim3A_803, %select_n3A_728 : vector<256x128xi1>, vector<256x128xf32>
    %jit3A_805 = arith.constant 0x7F800000 : f32
    %broadcast_in_dim3A_806 = vector.broadcast %jit3A_805 : f32 to vector<256x128xf32>
    %select_n3A_807 = arith.select %eq3A_745, %broadcast_in_dim3A_806, %select_n3A_731 : vector<256x128xi1>, vector<256x128xf32>
    %min3A_808 = arith.minimumf %select_n3A_798, %select_n3A_801 : vector<256x128xf32>
    %min3A_809 = arith.minimumf %min3A_808, %select_n3A_804 : vector<256x128xf32>
    %min3A_810 = arith.minimumf %min3A_809, %select_n3A_807 : vector<256x128xf32>
    %reduce_min3A_811 = arith.constant dense<0x7F800000> : vector<256xf32>
    %reduce_min3A_812 = vector.multi_reduction <minimumf>, %min3A_810, %reduce_min3A_811 [1] : vector<256x128xf32> to vector<256xf32>
    %broadcast_in_dim3A_813 = vector.shape_cast %reduce_min3A_812 : vector<256xf32> to vector<256x1xf32>
    %eq3A_814 = vector.broadcast %broadcast_in_dim3A_813 : vector<256x1xf32> to vector<256x128xf32>
    %eq3A_815 = arith.cmpf oeq, %select_n3A_798, %eq3A_814 : vector<256x128xf32>
    %eq3A_816 = vector.broadcast %broadcast_in_dim3A_813 : vector<256x1xf32> to vector<256x128xf32>
    %eq3A_817 = arith.cmpf oeq, %select_n3A_801, %eq3A_816 : vector<256x128xf32>
    %eq3A_818 = vector.broadcast %broadcast_in_dim3A_813 : vector<256x1xf32> to vector<256x128xf32>
    %eq3A_819 = arith.cmpf oeq, %select_n3A_804, %eq3A_818 : vector<256x128xf32>
    %eq3A_820 = vector.broadcast %broadcast_in_dim3A_813 : vector<256x1xf32> to vector<256x128xf32>
    %eq3A_821 = arith.cmpf oeq, %select_n3A_807, %eq3A_820 : vector<256x128xf32>
    %broadcast_in_dim3A_822 = arith.constant 0.000000e+00 : f32
    %broadcast_in_dim3A_823 = vector.broadcast %broadcast_in_dim3A_822 : f32 to vector<256x1xf32>
    %convert_element_type3A_824 = arith.extui %eq3A_815 : vector<256x128xi1> to vector<256x128xi32>
    %convert_element_type3A_825 = arith.sitofp %convert_element_type3A_824 : vector<256x128xi32> to vector<256x128xf32>
    %reduce_sum3A_826 = arith.constant dense<0.000000e+00> : vector<256xf32>
    %reduce_sum3A_827 = vector.multi_reduction <add>, %convert_element_type3A_825, %reduce_sum3A_826 [1] : vector<256x128xf32> to vector<256xf32>
    %broadcast_in_dim3A_828 = vector.shape_cast %reduce_sum3A_827 : vector<256xf32> to vector<256x1xf32>
    %add3A_829 = arith.addf %broadcast_in_dim3A_823, %broadcast_in_dim3A_828 : vector<256x1xf32>
    %convert_element_type3A_830 = arith.extui %eq3A_817 : vector<256x128xi1> to vector<256x128xi32>
    %convert_element_type3A_831 = arith.sitofp %convert_element_type3A_830 : vector<256x128xi32> to vector<256x128xf32>
    %reduce_sum3A_832 = arith.constant dense<0.000000e+00> : vector<256xf32>
    %reduce_sum3A_833 = vector.multi_reduction <add>, %convert_element_type3A_831, %reduce_sum3A_832 [1] : vector<256x128xf32> to vector<256xf32>
    %broadcast_in_dim3A_834 = vector.shape_cast %reduce_sum3A_833 : vector<256xf32> to vector<256x1xf32>
    %add3A_835 = arith.addf %add3A_829, %broadcast_in_dim3A_834 : vector<256x1xf32>
    %convert_element_type3A_836 = arith.extui %eq3A_819 : vector<256x128xi1> to vector<256x128xi32>
    %convert_element_type3A_837 = arith.sitofp %convert_element_type3A_836 : vector<256x128xi32> to vector<256x128xf32>
    %reduce_sum3A_838 = arith.constant dense<0.000000e+00> : vector<256xf32>
    %reduce_sum3A_839 = vector.multi_reduction <add>, %convert_element_type3A_837, %reduce_sum3A_838 [1] : vector<256x128xf32> to vector<256xf32>
    %broadcast_in_dim3A_840 = vector.shape_cast %reduce_sum3A_839 : vector<256xf32> to vector<256x1xf32>
    %add3A_841 = arith.addf %add3A_835, %broadcast_in_dim3A_840 : vector<256x1xf32>
    %convert_element_type3A_842 = arith.extui %eq3A_821 : vector<256x128xi1> to vector<256x128xi32>
    %convert_element_type3A_843 = arith.sitofp %convert_element_type3A_842 : vector<256x128xi32> to vector<256x128xf32>
    %reduce_sum3A_844 = arith.constant dense<0.000000e+00> : vector<256xf32>
    %reduce_sum3A_845 = vector.multi_reduction <add>, %convert_element_type3A_843, %reduce_sum3A_844 [1] : vector<256x128xf32> to vector<256xf32>
    %broadcast_in_dim3A_846 = vector.shape_cast %reduce_sum3A_845 : vector<256xf32> to vector<256x1xf32>
    %add3A_847 = arith.addf %add3A_841, %broadcast_in_dim3A_846 : vector<256x1xf32>
    %min3A_848 = arith.minimumf %add3A_847, %sub3A_795 : vector<256x1xf32>
    %add3A_849 = arith.addf %broadcast_in_dim3A_813, %broadcast_in_dim3A : vector<256x1xf32>
    %gt3A_850 = arith.constant 0.000000e+00 : f32
    %gt3A_851 = vector.broadcast %gt3A_850 : f32 to vector<256x1xf32>
    %gt3A_852 = arith.cmpf ogt, %add3A_849, %gt3A_851 : vector<256x1xf32>
    %gt3A_853 = arith.constant 0.000000e+00 : f32
    %gt3A_854 = vector.broadcast %gt3A_853 : f32 to vector<256x1xf32>
    %gt3A_855 = arith.cmpf ogt, %add3A_849, %gt3A_854 : vector<256x1xf32>
    %jit3A_856 = arith.constant 1.000000e+00 : f32
    %broadcast_in_dim3A_857 = vector.broadcast %jit3A_856 : f32 to vector<256x1xf32>
    %select_n3A_858 = arith.select %gt3A_855, %add3A_849, %broadcast_in_dim3A_857 : vector<256x1xi1>, vector<256x1xf32>
    %sqrt3A_859 = math.sqrt %select_n3A_858 : vector<256x1xf32>
    %jit3A_860 = arith.constant 0.000000e+00 : f32
    %broadcast_in_dim3A_861 = vector.broadcast %jit3A_860 : f32 to vector<256x1xf32>
    %select_n3A_862 = arith.select %gt3A_852, %sqrt3A_859, %broadcast_in_dim3A_861 : vector<256x1xi1>, vector<256x1xf32>
    %gt3A_863 = arith.constant 0.000000e+00 : f32
    %gt3A_864 = vector.broadcast %gt3A_863 : f32 to vector<256x1xf32>
    %gt3A_865 = arith.cmpf ogt, %min3A_848, %gt3A_864 : vector<256x1xf32>
    %mul3A_866 = arith.mulf %min3A_848, %select_n3A_862 : vector<256x1xf32>
    %jit3A_867 = arith.constant 0.000000e+00 : f32
    %broadcast_in_dim3A_868 = vector.broadcast %jit3A_867 : f32 to vector<256x1xf32>
    %select_n3A_869 = arith.select %gt3A_865, %mul3A_866, %broadcast_in_dim3A_868 : vector<256x1xi1>, vector<256x1xf32>
    %add3A_870 = arith.addf %add3A_794, %select_n3A_869 : vector<256x1xf32>
    %le3A = vector.broadcast %broadcast_in_dim3A_813 : vector<256x1xf32> to vector<256x128xf32>
    %le3A_871 = arith.cmpf ole, %min3A_279, %le3A : vector<256x128xf32>
    %jit3A_872 = arith.constant 1.000000e+00 : f32
    %jit3A_873 = arith.constant 0.000000e+00 : f32
    %broadcast_in_dim3A_874 = vector.broadcast %jit3A_872 : f32 to vector<256x128xf32>
    %broadcast_in_dim3A_875 = vector.broadcast %jit3A_873 : f32 to vector<256x128xf32>
    %select_n3A_876 = arith.select %le3A_871, %broadcast_in_dim3A_874, %broadcast_in_dim3A_875 : vector<256x128xi1>, vector<256x128xf32>
    %reduce_max3A = vector.shape_cast %select_n3A_876 : vector<256x128xf32> to vector<1x256x128xf32>
    %reduce_max3A_877 = arith.constant dense<0xFF800000> : vector<1xf32>
    %reduce_max3A_878 = vector.multi_reduction <maximumf>, %reduce_max3A, %reduce_max3A_877 [1, 2] : vector<1x256x128xf32> to vector<1xf32>
    %reduce_max3A_879 = vector.shape_cast %reduce_max3A_878 : vector<1xf32> to vector<1x1x1xf32>
    %reduce_max3A_880 = vector.extract %reduce_max3A_879[0, 0, 0] : f32 from vector<1x1x1xf32>
    %eq3A_881 = arith.constant 0 : i32
    %eq3A_882 = arith.cmpi eq, %arg0, %eq3A_881 : i32
    %eq3A_883 = arith.constant 0 : i32
    %eq3A_884 = arith.cmpi eq, %arg1, %eq3A_883 : i32
    %and3A = arith.andi %eq3A_882, %eq3A_884 : i1
    %convert_element_type3A_885 = arith.extui %and3A : i1 to i32
    %cond3A = arith.constant 0 : i32
    %cond3A_886 = arith.cmpi ne, %convert_element_type3A_885, %cond3A : i32
    scf.if %cond3A_886 {
      %broadcast_in_dim3A_899 = arith.constant 0.000000e+00 : f32
      %broadcast_in_dim3A_900 = vector.broadcast %broadcast_in_dim3A_899 : f32 to vector<256x1xf32>
      %swap3A_901 = arith.constant 0 : index
      %swap3A_902 = arith.constant 0 : index
      %swap3A_903 = vector.load %arg4[%swap3A_901, %swap3A_902] : memref<256x1xf32, #tpu.memory_space<vmem>>, vector<256x1xf32>
      tpu.vector_store %arg4[%swap3A_901, %swap3A_902], %broadcast_in_dim3A_900 {strides = array<i32>} : memref<256x1xf32, #tpu.memory_space<vmem>>, vector<256x1xf32>,
    } else {
    }
    %get3A_887 = arith.constant 0 : index
    %get3A_888 = arith.constant 0 : index
    %get3A_889 = vector.load %arg4[%get3A_887, %get3A_888] : memref<256x1xf32, #tpu.memory_space<vmem>>, vector<256x1xf32>
    %add3A_890 = arith.addf %get3A_889, %add3A_870 : vector<256x1xf32>
    %swap3A = arith.constant 0 : index
    %swap3A_891 = arith.constant 0 : index
    %swap3A_892 = vector.load %arg4[%swap3A, %swap3A_891] : memref<256x1xf32, #tpu.memory_space<vmem>>, vector<256x1xf32>
    tpu.vector_store %arg4[%swap3A, %swap3A_891], %add3A_890 {strides = array<i32>} : memref<256x1xf32, #tpu.memory_space<vmem>>, vector<256x1xf32>,
    %gt3A_893 = arith.constant 0.000000e+00 : f32
    %gt3A_894 = arith.cmpf ogt, %reduce_max3A_880, %gt3A_893 : f32
    %convert_element_type3A_895 = arith.extui %gt3A_894 : i1 to i32
    %cond3A_896 = arith.constant 0x7F800000 : f32
    %cond3A_897 = arith.constant 0 : i32
    %cond3A_898 = arith.cmpi ne, %convert_element_type3A_895, %cond3A_897 : i32
    scf.if %cond3A_898 {
      %broadcast_in_dim3A_899 = vector.broadcast %cond3A_896 : f32 to vector<256x128xf32>
      %broadcast_in_dim3A_900 = vector.broadcast %cond3A_896 : f32 to vector<256x128xf32>
      %broadcast_in_dim3A_901 = vector.broadcast %cond3A_896 : f32 to vector<256x128xf32>
      %broadcast_in_dim3A_902 = vector.broadcast %cond3A_896 : f32 to vector<256x128xf32>
      %broadcast_in_dim3A_903 = vector.broadcast %cond3A_896 : f32 to vector<256x128xf32>
      %broadcast_in_dim3A_904 = vector.broadcast %cond3A_896 : f32 to vector<256x128xf32>
      %broadcast_in_dim3A_905 = vector.broadcast %cond3A_896 : f32 to vector<256x128xf32>
      %broadcast_in_dim3A_906 = vector.broadcast %cond3A_896 : f32 to vector<256x128xf32>
      %slice3A_907 = vector.extract_strided_slice %sub3A_18 {offsets = [0, 0], sizes = [256, 128], strides = [1, 1]} : vector<256x4096xf32> to vector<256x128xf32>
      %min3A_908 = arith.minimumf %broadcast_in_dim3A_899, %slice3A_907 : vector<256x128xf32>
      %max3A_909 = arith.maximumf %broadcast_in_dim3A_899, %slice3A_907 : vector<256x128xf32>
      %min3A_910 = arith.minimumf %broadcast_in_dim3A_900, %max3A_909 : vector<256x128xf32>
      %max3A_911 = arith.maximumf %broadcast_in_dim3A_900, %max3A_909 : vector<256x128xf32>
      %min3A_912 = arith.minimumf %broadcast_in_dim3A_901, %max3A_911 : vector<256x128xf32>
      %max3A_913 = arith.maximumf %broadcast_in_dim3A_901, %max3A_911 : vector<256x128xf32>
      %min3A_914 = arith.minimumf %broadcast_in_dim3A_902, %max3A_913 : vector<256x128xf32>
      %max3A_915 = arith.maximumf %broadcast_in_dim3A_902, %max3A_913 : vector<256x128xf32>
      %min3A_916 = arith.minimumf %broadcast_in_dim3A_903, %max3A_915 : vector<256x128xf32>
      %max3A_917 = arith.maximumf %broadcast_in_dim3A_903, %max3A_915 : vector<256x128xf32>
      %min3A_918 = arith.minimumf %broadcast_in_dim3A_904, %max3A_917 : vector<256x128xf32>
      %max3A_919 = arith.maximumf %broadcast_in_dim3A_904, %max3A_917 : vector<256x128xf32>
      %min3A_920 = arith.minimumf %broadcast_in_dim3A_905, %max3A_919 : vector<256x128xf32>
      %max3A_921 = arith.maximumf %broadcast_in_dim3A_905, %max3A_919 : vector<256x128xf32>
      %min3A_922 = arith.minimumf %broadcast_in_dim3A_906, %max3A_921 : vector<256x128xf32>
      %slice3A_923 = vector.extract_strided_slice %sub3A_18 {offsets = [0, 128], sizes = [256, 128], strides = [1, 1]} : vector<256x4096xf32> to vector<256x128xf32>
      %min3A_924 = arith.minimumf %min3A_908, %slice3A_923 : vector<256x128xf32>
      %max3A_925 = arith.maximumf %min3A_908, %slice3A_923 : vector<256x128xf32>
      %min3A_926 = arith.minimumf %min3A_910, %max3A_925 : vector<256x128xf32>
      %max3A_927 = arith.maximumf %min3A_910, %max3A_925 : vector<256x128xf32>
      %min3A_928 = arith.minimumf %min3A_912, %max3A_927 : vector<256x128xf32>
      %max3A_929 = arith.maximumf %min3A_912, %max3A_927 : vector<256x128xf32>
      %min3A_930 = arith.minimumf %min3A_914, %max3A_929 : vector<256x128xf32>
      %max3A_931 = arith.maximumf %min3A_914, %max3A_929 : vector<256x128xf32>
      %min3A_932 = arith.minimumf %min3A_916, %max3A_931 : vector<256x128xf32>
      %max3A_933 = arith.maximumf %min3A_916, %max3A_931 : vector<256x128xf32>
      %min3A_934 = arith.minimumf %min3A_918, %max3A_933 : vector<256x128xf32>
      %max3A_935 = arith.maximumf %min3A_918, %max3A_933 : vector<256x128xf32>
      %min3A_936 = arith.minimumf %min3A_920, %max3A_935 : vector<256x128xf32>
      %max3A_937 = arith.maximumf %min3A_920, %max3A_935 : vector<256x128xf32>
      %min3A_938 = arith.minimumf %min3A_922, %max3A_937 : vector<256x128xf32>
      %slice3A_939 = vector.extract_strided_slice %sub3A_18 {offsets = [0, 256], sizes = [256, 128], strides = [1, 1]} : vector<256x4096xf32> to vector<256x128xf32>
      %min3A_940 = arith.minimumf %min3A_924, %slice3A_939 : vector<256x128xf32>
      %max3A_941 = arith.maximumf %min3A_924, %slice3A_939 : vector<256x128xf32>
      %min3A_942 = arith.minimumf %min3A_926, %max3A_941 : vector<256x128xf32>
      %max3A_943 = arith.maximumf %min3A_926, %max3A_941 : vector<256x128xf32>
      %min3A_944 = arith.minimumf %min3A_928, %max3A_943 : vector<256x128xf32>
      %max3A_945 = arith.maximumf %min3A_928, %max3A_943 : vector<256x128xf32>
      %min3A_946 = arith.minimumf %min3A_930, %max3A_945 : vector<256x128xf32>
      %max3A_947 = arith.maximumf %min3A_930, %max3A_945 : vector<256x128xf32>
      %min3A_948 = arith.minimumf %min3A_932, %max3A_947 : vector<256x128xf32>
      %max3A_949 = arith.maximumf %min3A_932, %max3A_947 : vector<256x128xf32>
      %min3A_950 = arith.minimumf %min3A_934, %max3A_949 : vector<256x128xf32>
      %max3A_951 = arith.maximumf %min3A_934, %max3A_949 : vector<256x128xf32>
      %min3A_952 = arith.minimumf %min3A_936, %max3A_951 : vector<256x128xf32>
      %max3A_953 = arith.maximumf %min3A_936, %max3A_951 : vector<256x128xf32>
      %min3A_954 = arith.minimumf %min3A_938, %max3A_953 : vector<256x128xf32>
      %slice3A_955 = vector.extract_strided_slice %sub3A_18 {offsets = [0, 384], sizes = [256, 128], strides = [1, 1]} : vector<256x4096xf32> to vector<256x128xf32>
      %min3A_956 = arith.minimumf %min3A_940, %slice3A_955 : vector<256x128xf32>
      %max3A_957 = arith.maximumf %min3A_940, %slice3A_955 : vector<256x128xf32>
      %min3A_958 = arith.minimumf %min3A_942, %max3A_957 : vector<256x128xf32>
      %max3A_959 = arith.maximumf %min3A_942, %max3A_957 : vector<256x128xf32>
      %min3A_960 = arith.minimumf %min3A_944, %max3A_959 : vector<256x128xf32>
      %max3A_961 = arith.maximumf %min3A_944, %max3A_959 : vector<256x128xf32>
      %min3A_962 = arith.minimumf %min3A_946, %max3A_961 : vector<256x128xf32>
      %max3A_963 = arith.maximumf %min3A_946, %max3A_961 : vector<256x128xf32>
      %min3A_964 = arith.minimumf %min3A_948, %max3A_963 : vector<256x128xf32>
      %max3A_965 = arith.maximumf %min3A_948, %max3A_963 : vector<256x128xf32>
      %min3A_966 = arith.minimumf %min3A_950, %max3A_965 : vector<256x128xf32>
      %max3A_967 = arith.maximumf %min3A_950, %max3A_965 : vector<256x128xf32>
      %min3A_968 = arith.minimumf %min3A_952, %max3A_967 : vector<256x128xf32>
      %max3A_969 = arith.maximumf %min3A_952, %max3A_967 : vector<256x128xf32>
      %min3A_970 = arith.minimumf %min3A_954, %max3A_969 : vector<256x128xf32>
      %slice3A_971 = vector.extract_strided_slice %sub3A_18 {offsets = [0, 512], sizes = [256, 128], strides = [1, 1]} : vector<256x4096xf32> to vector<256x128xf32>
      %min3A_972 = arith.minimumf %min3A_956, %slice3A_971 : vector<256x128xf32>
      %max3A_973 = arith.maximumf %min3A_956, %slice3A_971 : vector<256x128xf32>
      %min3A_974 = arith.minimumf %min3A_958, %max3A_973 : vector<256x128xf32>
      %max3A_975 = arith.maximumf %min3A_958, %max3A_973 : vector<256x128xf32>
      %min3A_976 = arith.minimumf %min3A_960, %max3A_975 : vector<256x128xf32>
      %max3A_977 = arith.maximumf %min3A_960, %max3A_975 : vector<256x128xf32>
      %min3A_978 = arith.minimumf %min3A_962, %max3A_977 : vector<256x128xf32>
      %max3A_979 = arith.maximumf %min3A_962, %max3A_977 : vector<256x128xf32>
      %min3A_980 = arith.minimumf %min3A_964, %max3A_979 : vector<256x128xf32>
      %max3A_981 = arith.maximumf %min3A_964, %max3A_979 : vector<256x128xf32>
      %min3A_982 = arith.minimumf %min3A_966, %max3A_981 : vector<256x128xf32>
      %max3A_983 = arith.maximumf %min3A_966, %max3A_981 : vector<256x128xf32>
      %min3A_984 = arith.minimumf %min3A_968, %max3A_983 : vector<256x128xf32>
      %max3A_985 = arith.maximumf %min3A_968, %max3A_983 : vector<256x128xf32>
      %min3A_986 = arith.minimumf %min3A_970, %max3A_985 : vector<256x128xf32>
      %slice3A_987 = vector.extract_strided_slice %sub3A_18 {offsets = [0, 640], sizes = [256, 128], strides = [1, 1]} : vector<256x4096xf32> to vector<256x128xf32>
      %min3A_988 = arith.minimumf %min3A_972, %slice3A_987 : vector<256x128xf32>
      %max3A_989 = arith.maximumf %min3A_972, %slice3A_987 : vector<256x128xf32>
      %min3A_990 = arith.minimumf %min3A_974, %max3A_989 : vector<256x128xf32>
      %max3A_991 = arith.maximumf %min3A_974, %max3A_989 : vector<256x128xf32>
      %min3A_992 = arith.minimumf %min3A_976, %max3A_991 : vector<256x128xf32>
      %max3A_993 = arith.maximumf %min3A_976, %max3A_991 : vector<256x128xf32>
      %min3A_994 = arith.minimumf %min3A_978, %max3A_993 : vector<256x128xf32>
      %max3A_995 = arith.maximumf %min3A_978, %max3A_993 : vector<256x128xf32>
      %min3A_996 = arith.minimumf %min3A_980, %max3A_995 : vector<256x128xf32>
      %max3A_997 = arith.maximumf %min3A_980, %max3A_995 : vector<256x128xf32>
      %min3A_998 = arith.minimumf %min3A_982, %max3A_997 : vector<256x128xf32>
      %max3A_999 = arith.maximumf %min3A_982, %max3A_997 : vector<256x128xf32>
      %min3A_1000 = arith.minimumf %min3A_984, %max3A_999 : vector<256x128xf32>
      %max3A_1001 = arith.maximumf %min3A_984, %max3A_999 : vector<256x128xf32>
      %min3A_1002 = arith.minimumf %min3A_986, %max3A_1001 : vector<256x128xf32>
      %slice3A_1003 = vector.extract_strided_slice %sub3A_18 {offsets = [0, 768], sizes = [256, 128], strides = [1, 1]} : vector<256x4096xf32> to vector<256x128xf32>
      %min3A_1004 = arith.minimumf %min3A_988, %slice3A_1003 : vector<256x128xf32>
      %max3A_1005 = arith.maximumf %min3A_988, %slice3A_1003 : vector<256x128xf32>
      %min3A_1006 = arith.minimumf %min3A_990, %max3A_1005 : vector<256x128xf32>
      %max3A_1007 = arith.maximumf %min3A_990, %max3A_1005 : vector<256x128xf32>
      %min3A_1008 = arith.minimumf %min3A_992, %max3A_1007 : vector<256x128xf32>
      %max3A_1009 = arith.maximumf %min3A_992, %max3A_1007 : vector<256x128xf32>
      %min3A_1010 = arith.minimumf %min3A_994, %max3A_1009 : vector<256x128xf32>
      %max3A_1011 = arith.maximumf %min3A_994, %max3A_1009 : vector<256x128xf32>
      %min3A_1012 = arith.minimumf %min3A_996, %max3A_1011 : vector<256x128xf32>
      %max3A_1013 = arith.maximumf %min3A_996, %max3A_1011 : vector<256x128xf32>
      %min3A_1014 = arith.minimumf %min3A_998, %max3A_1013 : vector<256x128xf32>
      %max3A_1015 = arith.maximumf %min3A_998, %max3A_1013 : vector<256x128xf32>
      %min3A_1016 = arith.minimumf %min3A_1000, %max3A_1015 : vector<256x128xf32>
      %max3A_1017 = arith.maximumf %min3A_1000, %max3A_1015 : vector<256x128xf32>
      %min3A_1018 = arith.minimumf %min3A_1002, %max3A_1017 : vector<256x128xf32>
      %slice3A_1019 = vector.extract_strided_slice %sub3A_18 {offsets = [0, 896], sizes = [256, 128], strides = [1, 1]} : vector<256x4096xf32> to vector<256x128xf32>
      %min3A_1020 = arith.minimumf %min3A_1004, %slice3A_1019 : vector<256x128xf32>
      %max3A_1021 = arith.maximumf %min3A_1004, %slice3A_1019 : vector<256x128xf32>
      %min3A_1022 = arith.minimumf %min3A_1006, %max3A_1021 : vector<256x128xf32>
      %max3A_1023 = arith.maximumf %min3A_1006, %max3A_1021 : vector<256x128xf32>
      %min3A_1024 = arith.minimumf %min3A_1008, %max3A_1023 : vector<256x128xf32>
      %max3A_1025 = arith.maximumf %min3A_1008, %max3A_1023 : vector<256x128xf32>
      %min3A_1026 = arith.minimumf %min3A_1010, %max3A_1025 : vector<256x128xf32>
      %max3A_1027 = arith.maximumf %min3A_1010, %max3A_1025 : vector<256x128xf32>
      %min3A_1028 = arith.minimumf %min3A_1012, %max3A_1027 : vector<256x128xf32>
      %max3A_1029 = arith.maximumf %min3A_1012, %max3A_1027 : vector<256x128xf32>
      %min3A_1030 = arith.minimumf %min3A_1014, %max3A_1029 : vector<256x128xf32>
      %max3A_1031 = arith.maximumf %min3A_1014, %max3A_1029 : vector<256x128xf32>
      %min3A_1032 = arith.minimumf %min3A_1016, %max3A_1031 : vector<256x128xf32>
      %max3A_1033 = arith.maximumf %min3A_1016, %max3A_1031 : vector<256x128xf32>
      %min3A_1034 = arith.minimumf %min3A_1018, %max3A_1033 : vector<256x128xf32>
      %slice3A_1035 = vector.extract_strided_slice %sub3A_18 {offsets = [0, 1024], sizes = [256, 128], strides = [1, 1]} : vector<256x4096xf32> to vector<256x128xf32>
      %min3A_1036 = arith.minimumf %min3A_1020, %slice3A_1035 : vector<256x128xf32>
      %max3A_1037 = arith.maximumf %min3A_1020, %slice3A_1035 : vector<256x128xf32>
      %min3A_1038 = arith.minimumf %min3A_1022, %max3A_1037 : vector<256x128xf32>
      %max3A_1039 = arith.maximumf %min3A_1022, %max3A_1037 : vector<256x128xf32>
      %min3A_1040 = arith.minimumf %min3A_1024, %max3A_1039 : vector<256x128xf32>
      %max3A_1041 = arith.maximumf %min3A_1024, %max3A_1039 : vector<256x128xf32>
      %min3A_1042 = arith.minimumf %min3A_1026, %max3A_1041 : vector<256x128xf32>
      %max3A_1043 = arith.maximumf %min3A_1026, %max3A_1041 : vector<256x128xf32>
      %min3A_1044 = arith.minimumf %min3A_1028, %max3A_1043 : vector<256x128xf32>
      %max3A_1045 = arith.maximumf %min3A_1028, %max3A_1043 : vector<256x128xf32>
      %min3A_1046 = arith.minimumf %min3A_1030, %max3A_1045 : vector<256x128xf32>
      %max3A_1047 = arith.maximumf %min3A_1030, %max3A_1045 : vector<256x128xf32>
      %min3A_1048 = arith.minimumf %min3A_1032, %max3A_1047 : vector<256x128xf32>
      %max3A_1049 = arith.maximumf %min3A_1032, %max3A_1047 : vector<256x128xf32>
      %min3A_1050 = arith.minimumf %min3A_1034, %max3A_1049 : vector<256x128xf32>
      %slice3A_1051 = vector.extract_strided_slice %sub3A_18 {offsets = [0, 1152], sizes = [256, 128], strides = [1, 1]} : vector<256x4096xf32> to vector<256x128xf32>
      %min3A_1052 = arith.minimumf %min3A_1036, %slice3A_1051 : vector<256x128xf32>
      %max3A_1053 = arith.maximumf %min3A_1036, %slice3A_1051 : vector<256x128xf32>
      %min3A_1054 = arith.minimumf %min3A_1038, %max3A_1053 : vector<256x128xf32>
      %max3A_1055 = arith.maximumf %min3A_1038, %max3A_1053 : vector<256x128xf32>
      %min3A_1056 = arith.minimumf %min3A_1040, %max3A_1055 : vector<256x128xf32>
      %max3A_1057 = arith.maximumf %min3A_1040, %max3A_1055 : vector<256x128xf32>
      %min3A_1058 = arith.minimumf %min3A_1042, %max3A_1057 : vector<256x128xf32>
      %max3A_1059 = arith.maximumf %min3A_1042, %max3A_1057 : vector<256x128xf32>
      %min3A_1060 = arith.minimumf %min3A_1044, %max3A_1059 : vector<256x128xf32>
      %max3A_1061 = arith.maximumf %min3A_1044, %max3A_1059 : vector<256x128xf32>
      %min3A_1062 = arith.minimumf %min3A_1046, %max3A_1061 : vector<256x128xf32>
      %max3A_1063 = arith.maximumf %min3A_1046, %max3A_1061 : vector<256x128xf32>
      %min3A_1064 = arith.minimumf %min3A_1048, %max3A_1063 : vector<256x128xf32>
      %max3A_1065 = arith.maximumf %min3A_1048, %max3A_1063 : vector<256x128xf32>
      %min3A_1066 = arith.minimumf %min3A_1050, %max3A_1065 : vector<256x128xf32>
      %slice3A_1067 = vector.extract_strided_slice %sub3A_18 {offsets = [0, 1280], sizes = [256, 128], strides = [1, 1]} : vector<256x4096xf32> to vector<256x128xf32>
      %min3A_1068 = arith.minimumf %min3A_1052, %slice3A_1067 : vector<256x128xf32>
      %max3A_1069 = arith.maximumf %min3A_1052, %slice3A_1067 : vector<256x128xf32>
      %min3A_1070 = arith.minimumf %min3A_1054, %max3A_1069 : vector<256x128xf32>
      %max3A_1071 = arith.maximumf %min3A_1054, %max3A_1069 : vector<256x128xf32>
      %min3A_1072 = arith.minimumf %min3A_1056, %max3A_1071 : vector<256x128xf32>
      %max3A_1073 = arith.maximumf %min3A_1056, %max3A_1071 : vector<256x128xf32>
      %min3A_1074 = arith.minimumf %min3A_1058, %max3A_1073 : vector<256x128xf32>
      %max3A_1075 = arith.maximumf %min3A_1058, %max3A_1073 : vector<256x128xf32>
      %min3A_1076 = arith.minimumf %min3A_1060, %max3A_1075 : vector<256x128xf32>
      %max3A_1077 = arith.maximumf %min3A_1060, %max3A_1075 : vector<256x128xf32>
      %min3A_1078 = arith.minimumf %min3A_1062, %max3A_1077 : vector<256x128xf32>
      %max3A_1079 = arith.maximumf %min3A_1062, %max3A_1077 : vector<256x128xf32>
      %min3A_1080 = arith.minimumf %min3A_1064, %max3A_1079 : vector<256x128xf32>
      %max3A_1081 = arith.maximumf %min3A_1064, %max3A_1079 : vector<256x128xf32>
      %min3A_1082 = arith.minimumf %min3A_1066, %max3A_1081 : vector<256x128xf32>
      %slice3A_1083 = vector.extract_strided_slice %sub3A_18 {offsets = [0, 1408], sizes = [256, 128], strides = [1, 1]} : vector<256x4096xf32> to vector<256x128xf32>
      %min3A_1084 = arith.minimumf %min3A_1068, %slice3A_1083 : vector<256x128xf32>
      %max3A_1085 = arith.maximumf %min3A_1068, %slice3A_1083 : vector<256x128xf32>
      %min3A_1086 = arith.minimumf %min3A_1070, %max3A_1085 : vector<256x128xf32>
      %max3A_1087 = arith.maximumf %min3A_1070, %max3A_1085 : vector<256x128xf32>
      %min3A_1088 = arith.minimumf %min3A_1072, %max3A_1087 : vector<256x128xf32>
      %max3A_1089 = arith.maximumf %min3A_1072, %max3A_1087 : vector<256x128xf32>
      %min3A_1090 = arith.minimumf %min3A_1074, %max3A_1089 : vector<256x128xf32>
      %max3A_1091 = arith.maximumf %min3A_1074, %max3A_1089 : vector<256x128xf32>
      %min3A_1092 = arith.minimumf %min3A_1076, %max3A_1091 : vector<256x128xf32>
      %max3A_1093 = arith.maximumf %min3A_1076, %max3A_1091 : vector<256x128xf32>
      %min3A_1094 = arith.minimumf %min3A_1078, %max3A_1093 : vector<256x128xf32>
      %max3A_1095 = arith.maximumf %min3A_1078, %max3A_1093 : vector<256x128xf32>
      %min3A_1096 = arith.minimumf %min3A_1080, %max3A_1095 : vector<256x128xf32>
      %max3A_1097 = arith.maximumf %min3A_1080, %max3A_1095 : vector<256x128xf32>
      %min3A_1098 = arith.minimumf %min3A_1082, %max3A_1097 : vector<256x128xf32>
      %slice3A_1099 = vector.extract_strided_slice %sub3A_18 {offsets = [0, 1536], sizes = [256, 128], strides = [1, 1]} : vector<256x4096xf32> to vector<256x128xf32>
      %min3A_1100 = arith.minimumf %min3A_1084, %slice3A_1099 : vector<256x128xf32>
      %max3A_1101 = arith.maximumf %min3A_1084, %slice3A_1099 : vector<256x128xf32>
      %min3A_1102 = arith.minimumf %min3A_1086, %max3A_1101 : vector<256x128xf32>
      %max3A_1103 = arith.maximumf %min3A_1086, %max3A_1101 : vector<256x128xf32>
      %min3A_1104 = arith.minimumf %min3A_1088, %max3A_1103 : vector<256x128xf32>
      %max3A_1105 = arith.maximumf %min3A_1088, %max3A_1103 : vector<256x128xf32>
      %min3A_1106 = arith.minimumf %min3A_1090, %max3A_1105 : vector<256x128xf32>
      %max3A_1107 = arith.maximumf %min3A_1090, %max3A_1105 : vector<256x128xf32>
      %min3A_1108 = arith.minimumf %min3A_1092, %max3A_1107 : vector<256x128xf32>
      %max3A_1109 = arith.maximumf %min3A_1092, %max3A_1107 : vector<256x128xf32>
      %min3A_1110 = arith.minimumf %min3A_1094, %max3A_1109 : vector<256x128xf32>
      %max3A_1111 = arith.maximumf %min3A_1094, %max3A_1109 : vector<256x128xf32>
      %min3A_1112 = arith.minimumf %min3A_1096, %max3A_1111 : vector<256x128xf32>
      %max3A_1113 = arith.maximumf %min3A_1096, %max3A_1111 : vector<256x128xf32>
      %min3A_1114 = arith.minimumf %min3A_1098, %max3A_1113 : vector<256x128xf32>
      %slice3A_1115 = vector.extract_strided_slice %sub3A_18 {offsets = [0, 1664], sizes = [256, 128], strides = [1, 1]} : vector<256x4096xf32> to vector<256x128xf32>
      %min3A_1116 = arith.minimumf %min3A_1100, %slice3A_1115 : vector<256x128xf32>
      %max3A_1117 = arith.maximumf %min3A_1100, %slice3A_1115 : vector<256x128xf32>
      %min3A_1118 = arith.minimumf %min3A_1102, %max3A_1117 : vector<256x128xf32>
      %max3A_1119 = arith.maximumf %min3A_1102, %max3A_1117 : vector<256x128xf32>
      %min3A_1120 = arith.minimumf %min3A_1104, %max3A_1119 : vector<256x128xf32>
      %max3A_1121 = arith.maximumf %min3A_1104, %max3A_1119 : vector<256x128xf32>
      %min3A_1122 = arith.minimumf %min3A_1106, %max3A_1121 : vector<256x128xf32>
      %max3A_1123 = arith.maximumf %min3A_1106, %max3A_1121 : vector<256x128xf32>
      %min3A_1124 = arith.minimumf %min3A_1108, %max3A_1123 : vector<256x128xf32>
      %max3A_1125 = arith.maximumf %min3A_1108, %max3A_1123 : vector<256x128xf32>
      %min3A_1126 = arith.minimumf %min3A_1110, %max3A_1125 : vector<256x128xf32>
      %max3A_1127 = arith.maximumf %min3A_1110, %max3A_1125 : vector<256x128xf32>
      %min3A_1128 = arith.minimumf %min3A_1112, %max3A_1127 : vector<256x128xf32>
      %max3A_1129 = arith.maximumf %min3A_1112, %max3A_1127 : vector<256x128xf32>
      %min3A_1130 = arith.minimumf %min3A_1114, %max3A_1129 : vector<256x128xf32>
      %slice3A_1131 = vector.extract_strided_slice %sub3A_18 {offsets = [0, 1792], sizes = [256, 128], strides = [1, 1]} : vector<256x4096xf32> to vector<256x128xf32>
      %min3A_1132 = arith.minimumf %min3A_1116, %slice3A_1131 : vector<256x128xf32>
      %max3A_1133 = arith.maximumf %min3A_1116, %slice3A_1131 : vector<256x128xf32>
      %min3A_1134 = arith.minimumf %min3A_1118, %max3A_1133 : vector<256x128xf32>
      %max3A_1135 = arith.maximumf %min3A_1118, %max3A_1133 : vector<256x128xf32>
      %min3A_1136 = arith.minimumf %min3A_1120, %max3A_1135 : vector<256x128xf32>
      %max3A_1137 = arith.maximumf %min3A_1120, %max3A_1135 : vector<256x128xf32>
      %min3A_1138 = arith.minimumf %min3A_1122, %max3A_1137 : vector<256x128xf32>
      %max3A_1139 = arith.maximumf %min3A_1122, %max3A_1137 : vector<256x128xf32>
      %min3A_1140 = arith.minimumf %min3A_1124, %max3A_1139 : vector<256x128xf32>
      %max3A_1141 = arith.maximumf %min3A_1124, %max3A_1139 : vector<256x128xf32>
      %min3A_1142 = arith.minimumf %min3A_1126, %max3A_1141 : vector<256x128xf32>
      %max3A_1143 = arith.maximumf %min3A_1126, %max3A_1141 : vector<256x128xf32>
      %min3A_1144 = arith.minimumf %min3A_1128, %max3A_1143 : vector<256x128xf32>
      %max3A_1145 = arith.maximumf %min3A_1128, %max3A_1143 : vector<256x128xf32>
      %min3A_1146 = arith.minimumf %min3A_1130, %max3A_1145 : vector<256x128xf32>
      %slice3A_1147 = vector.extract_strided_slice %sub3A_18 {offsets = [0, 1920], sizes = [256, 128], strides = [1, 1]} : vector<256x4096xf32> to vector<256x128xf32>
      %min3A_1148 = arith.minimumf %min3A_1132, %slice3A_1147 : vector<256x128xf32>
      %max3A_1149 = arith.maximumf %min3A_1132, %slice3A_1147 : vector<256x128xf32>
      %min3A_1150 = arith.minimumf %min3A_1134, %max3A_1149 : vector<256x128xf32>
      %max3A_1151 = arith.maximumf %min3A_1134, %max3A_1149 : vector<256x128xf32>
      %min3A_1152 = arith.minimumf %min3A_1136, %max3A_1151 : vector<256x128xf32>
      %max3A_1153 = arith.maximumf %min3A_1136, %max3A_1151 : vector<256x128xf32>
      %min3A_1154 = arith.minimumf %min3A_1138, %max3A_1153 : vector<256x128xf32>
      %max3A_1155 = arith.maximumf %min3A_1138, %max3A_1153 : vector<256x128xf32>
      %min3A_1156 = arith.minimumf %min3A_1140, %max3A_1155 : vector<256x128xf32>
      %max3A_1157 = arith.maximumf %min3A_1140, %max3A_1155 : vector<256x128xf32>
      %min3A_1158 = arith.minimumf %min3A_1142, %max3A_1157 : vector<256x128xf32>
      %max3A_1159 = arith.maximumf %min3A_1142, %max3A_1157 : vector<256x128xf32>
      %min3A_1160 = arith.minimumf %min3A_1144, %max3A_1159 : vector<256x128xf32>
      %max3A_1161 = arith.maximumf %min3A_1144, %max3A_1159 : vector<256x128xf32>
      %min3A_1162 = arith.minimumf %min3A_1146, %max3A_1161 : vector<256x128xf32>
      %slice3A_1163 = vector.extract_strided_slice %sub3A_18 {offsets = [0, 2048], sizes = [256, 128], strides = [1, 1]} : vector<256x4096xf32> to vector<256x128xf32>
      %min3A_1164 = arith.minimumf %min3A_1148, %slice3A_1163 : vector<256x128xf32>
      %max3A_1165 = arith.maximumf %min3A_1148, %slice3A_1163 : vector<256x128xf32>
      %min3A_1166 = arith.minimumf %min3A_1150, %max3A_1165 : vector<256x128xf32>
      %max3A_1167 = arith.maximumf %min3A_1150, %max3A_1165 : vector<256x128xf32>
      %min3A_1168 = arith.minimumf %min3A_1152, %max3A_1167 : vector<256x128xf32>
      %max3A_1169 = arith.maximumf %min3A_1152, %max3A_1167 : vector<256x128xf32>
      %min3A_1170 = arith.minimumf %min3A_1154, %max3A_1169 : vector<256x128xf32>
      %max3A_1171 = arith.maximumf %min3A_1154, %max3A_1169 : vector<256x128xf32>
      %min3A_1172 = arith.minimumf %min3A_1156, %max3A_1171 : vector<256x128xf32>
      %max3A_1173 = arith.maximumf %min3A_1156, %max3A_1171 : vector<256x128xf32>
      %min3A_1174 = arith.minimumf %min3A_1158, %max3A_1173 : vector<256x128xf32>
      %max3A_1175 = arith.maximumf %min3A_1158, %max3A_1173 : vector<256x128xf32>
      %min3A_1176 = arith.minimumf %min3A_1160, %max3A_1175 : vector<256x128xf32>
      %max3A_1177 = arith.maximumf %min3A_1160, %max3A_1175 : vector<256x128xf32>
      %min3A_1178 = arith.minimumf %min3A_1162, %max3A_1177 : vector<256x128xf32>
      %slice3A_1179 = vector.extract_strided_slice %sub3A_18 {offsets = [0, 2176], sizes = [256, 128], strides = [1, 1]} : vector<256x4096xf32> to vector<256x128xf32>
      %min3A_1180 = arith.minimumf %min3A_1164, %slice3A_1179 : vector<256x128xf32>
      %max3A_1181 = arith.maximumf %min3A_1164, %slice3A_1179 : vector<256x128xf32>
      %min3A_1182 = arith.minimumf %min3A_1166, %max3A_1181 : vector<256x128xf32>
      %max3A_1183 = arith.maximumf %min3A_1166, %max3A_1181 : vector<256x128xf32>
      %min3A_1184 = arith.minimumf %min3A_1168, %max3A_1183 : vector<256x128xf32>
      %max3A_1185 = arith.maximumf %min3A_1168, %max3A_1183 : vector<256x128xf32>
      %min3A_1186 = arith.minimumf %min3A_1170, %max3A_1185 : vector<256x128xf32>
      %max3A_1187 = arith.maximumf %min3A_1170, %max3A_1185 : vector<256x128xf32>
      %min3A_1188 = arith.minimumf %min3A_1172, %max3A_1187 : vector<256x128xf32>
      %max3A_1189 = arith.maximumf %min3A_1172, %max3A_1187 : vector<256x128xf32>
      %min3A_1190 = arith.minimumf %min3A_1174, %max3A_1189 : vector<256x128xf32>
      %max3A_1191 = arith.maximumf %min3A_1174, %max3A_1189 : vector<256x128xf32>
      %min3A_1192 = arith.minimumf %min3A_1176, %max3A_1191 : vector<256x128xf32>
      %max3A_1193 = arith.maximumf %min3A_1176, %max3A_1191 : vector<256x128xf32>
      %min3A_1194 = arith.minimumf %min3A_1178, %max3A_1193 : vector<256x128xf32>
      %slice3A_1195 = vector.extract_strided_slice %sub3A_18 {offsets = [0, 2304], sizes = [256, 128], strides = [1, 1]} : vector<256x4096xf32> to vector<256x128xf32>
      %min3A_1196 = arith.minimumf %min3A_1180, %slice3A_1195 : vector<256x128xf32>
      %max3A_1197 = arith.maximumf %min3A_1180, %slice3A_1195 : vector<256x128xf32>
      %min3A_1198 = arith.minimumf %min3A_1182, %max3A_1197 : vector<256x128xf32>
      %max3A_1199 = arith.maximumf %min3A_1182, %max3A_1197 : vector<256x128xf32>
      %min3A_1200 = arith.minimumf %min3A_1184, %max3A_1199 : vector<256x128xf32>
      %max3A_1201 = arith.maximumf %min3A_1184, %max3A_1199 : vector<256x128xf32>
      %min3A_1202 = arith.minimumf %min3A_1186, %max3A_1201 : vector<256x128xf32>
      %max3A_1203 = arith.maximumf %min3A_1186, %max3A_1201 : vector<256x128xf32>
      %min3A_1204 = arith.minimumf %min3A_1188, %max3A_1203 : vector<256x128xf32>
      %max3A_1205 = arith.maximumf %min3A_1188, %max3A_1203 : vector<256x128xf32>
      %min3A_1206 = arith.minimumf %min3A_1190, %max3A_1205 : vector<256x128xf32>
      %max3A_1207 = arith.maximumf %min3A_1190, %max3A_1205 : vector<256x128xf32>
      %min3A_1208 = arith.minimumf %min3A_1192, %max3A_1207 : vector<256x128xf32>
      %max3A_1209 = arith.maximumf %min3A_1192, %max3A_1207 : vector<256x128xf32>
      %min3A_1210 = arith.minimumf %min3A_1194, %max3A_1209 : vector<256x128xf32>
      %slice3A_1211 = vector.extract_strided_slice %sub3A_18 {offsets = [0, 2432], sizes = [256, 128], strides = [1, 1]} : vector<256x4096xf32> to vector<256x128xf32>
      %min3A_1212 = arith.minimumf %min3A_1196, %slice3A_1211 : vector<256x128xf32>
      %max3A_1213 = arith.maximumf %min3A_1196, %slice3A_1211 : vector<256x128xf32>
      %min3A_1214 = arith.minimumf %min3A_1198, %max3A_1213 : vector<256x128xf32>
      %max3A_1215 = arith.maximumf %min3A_1198, %max3A_1213 : vector<256x128xf32>
      %min3A_1216 = arith.minimumf %min3A_1200, %max3A_1215 : vector<256x128xf32>
      %max3A_1217 = arith.maximumf %min3A_1200, %max3A_1215 : vector<256x128xf32>
      %min3A_1218 = arith.minimumf %min3A_1202, %max3A_1217 : vector<256x128xf32>
      %max3A_1219 = arith.maximumf %min3A_1202, %max3A_1217 : vector<256x128xf32>
      %min3A_1220 = arith.minimumf %min3A_1204, %max3A_1219 : vector<256x128xf32>
      %max3A_1221 = arith.maximumf %min3A_1204, %max3A_1219 : vector<256x128xf32>
      %min3A_1222 = arith.minimumf %min3A_1206, %max3A_1221 : vector<256x128xf32>
      %max3A_1223 = arith.maximumf %min3A_1206, %max3A_1221 : vector<256x128xf32>
      %min3A_1224 = arith.minimumf %min3A_1208, %max3A_1223 : vector<256x128xf32>
      %max3A_1225 = arith.maximumf %min3A_1208, %max3A_1223 : vector<256x128xf32>
      %min3A_1226 = arith.minimumf %min3A_1210, %max3A_1225 : vector<256x128xf32>
      %slice3A_1227 = vector.extract_strided_slice %sub3A_18 {offsets = [0, 2560], sizes = [256, 128], strides = [1, 1]} : vector<256x4096xf32> to vector<256x128xf32>
      %min3A_1228 = arith.minimumf %min3A_1212, %slice3A_1227 : vector<256x128xf32>
      %max3A_1229 = arith.maximumf %min3A_1212, %slice3A_1227 : vector<256x128xf32>
      %min3A_1230 = arith.minimumf %min3A_1214, %max3A_1229 : vector<256x128xf32>
      %max3A_1231 = arith.maximumf %min3A_1214, %max3A_1229 : vector<256x128xf32>
      %min3A_1232 = arith.minimumf %min3A_1216, %max3A_1231 : vector<256x128xf32>
      %max3A_1233 = arith.maximumf %min3A_1216, %max3A_1231 : vector<256x128xf32>
      %min3A_1234 = arith.minimumf %min3A_1218, %max3A_1233 : vector<256x128xf32>
      %max3A_1235 = arith.maximumf %min3A_1218, %max3A_1233 : vector<256x128xf32>
      %min3A_1236 = arith.minimumf %min3A_1220, %max3A_1235 : vector<256x128xf32>
      %max3A_1237 = arith.maximumf %min3A_1220, %max3A_1235 : vector<256x128xf32>
      %min3A_1238 = arith.minimumf %min3A_1222, %max3A_1237 : vector<256x128xf32>
      %max3A_1239 = arith.maximumf %min3A_1222, %max3A_1237 : vector<256x128xf32>
      %min3A_1240 = arith.minimumf %min3A_1224, %max3A_1239 : vector<256x128xf32>
      %max3A_1241 = arith.maximumf %min3A_1224, %max3A_1239 : vector<256x128xf32>
      %min3A_1242 = arith.minimumf %min3A_1226, %max3A_1241 : vector<256x128xf32>
      %slice3A_1243 = vector.extract_strided_slice %sub3A_18 {offsets = [0, 2688], sizes = [256, 128], strides = [1, 1]} : vector<256x4096xf32> to vector<256x128xf32>
      %min3A_1244 = arith.minimumf %min3A_1228, %slice3A_1243 : vector<256x128xf32>
      %max3A_1245 = arith.maximumf %min3A_1228, %slice3A_1243 : vector<256x128xf32>
      %min3A_1246 = arith.minimumf %min3A_1230, %max3A_1245 : vector<256x128xf32>
      %max3A_1247 = arith.maximumf %min3A_1230, %max3A_1245 : vector<256x128xf32>
      %min3A_1248 = arith.minimumf %min3A_1232, %max3A_1247 : vector<256x128xf32>
      %max3A_1249 = arith.maximumf %min3A_1232, %max3A_1247 : vector<256x128xf32>
      %min3A_1250 = arith.minimumf %min3A_1234, %max3A_1249 : vector<256x128xf32>
      %max3A_1251 = arith.maximumf %min3A_1234, %max3A_1249 : vector<256x128xf32>
      %min3A_1252 = arith.minimumf %min3A_1236, %max3A_1251 : vector<256x128xf32>
      %max3A_1253 = arith.maximumf %min3A_1236, %max3A_1251 : vector<256x128xf32>
      %min3A_1254 = arith.minimumf %min3A_1238, %max3A_1253 : vector<256x128xf32>
      %max3A_1255 = arith.maximumf %min3A_1238, %max3A_1253 : vector<256x128xf32>
      %min3A_1256 = arith.minimumf %min3A_1240, %max3A_1255 : vector<256x128xf32>
      %max3A_1257 = arith.maximumf %min3A_1240, %max3A_1255 : vector<256x128xf32>
      %min3A_1258 = arith.minimumf %min3A_1242, %max3A_1257 : vector<256x128xf32>
      %slice3A_1259 = vector.extract_strided_slice %sub3A_18 {offsets = [0, 2816], sizes = [256, 128], strides = [1, 1]} : vector<256x4096xf32> to vector<256x128xf32>
      %min3A_1260 = arith.minimumf %min3A_1244, %slice3A_1259 : vector<256x128xf32>
      %max3A_1261 = arith.maximumf %min3A_1244, %slice3A_1259 : vector<256x128xf32>
      %min3A_1262 = arith.minimumf %min3A_1246, %max3A_1261 : vector<256x128xf32>
      %max3A_1263 = arith.maximumf %min3A_1246, %max3A_1261 : vector<256x128xf32>
      %min3A_1264 = arith.minimumf %min3A_1248, %max3A_1263 : vector<256x128xf32>
      %max3A_1265 = arith.maximumf %min3A_1248, %max3A_1263 : vector<256x128xf32>
      %min3A_1266 = arith.minimumf %min3A_1250, %max3A_1265 : vector<256x128xf32>
      %max3A_1267 = arith.maximumf %min3A_1250, %max3A_1265 : vector<256x128xf32>
      %min3A_1268 = arith.minimumf %min3A_1252, %max3A_1267 : vector<256x128xf32>
      %max3A_1269 = arith.maximumf %min3A_1252, %max3A_1267 : vector<256x128xf32>
      %min3A_1270 = arith.minimumf %min3A_1254, %max3A_1269 : vector<256x128xf32>
      %max3A_1271 = arith.maximumf %min3A_1254, %max3A_1269 : vector<256x128xf32>
      %min3A_1272 = arith.minimumf %min3A_1256, %max3A_1271 : vector<256x128xf32>
      %max3A_1273 = arith.maximumf %min3A_1256, %max3A_1271 : vector<256x128xf32>
      %min3A_1274 = arith.minimumf %min3A_1258, %max3A_1273 : vector<256x128xf32>
      %slice3A_1275 = vector.extract_strided_slice %sub3A_18 {offsets = [0, 2944], sizes = [256, 128], strides = [1, 1]} : vector<256x4096xf32> to vector<256x128xf32>
      %min3A_1276 = arith.minimumf %min3A_1260, %slice3A_1275 : vector<256x128xf32>
      %max3A_1277 = arith.maximumf %min3A_1260, %slice3A_1275 : vector<256x128xf32>
      %min3A_1278 = arith.minimumf %min3A_1262, %max3A_1277 : vector<256x128xf32>
      %max3A_1279 = arith.maximumf %min3A_1262, %max3A_1277 : vector<256x128xf32>
      %min3A_1280 = arith.minimumf %min3A_1264, %max3A_1279 : vector<256x128xf32>
      %max3A_1281 = arith.maximumf %min3A_1264, %max3A_1279 : vector<256x128xf32>
      %min3A_1282 = arith.minimumf %min3A_1266, %max3A_1281 : vector<256x128xf32>
      %max3A_1283 = arith.maximumf %min3A_1266, %max3A_1281 : vector<256x128xf32>
      %min3A_1284 = arith.minimumf %min3A_1268, %max3A_1283 : vector<256x128xf32>
      %max3A_1285 = arith.maximumf %min3A_1268, %max3A_1283 : vector<256x128xf32>
      %min3A_1286 = arith.minimumf %min3A_1270, %max3A_1285 : vector<256x128xf32>
      %max3A_1287 = arith.maximumf %min3A_1270, %max3A_1285 : vector<256x128xf32>
      %min3A_1288 = arith.minimumf %min3A_1272, %max3A_1287 : vector<256x128xf32>
      %max3A_1289 = arith.maximumf %min3A_1272, %max3A_1287 : vector<256x128xf32>
      %min3A_1290 = arith.minimumf %min3A_1274, %max3A_1289 : vector<256x128xf32>
      %slice3A_1291 = vector.extract_strided_slice %sub3A_18 {offsets = [0, 3072], sizes = [256, 128], strides = [1, 1]} : vector<256x4096xf32> to vector<256x128xf32>
      %min3A_1292 = arith.minimumf %min3A_1276, %slice3A_1291 : vector<256x128xf32>
      %max3A_1293 = arith.maximumf %min3A_1276, %slice3A_1291 : vector<256x128xf32>
      %min3A_1294 = arith.minimumf %min3A_1278, %max3A_1293 : vector<256x128xf32>
      %max3A_1295 = arith.maximumf %min3A_1278, %max3A_1293 : vector<256x128xf32>
      %min3A_1296 = arith.minimumf %min3A_1280, %max3A_1295 : vector<256x128xf32>
      %max3A_1297 = arith.maximumf %min3A_1280, %max3A_1295 : vector<256x128xf32>
      %min3A_1298 = arith.minimumf %min3A_1282, %max3A_1297 : vector<256x128xf32>
      %max3A_1299 = arith.maximumf %min3A_1282, %max3A_1297 : vector<256x128xf32>
      %min3A_1300 = arith.minimumf %min3A_1284, %max3A_1299 : vector<256x128xf32>
      %max3A_1301 = arith.maximumf %min3A_1284, %max3A_1299 : vector<256x128xf32>
      %min3A_1302 = arith.minimumf %min3A_1286, %max3A_1301 : vector<256x128xf32>
      %max3A_1303 = arith.maximumf %min3A_1286, %max3A_1301 : vector<256x128xf32>
      %min3A_1304 = arith.minimumf %min3A_1288, %max3A_1303 : vector<256x128xf32>
      %max3A_1305 = arith.maximumf %min3A_1288, %max3A_1303 : vector<256x128xf32>
      %min3A_1306 = arith.minimumf %min3A_1290, %max3A_1305 : vector<256x128xf32>
      %slice3A_1307 = vector.extract_strided_slice %sub3A_18 {offsets = [0, 3200], sizes = [256, 128], strides = [1, 1]} : vector<256x4096xf32> to vector<256x128xf32>
      %min3A_1308 = arith.minimumf %min3A_1292, %slice3A_1307 : vector<256x128xf32>
      %max3A_1309 = arith.maximumf %min3A_1292, %slice3A_1307 : vector<256x128xf32>
      %min3A_1310 = arith.minimumf %min3A_1294, %max3A_1309 : vector<256x128xf32>
      %max3A_1311 = arith.maximumf %min3A_1294, %max3A_1309 : vector<256x128xf32>
      %min3A_1312 = arith.minimumf %min3A_1296, %max3A_1311 : vector<256x128xf32>
      %max3A_1313 = arith.maximumf %min3A_1296, %max3A_1311 : vector<256x128xf32>
      %min3A_1314 = arith.minimumf %min3A_1298, %max3A_1313 : vector<256x128xf32>
      %max3A_1315 = arith.maximumf %min3A_1298, %max3A_1313 : vector<256x128xf32>
      %min3A_1316 = arith.minimumf %min3A_1300, %max3A_1315 : vector<256x128xf32>
      %max3A_1317 = arith.maximumf %min3A_1300, %max3A_1315 : vector<256x128xf32>
      %min3A_1318 = arith.minimumf %min3A_1302, %max3A_1317 : vector<256x128xf32>
      %max3A_1319 = arith.maximumf %min3A_1302, %max3A_1317 : vector<256x128xf32>
      %min3A_1320 = arith.minimumf %min3A_1304, %max3A_1319 : vector<256x128xf32>
      %max3A_1321 = arith.maximumf %min3A_1304, %max3A_1319 : vector<256x128xf32>
      %min3A_1322 = arith.minimumf %min3A_1306, %max3A_1321 : vector<256x128xf32>
      %slice3A_1323 = vector.extract_strided_slice %sub3A_18 {offsets = [0, 3328], sizes = [256, 128], strides = [1, 1]} : vector<256x4096xf32> to vector<256x128xf32>
      %min3A_1324 = arith.minimumf %min3A_1308, %slice3A_1323 : vector<256x128xf32>
      %max3A_1325 = arith.maximumf %min3A_1308, %slice3A_1323 : vector<256x128xf32>
      %min3A_1326 = arith.minimumf %min3A_1310, %max3A_1325 : vector<256x128xf32>
      %max3A_1327 = arith.maximumf %min3A_1310, %max3A_1325 : vector<256x128xf32>
      %min3A_1328 = arith.minimumf %min3A_1312, %max3A_1327 : vector<256x128xf32>
      %max3A_1329 = arith.maximumf %min3A_1312, %max3A_1327 : vector<256x128xf32>
      %min3A_1330 = arith.minimumf %min3A_1314, %max3A_1329 : vector<256x128xf32>
      %max3A_1331 = arith.maximumf %min3A_1314, %max3A_1329 : vector<256x128xf32>
      %min3A_1332 = arith.minimumf %min3A_1316, %max3A_1331 : vector<256x128xf32>
      %max3A_1333 = arith.maximumf %min3A_1316, %max3A_1331 : vector<256x128xf32>
      %min3A_1334 = arith.minimumf %min3A_1318, %max3A_1333 : vector<256x128xf32>
      %max3A_1335 = arith.maximumf %min3A_1318, %max3A_1333 : vector<256x128xf32>
      %min3A_1336 = arith.minimumf %min3A_1320, %max3A_1335 : vector<256x128xf32>
      %max3A_1337 = arith.maximumf %min3A_1320, %max3A_1335 : vector<256x128xf32>
      %min3A_1338 = arith.minimumf %min3A_1322, %max3A_1337 : vector<256x128xf32>
      %slice3A_1339 = vector.extract_strided_slice %sub3A_18 {offsets = [0, 3456], sizes = [256, 128], strides = [1, 1]} : vector<256x4096xf32> to vector<256x128xf32>
      %min3A_1340 = arith.minimumf %min3A_1324, %slice3A_1339 : vector<256x128xf32>
      %max3A_1341 = arith.maximumf %min3A_1324, %slice3A_1339 : vector<256x128xf32>
      %min3A_1342 = arith.minimumf %min3A_1326, %max3A_1341 : vector<256x128xf32>
      %max3A_1343 = arith.maximumf %min3A_1326, %max3A_1341 : vector<256x128xf32>
      %min3A_1344 = arith.minimumf %min3A_1328, %max3A_1343 : vector<256x128xf32>
      %max3A_1345 = arith.maximumf %min3A_1328, %max3A_1343 : vector<256x128xf32>
      %min3A_1346 = arith.minimumf %min3A_1330, %max3A_1345 : vector<256x128xf32>
      %max3A_1347 = arith.maximumf %min3A_1330, %max3A_1345 : vector<256x128xf32>
      %min3A_1348 = arith.minimumf %min3A_1332, %max3A_1347 : vector<256x128xf32>
      %max3A_1349 = arith.maximumf %min3A_1332, %max3A_1347 : vector<256x128xf32>
      %min3A_1350 = arith.minimumf %min3A_1334, %max3A_1349 : vector<256x128xf32>
      %max3A_1351 = arith.maximumf %min3A_1334, %max3A_1349 : vector<256x128xf32>
      %min3A_1352 = arith.minimumf %min3A_1336, %max3A_1351 : vector<256x128xf32>
      %max3A_1353 = arith.maximumf %min3A_1336, %max3A_1351 : vector<256x128xf32>
      %min3A_1354 = arith.minimumf %min3A_1338, %max3A_1353 : vector<256x128xf32>
      %slice3A_1355 = vector.extract_strided_slice %sub3A_18 {offsets = [0, 3584], sizes = [256, 128], strides = [1, 1]} : vector<256x4096xf32> to vector<256x128xf32>
      %min3A_1356 = arith.minimumf %min3A_1340, %slice3A_1355 : vector<256x128xf32>
      %max3A_1357 = arith.maximumf %min3A_1340, %slice3A_1355 : vector<256x128xf32>
      %min3A_1358 = arith.minimumf %min3A_1342, %max3A_1357 : vector<256x128xf32>
      %max3A_1359 = arith.maximumf %min3A_1342, %max3A_1357 : vector<256x128xf32>
      %min3A_1360 = arith.minimumf %min3A_1344, %max3A_1359 : vector<256x128xf32>
      %max3A_1361 = arith.maximumf %min3A_1344, %max3A_1359 : vector<256x128xf32>
      %min3A_1362 = arith.minimumf %min3A_1346, %max3A_1361 : vector<256x128xf32>
      %max3A_1363 = arith.maximumf %min3A_1346, %max3A_1361 : vector<256x128xf32>
      %min3A_1364 = arith.minimumf %min3A_1348, %max3A_1363 : vector<256x128xf32>
      %max3A_1365 = arith.maximumf %min3A_1348, %max3A_1363 : vector<256x128xf32>
      %min3A_1366 = arith.minimumf %min3A_1350, %max3A_1365 : vector<256x128xf32>
      %max3A_1367 = arith.maximumf %min3A_1350, %max3A_1365 : vector<256x128xf32>
      %min3A_1368 = arith.minimumf %min3A_1352, %max3A_1367 : vector<256x128xf32>
      %max3A_1369 = arith.maximumf %min3A_1352, %max3A_1367 : vector<256x128xf32>
      %min3A_1370 = arith.minimumf %min3A_1354, %max3A_1369 : vector<256x128xf32>
      %slice3A_1371 = vector.extract_strided_slice %sub3A_18 {offsets = [0, 3712], sizes = [256, 128], strides = [1, 1]} : vector<256x4096xf32> to vector<256x128xf32>
      %min3A_1372 = arith.minimumf %min3A_1356, %slice3A_1371 : vector<256x128xf32>
      %max3A_1373 = arith.maximumf %min3A_1356, %slice3A_1371 : vector<256x128xf32>
      %min3A_1374 = arith.minimumf %min3A_1358, %max3A_1373 : vector<256x128xf32>
      %max3A_1375 = arith.maximumf %min3A_1358, %max3A_1373 : vector<256x128xf32>
      %min3A_1376 = arith.minimumf %min3A_1360, %max3A_1375 : vector<256x128xf32>
      %max3A_1377 = arith.maximumf %min3A_1360, %max3A_1375 : vector<256x128xf32>
      %min3A_1378 = arith.minimumf %min3A_1362, %max3A_1377 : vector<256x128xf32>
      %max3A_1379 = arith.maximumf %min3A_1362, %max3A_1377 : vector<256x128xf32>
      %min3A_1380 = arith.minimumf %min3A_1364, %max3A_1379 : vector<256x128xf32>
      %max3A_1381 = arith.maximumf %min3A_1364, %max3A_1379 : vector<256x128xf32>
      %min3A_1382 = arith.minimumf %min3A_1366, %max3A_1381 : vector<256x128xf32>
      %max3A_1383 = arith.maximumf %min3A_1366, %max3A_1381 : vector<256x128xf32>
      %min3A_1384 = arith.minimumf %min3A_1368, %max3A_1383 : vector<256x128xf32>
      %max3A_1385 = arith.maximumf %min3A_1368, %max3A_1383 : vector<256x128xf32>
      %min3A_1386 = arith.minimumf %min3A_1370, %max3A_1385 : vector<256x128xf32>
      %slice3A_1387 = vector.extract_strided_slice %sub3A_18 {offsets = [0, 3840], sizes = [256, 128], strides = [1, 1]} : vector<256x4096xf32> to vector<256x128xf32>
      %min3A_1388 = arith.minimumf %min3A_1372, %slice3A_1387 : vector<256x128xf32>
      %max3A_1389 = arith.maximumf %min3A_1372, %slice3A_1387 : vector<256x128xf32>
      %min3A_1390 = arith.minimumf %min3A_1374, %max3A_1389 : vector<256x128xf32>
      %max3A_1391 = arith.maximumf %min3A_1374, %max3A_1389 : vector<256x128xf32>
      %min3A_1392 = arith.minimumf %min3A_1376, %max3A_1391 : vector<256x128xf32>
      %max3A_1393 = arith.maximumf %min3A_1376, %max3A_1391 : vector<256x128xf32>
      %min3A_1394 = arith.minimumf %min3A_1378, %max3A_1393 : vector<256x128xf32>
      %max3A_1395 = arith.maximumf %min3A_1378, %max3A_1393 : vector<256x128xf32>
      %min3A_1396 = arith.minimumf %min3A_1380, %max3A_1395 : vector<256x128xf32>
      %max3A_1397 = arith.maximumf %min3A_1380, %max3A_1395 : vector<256x128xf32>
      %min3A_1398 = arith.minimumf %min3A_1382, %max3A_1397 : vector<256x128xf32>
      %max3A_1399 = arith.maximumf %min3A_1382, %max3A_1397 : vector<256x128xf32>
      %min3A_1400 = arith.minimumf %min3A_1384, %max3A_1399 : vector<256x128xf32>
      %max3A_1401 = arith.maximumf %min3A_1384, %max3A_1399 : vector<256x128xf32>
      %min3A_1402 = arith.minimumf %min3A_1386, %max3A_1401 : vector<256x128xf32>
      %slice3A_1403 = vector.extract_strided_slice %sub3A_18 {offsets = [0, 3968], sizes = [256, 128], strides = [1, 1]} : vector<256x4096xf32> to vector<256x128xf32>
      %min3A_1404 = arith.minimumf %min3A_1388, %slice3A_1403 : vector<256x128xf32>
      %max3A_1405 = arith.maximumf %min3A_1388, %slice3A_1403 : vector<256x128xf32>
      %min3A_1406 = arith.minimumf %min3A_1390, %max3A_1405 : vector<256x128xf32>
      %max3A_1407 = arith.maximumf %min3A_1390, %max3A_1405 : vector<256x128xf32>
      %min3A_1408 = arith.minimumf %min3A_1392, %max3A_1407 : vector<256x128xf32>
      %max3A_1409 = arith.maximumf %min3A_1392, %max3A_1407 : vector<256x128xf32>
      %min3A_1410 = arith.minimumf %min3A_1394, %max3A_1409 : vector<256x128xf32>
      %max3A_1411 = arith.maximumf %min3A_1394, %max3A_1409 : vector<256x128xf32>
      %min3A_1412 = arith.minimumf %min3A_1396, %max3A_1411 : vector<256x128xf32>
      %max3A_1413 = arith.maximumf %min3A_1396, %max3A_1411 : vector<256x128xf32>
      %min3A_1414 = arith.minimumf %min3A_1398, %max3A_1413 : vector<256x128xf32>
      %max3A_1415 = arith.maximumf %min3A_1398, %max3A_1413 : vector<256x128xf32>
      %min3A_1416 = arith.minimumf %min3A_1400, %max3A_1415 : vector<256x128xf32>
      %max3A_1417 = arith.maximumf %min3A_1400, %max3A_1415 : vector<256x128xf32>
      %min3A_1418 = arith.minimumf %min3A_1402, %max3A_1417 : vector<256x128xf32>
      %broadcast_in_dim3A_1419 = arith.constant 0.000000e+00 : f32
      %broadcast_in_dim3A_1420 = vector.broadcast %broadcast_in_dim3A_1419 : f32 to vector<256x1xf32>
      %broadcast_in_dim3A_1421 = arith.constant 8.000000e+00 : f32
      %broadcast_in_dim3A_1422 = vector.broadcast %broadcast_in_dim3A_1421 : f32 to vector<256x1xf32>
      %min3A_1423 = arith.minimumf %min3A_1404, %min3A_1406 : vector<256x128xf32>
      %min3A_1424 = arith.minimumf %min3A_1423, %min3A_1408 : vector<256x128xf32>
      %min3A_1425 = arith.minimumf %min3A_1424, %min3A_1410 : vector<256x128xf32>
      %min3A_1426 = arith.minimumf %min3A_1425, %min3A_1412 : vector<256x128xf32>
      %min3A_1427 = arith.minimumf %min3A_1426, %min3A_1414 : vector<256x128xf32>
      %min3A_1428 = arith.minimumf %min3A_1427, %min3A_1416 : vector<256x128xf32>
      %min3A_1429 = arith.minimumf %min3A_1428, %min3A_1418 : vector<256x128xf32>
      %reduce_min3A_1430 = arith.constant dense<0x7F800000> : vector<256xf32>
      %reduce_min3A_1431 = vector.multi_reduction <minimumf>, %min3A_1429, %reduce_min3A_1430 [1] : vector<256x128xf32> to vector<256xf32>
      %broadcast_in_dim3A_1432 = vector.shape_cast %reduce_min3A_1431 : vector<256xf32> to vector<256x1xf32>
      %eq3A_1433 = vector.broadcast %broadcast_in_dim3A_1432 : vector<256x1xf32> to vector<256x128xf32>
      %eq3A_1434 = arith.cmpf oeq, %min3A_1404, %eq3A_1433 : vector<256x128xf32>
      %eq3A_1435 = vector.broadcast %broadcast_in_dim3A_1432 : vector<256x1xf32> to vector<256x128xf32>
      %eq3A_1436 = arith.cmpf oeq, %min3A_1406, %eq3A_1435 : vector<256x128xf32>
      %eq3A_1437 = vector.broadcast %broadcast_in_dim3A_1432 : vector<256x1xf32> to vector<256x128xf32>
      %eq3A_1438 = arith.cmpf oeq, %min3A_1408, %eq3A_1437 : vector<256x128xf32>
      %eq3A_1439 = vector.broadcast %broadcast_in_dim3A_1432 : vector<256x1xf32> to vector<256x128xf32>
      %eq3A_1440 = arith.cmpf oeq, %min3A_1410, %eq3A_1439 : vector<256x128xf32>
      %eq3A_1441 = vector.broadcast %broadcast_in_dim3A_1432 : vector<256x1xf32> to vector<256x128xf32>
      %eq3A_1442 = arith.cmpf oeq, %min3A_1412, %eq3A_1441 : vector<256x128xf32>
      %eq3A_1443 = vector.broadcast %broadcast_in_dim3A_1432 : vector<256x1xf32> to vector<256x128xf32>
      %eq3A_1444 = arith.cmpf oeq, %min3A_1414, %eq3A_1443 : vector<256x128xf32>
      %eq3A_1445 = vector.broadcast %broadcast_in_dim3A_1432 : vector<256x1xf32> to vector<256x128xf32>
      %eq3A_1446 = arith.cmpf oeq, %min3A_1416, %eq3A_1445 : vector<256x128xf32>
      %eq3A_1447 = vector.broadcast %broadcast_in_dim3A_1432 : vector<256x1xf32> to vector<256x128xf32>
      %eq3A_1448 = arith.cmpf oeq, %min3A_1418, %eq3A_1447 : vector<256x128xf32>
      %broadcast_in_dim3A_1449 = arith.constant 0.000000e+00 : f32
      %broadcast_in_dim3A_1450 = vector.broadcast %broadcast_in_dim3A_1449 : f32 to vector<256x1xf32>
      %convert_element_type3A_1451 = arith.extui %eq3A_1434 : vector<256x128xi1> to vector<256x128xi32>
      %convert_element_type3A_1452 = arith.sitofp %convert_element_type3A_1451 : vector<256x128xi32> to vector<256x128xf32>
      %reduce_sum3A_1453 = arith.constant dense<0.000000e+00> : vector<256xf32>
      %reduce_sum3A_1454 = vector.multi_reduction <add>, %convert_element_type3A_1452, %reduce_sum3A_1453 [1] : vector<256x128xf32> to vector<256xf32>
      %broadcast_in_dim3A_1455 = vector.shape_cast %reduce_sum3A_1454 : vector<256xf32> to vector<256x1xf32>
      %add3A_1456 = arith.addf %broadcast_in_dim3A_1450, %broadcast_in_dim3A_1455 : vector<256x1xf32>
      %convert_element_type3A_1457 = arith.extui %eq3A_1436 : vector<256x128xi1> to vector<256x128xi32>
      %convert_element_type3A_1458 = arith.sitofp %convert_element_type3A_1457 : vector<256x128xi32> to vector<256x128xf32>
      %reduce_sum3A_1459 = arith.constant dense<0.000000e+00> : vector<256xf32>
      %reduce_sum3A_1460 = vector.multi_reduction <add>, %convert_element_type3A_1458, %reduce_sum3A_1459 [1] : vector<256x128xf32> to vector<256xf32>
      %broadcast_in_dim3A_1461 = vector.shape_cast %reduce_sum3A_1460 : vector<256xf32> to vector<256x1xf32>
      %add3A_1462 = arith.addf %add3A_1456, %broadcast_in_dim3A_1461 : vector<256x1xf32>
      %convert_element_type3A_1463 = arith.extui %eq3A_1438 : vector<256x128xi1> to vector<256x128xi32>
      %convert_element_type3A_1464 = arith.sitofp %convert_element_type3A_1463 : vector<256x128xi32> to vector<256x128xf32>
      %reduce_sum3A_1465 = arith.constant dense<0.000000e+00> : vector<256xf32>
      %reduce_sum3A_1466 = vector.multi_reduction <add>, %convert_element_type3A_1464, %reduce_sum3A_1465 [1] : vector<256x128xf32> to vector<256xf32>
      %broadcast_in_dim3A_1467 = vector.shape_cast %reduce_sum3A_1466 : vector<256xf32> to vector<256x1xf32>
      %add3A_1468 = arith.addf %add3A_1462, %broadcast_in_dim3A_1467 : vector<256x1xf32>
      %convert_element_type3A_1469 = arith.extui %eq3A_1440 : vector<256x128xi1> to vector<256x128xi32>
      %convert_element_type3A_1470 = arith.sitofp %convert_element_type3A_1469 : vector<256x128xi32> to vector<256x128xf32>
      %reduce_sum3A_1471 = arith.constant dense<0.000000e+00> : vector<256xf32>
      %reduce_sum3A_1472 = vector.multi_reduction <add>, %convert_element_type3A_1470, %reduce_sum3A_1471 [1] : vector<256x128xf32> to vector<256xf32>
      %broadcast_in_dim3A_1473 = vector.shape_cast %reduce_sum3A_1472 : vector<256xf32> to vector<256x1xf32>
      %add3A_1474 = arith.addf %add3A_1468, %broadcast_in_dim3A_1473 : vector<256x1xf32>
      %convert_element_type3A_1475 = arith.extui %eq3A_1442 : vector<256x128xi1> to vector<256x128xi32>
      %convert_element_type3A_1476 = arith.sitofp %convert_element_type3A_1475 : vector<256x128xi32> to vector<256x128xf32>
      %reduce_sum3A_1477 = arith.constant dense<0.000000e+00> : vector<256xf32>
      %reduce_sum3A_1478 = vector.multi_reduction <add>, %convert_element_type3A_1476, %reduce_sum3A_1477 [1] : vector<256x128xf32> to vector<256xf32>
      %broadcast_in_dim3A_1479 = vector.shape_cast %reduce_sum3A_1478 : vector<256xf32> to vector<256x1xf32>
      %add3A_1480 = arith.addf %add3A_1474, %broadcast_in_dim3A_1479 : vector<256x1xf32>
      %convert_element_type3A_1481 = arith.extui %eq3A_1444 : vector<256x128xi1> to vector<256x128xi32>
      %convert_element_type3A_1482 = arith.sitofp %convert_element_type3A_1481 : vector<256x128xi32> to vector<256x128xf32>
      %reduce_sum3A_1483 = arith.constant dense<0.000000e+00> : vector<256xf32>
      %reduce_sum3A_1484 = vector.multi_reduction <add>, %convert_element_type3A_1482, %reduce_sum3A_1483 [1] : vector<256x128xf32> to vector<256xf32>
      %broadcast_in_dim3A_1485 = vector.shape_cast %reduce_sum3A_1484 : vector<256xf32> to vector<256x1xf32>
      %add3A_1486 = arith.addf %add3A_1480, %broadcast_in_dim3A_1485 : vector<256x1xf32>
      %convert_element_type3A_1487 = arith.extui %eq3A_1446 : vector<256x128xi1> to vector<256x128xi32>
      %convert_element_type3A_1488 = arith.sitofp %convert_element_type3A_1487 : vector<256x128xi32> to vector<256x128xf32>
      %reduce_sum3A_1489 = arith.constant dense<0.000000e+00> : vector<256xf32>
      %reduce_sum3A_1490 = vector.multi_reduction <add>, %convert_element_type3A_1488, %reduce_sum3A_1489 [1] : vector<256x128xf32> to vector<256xf32>
      %broadcast_in_dim3A_1491 = vector.shape_cast %reduce_sum3A_1490 : vector<256xf32> to vector<256x1xf32>
      %add3A_1492 = arith.addf %add3A_1486, %broadcast_in_dim3A_1491 : vector<256x1xf32>
      %convert_element_type3A_1493 = arith.extui %eq3A_1448 : vector<256x128xi1> to vector<256x128xi32>
      %convert_element_type3A_1494 = arith.sitofp %convert_element_type3A_1493 : vector<256x128xi32> to vector<256x128xf32>
      %reduce_sum3A_1495 = arith.constant dense<0.000000e+00> : vector<256xf32>
      %reduce_sum3A_1496 = vector.multi_reduction <add>, %convert_element_type3A_1494, %reduce_sum3A_1495 [1] : vector<256x128xf32> to vector<256xf32>
      %broadcast_in_dim3A_1497 = vector.shape_cast %reduce_sum3A_1496 : vector<256xf32> to vector<256x1xf32>
      %add3A_1498 = arith.addf %add3A_1492, %broadcast_in_dim3A_1497 : vector<256x1xf32>
      %min3A_1499 = arith.minimumf %add3A_1498, %broadcast_in_dim3A_1422 : vector<256x1xf32>
      %add3A_1500 = arith.addf %broadcast_in_dim3A_1432, %broadcast_in_dim3A : vector<256x1xf32>
      %gt3A_1501 = arith.constant 0.000000e+00 : f32
      %gt3A_1502 = vector.broadcast %gt3A_1501 : f32 to vector<256x1xf32>
      %gt3A_1503 = arith.cmpf ogt, %add3A_1500, %gt3A_1502 : vector<256x1xf32>
      %gt3A_1504 = arith.constant 0.000000e+00 : f32
      %gt3A_1505 = vector.broadcast %gt3A_1504 : f32 to vector<256x1xf32>
      %gt3A_1506 = arith.cmpf ogt, %add3A_1500, %gt3A_1505 : vector<256x1xf32>
      %jit3A_1507 = arith.constant 1.000000e+00 : f32
      %broadcast_in_dim3A_1508 = vector.broadcast %jit3A_1507 : f32 to vector<256x1xf32>
      %select_n3A_1509 = arith.select %gt3A_1506, %add3A_1500, %broadcast_in_dim3A_1508 : vector<256x1xi1>, vector<256x1xf32>
      %sqrt3A_1510 = math.sqrt %select_n3A_1509 : vector<256x1xf32>
      %jit3A_1511 = arith.constant 0.000000e+00 : f32
      %broadcast_in_dim3A_1512 = vector.broadcast %jit3A_1511 : f32 to vector<256x1xf32>
      %select_n3A_1513 = arith.select %gt3A_1503, %sqrt3A_1510, %broadcast_in_dim3A_1512 : vector<256x1xi1>, vector<256x1xf32>
      %gt3A_1514 = arith.constant 0.000000e+00 : f32
      %gt3A_1515 = vector.broadcast %gt3A_1514 : f32 to vector<256x1xf32>
      %gt3A_1516 = arith.cmpf ogt, %min3A_1499, %gt3A_1515 : vector<256x1xf32>
      %mul3A_1517 = arith.mulf %min3A_1499, %select_n3A_1513 : vector<256x1xf32>
      %jit3A_1518 = arith.constant 0.000000e+00 : f32
      %broadcast_in_dim3A_1519 = vector.broadcast %jit3A_1518 : f32 to vector<256x1xf32>
      %select_n3A_1520 = arith.select %gt3A_1516, %mul3A_1517, %broadcast_in_dim3A_1519 : vector<256x1xi1>, vector<256x1xf32>
      %add3A_1521 = arith.addf %broadcast_in_dim3A_1420, %select_n3A_1520 : vector<256x1xf32>
      %sub3A_1522 = arith.subf %broadcast_in_dim3A_1422, %min3A_1499 : vector<256x1xf32>
      %broadcast_in_dim3A_1523 = vector.broadcast %cond3A_896 : f32 to vector<256x128xf32>
      %select_n3A_1524 = arith.select %eq3A_1434, %broadcast_in_dim3A_1523, %min3A_1404 : vector<256x128xi1>, vector<256x128xf32>
      %broadcast_in_dim3A_1525 = vector.broadcast %cond3A_896 : f32 to vector<256x128xf32>
      %select_n3A_1526 = arith.select %eq3A_1436, %broadcast_in_dim3A_1525, %min3A_1406 : vector<256x128xi1>, vector<256x128xf32>
      %broadcast_in_dim3A_1527 = vector.broadcast %cond3A_896 : f32 to vector<256x128xf32>
      %select_n3A_1528 = arith.select %eq3A_1438, %broadcast_in_dim3A_1527, %min3A_1408 : vector<256x128xi1>, vector<256x128xf32>
      %broadcast_in_dim3A_1529 = vector.broadcast %cond3A_896 : f32 to vector<256x128xf32>
      %select_n3A_1530 = arith.select %eq3A_1440, %broadcast_in_dim3A_1529, %min3A_1410 : vector<256x128xi1>, vector<256x128xf32>
      %broadcast_in_dim3A_1531 = vector.broadcast %cond3A_896 : f32 to vector<256x128xf32>
      %select_n3A_1532 = arith.select %eq3A_1442, %broadcast_in_dim3A_1531, %min3A_1412 : vector<256x128xi1>, vector<256x128xf32>
      %broadcast_in_dim3A_1533 = vector.broadcast %cond3A_896 : f32 to vector<256x128xf32>
      %select_n3A_1534 = arith.select %eq3A_1444, %broadcast_in_dim3A_1533, %min3A_1414 : vector<256x128xi1>, vector<256x128xf32>
      %broadcast_in_dim3A_1535 = vector.broadcast %cond3A_896 : f32 to vector<256x128xf32>
      %select_n3A_1536 = arith.select %eq3A_1446, %broadcast_in_dim3A_1535, %min3A_1416 : vector<256x128xi1>, vector<256x128xf32>
      %broadcast_in_dim3A_1537 = vector.broadcast %cond3A_896 : f32 to vector<256x128xf32>
      %select_n3A_1538 = arith.select %eq3A_1448, %broadcast_in_dim3A_1537, %min3A_1418 : vector<256x128xi1>, vector<256x128xf32>
      %min3A_1539 = arith.minimumf %select_n3A_1524, %select_n3A_1526 : vector<256x128xf32>
      %min3A_1540 = arith.minimumf %min3A_1539, %select_n3A_1528 : vector<256x128xf32>
      %min3A_1541 = arith.minimumf %min3A_1540, %select_n3A_1530 : vector<256x128xf32>
      %min3A_1542 = arith.minimumf %min3A_1541, %select_n3A_1532 : vector<256x128xf32>
      %min3A_1543 = arith.minimumf %min3A_1542, %select_n3A_1534 : vector<256x128xf32>
      %min3A_1544 = arith.minimumf %min3A_1543, %select_n3A_1536 : vector<256x128xf32>
      %min3A_1545 = arith.minimumf %min3A_1544, %select_n3A_1538 : vector<256x128xf32>
      %reduce_min3A_1546 = arith.constant dense<0x7F800000> : vector<256xf32>
      %reduce_min3A_1547 = vector.multi_reduction <minimumf>, %min3A_1545, %reduce_min3A_1546 [1] : vector<256x128xf32> to vector<256xf32>
      %broadcast_in_dim3A_1548 = vector.shape_cast %reduce_min3A_1547 : vector<256xf32> to vector<256x1xf32>
      %eq3A_1549 = vector.broadcast %broadcast_in_dim3A_1548 : vector<256x1xf32> to vector<256x128xf32>
      %eq3A_1550 = arith.cmpf oeq, %select_n3A_1524, %eq3A_1549 : vector<256x128xf32>
      %eq3A_1551 = vector.broadcast %broadcast_in_dim3A_1548 : vector<256x1xf32> to vector<256x128xf32>
      %eq3A_1552 = arith.cmpf oeq, %select_n3A_1526, %eq3A_1551 : vector<256x128xf32>
      %eq3A_1553 = vector.broadcast %broadcast_in_dim3A_1548 : vector<256x1xf32> to vector<256x128xf32>
      %eq3A_1554 = arith.cmpf oeq, %select_n3A_1528, %eq3A_1553 : vector<256x128xf32>
      %eq3A_1555 = vector.broadcast %broadcast_in_dim3A_1548 : vector<256x1xf32> to vector<256x128xf32>
      %eq3A_1556 = arith.cmpf oeq, %select_n3A_1530, %eq3A_1555 : vector<256x128xf32>
      %eq3A_1557 = vector.broadcast %broadcast_in_dim3A_1548 : vector<256x1xf32> to vector<256x128xf32>
      %eq3A_1558 = arith.cmpf oeq, %select_n3A_1532, %eq3A_1557 : vector<256x128xf32>
      %eq3A_1559 = vector.broadcast %broadcast_in_dim3A_1548 : vector<256x1xf32> to vector<256x128xf32>
      %eq3A_1560 = arith.cmpf oeq, %select_n3A_1534, %eq3A_1559 : vector<256x128xf32>
      %eq3A_1561 = vector.broadcast %broadcast_in_dim3A_1548 : vector<256x1xf32> to vector<256x128xf32>
      %eq3A_1562 = arith.cmpf oeq, %select_n3A_1536, %eq3A_1561 : vector<256x128xf32>
      %eq3A_1563 = vector.broadcast %broadcast_in_dim3A_1548 : vector<256x1xf32> to vector<256x128xf32>
      %eq3A_1564 = arith.cmpf oeq, %select_n3A_1538, %eq3A_1563 : vector<256x128xf32>
      %broadcast_in_dim3A_1565 = arith.constant 0.000000e+00 : f32
      %broadcast_in_dim3A_1566 = vector.broadcast %broadcast_in_dim3A_1565 : f32 to vector<256x1xf32>
      %convert_element_type3A_1567 = arith.extui %eq3A_1550 : vector<256x128xi1> to vector<256x128xi32>
      %convert_element_type3A_1568 = arith.sitofp %convert_element_type3A_1567 : vector<256x128xi32> to vector<256x128xf32>
      %reduce_sum3A_1569 = arith.constant dense<0.000000e+00> : vector<256xf32>
      %reduce_sum3A_1570 = vector.multi_reduction <add>, %convert_element_type3A_1568, %reduce_sum3A_1569 [1] : vector<256x128xf32> to vector<256xf32>
      %broadcast_in_dim3A_1571 = vector.shape_cast %reduce_sum3A_1570 : vector<256xf32> to vector<256x1xf32>
      %add3A_1572 = arith.addf %broadcast_in_dim3A_1566, %broadcast_in_dim3A_1571 : vector<256x1xf32>
      %convert_element_type3A_1573 = arith.extui %eq3A_1552 : vector<256x128xi1> to vector<256x128xi32>
      %convert_element_type3A_1574 = arith.sitofp %convert_element_type3A_1573 : vector<256x128xi32> to vector<256x128xf32>
      %reduce_sum3A_1575 = arith.constant dense<0.000000e+00> : vector<256xf32>
      %reduce_sum3A_1576 = vector.multi_reduction <add>, %convert_element_type3A_1574, %reduce_sum3A_1575 [1] : vector<256x128xf32> to vector<256xf32>
      %broadcast_in_dim3A_1577 = vector.shape_cast %reduce_sum3A_1576 : vector<256xf32> to vector<256x1xf32>
      %add3A_1578 = arith.addf %add3A_1572, %broadcast_in_dim3A_1577 : vector<256x1xf32>
      %convert_element_type3A_1579 = arith.extui %eq3A_1554 : vector<256x128xi1> to vector<256x128xi32>
      %convert_element_type3A_1580 = arith.sitofp %convert_element_type3A_1579 : vector<256x128xi32> to vector<256x128xf32>
      %reduce_sum3A_1581 = arith.constant dense<0.000000e+00> : vector<256xf32>
      %reduce_sum3A_1582 = vector.multi_reduction <add>, %convert_element_type3A_1580, %reduce_sum3A_1581 [1] : vector<256x128xf32> to vector<256xf32>
      %broadcast_in_dim3A_1583 = vector.shape_cast %reduce_sum3A_1582 : vector<256xf32> to vector<256x1xf32>
      %add3A_1584 = arith.addf %add3A_1578, %broadcast_in_dim3A_1583 : vector<256x1xf32>
      %convert_element_type3A_1585 = arith.extui %eq3A_1556 : vector<256x128xi1> to vector<256x128xi32>
      %convert_element_type3A_1586 = arith.sitofp %convert_element_type3A_1585 : vector<256x128xi32> to vector<256x128xf32>
      %reduce_sum3A_1587 = arith.constant dense<0.000000e+00> : vector<256xf32>
      %reduce_sum3A_1588 = vector.multi_reduction <add>, %convert_element_type3A_1586, %reduce_sum3A_1587 [1] : vector<256x128xf32> to vector<256xf32>
      %broadcast_in_dim3A_1589 = vector.shape_cast %reduce_sum3A_1588 : vector<256xf32> to vector<256x1xf32>
      %add3A_1590 = arith.addf %add3A_1584, %broadcast_in_dim3A_1589 : vector<256x1xf32>
      %convert_element_type3A_1591 = arith.extui %eq3A_1558 : vector<256x128xi1> to vector<256x128xi32>
      %convert_element_type3A_1592 = arith.sitofp %convert_element_type3A_1591 : vector<256x128xi32> to vector<256x128xf32>
      %reduce_sum3A_1593 = arith.constant dense<0.000000e+00> : vector<256xf32>
      %reduce_sum3A_1594 = vector.multi_reduction <add>, %convert_element_type3A_1592, %reduce_sum3A_1593 [1] : vector<256x128xf32> to vector<256xf32>
      %broadcast_in_dim3A_1595 = vector.shape_cast %reduce_sum3A_1594 : vector<256xf32> to vector<256x1xf32>
      %add3A_1596 = arith.addf %add3A_1590, %broadcast_in_dim3A_1595 : vector<256x1xf32>
      %convert_element_type3A_1597 = arith.extui %eq3A_1560 : vector<256x128xi1> to vector<256x128xi32>
      %convert_element_type3A_1598 = arith.sitofp %convert_element_type3A_1597 : vector<256x128xi32> to vector<256x128xf32>
      %reduce_sum3A_1599 = arith.constant dense<0.000000e+00> : vector<256xf32>
      %reduce_sum3A_1600 = vector.multi_reduction <add>, %convert_element_type3A_1598, %reduce_sum3A_1599 [1] : vector<256x128xf32> to vector<256xf32>
      %broadcast_in_dim3A_1601 = vector.shape_cast %reduce_sum3A_1600 : vector<256xf32> to vector<256x1xf32>
      %add3A_1602 = arith.addf %add3A_1596, %broadcast_in_dim3A_1601 : vector<256x1xf32>
      %convert_element_type3A_1603 = arith.extui %eq3A_1562 : vector<256x128xi1> to vector<256x128xi32>
      %convert_element_type3A_1604 = arith.sitofp %convert_element_type3A_1603 : vector<256x128xi32> to vector<256x128xf32>
      %reduce_sum3A_1605 = arith.constant dense<0.000000e+00> : vector<256xf32>
      %reduce_sum3A_1606 = vector.multi_reduction <add>, %convert_element_type3A_1604, %reduce_sum3A_1605 [1] : vector<256x128xf32> to vector<256xf32>
      %broadcast_in_dim3A_1607 = vector.shape_cast %reduce_sum3A_1606 : vector<256xf32> to vector<256x1xf32>
      %add3A_1608 = arith.addf %add3A_1602, %broadcast_in_dim3A_1607 : vector<256x1xf32>
      %convert_element_type3A_1609 = arith.extui %eq3A_1564 : vector<256x128xi1> to vector<256x128xi32>
      %convert_element_type3A_1610 = arith.sitofp %convert_element_type3A_1609 : vector<256x128xi32> to vector<256x128xf32>
      %reduce_sum3A_1611 = arith.constant dense<0.000000e+00> : vector<256xf32>
      %reduce_sum3A_1612 = vector.multi_reduction <add>, %convert_element_type3A_1610, %reduce_sum3A_1611 [1] : vector<256x128xf32> to vector<256xf32>
      %broadcast_in_dim3A_1613 = vector.shape_cast %reduce_sum3A_1612 : vector<256xf32> to vector<256x1xf32>
      %add3A_1614 = arith.addf %add3A_1608, %broadcast_in_dim3A_1613 : vector<256x1xf32>
      %min3A_1615 = arith.minimumf %add3A_1614, %sub3A_1522 : vector<256x1xf32>
      %add3A_1616 = arith.addf %broadcast_in_dim3A_1548, %broadcast_in_dim3A : vector<256x1xf32>
      %gt3A_1617 = arith.constant 0.000000e+00 : f32
      %gt3A_1618 = vector.broadcast %gt3A_1617 : f32 to vector<256x1xf32>
      %gt3A_1619 = arith.cmpf ogt, %add3A_1616, %gt3A_1618 : vector<256x1xf32>
      %gt3A_1620 = arith.constant 0.000000e+00 : f32
      %gt3A_1621 = vector.broadcast %gt3A_1620 : f32 to vector<256x1xf32>
      %gt3A_1622 = arith.cmpf ogt, %add3A_1616, %gt3A_1621 : vector<256x1xf32>
      %jit3A_1623 = arith.constant 1.000000e+00 : f32
      %broadcast_in_dim3A_1624 = vector.broadcast %jit3A_1623 : f32 to vector<256x1xf32>
      %select_n3A_1625 = arith.select %gt3A_1622, %add3A_1616, %broadcast_in_dim3A_1624 : vector<256x1xi1>, vector<256x1xf32>
      %sqrt3A_1626 = math.sqrt %select_n3A_1625 : vector<256x1xf32>
      %jit3A_1627 = arith.constant 0.000000e+00 : f32
      %broadcast_in_dim3A_1628 = vector.broadcast %jit3A_1627 : f32 to vector<256x1xf32>
      %select_n3A_1629 = arith.select %gt3A_1619, %sqrt3A_1626, %broadcast_in_dim3A_1628 : vector<256x1xi1>, vector<256x1xf32>
      %gt3A_1630 = arith.constant 0.000000e+00 : f32
      %gt3A_1631 = vector.broadcast %gt3A_1630 : f32 to vector<256x1xf32>
      %gt3A_1632 = arith.cmpf ogt, %min3A_1615, %gt3A_1631 : vector<256x1xf32>
      %mul3A_1633 = arith.mulf %min3A_1615, %select_n3A_1629 : vector<256x1xf32>
      %jit3A_1634 = arith.constant 0.000000e+00 : f32
      %broadcast_in_dim3A_1635 = vector.broadcast %jit3A_1634 : f32 to vector<256x1xf32>
      %select_n3A_1636 = arith.select %gt3A_1632, %mul3A_1633, %broadcast_in_dim3A_1635 : vector<256x1xi1>, vector<256x1xf32>
      %add3A_1637 = arith.addf %add3A_1521, %select_n3A_1636 : vector<256x1xf32>
      %sub3A_1638 = arith.subf %sub3A_1522, %min3A_1615 : vector<256x1xf32>
      %broadcast_in_dim3A_1639 = vector.broadcast %cond3A_896 : f32 to vector<256x128xf32>
      %select_n3A_1640 = arith.select %eq3A_1550, %broadcast_in_dim3A_1639, %select_n3A_1524 : vector<256x128xi1>, vector<256x128xf32>
      %broadcast_in_dim3A_1641 = vector.broadcast %cond3A_896 : f32 to vector<256x128xf32>
      %select_n3A_1642 = arith.select %eq3A_1552, %broadcast_in_dim3A_1641, %select_n3A_1526 : vector<256x128xi1>, vector<256x128xf32>
      %broadcast_in_dim3A_1643 = vector.broadcast %cond3A_896 : f32 to vector<256x128xf32>
      %select_n3A_1644 = arith.select %eq3A_1554, %broadcast_in_dim3A_1643, %select_n3A_1528 : vector<256x128xi1>, vector<256x128xf32>
      %broadcast_in_dim3A_1645 = vector.broadcast %cond3A_896 : f32 to vector<256x128xf32>
      %select_n3A_1646 = arith.select %eq3A_1556, %broadcast_in_dim3A_1645, %select_n3A_1530 : vector<256x128xi1>, vector<256x128xf32>
      %broadcast_in_dim3A_1647 = vector.broadcast %cond3A_896 : f32 to vector<256x128xf32>
      %select_n3A_1648 = arith.select %eq3A_1558, %broadcast_in_dim3A_1647, %select_n3A_1532 : vector<256x128xi1>, vector<256x128xf32>
      %broadcast_in_dim3A_1649 = vector.broadcast %cond3A_896 : f32 to vector<256x128xf32>
      %select_n3A_1650 = arith.select %eq3A_1560, %broadcast_in_dim3A_1649, %select_n3A_1534 : vector<256x128xi1>, vector<256x128xf32>
      %broadcast_in_dim3A_1651 = vector.broadcast %cond3A_896 : f32 to vector<256x128xf32>
      %select_n3A_1652 = arith.select %eq3A_1562, %broadcast_in_dim3A_1651, %select_n3A_1536 : vector<256x128xi1>, vector<256x128xf32>
      %broadcast_in_dim3A_1653 = vector.broadcast %cond3A_896 : f32 to vector<256x128xf32>
      %select_n3A_1654 = arith.select %eq3A_1564, %broadcast_in_dim3A_1653, %select_n3A_1538 : vector<256x128xi1>, vector<256x128xf32>
      %min3A_1655 = arith.minimumf %select_n3A_1640, %select_n3A_1642 : vector<256x128xf32>
      %min3A_1656 = arith.minimumf %min3A_1655, %select_n3A_1644 : vector<256x128xf32>
      %min3A_1657 = arith.minimumf %min3A_1656, %select_n3A_1646 : vector<256x128xf32>
      %min3A_1658 = arith.minimumf %min3A_1657, %select_n3A_1648 : vector<256x128xf32>
      %min3A_1659 = arith.minimumf %min3A_1658, %select_n3A_1650 : vector<256x128xf32>
      %min3A_1660 = arith.minimumf %min3A_1659, %select_n3A_1652 : vector<256x128xf32>
      %min3A_1661 = arith.minimumf %min3A_1660, %select_n3A_1654 : vector<256x128xf32>
      %reduce_min3A_1662 = arith.constant dense<0x7F800000> : vector<256xf32>
      %reduce_min3A_1663 = vector.multi_reduction <minimumf>, %min3A_1661, %reduce_min3A_1662 [1] : vector<256x128xf32> to vector<256xf32>
      %broadcast_in_dim3A_1664 = vector.shape_cast %reduce_min3A_1663 : vector<256xf32> to vector<256x1xf32>
      %eq3A_1665 = vector.broadcast %broadcast_in_dim3A_1664 : vector<256x1xf32> to vector<256x128xf32>
      %eq3A_1666 = arith.cmpf oeq, %select_n3A_1640, %eq3A_1665 : vector<256x128xf32>
      %eq3A_1667 = vector.broadcast %broadcast_in_dim3A_1664 : vector<256x1xf32> to vector<256x128xf32>
      %eq3A_1668 = arith.cmpf oeq, %select_n3A_1642, %eq3A_1667 : vector<256x128xf32>
      %eq3A_1669 = vector.broadcast %broadcast_in_dim3A_1664 : vector<256x1xf32> to vector<256x128xf32>
      %eq3A_1670 = arith.cmpf oeq, %select_n3A_1644, %eq3A_1669 : vector<256x128xf32>
      %eq3A_1671 = vector.broadcast %broadcast_in_dim3A_1664 : vector<256x1xf32> to vector<256x128xf32>
      %eq3A_1672 = arith.cmpf oeq, %select_n3A_1646, %eq3A_1671 : vector<256x128xf32>
      %eq3A_1673 = vector.broadcast %broadcast_in_dim3A_1664 : vector<256x1xf32> to vector<256x128xf32>
      %eq3A_1674 = arith.cmpf oeq, %select_n3A_1648, %eq3A_1673 : vector<256x128xf32>
      %eq3A_1675 = vector.broadcast %broadcast_in_dim3A_1664 : vector<256x1xf32> to vector<256x128xf32>
      %eq3A_1676 = arith.cmpf oeq, %select_n3A_1650, %eq3A_1675 : vector<256x128xf32>
      %eq3A_1677 = vector.broadcast %broadcast_in_dim3A_1664 : vector<256x1xf32> to vector<256x128xf32>
      %eq3A_1678 = arith.cmpf oeq, %select_n3A_1652, %eq3A_1677 : vector<256x128xf32>
      %eq3A_1679 = vector.broadcast %broadcast_in_dim3A_1664 : vector<256x1xf32> to vector<256x128xf32>
      %eq3A_1680 = arith.cmpf oeq, %select_n3A_1654, %eq3A_1679 : vector<256x128xf32>
      %broadcast_in_dim3A_1681 = arith.constant 0.000000e+00 : f32
      %broadcast_in_dim3A_1682 = vector.broadcast %broadcast_in_dim3A_1681 : f32 to vector<256x1xf32>
      %convert_element_type3A_1683 = arith.extui %eq3A_1666 : vector<256x128xi1> to vector<256x128xi32>
      %convert_element_type3A_1684 = arith.sitofp %convert_element_type3A_1683 : vector<256x128xi32> to vector<256x128xf32>
      %reduce_sum3A_1685 = arith.constant dense<0.000000e+00> : vector<256xf32>
      %reduce_sum3A_1686 = vector.multi_reduction <add>, %convert_element_type3A_1684, %reduce_sum3A_1685 [1] : vector<256x128xf32> to vector<256xf32>
      %broadcast_in_dim3A_1687 = vector.shape_cast %reduce_sum3A_1686 : vector<256xf32> to vector<256x1xf32>
      %add3A_1688 = arith.addf %broadcast_in_dim3A_1682, %broadcast_in_dim3A_1687 : vector<256x1xf32>
      %convert_element_type3A_1689 = arith.extui %eq3A_1668 : vector<256x128xi1> to vector<256x128xi32>
      %convert_element_type3A_1690 = arith.sitofp %convert_element_type3A_1689 : vector<256x128xi32> to vector<256x128xf32>
      %reduce_sum3A_1691 = arith.constant dense<0.000000e+00> : vector<256xf32>
      %reduce_sum3A_1692 = vector.multi_reduction <add>, %convert_element_type3A_1690, %reduce_sum3A_1691 [1] : vector<256x128xf32> to vector<256xf32>
      %broadcast_in_dim3A_1693 = vector.shape_cast %reduce_sum3A_1692 : vector<256xf32> to vector<256x1xf32>
      %add3A_1694 = arith.addf %add3A_1688, %broadcast_in_dim3A_1693 : vector<256x1xf32>
      %convert_element_type3A_1695 = arith.extui %eq3A_1670 : vector<256x128xi1> to vector<256x128xi32>
      %convert_element_type3A_1696 = arith.sitofp %convert_element_type3A_1695 : vector<256x128xi32> to vector<256x128xf32>
      %reduce_sum3A_1697 = arith.constant dense<0.000000e+00> : vector<256xf32>
      %reduce_sum3A_1698 = vector.multi_reduction <add>, %convert_element_type3A_1696, %reduce_sum3A_1697 [1] : vector<256x128xf32> to vector<256xf32>
      %broadcast_in_dim3A_1699 = vector.shape_cast %reduce_sum3A_1698 : vector<256xf32> to vector<256x1xf32>
      %add3A_1700 = arith.addf %add3A_1694, %broadcast_in_dim3A_1699 : vector<256x1xf32>
      %convert_element_type3A_1701 = arith.extui %eq3A_1672 : vector<256x128xi1> to vector<256x128xi32>
      %convert_element_type3A_1702 = arith.sitofp %convert_element_type3A_1701 : vector<256x128xi32> to vector<256x128xf32>
      %reduce_sum3A_1703 = arith.constant dense<0.000000e+00> : vector<256xf32>
      %reduce_sum3A_1704 = vector.multi_reduction <add>, %convert_element_type3A_1702, %reduce_sum3A_1703 [1] : vector<256x128xf32> to vector<256xf32>
      %broadcast_in_dim3A_1705 = vector.shape_cast %reduce_sum3A_1704 : vector<256xf32> to vector<256x1xf32>
      %add3A_1706 = arith.addf %add3A_1700, %broadcast_in_dim3A_1705 : vector<256x1xf32>
      %convert_element_type3A_1707 = arith.extui %eq3A_1674 : vector<256x128xi1> to vector<256x128xi32>
      %convert_element_type3A_1708 = arith.sitofp %convert_element_type3A_1707 : vector<256x128xi32> to vector<256x128xf32>
      %reduce_sum3A_1709 = arith.constant dense<0.000000e+00> : vector<256xf32>
      %reduce_sum3A_1710 = vector.multi_reduction <add>, %convert_element_type3A_1708, %reduce_sum3A_1709 [1] : vector<256x128xf32> to vector<256xf32>
      %broadcast_in_dim3A_1711 = vector.shape_cast %reduce_sum3A_1710 : vector<256xf32> to vector<256x1xf32>
      %add3A_1712 = arith.addf %add3A_1706, %broadcast_in_dim3A_1711 : vector<256x1xf32>
      %convert_element_type3A_1713 = arith.extui %eq3A_1676 : vector<256x128xi1> to vector<256x128xi32>
      %convert_element_type3A_1714 = arith.sitofp %convert_element_type3A_1713 : vector<256x128xi32> to vector<256x128xf32>
      %reduce_sum3A_1715 = arith.constant dense<0.000000e+00> : vector<256xf32>
      %reduce_sum3A_1716 = vector.multi_reduction <add>, %convert_element_type3A_1714, %reduce_sum3A_1715 [1] : vector<256x128xf32> to vector<256xf32>
      %broadcast_in_dim3A_1717 = vector.shape_cast %reduce_sum3A_1716 : vector<256xf32> to vector<256x1xf32>
      %add3A_1718 = arith.addf %add3A_1712, %broadcast_in_dim3A_1717 : vector<256x1xf32>
      %convert_element_type3A_1719 = arith.extui %eq3A_1678 : vector<256x128xi1> to vector<256x128xi32>
      %convert_element_type3A_1720 = arith.sitofp %convert_element_type3A_1719 : vector<256x128xi32> to vector<256x128xf32>
      %reduce_sum3A_1721 = arith.constant dense<0.000000e+00> : vector<256xf32>
      %reduce_sum3A_1722 = vector.multi_reduction <add>, %convert_element_type3A_1720, %reduce_sum3A_1721 [1] : vector<256x128xf32> to vector<256xf32>
      %broadcast_in_dim3A_1723 = vector.shape_cast %reduce_sum3A_1722 : vector<256xf32> to vector<256x1xf32>
      %add3A_1724 = arith.addf %add3A_1718, %broadcast_in_dim3A_1723 : vector<256x1xf32>
      %convert_element_type3A_1725 = arith.extui %eq3A_1680 : vector<256x128xi1> to vector<256x128xi32>
      %convert_element_type3A_1726 = arith.sitofp %convert_element_type3A_1725 : vector<256x128xi32> to vector<256x128xf32>
      %reduce_sum3A_1727 = arith.constant dense<0.000000e+00> : vector<256xf32>
      %reduce_sum3A_1728 = vector.multi_reduction <add>, %convert_element_type3A_1726, %reduce_sum3A_1727 [1] : vector<256x128xf32> to vector<256xf32>
      %broadcast_in_dim3A_1729 = vector.shape_cast %reduce_sum3A_1728 : vector<256xf32> to vector<256x1xf32>
      %add3A_1730 = arith.addf %add3A_1724, %broadcast_in_dim3A_1729 : vector<256x1xf32>
      %min3A_1731 = arith.minimumf %add3A_1730, %sub3A_1638 : vector<256x1xf32>
      %add3A_1732 = arith.addf %broadcast_in_dim3A_1664, %broadcast_in_dim3A : vector<256x1xf32>
      %gt3A_1733 = arith.constant 0.000000e+00 : f32
      %gt3A_1734 = vector.broadcast %gt3A_1733 : f32 to vector<256x1xf32>
      %gt3A_1735 = arith.cmpf ogt, %add3A_1732, %gt3A_1734 : vector<256x1xf32>
      %gt3A_1736 = arith.constant 0.000000e+00 : f32
      %gt3A_1737 = vector.broadcast %gt3A_1736 : f32 to vector<256x1xf32>
      %gt3A_1738 = arith.cmpf ogt, %add3A_1732, %gt3A_1737 : vector<256x1xf32>
      %jit3A_1739 = arith.constant 1.000000e+00 : f32
      %broadcast_in_dim3A_1740 = vector.broadcast %jit3A_1739 : f32 to vector<256x1xf32>
      %select_n3A_1741 = arith.select %gt3A_1738, %add3A_1732, %broadcast_in_dim3A_1740 : vector<256x1xi1>, vector<256x1xf32>
      %sqrt3A_1742 = math.sqrt %select_n3A_1741 : vector<256x1xf32>
      %jit3A_1743 = arith.constant 0.000000e+00 : f32
      %broadcast_in_dim3A_1744 = vector.broadcast %jit3A_1743 : f32 to vector<256x1xf32>
      %select_n3A_1745 = arith.select %gt3A_1735, %sqrt3A_1742, %broadcast_in_dim3A_1744 : vector<256x1xi1>, vector<256x1xf32>
      %gt3A_1746 = arith.constant 0.000000e+00 : f32
      %gt3A_1747 = vector.broadcast %gt3A_1746 : f32 to vector<256x1xf32>
      %gt3A_1748 = arith.cmpf ogt, %min3A_1731, %gt3A_1747 : vector<256x1xf32>
      %mul3A_1749 = arith.mulf %min3A_1731, %select_n3A_1745 : vector<256x1xf32>
      %jit3A_1750 = arith.constant 0.000000e+00 : f32
      %broadcast_in_dim3A_1751 = vector.broadcast %jit3A_1750 : f32 to vector<256x1xf32>
      %select_n3A_1752 = arith.select %gt3A_1748, %mul3A_1749, %broadcast_in_dim3A_1751 : vector<256x1xi1>, vector<256x1xf32>
      %add3A_1753 = arith.addf %add3A_1637, %select_n3A_1752 : vector<256x1xf32>
      %sub3A_1754 = arith.subf %sub3A_1638, %min3A_1731 : vector<256x1xf32>
      %broadcast_in_dim3A_1755 = vector.broadcast %cond3A_896 : f32 to vector<256x128xf32>
      %select_n3A_1756 = arith.select %eq3A_1666, %broadcast_in_dim3A_1755, %select_n3A_1640 : vector<256x128xi1>, vector<256x128xf32>
      %broadcast_in_dim3A_1757 = vector.broadcast %cond3A_896 : f32 to vector<256x128xf32>
      %select_n3A_1758 = arith.select %eq3A_1668, %broadcast_in_dim3A_1757, %select_n3A_1642 : vector<256x128xi1>, vector<256x128xf32>
      %broadcast_in_dim3A_1759 = vector.broadcast %cond3A_896 : f32 to vector<256x128xf32>
      %select_n3A_1760 = arith.select %eq3A_1670, %broadcast_in_dim3A_1759, %select_n3A_1644 : vector<256x128xi1>, vector<256x128xf32>
      %broadcast_in_dim3A_1761 = vector.broadcast %cond3A_896 : f32 to vector<256x128xf32>
      %select_n3A_1762 = arith.select %eq3A_1672, %broadcast_in_dim3A_1761, %select_n3A_1646 : vector<256x128xi1>, vector<256x128xf32>
      %broadcast_in_dim3A_1763 = vector.broadcast %cond3A_896 : f32 to vector<256x128xf32>
      %select_n3A_1764 = arith.select %eq3A_1674, %broadcast_in_dim3A_1763, %select_n3A_1648 : vector<256x128xi1>, vector<256x128xf32>
      %broadcast_in_dim3A_1765 = vector.broadcast %cond3A_896 : f32 to vector<256x128xf32>
      %select_n3A_1766 = arith.select %eq3A_1676, %broadcast_in_dim3A_1765, %select_n3A_1650 : vector<256x128xi1>, vector<256x128xf32>
      %broadcast_in_dim3A_1767 = vector.broadcast %cond3A_896 : f32 to vector<256x128xf32>
      %select_n3A_1768 = arith.select %eq3A_1678, %broadcast_in_dim3A_1767, %select_n3A_1652 : vector<256x128xi1>, vector<256x128xf32>
      %broadcast_in_dim3A_1769 = vector.broadcast %cond3A_896 : f32 to vector<256x128xf32>
      %select_n3A_1770 = arith.select %eq3A_1680, %broadcast_in_dim3A_1769, %select_n3A_1654 : vector<256x128xi1>, vector<256x128xf32>
      %min3A_1771 = arith.minimumf %select_n3A_1756, %select_n3A_1758 : vector<256x128xf32>
      %min3A_1772 = arith.minimumf %min3A_1771, %select_n3A_1760 : vector<256x128xf32>
      %min3A_1773 = arith.minimumf %min3A_1772, %select_n3A_1762 : vector<256x128xf32>
      %min3A_1774 = arith.minimumf %min3A_1773, %select_n3A_1764 : vector<256x128xf32>
      %min3A_1775 = arith.minimumf %min3A_1774, %select_n3A_1766 : vector<256x128xf32>
      %min3A_1776 = arith.minimumf %min3A_1775, %select_n3A_1768 : vector<256x128xf32>
      %min3A_1777 = arith.minimumf %min3A_1776, %select_n3A_1770 : vector<256x128xf32>
      %reduce_min3A_1778 = arith.constant dense<0x7F800000> : vector<256xf32>
      %reduce_min3A_1779 = vector.multi_reduction <minimumf>, %min3A_1777, %reduce_min3A_1778 [1] : vector<256x128xf32> to vector<256xf32>
      %broadcast_in_dim3A_1780 = vector.shape_cast %reduce_min3A_1779 : vector<256xf32> to vector<256x1xf32>
      %eq3A_1781 = vector.broadcast %broadcast_in_dim3A_1780 : vector<256x1xf32> to vector<256x128xf32>
      %eq3A_1782 = arith.cmpf oeq, %select_n3A_1756, %eq3A_1781 : vector<256x128xf32>
      %eq3A_1783 = vector.broadcast %broadcast_in_dim3A_1780 : vector<256x1xf32> to vector<256x128xf32>
      %eq3A_1784 = arith.cmpf oeq, %select_n3A_1758, %eq3A_1783 : vector<256x128xf32>
      %eq3A_1785 = vector.broadcast %broadcast_in_dim3A_1780 : vector<256x1xf32> to vector<256x128xf32>
      %eq3A_1786 = arith.cmpf oeq, %select_n3A_1760, %eq3A_1785 : vector<256x128xf32>
      %eq3A_1787 = vector.broadcast %broadcast_in_dim3A_1780 : vector<256x1xf32> to vector<256x128xf32>
      %eq3A_1788 = arith.cmpf oeq, %select_n3A_1762, %eq3A_1787 : vector<256x128xf32>
      %eq3A_1789 = vector.broadcast %broadcast_in_dim3A_1780 : vector<256x1xf32> to vector<256x128xf32>
      %eq3A_1790 = arith.cmpf oeq, %select_n3A_1764, %eq3A_1789 : vector<256x128xf32>
      %eq3A_1791 = vector.broadcast %broadcast_in_dim3A_1780 : vector<256x1xf32> to vector<256x128xf32>
      %eq3A_1792 = arith.cmpf oeq, %select_n3A_1766, %eq3A_1791 : vector<256x128xf32>
      %eq3A_1793 = vector.broadcast %broadcast_in_dim3A_1780 : vector<256x1xf32> to vector<256x128xf32>
      %eq3A_1794 = arith.cmpf oeq, %select_n3A_1768, %eq3A_1793 : vector<256x128xf32>
      %eq3A_1795 = vector.broadcast %broadcast_in_dim3A_1780 : vector<256x1xf32> to vector<256x128xf32>
      %eq3A_1796 = arith.cmpf oeq, %select_n3A_1770, %eq3A_1795 : vector<256x128xf32>
      %broadcast_in_dim3A_1797 = arith.constant 0.000000e+00 : f32
      %broadcast_in_dim3A_1798 = vector.broadcast %broadcast_in_dim3A_1797 : f32 to vector<256x1xf32>
      %convert_element_type3A_1799 = arith.extui %eq3A_1782 : vector<256x128xi1> to vector<256x128xi32>
      %convert_element_type3A_1800 = arith.sitofp %convert_element_type3A_1799 : vector<256x128xi32> to vector<256x128xf32>
      %reduce_sum3A_1801 = arith.constant dense<0.000000e+00> : vector<256xf32>
      %reduce_sum3A_1802 = vector.multi_reduction <add>, %convert_element_type3A_1800, %reduce_sum3A_1801 [1] : vector<256x128xf32> to vector<256xf32>
      %broadcast_in_dim3A_1803 = vector.shape_cast %reduce_sum3A_1802 : vector<256xf32> to vector<256x1xf32>
      %add3A_1804 = arith.addf %broadcast_in_dim3A_1798, %broadcast_in_dim3A_1803 : vector<256x1xf32>
      %convert_element_type3A_1805 = arith.extui %eq3A_1784 : vector<256x128xi1> to vector<256x128xi32>
      %convert_element_type3A_1806 = arith.sitofp %convert_element_type3A_1805 : vector<256x128xi32> to vector<256x128xf32>
      %reduce_sum3A_1807 = arith.constant dense<0.000000e+00> : vector<256xf32>
      %reduce_sum3A_1808 = vector.multi_reduction <add>, %convert_element_type3A_1806, %reduce_sum3A_1807 [1] : vector<256x128xf32> to vector<256xf32>
      %broadcast_in_dim3A_1809 = vector.shape_cast %reduce_sum3A_1808 : vector<256xf32> to vector<256x1xf32>
      %add3A_1810 = arith.addf %add3A_1804, %broadcast_in_dim3A_1809 : vector<256x1xf32>
      %convert_element_type3A_1811 = arith.extui %eq3A_1786 : vector<256x128xi1> to vector<256x128xi32>
      %convert_element_type3A_1812 = arith.sitofp %convert_element_type3A_1811 : vector<256x128xi32> to vector<256x128xf32>
      %reduce_sum3A_1813 = arith.constant dense<0.000000e+00> : vector<256xf32>
      %reduce_sum3A_1814 = vector.multi_reduction <add>, %convert_element_type3A_1812, %reduce_sum3A_1813 [1] : vector<256x128xf32> to vector<256xf32>
      %broadcast_in_dim3A_1815 = vector.shape_cast %reduce_sum3A_1814 : vector<256xf32> to vector<256x1xf32>
      %add3A_1816 = arith.addf %add3A_1810, %broadcast_in_dim3A_1815 : vector<256x1xf32>
      %convert_element_type3A_1817 = arith.extui %eq3A_1788 : vector<256x128xi1> to vector<256x128xi32>
      %convert_element_type3A_1818 = arith.sitofp %convert_element_type3A_1817 : vector<256x128xi32> to vector<256x128xf32>
      %reduce_sum3A_1819 = arith.constant dense<0.000000e+00> : vector<256xf32>
      %reduce_sum3A_1820 = vector.multi_reduction <add>, %convert_element_type3A_1818, %reduce_sum3A_1819 [1] : vector<256x128xf32> to vector<256xf32>
      %broadcast_in_dim3A_1821 = vector.shape_cast %reduce_sum3A_1820 : vector<256xf32> to vector<256x1xf32>
      %add3A_1822 = arith.addf %add3A_1816, %broadcast_in_dim3A_1821 : vector<256x1xf32>
      %convert_element_type3A_1823 = arith.extui %eq3A_1790 : vector<256x128xi1> to vector<256x128xi32>
      %convert_element_type3A_1824 = arith.sitofp %convert_element_type3A_1823 : vector<256x128xi32> to vector<256x128xf32>
      %reduce_sum3A_1825 = arith.constant dense<0.000000e+00> : vector<256xf32>
      %reduce_sum3A_1826 = vector.multi_reduction <add>, %convert_element_type3A_1824, %reduce_sum3A_1825 [1] : vector<256x128xf32> to vector<256xf32>
      %broadcast_in_dim3A_1827 = vector.shape_cast %reduce_sum3A_1826 : vector<256xf32> to vector<256x1xf32>
      %add3A_1828 = arith.addf %add3A_1822, %broadcast_in_dim3A_1827 : vector<256x1xf32>
      %convert_element_type3A_1829 = arith.extui %eq3A_1792 : vector<256x128xi1> to vector<256x128xi32>
      %convert_element_type3A_1830 = arith.sitofp %convert_element_type3A_1829 : vector<256x128xi32> to vector<256x128xf32>
      %reduce_sum3A_1831 = arith.constant dense<0.000000e+00> : vector<256xf32>
      %reduce_sum3A_1832 = vector.multi_reduction <add>, %convert_element_type3A_1830, %reduce_sum3A_1831 [1] : vector<256x128xf32> to vector<256xf32>
      %broadcast_in_dim3A_1833 = vector.shape_cast %reduce_sum3A_1832 : vector<256xf32> to vector<256x1xf32>
      %add3A_1834 = arith.addf %add3A_1828, %broadcast_in_dim3A_1833 : vector<256x1xf32>
      %convert_element_type3A_1835 = arith.extui %eq3A_1794 : vector<256x128xi1> to vector<256x128xi32>
      %convert_element_type3A_1836 = arith.sitofp %convert_element_type3A_1835 : vector<256x128xi32> to vector<256x128xf32>
      %reduce_sum3A_1837 = arith.constant dense<0.000000e+00> : vector<256xf32>
      %reduce_sum3A_1838 = vector.multi_reduction <add>, %convert_element_type3A_1836, %reduce_sum3A_1837 [1] : vector<256x128xf32> to vector<256xf32>
      %broadcast_in_dim3A_1839 = vector.shape_cast %reduce_sum3A_1838 : vector<256xf32> to vector<256x1xf32>
      %add3A_1840 = arith.addf %add3A_1834, %broadcast_in_dim3A_1839 : vector<256x1xf32>
      %convert_element_type3A_1841 = arith.extui %eq3A_1796 : vector<256x128xi1> to vector<256x128xi32>
      %convert_element_type3A_1842 = arith.sitofp %convert_element_type3A_1841 : vector<256x128xi32> to vector<256x128xf32>
      %reduce_sum3A_1843 = arith.constant dense<0.000000e+00> : vector<256xf32>
      %reduce_sum3A_1844 = vector.multi_reduction <add>, %convert_element_type3A_1842, %reduce_sum3A_1843 [1] : vector<256x128xf32> to vector<256xf32>
      %broadcast_in_dim3A_1845 = vector.shape_cast %reduce_sum3A_1844 : vector<256xf32> to vector<256x1xf32>
      %add3A_1846 = arith.addf %add3A_1840, %broadcast_in_dim3A_1845 : vector<256x1xf32>
      %min3A_1847 = arith.minimumf %add3A_1846, %sub3A_1754 : vector<256x1xf32>
      %add3A_1848 = arith.addf %broadcast_in_dim3A_1780, %broadcast_in_dim3A : vector<256x1xf32>
      %gt3A_1849 = arith.constant 0.000000e+00 : f32
      %gt3A_1850 = vector.broadcast %gt3A_1849 : f32 to vector<256x1xf32>
      %gt3A_1851 = arith.cmpf ogt, %add3A_1848, %gt3A_1850 : vector<256x1xf32>
      %gt3A_1852 = arith.constant 0.000000e+00 : f32
      %gt3A_1853 = vector.broadcast %gt3A_1852 : f32 to vector<256x1xf32>
      %gt3A_1854 = arith.cmpf ogt, %add3A_1848, %gt3A_1853 : vector<256x1xf32>
      %jit3A_1855 = arith.constant 1.000000e+00 : f32
      %broadcast_in_dim3A_1856 = vector.broadcast %jit3A_1855 : f32 to vector<256x1xf32>
      %select_n3A_1857 = arith.select %gt3A_1854, %add3A_1848, %broadcast_in_dim3A_1856 : vector<256x1xi1>, vector<256x1xf32>
      %sqrt3A_1858 = math.sqrt %select_n3A_1857 : vector<256x1xf32>
      %jit3A_1859 = arith.constant 0.000000e+00 : f32
      %broadcast_in_dim3A_1860 = vector.broadcast %jit3A_1859 : f32 to vector<256x1xf32>
      %select_n3A_1861 = arith.select %gt3A_1851, %sqrt3A_1858, %broadcast_in_dim3A_1860 : vector<256x1xi1>, vector<256x1xf32>
      %gt3A_1862 = arith.constant 0.000000e+00 : f32
      %gt3A_1863 = vector.broadcast %gt3A_1862 : f32 to vector<256x1xf32>
      %gt3A_1864 = arith.cmpf ogt, %min3A_1847, %gt3A_1863 : vector<256x1xf32>
      %mul3A_1865 = arith.mulf %min3A_1847, %select_n3A_1861 : vector<256x1xf32>
      %jit3A_1866 = arith.constant 0.000000e+00 : f32
      %broadcast_in_dim3A_1867 = vector.broadcast %jit3A_1866 : f32 to vector<256x1xf32>
      %select_n3A_1868 = arith.select %gt3A_1864, %mul3A_1865, %broadcast_in_dim3A_1867 : vector<256x1xi1>, vector<256x1xf32>
      %add3A_1869 = arith.addf %add3A_1753, %select_n3A_1868 : vector<256x1xf32>
      %sub3A_1870 = arith.subf %sub3A_1754, %min3A_1847 : vector<256x1xf32>
      %broadcast_in_dim3A_1871 = vector.broadcast %cond3A_896 : f32 to vector<256x128xf32>
      %select_n3A_1872 = arith.select %eq3A_1782, %broadcast_in_dim3A_1871, %select_n3A_1756 : vector<256x128xi1>, vector<256x128xf32>
      %broadcast_in_dim3A_1873 = vector.broadcast %cond3A_896 : f32 to vector<256x128xf32>
      %select_n3A_1874 = arith.select %eq3A_1784, %broadcast_in_dim3A_1873, %select_n3A_1758 : vector<256x128xi1>, vector<256x128xf32>
      %broadcast_in_dim3A_1875 = vector.broadcast %cond3A_896 : f32 to vector<256x128xf32>
      %select_n3A_1876 = arith.select %eq3A_1786, %broadcast_in_dim3A_1875, %select_n3A_1760 : vector<256x128xi1>, vector<256x128xf32>
      %broadcast_in_dim3A_1877 = vector.broadcast %cond3A_896 : f32 to vector<256x128xf32>
      %select_n3A_1878 = arith.select %eq3A_1788, %broadcast_in_dim3A_1877, %select_n3A_1762 : vector<256x128xi1>, vector<256x128xf32>
      %broadcast_in_dim3A_1879 = vector.broadcast %cond3A_896 : f32 to vector<256x128xf32>
      %select_n3A_1880 = arith.select %eq3A_1790, %broadcast_in_dim3A_1879, %select_n3A_1764 : vector<256x128xi1>, vector<256x128xf32>
      %broadcast_in_dim3A_1881 = vector.broadcast %cond3A_896 : f32 to vector<256x128xf32>
      %select_n3A_1882 = arith.select %eq3A_1792, %broadcast_in_dim3A_1881, %select_n3A_1766 : vector<256x128xi1>, vector<256x128xf32>
      %broadcast_in_dim3A_1883 = vector.broadcast %cond3A_896 : f32 to vector<256x128xf32>
      %select_n3A_1884 = arith.select %eq3A_1794, %broadcast_in_dim3A_1883, %select_n3A_1768 : vector<256x128xi1>, vector<256x128xf32>
      %broadcast_in_dim3A_1885 = vector.broadcast %cond3A_896 : f32 to vector<256x128xf32>
      %select_n3A_1886 = arith.select %eq3A_1796, %broadcast_in_dim3A_1885, %select_n3A_1770 : vector<256x128xi1>, vector<256x128xf32>
      %min3A_1887 = arith.minimumf %select_n3A_1872, %select_n3A_1874 : vector<256x128xf32>
      %min3A_1888 = arith.minimumf %min3A_1887, %select_n3A_1876 : vector<256x128xf32>
      %min3A_1889 = arith.minimumf %min3A_1888, %select_n3A_1878 : vector<256x128xf32>
      %min3A_1890 = arith.minimumf %min3A_1889, %select_n3A_1880 : vector<256x128xf32>
      %min3A_1891 = arith.minimumf %min3A_1890, %select_n3A_1882 : vector<256x128xf32>
      %min3A_1892 = arith.minimumf %min3A_1891, %select_n3A_1884 : vector<256x128xf32>
      %min3A_1893 = arith.minimumf %min3A_1892, %select_n3A_1886 : vector<256x128xf32>
      %reduce_min3A_1894 = arith.constant dense<0x7F800000> : vector<256xf32>
      %reduce_min3A_1895 = vector.multi_reduction <minimumf>, %min3A_1893, %reduce_min3A_1894 [1] : vector<256x128xf32> to vector<256xf32>
      %broadcast_in_dim3A_1896 = vector.shape_cast %reduce_min3A_1895 : vector<256xf32> to vector<256x1xf32>
      %eq3A_1897 = vector.broadcast %broadcast_in_dim3A_1896 : vector<256x1xf32> to vector<256x128xf32>
      %eq3A_1898 = arith.cmpf oeq, %select_n3A_1872, %eq3A_1897 : vector<256x128xf32>
      %eq3A_1899 = vector.broadcast %broadcast_in_dim3A_1896 : vector<256x1xf32> to vector<256x128xf32>
      %eq3A_1900 = arith.cmpf oeq, %select_n3A_1874, %eq3A_1899 : vector<256x128xf32>
      %eq3A_1901 = vector.broadcast %broadcast_in_dim3A_1896 : vector<256x1xf32> to vector<256x128xf32>
      %eq3A_1902 = arith.cmpf oeq, %select_n3A_1876, %eq3A_1901 : vector<256x128xf32>
      %eq3A_1903 = vector.broadcast %broadcast_in_dim3A_1896 : vector<256x1xf32> to vector<256x128xf32>
      %eq3A_1904 = arith.cmpf oeq, %select_n3A_1878, %eq3A_1903 : vector<256x128xf32>
      %eq3A_1905 = vector.broadcast %broadcast_in_dim3A_1896 : vector<256x1xf32> to vector<256x128xf32>
      %eq3A_1906 = arith.cmpf oeq, %select_n3A_1880, %eq3A_1905 : vector<256x128xf32>
      %eq3A_1907 = vector.broadcast %broadcast_in_dim3A_1896 : vector<256x1xf32> to vector<256x128xf32>
      %eq3A_1908 = arith.cmpf oeq, %select_n3A_1882, %eq3A_1907 : vector<256x128xf32>
      %eq3A_1909 = vector.broadcast %broadcast_in_dim3A_1896 : vector<256x1xf32> to vector<256x128xf32>
      %eq3A_1910 = arith.cmpf oeq, %select_n3A_1884, %eq3A_1909 : vector<256x128xf32>
      %eq3A_1911 = vector.broadcast %broadcast_in_dim3A_1896 : vector<256x1xf32> to vector<256x128xf32>
      %eq3A_1912 = arith.cmpf oeq, %select_n3A_1886, %eq3A_1911 : vector<256x128xf32>
      %broadcast_in_dim3A_1913 = arith.constant 0.000000e+00 : f32
      %broadcast_in_dim3A_1914 = vector.broadcast %broadcast_in_dim3A_1913 : f32 to vector<256x1xf32>
      %convert_element_type3A_1915 = arith.extui %eq3A_1898 : vector<256x128xi1> to vector<256x128xi32>
      %convert_element_type3A_1916 = arith.sitofp %convert_element_type3A_1915 : vector<256x128xi32> to vector<256x128xf32>
      %reduce_sum3A_1917 = arith.constant dense<0.000000e+00> : vector<256xf32>
      %reduce_sum3A_1918 = vector.multi_reduction <add>, %convert_element_type3A_1916, %reduce_sum3A_1917 [1] : vector<256x128xf32> to vector<256xf32>
      %broadcast_in_dim3A_1919 = vector.shape_cast %reduce_sum3A_1918 : vector<256xf32> to vector<256x1xf32>
      %add3A_1920 = arith.addf %broadcast_in_dim3A_1914, %broadcast_in_dim3A_1919 : vector<256x1xf32>
      %convert_element_type3A_1921 = arith.extui %eq3A_1900 : vector<256x128xi1> to vector<256x128xi32>
      %convert_element_type3A_1922 = arith.sitofp %convert_element_type3A_1921 : vector<256x128xi32> to vector<256x128xf32>
      %reduce_sum3A_1923 = arith.constant dense<0.000000e+00> : vector<256xf32>
      %reduce_sum3A_1924 = vector.multi_reduction <add>, %convert_element_type3A_1922, %reduce_sum3A_1923 [1] : vector<256x128xf32> to vector<256xf32>
      %broadcast_in_dim3A_1925 = vector.shape_cast %reduce_sum3A_1924 : vector<256xf32> to vector<256x1xf32>
      %add3A_1926 = arith.addf %add3A_1920, %broadcast_in_dim3A_1925 : vector<256x1xf32>
      %convert_element_type3A_1927 = arith.extui %eq3A_1902 : vector<256x128xi1> to vector<256x128xi32>
      %convert_element_type3A_1928 = arith.sitofp %convert_element_type3A_1927 : vector<256x128xi32> to vector<256x128xf32>
      %reduce_sum3A_1929 = arith.constant dense<0.000000e+00> : vector<256xf32>
      %reduce_sum3A_1930 = vector.multi_reduction <add>, %convert_element_type3A_1928, %reduce_sum3A_1929 [1] : vector<256x128xf32> to vector<256xf32>
      %broadcast_in_dim3A_1931 = vector.shape_cast %reduce_sum3A_1930 : vector<256xf32> to vector<256x1xf32>
      %add3A_1932 = arith.addf %add3A_1926, %broadcast_in_dim3A_1931 : vector<256x1xf32>
      %convert_element_type3A_1933 = arith.extui %eq3A_1904 : vector<256x128xi1> to vector<256x128xi32>
      %convert_element_type3A_1934 = arith.sitofp %convert_element_type3A_1933 : vector<256x128xi32> to vector<256x128xf32>
      %reduce_sum3A_1935 = arith.constant dense<0.000000e+00> : vector<256xf32>
      %reduce_sum3A_1936 = vector.multi_reduction <add>, %convert_element_type3A_1934, %reduce_sum3A_1935 [1] : vector<256x128xf32> to vector<256xf32>
      %broadcast_in_dim3A_1937 = vector.shape_cast %reduce_sum3A_1936 : vector<256xf32> to vector<256x1xf32>
      %add3A_1938 = arith.addf %add3A_1932, %broadcast_in_dim3A_1937 : vector<256x1xf32>
      %convert_element_type3A_1939 = arith.extui %eq3A_1906 : vector<256x128xi1> to vector<256x128xi32>
      %convert_element_type3A_1940 = arith.sitofp %convert_element_type3A_1939 : vector<256x128xi32> to vector<256x128xf32>
      %reduce_sum3A_1941 = arith.constant dense<0.000000e+00> : vector<256xf32>
      %reduce_sum3A_1942 = vector.multi_reduction <add>, %convert_element_type3A_1940, %reduce_sum3A_1941 [1] : vector<256x128xf32> to vector<256xf32>
      %broadcast_in_dim3A_1943 = vector.shape_cast %reduce_sum3A_1942 : vector<256xf32> to vector<256x1xf32>
      %add3A_1944 = arith.addf %add3A_1938, %broadcast_in_dim3A_1943 : vector<256x1xf32>
      %convert_element_type3A_1945 = arith.extui %eq3A_1908 : vector<256x128xi1> to vector<256x128xi32>
      %convert_element_type3A_1946 = arith.sitofp %convert_element_type3A_1945 : vector<256x128xi32> to vector<256x128xf32>
      %reduce_sum3A_1947 = arith.constant dense<0.000000e+00> : vector<256xf32>
      %reduce_sum3A_1948 = vector.multi_reduction <add>, %convert_element_type3A_1946, %reduce_sum3A_1947 [1] : vector<256x128xf32> to vector<256xf32>
      %broadcast_in_dim3A_1949 = vector.shape_cast %reduce_sum3A_1948 : vector<256xf32> to vector<256x1xf32>
      %add3A_1950 = arith.addf %add3A_1944, %broadcast_in_dim3A_1949 : vector<256x1xf32>
      %convert_element_type3A_1951 = arith.extui %eq3A_1910 : vector<256x128xi1> to vector<256x128xi32>
      %convert_element_type3A_1952 = arith.sitofp %convert_element_type3A_1951 : vector<256x128xi32> to vector<256x128xf32>
      %reduce_sum3A_1953 = arith.constant dense<0.000000e+00> : vector<256xf32>
      %reduce_sum3A_1954 = vector.multi_reduction <add>, %convert_element_type3A_1952, %reduce_sum3A_1953 [1] : vector<256x128xf32> to vector<256xf32>
      %broadcast_in_dim3A_1955 = vector.shape_cast %reduce_sum3A_1954 : vector<256xf32> to vector<256x1xf32>
      %add3A_1956 = arith.addf %add3A_1950, %broadcast_in_dim3A_1955 : vector<256x1xf32>
      %convert_element_type3A_1957 = arith.extui %eq3A_1912 : vector<256x128xi1> to vector<256x128xi32>
      %convert_element_type3A_1958 = arith.sitofp %convert_element_type3A_1957 : vector<256x128xi32> to vector<256x128xf32>
      %reduce_sum3A_1959 = arith.constant dense<0.000000e+00> : vector<256xf32>
      %reduce_sum3A_1960 = vector.multi_reduction <add>, %convert_element_type3A_1958, %reduce_sum3A_1959 [1] : vector<256x128xf32> to vector<256xf32>
      %broadcast_in_dim3A_1961 = vector.shape_cast %reduce_sum3A_1960 : vector<256xf32> to vector<256x1xf32>
      %add3A_1962 = arith.addf %add3A_1956, %broadcast_in_dim3A_1961 : vector<256x1xf32>
      %min3A_1963 = arith.minimumf %add3A_1962, %sub3A_1870 : vector<256x1xf32>
      %add3A_1964 = arith.addf %broadcast_in_dim3A_1896, %broadcast_in_dim3A : vector<256x1xf32>
      %gt3A_1965 = arith.constant 0.000000e+00 : f32
      %gt3A_1966 = vector.broadcast %gt3A_1965 : f32 to vector<256x1xf32>
      %gt3A_1967 = arith.cmpf ogt, %add3A_1964, %gt3A_1966 : vector<256x1xf32>
      %gt3A_1968 = arith.constant 0.000000e+00 : f32
      %gt3A_1969 = vector.broadcast %gt3A_1968 : f32 to vector<256x1xf32>
      %gt3A_1970 = arith.cmpf ogt, %add3A_1964, %gt3A_1969 : vector<256x1xf32>
      %jit3A_1971 = arith.constant 1.000000e+00 : f32
      %broadcast_in_dim3A_1972 = vector.broadcast %jit3A_1971 : f32 to vector<256x1xf32>
      %select_n3A_1973 = arith.select %gt3A_1970, %add3A_1964, %broadcast_in_dim3A_1972 : vector<256x1xi1>, vector<256x1xf32>
      %sqrt3A_1974 = math.sqrt %select_n3A_1973 : vector<256x1xf32>
      %jit3A_1975 = arith.constant 0.000000e+00 : f32
      %broadcast_in_dim3A_1976 = vector.broadcast %jit3A_1975 : f32 to vector<256x1xf32>
      %select_n3A_1977 = arith.select %gt3A_1967, %sqrt3A_1974, %broadcast_in_dim3A_1976 : vector<256x1xi1>, vector<256x1xf32>
      %gt3A_1978 = arith.constant 0.000000e+00 : f32
      %gt3A_1979 = vector.broadcast %gt3A_1978 : f32 to vector<256x1xf32>
      %gt3A_1980 = arith.cmpf ogt, %min3A_1963, %gt3A_1979 : vector<256x1xf32>
      %mul3A_1981 = arith.mulf %min3A_1963, %select_n3A_1977 : vector<256x1xf32>
      %jit3A_1982 = arith.constant 0.000000e+00 : f32
      %broadcast_in_dim3A_1983 = vector.broadcast %jit3A_1982 : f32 to vector<256x1xf32>
      %select_n3A_1984 = arith.select %gt3A_1980, %mul3A_1981, %broadcast_in_dim3A_1983 : vector<256x1xi1>, vector<256x1xf32>
      %add3A_1985 = arith.addf %add3A_1869, %select_n3A_1984 : vector<256x1xf32>
      %sub3A_1986 = arith.subf %sub3A_1870, %min3A_1963 : vector<256x1xf32>
      %broadcast_in_dim3A_1987 = vector.broadcast %cond3A_896 : f32 to vector<256x128xf32>
      %select_n3A_1988 = arith.select %eq3A_1898, %broadcast_in_dim3A_1987, %select_n3A_1872 : vector<256x128xi1>, vector<256x128xf32>
      %broadcast_in_dim3A_1989 = vector.broadcast %cond3A_896 : f32 to vector<256x128xf32>
      %select_n3A_1990 = arith.select %eq3A_1900, %broadcast_in_dim3A_1989, %select_n3A_1874 : vector<256x128xi1>, vector<256x128xf32>
      %broadcast_in_dim3A_1991 = vector.broadcast %cond3A_896 : f32 to vector<256x128xf32>
      %select_n3A_1992 = arith.select %eq3A_1902, %broadcast_in_dim3A_1991, %select_n3A_1876 : vector<256x128xi1>, vector<256x128xf32>
      %broadcast_in_dim3A_1993 = vector.broadcast %cond3A_896 : f32 to vector<256x128xf32>
      %select_n3A_1994 = arith.select %eq3A_1904, %broadcast_in_dim3A_1993, %select_n3A_1878 : vector<256x128xi1>, vector<256x128xf32>
      %broadcast_in_dim3A_1995 = vector.broadcast %cond3A_896 : f32 to vector<256x128xf32>
      %select_n3A_1996 = arith.select %eq3A_1906, %broadcast_in_dim3A_1995, %select_n3A_1880 : vector<256x128xi1>, vector<256x128xf32>
      %broadcast_in_dim3A_1997 = vector.broadcast %cond3A_896 : f32 to vector<256x128xf32>
      %select_n3A_1998 = arith.select %eq3A_1908, %broadcast_in_dim3A_1997, %select_n3A_1882 : vector<256x128xi1>, vector<256x128xf32>
      %broadcast_in_dim3A_1999 = vector.broadcast %cond3A_896 : f32 to vector<256x128xf32>
      %select_n3A_2000 = arith.select %eq3A_1910, %broadcast_in_dim3A_1999, %select_n3A_1884 : vector<256x128xi1>, vector<256x128xf32>
      %broadcast_in_dim3A_2001 = vector.broadcast %cond3A_896 : f32 to vector<256x128xf32>
      %select_n3A_2002 = arith.select %eq3A_1912, %broadcast_in_dim3A_2001, %select_n3A_1886 : vector<256x128xi1>, vector<256x128xf32>
      %min3A_2003 = arith.minimumf %select_n3A_1988, %select_n3A_1990 : vector<256x128xf32>
      %min3A_2004 = arith.minimumf %min3A_2003, %select_n3A_1992 : vector<256x128xf32>
      %min3A_2005 = arith.minimumf %min3A_2004, %select_n3A_1994 : vector<256x128xf32>
      %min3A_2006 = arith.minimumf %min3A_2005, %select_n3A_1996 : vector<256x128xf32>
      %min3A_2007 = arith.minimumf %min3A_2006, %select_n3A_1998 : vector<256x128xf32>
      %min3A_2008 = arith.minimumf %min3A_2007, %select_n3A_2000 : vector<256x128xf32>
      %min3A_2009 = arith.minimumf %min3A_2008, %select_n3A_2002 : vector<256x128xf32>
      %reduce_min3A_2010 = arith.constant dense<0x7F800000> : vector<256xf32>
      %reduce_min3A_2011 = vector.multi_reduction <minimumf>, %min3A_2009, %reduce_min3A_2010 [1] : vector<256x128xf32> to vector<256xf32>
      %broadcast_in_dim3A_2012 = vector.shape_cast %reduce_min3A_2011 : vector<256xf32> to vector<256x1xf32>
      %eq3A_2013 = vector.broadcast %broadcast_in_dim3A_2012 : vector<256x1xf32> to vector<256x128xf32>
      %eq3A_2014 = arith.cmpf oeq, %select_n3A_1988, %eq3A_2013 : vector<256x128xf32>
      %eq3A_2015 = vector.broadcast %broadcast_in_dim3A_2012 : vector<256x1xf32> to vector<256x128xf32>
      %eq3A_2016 = arith.cmpf oeq, %select_n3A_1990, %eq3A_2015 : vector<256x128xf32>
      %eq3A_2017 = vector.broadcast %broadcast_in_dim3A_2012 : vector<256x1xf32> to vector<256x128xf32>
      %eq3A_2018 = arith.cmpf oeq, %select_n3A_1992, %eq3A_2017 : vector<256x128xf32>
      %eq3A_2019 = vector.broadcast %broadcast_in_dim3A_2012 : vector<256x1xf32> to vector<256x128xf32>
      %eq3A_2020 = arith.cmpf oeq, %select_n3A_1994, %eq3A_2019 : vector<256x128xf32>
      %eq3A_2021 = vector.broadcast %broadcast_in_dim3A_2012 : vector<256x1xf32> to vector<256x128xf32>
      %eq3A_2022 = arith.cmpf oeq, %select_n3A_1996, %eq3A_2021 : vector<256x128xf32>
      %eq3A_2023 = vector.broadcast %broadcast_in_dim3A_2012 : vector<256x1xf32> to vector<256x128xf32>
      %eq3A_2024 = arith.cmpf oeq, %select_n3A_1998, %eq3A_2023 : vector<256x128xf32>
      %eq3A_2025 = vector.broadcast %broadcast_in_dim3A_2012 : vector<256x1xf32> to vector<256x128xf32>
      %eq3A_2026 = arith.cmpf oeq, %select_n3A_2000, %eq3A_2025 : vector<256x128xf32>
      %eq3A_2027 = vector.broadcast %broadcast_in_dim3A_2012 : vector<256x1xf32> to vector<256x128xf32>
      %eq3A_2028 = arith.cmpf oeq, %select_n3A_2002, %eq3A_2027 : vector<256x128xf32>
      %broadcast_in_dim3A_2029 = arith.constant 0.000000e+00 : f32
      %broadcast_in_dim3A_2030 = vector.broadcast %broadcast_in_dim3A_2029 : f32 to vector<256x1xf32>
      %convert_element_type3A_2031 = arith.extui %eq3A_2014 : vector<256x128xi1> to vector<256x128xi32>
      %convert_element_type3A_2032 = arith.sitofp %convert_element_type3A_2031 : vector<256x128xi32> to vector<256x128xf32>
      %reduce_sum3A_2033 = arith.constant dense<0.000000e+00> : vector<256xf32>
      %reduce_sum3A_2034 = vector.multi_reduction <add>, %convert_element_type3A_2032, %reduce_sum3A_2033 [1] : vector<256x128xf32> to vector<256xf32>
      %broadcast_in_dim3A_2035 = vector.shape_cast %reduce_sum3A_2034 : vector<256xf32> to vector<256x1xf32>
      %add3A_2036 = arith.addf %broadcast_in_dim3A_2030, %broadcast_in_dim3A_2035 : vector<256x1xf32>
      %convert_element_type3A_2037 = arith.extui %eq3A_2016 : vector<256x128xi1> to vector<256x128xi32>
      %convert_element_type3A_2038 = arith.sitofp %convert_element_type3A_2037 : vector<256x128xi32> to vector<256x128xf32>
      %reduce_sum3A_2039 = arith.constant dense<0.000000e+00> : vector<256xf32>
      %reduce_sum3A_2040 = vector.multi_reduction <add>, %convert_element_type3A_2038, %reduce_sum3A_2039 [1] : vector<256x128xf32> to vector<256xf32>
      %broadcast_in_dim3A_2041 = vector.shape_cast %reduce_sum3A_2040 : vector<256xf32> to vector<256x1xf32>
      %add3A_2042 = arith.addf %add3A_2036, %broadcast_in_dim3A_2041 : vector<256x1xf32>
      %convert_element_type3A_2043 = arith.extui %eq3A_2018 : vector<256x128xi1> to vector<256x128xi32>
      %convert_element_type3A_2044 = arith.sitofp %convert_element_type3A_2043 : vector<256x128xi32> to vector<256x128xf32>
      %reduce_sum3A_2045 = arith.constant dense<0.000000e+00> : vector<256xf32>
      %reduce_sum3A_2046 = vector.multi_reduction <add>, %convert_element_type3A_2044, %reduce_sum3A_2045 [1] : vector<256x128xf32> to vector<256xf32>
      %broadcast_in_dim3A_2047 = vector.shape_cast %reduce_sum3A_2046 : vector<256xf32> to vector<256x1xf32>
      %add3A_2048 = arith.addf %add3A_2042, %broadcast_in_dim3A_2047 : vector<256x1xf32>
      %convert_element_type3A_2049 = arith.extui %eq3A_2020 : vector<256x128xi1> to vector<256x128xi32>
      %convert_element_type3A_2050 = arith.sitofp %convert_element_type3A_2049 : vector<256x128xi32> to vector<256x128xf32>
      %reduce_sum3A_2051 = arith.constant dense<0.000000e+00> : vector<256xf32>
      %reduce_sum3A_2052 = vector.multi_reduction <add>, %convert_element_type3A_2050, %reduce_sum3A_2051 [1] : vector<256x128xf32> to vector<256xf32>
      %broadcast_in_dim3A_2053 = vector.shape_cast %reduce_sum3A_2052 : vector<256xf32> to vector<256x1xf32>
      %add3A_2054 = arith.addf %add3A_2048, %broadcast_in_dim3A_2053 : vector<256x1xf32>
      %convert_element_type3A_2055 = arith.extui %eq3A_2022 : vector<256x128xi1> to vector<256x128xi32>
      %convert_element_type3A_2056 = arith.sitofp %convert_element_type3A_2055 : vector<256x128xi32> to vector<256x128xf32>
      %reduce_sum3A_2057 = arith.constant dense<0.000000e+00> : vector<256xf32>
      %reduce_sum3A_2058 = vector.multi_reduction <add>, %convert_element_type3A_2056, %reduce_sum3A_2057 [1] : vector<256x128xf32> to vector<256xf32>
      %broadcast_in_dim3A_2059 = vector.shape_cast %reduce_sum3A_2058 : vector<256xf32> to vector<256x1xf32>
      %add3A_2060 = arith.addf %add3A_2054, %broadcast_in_dim3A_2059 : vector<256x1xf32>
      %convert_element_type3A_2061 = arith.extui %eq3A_2024 : vector<256x128xi1> to vector<256x128xi32>
      %convert_element_type3A_2062 = arith.sitofp %convert_element_type3A_2061 : vector<256x128xi32> to vector<256x128xf32>
      %reduce_sum3A_2063 = arith.constant dense<0.000000e+00> : vector<256xf32>
      %reduce_sum3A_2064 = vector.multi_reduction <add>, %convert_element_type3A_2062, %reduce_sum3A_2063 [1] : vector<256x128xf32> to vector<256xf32>
      %broadcast_in_dim3A_2065 = vector.shape_cast %reduce_sum3A_2064 : vector<256xf32> to vector<256x1xf32>
      %add3A_2066 = arith.addf %add3A_2060, %broadcast_in_dim3A_2065 : vector<256x1xf32>
      %convert_element_type3A_2067 = arith.extui %eq3A_2026 : vector<256x128xi1> to vector<256x128xi32>
      %convert_element_type3A_2068 = arith.sitofp %convert_element_type3A_2067 : vector<256x128xi32> to vector<256x128xf32>
      %reduce_sum3A_2069 = arith.constant dense<0.000000e+00> : vector<256xf32>
      %reduce_sum3A_2070 = vector.multi_reduction <add>, %convert_element_type3A_2068, %reduce_sum3A_2069 [1] : vector<256x128xf32> to vector<256xf32>
      %broadcast_in_dim3A_2071 = vector.shape_cast %reduce_sum3A_2070 : vector<256xf32> to vector<256x1xf32>
      %add3A_2072 = arith.addf %add3A_2066, %broadcast_in_dim3A_2071 : vector<256x1xf32>
      %convert_element_type3A_2073 = arith.extui %eq3A_2028 : vector<256x128xi1> to vector<256x128xi32>
      %convert_element_type3A_2074 = arith.sitofp %convert_element_type3A_2073 : vector<256x128xi32> to vector<256x128xf32>
      %reduce_sum3A_2075 = arith.constant dense<0.000000e+00> : vector<256xf32>
      %reduce_sum3A_2076 = vector.multi_reduction <add>, %convert_element_type3A_2074, %reduce_sum3A_2075 [1] : vector<256x128xf32> to vector<256xf32>
      %broadcast_in_dim3A_2077 = vector.shape_cast %reduce_sum3A_2076 : vector<256xf32> to vector<256x1xf32>
      %add3A_2078 = arith.addf %add3A_2072, %broadcast_in_dim3A_2077 : vector<256x1xf32>
      %min3A_2079 = arith.minimumf %add3A_2078, %sub3A_1986 : vector<256x1xf32>
      %add3A_2080 = arith.addf %broadcast_in_dim3A_2012, %broadcast_in_dim3A : vector<256x1xf32>
      %gt3A_2081 = arith.constant 0.000000e+00 : f32
      %gt3A_2082 = vector.broadcast %gt3A_2081 : f32 to vector<256x1xf32>
      %gt3A_2083 = arith.cmpf ogt, %add3A_2080, %gt3A_2082 : vector<256x1xf32>
      %gt3A_2084 = arith.constant 0.000000e+00 : f32
      %gt3A_2085 = vector.broadcast %gt3A_2084 : f32 to vector<256x1xf32>
      %gt3A_2086 = arith.cmpf ogt, %add3A_2080, %gt3A_2085 : vector<256x1xf32>
      %jit3A_2087 = arith.constant 1.000000e+00 : f32
      %broadcast_in_dim3A_2088 = vector.broadcast %jit3A_2087 : f32 to vector<256x1xf32>
      %select_n3A_2089 = arith.select %gt3A_2086, %add3A_2080, %broadcast_in_dim3A_2088 : vector<256x1xi1>, vector<256x1xf32>
      %sqrt3A_2090 = math.sqrt %select_n3A_2089 : vector<256x1xf32>
      %jit3A_2091 = arith.constant 0.000000e+00 : f32
      %broadcast_in_dim3A_2092 = vector.broadcast %jit3A_2091 : f32 to vector<256x1xf32>
      %select_n3A_2093 = arith.select %gt3A_2083, %sqrt3A_2090, %broadcast_in_dim3A_2092 : vector<256x1xi1>, vector<256x1xf32>
      %gt3A_2094 = arith.constant 0.000000e+00 : f32
      %gt3A_2095 = vector.broadcast %gt3A_2094 : f32 to vector<256x1xf32>
      %gt3A_2096 = arith.cmpf ogt, %min3A_2079, %gt3A_2095 : vector<256x1xf32>
      %mul3A_2097 = arith.mulf %min3A_2079, %select_n3A_2093 : vector<256x1xf32>
      %jit3A_2098 = arith.constant 0.000000e+00 : f32
      %broadcast_in_dim3A_2099 = vector.broadcast %jit3A_2098 : f32 to vector<256x1xf32>
      %select_n3A_2100 = arith.select %gt3A_2096, %mul3A_2097, %broadcast_in_dim3A_2099 : vector<256x1xi1>, vector<256x1xf32>
      %add3A_2101 = arith.addf %add3A_1985, %select_n3A_2100 : vector<256x1xf32>
      %sub3A_2102 = arith.subf %sub3A_1986, %min3A_2079 : vector<256x1xf32>
      %broadcast_in_dim3A_2103 = vector.broadcast %cond3A_896 : f32 to vector<256x128xf32>
      %select_n3A_2104 = arith.select %eq3A_2014, %broadcast_in_dim3A_2103, %select_n3A_1988 : vector<256x128xi1>, vector<256x128xf32>
      %broadcast_in_dim3A_2105 = vector.broadcast %cond3A_896 : f32 to vector<256x128xf32>
      %select_n3A_2106 = arith.select %eq3A_2016, %broadcast_in_dim3A_2105, %select_n3A_1990 : vector<256x128xi1>, vector<256x128xf32>
      %broadcast_in_dim3A_2107 = vector.broadcast %cond3A_896 : f32 to vector<256x128xf32>
      %select_n3A_2108 = arith.select %eq3A_2018, %broadcast_in_dim3A_2107, %select_n3A_1992 : vector<256x128xi1>, vector<256x128xf32>
      %broadcast_in_dim3A_2109 = vector.broadcast %cond3A_896 : f32 to vector<256x128xf32>
      %select_n3A_2110 = arith.select %eq3A_2020, %broadcast_in_dim3A_2109, %select_n3A_1994 : vector<256x128xi1>, vector<256x128xf32>
      %broadcast_in_dim3A_2111 = vector.broadcast %cond3A_896 : f32 to vector<256x128xf32>
      %select_n3A_2112 = arith.select %eq3A_2022, %broadcast_in_dim3A_2111, %select_n3A_1996 : vector<256x128xi1>, vector<256x128xf32>
      %broadcast_in_dim3A_2113 = vector.broadcast %cond3A_896 : f32 to vector<256x128xf32>
      %select_n3A_2114 = arith.select %eq3A_2024, %broadcast_in_dim3A_2113, %select_n3A_1998 : vector<256x128xi1>, vector<256x128xf32>
      %broadcast_in_dim3A_2115 = vector.broadcast %cond3A_896 : f32 to vector<256x128xf32>
      %select_n3A_2116 = arith.select %eq3A_2026, %broadcast_in_dim3A_2115, %select_n3A_2000 : vector<256x128xi1>, vector<256x128xf32>
      %broadcast_in_dim3A_2117 = vector.broadcast %cond3A_896 : f32 to vector<256x128xf32>
      %select_n3A_2118 = arith.select %eq3A_2028, %broadcast_in_dim3A_2117, %select_n3A_2002 : vector<256x128xi1>, vector<256x128xf32>
      %min3A_2119 = arith.minimumf %select_n3A_2104, %select_n3A_2106 : vector<256x128xf32>
      %min3A_2120 = arith.minimumf %min3A_2119, %select_n3A_2108 : vector<256x128xf32>
      %min3A_2121 = arith.minimumf %min3A_2120, %select_n3A_2110 : vector<256x128xf32>
      %min3A_2122 = arith.minimumf %min3A_2121, %select_n3A_2112 : vector<256x128xf32>
      %min3A_2123 = arith.minimumf %min3A_2122, %select_n3A_2114 : vector<256x128xf32>
      %min3A_2124 = arith.minimumf %min3A_2123, %select_n3A_2116 : vector<256x128xf32>
      %min3A_2125 = arith.minimumf %min3A_2124, %select_n3A_2118 : vector<256x128xf32>
      %reduce_min3A_2126 = arith.constant dense<0x7F800000> : vector<256xf32>
      %reduce_min3A_2127 = vector.multi_reduction <minimumf>, %min3A_2125, %reduce_min3A_2126 [1] : vector<256x128xf32> to vector<256xf32>
      %broadcast_in_dim3A_2128 = vector.shape_cast %reduce_min3A_2127 : vector<256xf32> to vector<256x1xf32>
      %eq3A_2129 = vector.broadcast %broadcast_in_dim3A_2128 : vector<256x1xf32> to vector<256x128xf32>
      %eq3A_2130 = arith.cmpf oeq, %select_n3A_2104, %eq3A_2129 : vector<256x128xf32>
      %eq3A_2131 = vector.broadcast %broadcast_in_dim3A_2128 : vector<256x1xf32> to vector<256x128xf32>
      %eq3A_2132 = arith.cmpf oeq, %select_n3A_2106, %eq3A_2131 : vector<256x128xf32>
      %eq3A_2133 = vector.broadcast %broadcast_in_dim3A_2128 : vector<256x1xf32> to vector<256x128xf32>
      %eq3A_2134 = arith.cmpf oeq, %select_n3A_2108, %eq3A_2133 : vector<256x128xf32>
      %eq3A_2135 = vector.broadcast %broadcast_in_dim3A_2128 : vector<256x1xf32> to vector<256x128xf32>
      %eq3A_2136 = arith.cmpf oeq, %select_n3A_2110, %eq3A_2135 : vector<256x128xf32>
      %eq3A_2137 = vector.broadcast %broadcast_in_dim3A_2128 : vector<256x1xf32> to vector<256x128xf32>
      %eq3A_2138 = arith.cmpf oeq, %select_n3A_2112, %eq3A_2137 : vector<256x128xf32>
      %eq3A_2139 = vector.broadcast %broadcast_in_dim3A_2128 : vector<256x1xf32> to vector<256x128xf32>
      %eq3A_2140 = arith.cmpf oeq, %select_n3A_2114, %eq3A_2139 : vector<256x128xf32>
      %eq3A_2141 = vector.broadcast %broadcast_in_dim3A_2128 : vector<256x1xf32> to vector<256x128xf32>
      %eq3A_2142 = arith.cmpf oeq, %select_n3A_2116, %eq3A_2141 : vector<256x128xf32>
      %eq3A_2143 = vector.broadcast %broadcast_in_dim3A_2128 : vector<256x1xf32> to vector<256x128xf32>
      %eq3A_2144 = arith.cmpf oeq, %select_n3A_2118, %eq3A_2143 : vector<256x128xf32>
      %broadcast_in_dim3A_2145 = arith.constant 0.000000e+00 : f32
      %broadcast_in_dim3A_2146 = vector.broadcast %broadcast_in_dim3A_2145 : f32 to vector<256x1xf32>
      %convert_element_type3A_2147 = arith.extui %eq3A_2130 : vector<256x128xi1> to vector<256x128xi32>
      %convert_element_type3A_2148 = arith.sitofp %convert_element_type3A_2147 : vector<256x128xi32> to vector<256x128xf32>
      %reduce_sum3A_2149 = arith.constant dense<0.000000e+00> : vector<256xf32>
      %reduce_sum3A_2150 = vector.multi_reduction <add>, %convert_element_type3A_2148, %reduce_sum3A_2149 [1] : vector<256x128xf32> to vector<256xf32>
      %broadcast_in_dim3A_2151 = vector.shape_cast %reduce_sum3A_2150 : vector<256xf32> to vector<256x1xf32>
      %add3A_2152 = arith.addf %broadcast_in_dim3A_2146, %broadcast_in_dim3A_2151 : vector<256x1xf32>
      %convert_element_type3A_2153 = arith.extui %eq3A_2132 : vector<256x128xi1> to vector<256x128xi32>
      %convert_element_type3A_2154 = arith.sitofp %convert_element_type3A_2153 : vector<256x128xi32> to vector<256x128xf32>
      %reduce_sum3A_2155 = arith.constant dense<0.000000e+00> : vector<256xf32>
      %reduce_sum3A_2156 = vector.multi_reduction <add>, %convert_element_type3A_2154, %reduce_sum3A_2155 [1] : vector<256x128xf32> to vector<256xf32>
      %broadcast_in_dim3A_2157 = vector.shape_cast %reduce_sum3A_2156 : vector<256xf32> to vector<256x1xf32>
      %add3A_2158 = arith.addf %add3A_2152, %broadcast_in_dim3A_2157 : vector<256x1xf32>
      %convert_element_type3A_2159 = arith.extui %eq3A_2134 : vector<256x128xi1> to vector<256x128xi32>
      %convert_element_type3A_2160 = arith.sitofp %convert_element_type3A_2159 : vector<256x128xi32> to vector<256x128xf32>
      %reduce_sum3A_2161 = arith.constant dense<0.000000e+00> : vector<256xf32>
      %reduce_sum3A_2162 = vector.multi_reduction <add>, %convert_element_type3A_2160, %reduce_sum3A_2161 [1] : vector<256x128xf32> to vector<256xf32>
      %broadcast_in_dim3A_2163 = vector.shape_cast %reduce_sum3A_2162 : vector<256xf32> to vector<256x1xf32>
      %add3A_2164 = arith.addf %add3A_2158, %broadcast_in_dim3A_2163 : vector<256x1xf32>
      %convert_element_type3A_2165 = arith.extui %eq3A_2136 : vector<256x128xi1> to vector<256x128xi32>
      %convert_element_type3A_2166 = arith.sitofp %convert_element_type3A_2165 : vector<256x128xi32> to vector<256x128xf32>
      %reduce_sum3A_2167 = arith.constant dense<0.000000e+00> : vector<256xf32>
      %reduce_sum3A_2168 = vector.multi_reduction <add>, %convert_element_type3A_2166, %reduce_sum3A_2167 [1] : vector<256x128xf32> to vector<256xf32>
      %broadcast_in_dim3A_2169 = vector.shape_cast %reduce_sum3A_2168 : vector<256xf32> to vector<256x1xf32>
      %add3A_2170 = arith.addf %add3A_2164, %broadcast_in_dim3A_2169 : vector<256x1xf32>
      %convert_element_type3A_2171 = arith.extui %eq3A_2138 : vector<256x128xi1> to vector<256x128xi32>
      %convert_element_type3A_2172 = arith.sitofp %convert_element_type3A_2171 : vector<256x128xi32> to vector<256x128xf32>
      %reduce_sum3A_2173 = arith.constant dense<0.000000e+00> : vector<256xf32>
      %reduce_sum3A_2174 = vector.multi_reduction <add>, %convert_element_type3A_2172, %reduce_sum3A_2173 [1] : vector<256x128xf32> to vector<256xf32>
      %broadcast_in_dim3A_2175 = vector.shape_cast %reduce_sum3A_2174 : vector<256xf32> to vector<256x1xf32>
      %add3A_2176 = arith.addf %add3A_2170, %broadcast_in_dim3A_2175 : vector<256x1xf32>
      %convert_element_type3A_2177 = arith.extui %eq3A_2140 : vector<256x128xi1> to vector<256x128xi32>
      %convert_element_type3A_2178 = arith.sitofp %convert_element_type3A_2177 : vector<256x128xi32> to vector<256x128xf32>
      %reduce_sum3A_2179 = arith.constant dense<0.000000e+00> : vector<256xf32>
      %reduce_sum3A_2180 = vector.multi_reduction <add>, %convert_element_type3A_2178, %reduce_sum3A_2179 [1] : vector<256x128xf32> to vector<256xf32>
      %broadcast_in_dim3A_2181 = vector.shape_cast %reduce_sum3A_2180 : vector<256xf32> to vector<256x1xf32>
      %add3A_2182 = arith.addf %add3A_2176, %broadcast_in_dim3A_2181 : vector<256x1xf32>
      %convert_element_type3A_2183 = arith.extui %eq3A_2142 : vector<256x128xi1> to vector<256x128xi32>
      %convert_element_type3A_2184 = arith.sitofp %convert_element_type3A_2183 : vector<256x128xi32> to vector<256x128xf32>
      %reduce_sum3A_2185 = arith.constant dense<0.000000e+00> : vector<256xf32>
      %reduce_sum3A_2186 = vector.multi_reduction <add>, %convert_element_type3A_2184, %reduce_sum3A_2185 [1] : vector<256x128xf32> to vector<256xf32>
      %broadcast_in_dim3A_2187 = vector.shape_cast %reduce_sum3A_2186 : vector<256xf32> to vector<256x1xf32>
      %add3A_2188 = arith.addf %add3A_2182, %broadcast_in_dim3A_2187 : vector<256x1xf32>
      %convert_element_type3A_2189 = arith.extui %eq3A_2144 : vector<256x128xi1> to vector<256x128xi32>
      %convert_element_type3A_2190 = arith.sitofp %convert_element_type3A_2189 : vector<256x128xi32> to vector<256x128xf32>
      %reduce_sum3A_2191 = arith.constant dense<0.000000e+00> : vector<256xf32>
      %reduce_sum3A_2192 = vector.multi_reduction <add>, %convert_element_type3A_2190, %reduce_sum3A_2191 [1] : vector<256x128xf32> to vector<256xf32>
      %broadcast_in_dim3A_2193 = vector.shape_cast %reduce_sum3A_2192 : vector<256xf32> to vector<256x1xf32>
      %add3A_2194 = arith.addf %add3A_2188, %broadcast_in_dim3A_2193 : vector<256x1xf32>
      %min3A_2195 = arith.minimumf %add3A_2194, %sub3A_2102 : vector<256x1xf32>
      %add3A_2196 = arith.addf %broadcast_in_dim3A_2128, %broadcast_in_dim3A : vector<256x1xf32>
      %gt3A_2197 = arith.constant 0.000000e+00 : f32
      %gt3A_2198 = vector.broadcast %gt3A_2197 : f32 to vector<256x1xf32>
      %gt3A_2199 = arith.cmpf ogt, %add3A_2196, %gt3A_2198 : vector<256x1xf32>
      %gt3A_2200 = arith.constant 0.000000e+00 : f32
      %gt3A_2201 = vector.broadcast %gt3A_2200 : f32 to vector<256x1xf32>
      %gt3A_2202 = arith.cmpf ogt, %add3A_2196, %gt3A_2201 : vector<256x1xf32>
      %jit3A_2203 = arith.constant 1.000000e+00 : f32
      %broadcast_in_dim3A_2204 = vector.broadcast %jit3A_2203 : f32 to vector<256x1xf32>
      %select_n3A_2205 = arith.select %gt3A_2202, %add3A_2196, %broadcast_in_dim3A_2204 : vector<256x1xi1>, vector<256x1xf32>
      %sqrt3A_2206 = math.sqrt %select_n3A_2205 : vector<256x1xf32>
      %jit3A_2207 = arith.constant 0.000000e+00 : f32
      %broadcast_in_dim3A_2208 = vector.broadcast %jit3A_2207 : f32 to vector<256x1xf32>
      %select_n3A_2209 = arith.select %gt3A_2199, %sqrt3A_2206, %broadcast_in_dim3A_2208 : vector<256x1xi1>, vector<256x1xf32>
      %gt3A_2210 = arith.constant 0.000000e+00 : f32
      %gt3A_2211 = vector.broadcast %gt3A_2210 : f32 to vector<256x1xf32>
      %gt3A_2212 = arith.cmpf ogt, %min3A_2195, %gt3A_2211 : vector<256x1xf32>
      %mul3A_2213 = arith.mulf %min3A_2195, %select_n3A_2209 : vector<256x1xf32>
      %jit3A_2214 = arith.constant 0.000000e+00 : f32
      %broadcast_in_dim3A_2215 = vector.broadcast %jit3A_2214 : f32 to vector<256x1xf32>
      %select_n3A_2216 = arith.select %gt3A_2212, %mul3A_2213, %broadcast_in_dim3A_2215 : vector<256x1xi1>, vector<256x1xf32>
      %add3A_2217 = arith.addf %add3A_2101, %select_n3A_2216 : vector<256x1xf32>
      %sub3A_2218 = arith.subf %sub3A_2102, %min3A_2195 : vector<256x1xf32>
      %broadcast_in_dim3A_2219 = vector.broadcast %cond3A_896 : f32 to vector<256x128xf32>
      %select_n3A_2220 = arith.select %eq3A_2130, %broadcast_in_dim3A_2219, %select_n3A_2104 : vector<256x128xi1>, vector<256x128xf32>
      %broadcast_in_dim3A_2221 = vector.broadcast %cond3A_896 : f32 to vector<256x128xf32>
      %select_n3A_2222 = arith.select %eq3A_2132, %broadcast_in_dim3A_2221, %select_n3A_2106 : vector<256x128xi1>, vector<256x128xf32>
      %broadcast_in_dim3A_2223 = vector.broadcast %cond3A_896 : f32 to vector<256x128xf32>
      %select_n3A_2224 = arith.select %eq3A_2134, %broadcast_in_dim3A_2223, %select_n3A_2108 : vector<256x128xi1>, vector<256x128xf32>
      %broadcast_in_dim3A_2225 = vector.broadcast %cond3A_896 : f32 to vector<256x128xf32>
      %select_n3A_2226 = arith.select %eq3A_2136, %broadcast_in_dim3A_2225, %select_n3A_2110 : vector<256x128xi1>, vector<256x128xf32>
      %broadcast_in_dim3A_2227 = vector.broadcast %cond3A_896 : f32 to vector<256x128xf32>
      %select_n3A_2228 = arith.select %eq3A_2138, %broadcast_in_dim3A_2227, %select_n3A_2112 : vector<256x128xi1>, vector<256x128xf32>
      %broadcast_in_dim3A_2229 = vector.broadcast %cond3A_896 : f32 to vector<256x128xf32>
      %select_n3A_2230 = arith.select %eq3A_2140, %broadcast_in_dim3A_2229, %select_n3A_2114 : vector<256x128xi1>, vector<256x128xf32>
      %broadcast_in_dim3A_2231 = vector.broadcast %cond3A_896 : f32 to vector<256x128xf32>
      %select_n3A_2232 = arith.select %eq3A_2142, %broadcast_in_dim3A_2231, %select_n3A_2116 : vector<256x128xi1>, vector<256x128xf32>
      %broadcast_in_dim3A_2233 = vector.broadcast %cond3A_896 : f32 to vector<256x128xf32>
      %select_n3A_2234 = arith.select %eq3A_2144, %broadcast_in_dim3A_2233, %select_n3A_2118 : vector<256x128xi1>, vector<256x128xf32>
      %min3A_2235 = arith.minimumf %select_n3A_2220, %select_n3A_2222 : vector<256x128xf32>
      %min3A_2236 = arith.minimumf %min3A_2235, %select_n3A_2224 : vector<256x128xf32>
      %min3A_2237 = arith.minimumf %min3A_2236, %select_n3A_2226 : vector<256x128xf32>
      %min3A_2238 = arith.minimumf %min3A_2237, %select_n3A_2228 : vector<256x128xf32>
      %min3A_2239 = arith.minimumf %min3A_2238, %select_n3A_2230 : vector<256x128xf32>
      %min3A_2240 = arith.minimumf %min3A_2239, %select_n3A_2232 : vector<256x128xf32>
      %min3A_2241 = arith.minimumf %min3A_2240, %select_n3A_2234 : vector<256x128xf32>
      %reduce_min3A_2242 = arith.constant dense<0x7F800000> : vector<256xf32>
      %reduce_min3A_2243 = vector.multi_reduction <minimumf>, %min3A_2241, %reduce_min3A_2242 [1] : vector<256x128xf32> to vector<256xf32>
      %broadcast_in_dim3A_2244 = vector.shape_cast %reduce_min3A_2243 : vector<256xf32> to vector<256x1xf32>
      %eq3A_2245 = vector.broadcast %broadcast_in_dim3A_2244 : vector<256x1xf32> to vector<256x128xf32>
      %eq3A_2246 = arith.cmpf oeq, %select_n3A_2220, %eq3A_2245 : vector<256x128xf32>
      %eq3A_2247 = vector.broadcast %broadcast_in_dim3A_2244 : vector<256x1xf32> to vector<256x128xf32>
      %eq3A_2248 = arith.cmpf oeq, %select_n3A_2222, %eq3A_2247 : vector<256x128xf32>
      %eq3A_2249 = vector.broadcast %broadcast_in_dim3A_2244 : vector<256x1xf32> to vector<256x128xf32>
      %eq3A_2250 = arith.cmpf oeq, %select_n3A_2224, %eq3A_2249 : vector<256x128xf32>
      %eq3A_2251 = vector.broadcast %broadcast_in_dim3A_2244 : vector<256x1xf32> to vector<256x128xf32>
      %eq3A_2252 = arith.cmpf oeq, %select_n3A_2226, %eq3A_2251 : vector<256x128xf32>
      %eq3A_2253 = vector.broadcast %broadcast_in_dim3A_2244 : vector<256x1xf32> to vector<256x128xf32>
      %eq3A_2254 = arith.cmpf oeq, %select_n3A_2228, %eq3A_2253 : vector<256x128xf32>
      %eq3A_2255 = vector.broadcast %broadcast_in_dim3A_2244 : vector<256x1xf32> to vector<256x128xf32>
      %eq3A_2256 = arith.cmpf oeq, %select_n3A_2230, %eq3A_2255 : vector<256x128xf32>
      %eq3A_2257 = vector.broadcast %broadcast_in_dim3A_2244 : vector<256x1xf32> to vector<256x128xf32>
      %eq3A_2258 = arith.cmpf oeq, %select_n3A_2232, %eq3A_2257 : vector<256x128xf32>
      %eq3A_2259 = vector.broadcast %broadcast_in_dim3A_2244 : vector<256x1xf32> to vector<256x128xf32>
      %eq3A_2260 = arith.cmpf oeq, %select_n3A_2234, %eq3A_2259 : vector<256x128xf32>
      %broadcast_in_dim3A_2261 = arith.constant 0.000000e+00 : f32
      %broadcast_in_dim3A_2262 = vector.broadcast %broadcast_in_dim3A_2261 : f32 to vector<256x1xf32>
      %convert_element_type3A_2263 = arith.extui %eq3A_2246 : vector<256x128xi1> to vector<256x128xi32>
      %convert_element_type3A_2264 = arith.sitofp %convert_element_type3A_2263 : vector<256x128xi32> to vector<256x128xf32>
      %reduce_sum3A_2265 = arith.constant dense<0.000000e+00> : vector<256xf32>
      %reduce_sum3A_2266 = vector.multi_reduction <add>, %convert_element_type3A_2264, %reduce_sum3A_2265 [1] : vector<256x128xf32> to vector<256xf32>
      %broadcast_in_dim3A_2267 = vector.shape_cast %reduce_sum3A_2266 : vector<256xf32> to vector<256x1xf32>
      %add3A_2268 = arith.addf %broadcast_in_dim3A_2262, %broadcast_in_dim3A_2267 : vector<256x1xf32>
      %convert_element_type3A_2269 = arith.extui %eq3A_2248 : vector<256x128xi1> to vector<256x128xi32>
      %convert_element_type3A_2270 = arith.sitofp %convert_element_type3A_2269 : vector<256x128xi32> to vector<256x128xf32>
      %reduce_sum3A_2271 = arith.constant dense<0.000000e+00> : vector<256xf32>
      %reduce_sum3A_2272 = vector.multi_reduction <add>, %convert_element_type3A_2270, %reduce_sum3A_2271 [1] : vector<256x128xf32> to vector<256xf32>
      %broadcast_in_dim3A_2273 = vector.shape_cast %reduce_sum3A_2272 : vector<256xf32> to vector<256x1xf32>
      %add3A_2274 = arith.addf %add3A_2268, %broadcast_in_dim3A_2273 : vector<256x1xf32>
      %convert_element_type3A_2275 = arith.extui %eq3A_2250 : vector<256x128xi1> to vector<256x128xi32>
      %convert_element_type3A_2276 = arith.sitofp %convert_element_type3A_2275 : vector<256x128xi32> to vector<256x128xf32>
      %reduce_sum3A_2277 = arith.constant dense<0.000000e+00> : vector<256xf32>
      %reduce_sum3A_2278 = vector.multi_reduction <add>, %convert_element_type3A_2276, %reduce_sum3A_2277 [1] : vector<256x128xf32> to vector<256xf32>
      %broadcast_in_dim3A_2279 = vector.shape_cast %reduce_sum3A_2278 : vector<256xf32> to vector<256x1xf32>
      %add3A_2280 = arith.addf %add3A_2274, %broadcast_in_dim3A_2279 : vector<256x1xf32>
      %convert_element_type3A_2281 = arith.extui %eq3A_2252 : vector<256x128xi1> to vector<256x128xi32>
      %convert_element_type3A_2282 = arith.sitofp %convert_element_type3A_2281 : vector<256x128xi32> to vector<256x128xf32>
      %reduce_sum3A_2283 = arith.constant dense<0.000000e+00> : vector<256xf32>
      %reduce_sum3A_2284 = vector.multi_reduction <add>, %convert_element_type3A_2282, %reduce_sum3A_2283 [1] : vector<256x128xf32> to vector<256xf32>
      %broadcast_in_dim3A_2285 = vector.shape_cast %reduce_sum3A_2284 : vector<256xf32> to vector<256x1xf32>
      %add3A_2286 = arith.addf %add3A_2280, %broadcast_in_dim3A_2285 : vector<256x1xf32>
      %convert_element_type3A_2287 = arith.extui %eq3A_2254 : vector<256x128xi1> to vector<256x128xi32>
      %convert_element_type3A_2288 = arith.sitofp %convert_element_type3A_2287 : vector<256x128xi32> to vector<256x128xf32>
      %reduce_sum3A_2289 = arith.constant dense<0.000000e+00> : vector<256xf32>
      %reduce_sum3A_2290 = vector.multi_reduction <add>, %convert_element_type3A_2288, %reduce_sum3A_2289 [1] : vector<256x128xf32> to vector<256xf32>
      %broadcast_in_dim3A_2291 = vector.shape_cast %reduce_sum3A_2290 : vector<256xf32> to vector<256x1xf32>
      %add3A_2292 = arith.addf %add3A_2286, %broadcast_in_dim3A_2291 : vector<256x1xf32>
      %convert_element_type3A_2293 = arith.extui %eq3A_2256 : vector<256x128xi1> to vector<256x128xi32>
      %convert_element_type3A_2294 = arith.sitofp %convert_element_type3A_2293 : vector<256x128xi32> to vector<256x128xf32>
      %reduce_sum3A_2295 = arith.constant dense<0.000000e+00> : vector<256xf32>
      %reduce_sum3A_2296 = vector.multi_reduction <add>, %convert_element_type3A_2294, %reduce_sum3A_2295 [1] : vector<256x128xf32> to vector<256xf32>
      %broadcast_in_dim3A_2297 = vector.shape_cast %reduce_sum3A_2296 : vector<256xf32> to vector<256x1xf32>
      %add3A_2298 = arith.addf %add3A_2292, %broadcast_in_dim3A_2297 : vector<256x1xf32>
      %convert_element_type3A_2299 = arith.extui %eq3A_2258 : vector<256x128xi1> to vector<256x128xi32>
      %convert_element_type3A_2300 = arith.sitofp %convert_element_type3A_2299 : vector<256x128xi32> to vector<256x128xf32>
      %reduce_sum3A_2301 = arith.constant dense<0.000000e+00> : vector<256xf32>
      %reduce_sum3A_2302 = vector.multi_reduction <add>, %convert_element_type3A_2300, %reduce_sum3A_2301 [1] : vector<256x128xf32> to vector<256xf32>
      %broadcast_in_dim3A_2303 = vector.shape_cast %reduce_sum3A_2302 : vector<256xf32> to vector<256x1xf32>
      %add3A_2304 = arith.addf %add3A_2298, %broadcast_in_dim3A_2303 : vector<256x1xf32>
      %convert_element_type3A_2305 = arith.extui %eq3A_2260 : vector<256x128xi1> to vector<256x128xi32>
      %convert_element_type3A_2306 = arith.sitofp %convert_element_type3A_2305 : vector<256x128xi32> to vector<256x128xf32>
      %reduce_sum3A_2307 = arith.constant dense<0.000000e+00> : vector<256xf32>
      %reduce_sum3A_2308 = vector.multi_reduction <add>, %convert_element_type3A_2306, %reduce_sum3A_2307 [1] : vector<256x128xf32> to vector<256xf32>
      %broadcast_in_dim3A_2309 = vector.shape_cast %reduce_sum3A_2308 : vector<256xf32> to vector<256x1xf32>
      %add3A_2310 = arith.addf %add3A_2304, %broadcast_in_dim3A_2309 : vector<256x1xf32>
      %min3A_2311 = arith.minimumf %add3A_2310, %sub3A_2218 : vector<256x1xf32>
      %add3A_2312 = arith.addf %broadcast_in_dim3A_2244, %broadcast_in_dim3A : vector<256x1xf32>
      %gt3A_2313 = arith.constant 0.000000e+00 : f32
      %gt3A_2314 = vector.broadcast %gt3A_2313 : f32 to vector<256x1xf32>
      %gt3A_2315 = arith.cmpf ogt, %add3A_2312, %gt3A_2314 : vector<256x1xf32>
      %gt3A_2316 = arith.constant 0.000000e+00 : f32
      %gt3A_2317 = vector.broadcast %gt3A_2316 : f32 to vector<256x1xf32>
      %gt3A_2318 = arith.cmpf ogt, %add3A_2312, %gt3A_2317 : vector<256x1xf32>
      %jit3A_2319 = arith.constant 1.000000e+00 : f32
      %broadcast_in_dim3A_2320 = vector.broadcast %jit3A_2319 : f32 to vector<256x1xf32>
      %select_n3A_2321 = arith.select %gt3A_2318, %add3A_2312, %broadcast_in_dim3A_2320 : vector<256x1xi1>, vector<256x1xf32>
      %sqrt3A_2322 = math.sqrt %select_n3A_2321 : vector<256x1xf32>
      %jit3A_2323 = arith.constant 0.000000e+00 : f32
      %broadcast_in_dim3A_2324 = vector.broadcast %jit3A_2323 : f32 to vector<256x1xf32>
      %select_n3A_2325 = arith.select %gt3A_2315, %sqrt3A_2322, %broadcast_in_dim3A_2324 : vector<256x1xi1>, vector<256x1xf32>
      %gt3A_2326 = arith.constant 0.000000e+00 : f32
      %gt3A_2327 = vector.broadcast %gt3A_2326 : f32 to vector<256x1xf32>
      %gt3A_2328 = arith.cmpf ogt, %min3A_2311, %gt3A_2327 : vector<256x1xf32>
      %mul3A_2329 = arith.mulf %min3A_2311, %select_n3A_2325 : vector<256x1xf32>
      %jit3A_2330 = arith.constant 0.000000e+00 : f32
      %broadcast_in_dim3A_2331 = vector.broadcast %jit3A_2330 : f32 to vector<256x1xf32>
      %select_n3A_2332 = arith.select %gt3A_2328, %mul3A_2329, %broadcast_in_dim3A_2331 : vector<256x1xi1>, vector<256x1xf32>
      %add3A_2333 = arith.addf %add3A_2217, %select_n3A_2332 : vector<256x1xf32>
      %get3A_2334 = arith.constant 0 : index
      %get3A_2335 = arith.constant 0 : index
      %get3A_2336 = vector.load %arg4[%get3A_2334, %get3A_2335] : memref<256x1xf32, #tpu.memory_space<vmem>>, vector<256x1xf32>
      %sub3A_2337 = arith.subf %add3A_2333, %add3A_870 : vector<256x1xf32>
      %add3A_2338 = arith.addf %get3A_2336, %sub3A_2337 : vector<256x1xf32>
      %swap3A_2339 = arith.constant 0 : index
      %swap3A_2340 = arith.constant 0 : index
      %swap3A_2341 = vector.load %arg4[%swap3A_2339, %swap3A_2340] : memref<256x1xf32, #tpu.memory_space<vmem>>, vector<256x1xf32>
      tpu.vector_store %arg4[%swap3A_2339, %swap3A_2340], %add3A_2338 {strides = array<i32>} : memref<256x1xf32, #tpu.memory_space<vmem>>, vector<256x1xf32>,
    } else {
    }
    return
  }
  func.func @transform_0(%arg0: i32, %arg1: i32) -> (i32, i32, i32) {
    %add3A = arith.constant 5 : i32
    %add3A_0 = arith.addi %arg1, %add3A : i32
    %c0_i32 = arith.constant 0 : i32
    %c0_i32_1 = arith.constant 0 : i32
    return %arg0, %add3A_0, %c0_i32 : i32, i32, i32
  }
  func.func @transform_1(%arg0: i32, %arg1: i32) -> (i32, i32, i32) {
    %c0_i32 = arith.constant 0 : i32
    %c0_i32_0 = arith.constant 0 : i32
    %c0_i32_1 = arith.constant 0 : i32
    return %arg0, %c0_i32, %c0_i32_0 : i32, i32, i32
  }
  func.func @transform_2(%arg0: i32, %arg1: i32) -> (i32, i32) {
    %c0_i32 = arith.constant 0 : i32
    %c0_i32_0 = arith.constant 0 : i32
    %c0_i32_1 = arith.constant 0 : i32
    return %c0_i32, %c0_i32_0 : i32, i32
  }
}

</mosaic_0001>

<sc_bundles>
// kernel: kernel.4.cloned.1.call-start
scs
__scs_entry_jumppad:
0x0: {  	(pc) =	sbr.rel $0x88, $3  }
0x1: {  	(tag) =	ssettag $0x0;
	lr =	simm.s32 $0x1  }
0x2: {  	[smem:$0x3FA0] =	sst lr;
	_ =	strace $0xD0000000  }
0x3: {  	_ = 	snop  }
0x4: {  	_ = 	snop  }
0x5: {  	_ = 	snop  }
0x6: {  	_ = 	snop  }
0x7: {  	_ = 	snop  }
__scs_overlays_trampoline_lowered:
0x8: {  	[smem:$0x3FAF] =	sst s0  }
0x9: {  	[smem:$0x3FB0] =	sst s1  }
0xa: {  	[smem:$0x3FB1] =	sst s2  }
0xb: {  	[smem:$0x3FB2] =	sst s3  }
0xc: {  	[smem:$0x3FB3] =	sst s4  }
0xd: {  	[smem:$0x3FB4] =	sst s5  }
0xe: {  	[smem:$0x3FB5] =	sst s6  }
0xf: {  	[smem:$0x3FB6] =	sst s7  }
0x10: {  	[smem:$0x3FB7] =	sst s8  }
0x11: {  	[smem:$0x3FB8] =	sst s9;
	s0 =	simm.s32 @!p0 $0x0  }
0x12: {  	s1 =	sld [smem:$0x3F9E];
	s0 =	simm.s32 @p0 $0x1  }
0x13: {  	[smem:$0x3FB9] =	sst s0;
	s0 =	simm.s32 @!p1 $0x0  }
0x14: {  	s2 =	sld [smem:$0x3F9D];
	s0 =	simm.s32 @p1 $0x1  }
0x15: {  	[smem:$0x3FBA] =	sst s0;
	s0 =	simm.s32 @!p2 $0x0  }
0x16: {  	s3 =	sld [smem:$0x3FDB];
	s0 =	simm.s32 @p2 $0x1  }
0x17: {  	s4 =	simm.s32 $0x1BF5;
	[smem:$0x3FBC] =	sst s0  }
0x18: {  	s0 =	sld [smem:$0x3F9F];
	_ =	swait.ge [sflag:s4], $0x0  }
0x19: {  	s7 =	sld [smem:$0x3FA0]  }
0x1a: {  	s8 =	sadd.s32 $0xFFFFE003, lr  }
0x1b: {  	s9 =	sadd.s32 $0xFFFFFEF7, lr;
	s5 =	simm.s32 $0xFFFFFFFF;
	p2 =	slt.u32 s8, $0xFFFFF086  }
0x1c: {  	p1 =	slt.u32 s9, $0xF7A;
	s5 =	simm.s32 @!p2 $0x0  }
0x1d: {  	s5 =	simm.s32 @p1 $0x1;
	p0 =	seq.s32 s7, s2  }
0x1e: {  	s7 =	smul.u32 @!p0 $0xF7A, s2;
	p2 =	seq.s32 @!p0 s5, $0x0  }
0x1f: {  	s9 =	smul.u32 $0xF7A, s1;
	s8 =	simm.s32 @!p0 $0x1BF5;
	p2 =	por !p2, p0  }
0x20: {  	[sflag:s8] =	ssyncset.s32 @!p0 $0xFFFFF086;
	s6 =	sadd.s32 @!p0 s3, s7;
	s7 =	simm.s32 @!p0 $0x108  }
0x21: {  	s3 =	sadd.s32 s3, s9;
	s6 =	sadd.s32 @!p0 $0x88, s6;
	s7 =	simm.s32 @p2 $0x1082  }
0x22: {  	[simem:s7], [sflag:s8] =	dma.local @!p0 [hbm:s6], $0xF7A  }
0x23: {  	s9 =	sor.u32 $0xD0000000, s2;
	s6 =	simm.s32 $0x108;
	_ =	swait.ge @!p0 [sflag:s8], $0x0  }
0x24: {  	s3 =	sadd.s32 $0x88, s3;
	s6 =	simm.s32 @!p1 $0x1082;
	[sflag:s4] =	ssyncset.s32 $0xFFFFF086  }
0x25: {  	[simem:s6], [sflag:s4] =	dma.local [hbm:s3], $0xF7A  }
0x26: {  	[smem:$0x3FA0] =	sst s1;
	(tag) =	ssettag s2;
	_ =	strace s9  }
0x27: {  	s1 =	sld [smem:$0x3FB0]  }
0x28: {  	s2 =	sld [smem:$0x3FB1]  }
0x29: {  	s4 =	sld [smem:$0x3FB3]  }
0x2a: {  	p0 =	seq.s32 s5, $0x0;
	s5 =	sld [smem:$0x3FB4]  }
0x2b: {  	s6 =	sld [smem:$0x3FB5]  }
0x2c: {  	s7 =	sld [smem:$0x3FB6]  }
0x2d: {  	s3 =	simm.s32 $0x108;
	s8 =	sld [smem:$0x3FB7]  }
0x2e: {  	s3 =	simm.s32 @!p0 $0x1082;
	s9 =	sld [smem:$0x3FB8]  }
0x2f: {  	lr =	sadd.s32 s0, s3;
	s0 =	sld [smem:$0x3FAF]  }
0x30: {  	s3 =	sld [smem:$0x3FB2]  }
0x31: {  	[smem:$0x3FBB] =	sst s10  }
0x32: {  	s10 =	sld [smem:$0x3FB9];
	_ =	sdelay $0x3  }
0x33: {  	p0 =	seq.s32 s10, $0x1;
	s10 =	sld [smem:$0x3FBB];
	_ =	sdelay $0x3  }
0x34: {  	[smem:$0x3FBB] =	sst s10  }
0x35: {  	s10 =	sld [smem:$0x3FBA];
	_ =	sdelay $0x3  }
0x36: {  	p1 =	seq.s32 s10, $0x1;
	s10 =	sld [smem:$0x3FBB];
	_ =	sdelay $0x3  }
0x37: {  	[smem:$0x3FBB] =	sst s10  }
0x38: {  	s10 =	sld [smem:$0x3FBC]  }
0x39: {  	_ = 	snop;
	(pc) =	sbr.ind lr, $3  }
0x3a: {  	_ = 	snop  }
0x3b: {  	_ = 	snop  }
0x3c: {  	p2 =	seq.s32 s10, $0x1;
	s10 =	sld [smem:$0x3FBB]  }
0x3d: {  	_ =	shalt  }
0x3e: {  	_ =	shalt  }
0x3f: {  	_ =	shalt  }
0x40: {  	_ =	shalt  }
0x41: {  	_ =	shalt  }
0x42: {  	_ =	shalt  }
0x43: {  	_ =	shalt  }
0x44: {  	_ =	shalt  }
0x45: {  	_ =	shalt  }
0x46: {  	_ =	shalt  }
0x47: {  	_ =	shalt  }
0x48: {  	_ =	shalt  }
0x49: {  	_ =	shalt  }
0x4a: {  	_ =	shalt  }
0x4b: {  	_ =	shalt  }
0x4c: {  	_ =	shalt  }
0x4d: {  	_ =	shalt  }
0x4e: {  	_ =	shalt  }
0x4f: {  	_ =	shalt  }
0x50: {  	_ =	shalt  }
0x51: {  	_ =	shalt  }
0x52: {  	_ =	shalt  }
0x53: {  	_ =	shalt  }
0x54: {  	_ =	shalt  }
0x55: {  	_ =	shalt  }
0x56: {  	_ =	shalt  }
0x57: {  	_ =	shalt  }
0x58: {  	_ =	shalt  }
0x59: {  	_ =	shalt  }
0x5a: {  	_ =	shalt  }
0x5b: {  	_ =	shalt  }
0x5c: {  	_ =	shalt  }
0x5d: {  	_ =	shalt  }
0x5e: {  	_ =	shalt  }
0x5f: {  	_ =	shalt  }
0x60: {  	_ =	shalt  }
0x61: {  	_ =	shalt  }
0x62: {  	_ =	shalt  }
0x63: {  	_ =	shalt  }
0x64: {  	_ =	shalt  }
0x65: {  	_ =	shalt  }
0x66: {  	_ =	shalt  }
0x67: {  	_ =	shalt  }
0x68: {  	_ =	shalt  }
0x69: {  	_ =	shalt  }
0x6a: {  	_ =	shalt  }
0x6b: {  	_ =	shalt  }
0x6c: {  	_ =	shalt  }
0x6d: {  	_ =	shalt  }
0x6e: {  	_ =	shalt  }
0x6f: {  	_ =	shalt  }
0x70: {  	_ =	shalt  }
0x71: {  	_ =	shalt  }
0x72: {  	_ =	shalt  }
0x73: {  	_ =	shalt  }
0x74: {  	_ =	shalt  }
0x75: {  	_ =	shalt  }
0x76: {  	_ =	shalt  }
0x77: {  	_ =	shalt  }
0x78: {  	_ =	shalt  }
0x79: {  	_ =	shalt  }
0x7a: {  	_ =	shalt  }
0x7b: {  	_ =	shalt  }
0x7c: {  	_ =	shalt  }
0x7d: {  	_ =	shalt  }
0x7e: {  	_ =	shalt  }
0x7f: {  	_ =	shalt  }
0x80: {  	_ =	shalt  }
0x81: {  	_ =	shalt  }
0x82: {  	_ =	shalt  }
0x83: {  	_ =	shalt  }
0x84: {  	_ =	shalt  }
0x85: {  	_ =	shalt  }
0x86: {  	_ =	shalt  }
0x87: {  	_ =	shalt  }
.Lfunc_end0:
.L_simem_size_0:
called_computation_lowered:
.L_overlay_start_0:
0x88: {  	s2 =	sld [smem:$0x3FD9]  }
0x89: {  	s3 =	sld [smem:$0x3FFE];
	_ =	sdelay $0x1  }
0x8a: {  	s1 =	srdreg.scid  }
0x8b: {  	s0 =	sand.u32 $0x1, s1  }
0x8c: {  	s16 =	sshll.u32 s0, $0xA;
	s2 =	sadd.s32 s3, s2  }
0x8d: {  	s2 =	sadd.s32 s2, s16  }
0x8e: {  	[smem:$0x3FC7] =	sst s2  }
0x8f: {  	_ = 	snop  }
0x90: {  	(tm) =	ssettm $0x1  }
0x91: {  	s17 =	sld [smem:$0x3FFB];
	_ =	sdelay $0x3  }
0x92: {  	_ =	strace s17  }
0x93: {  	s2 =	sld [smem:$0x3FFC];
	_ =	sdelay $0x3  }
0x94: {  	_ =	strace s2  }
0x95: {  	s2 =	sld [smem:$0x3FFD];
	_ =	sdelay $0x3  }
0x96: {  	_ =	strace s2  }
0x97: {  	_ =	strace $0x8FFFFFFF  }
0x98: {  	s18 =	sld [smem:$0x3FDB];
	_ =	sdelay $0x1  }
0x99: {  	s19 =	simm.s32 $_scs_section_size  }
0x9a: {  	s4 =	simm.s32 $_size__tile_overlayer_lowered;
	s5 =	simm.s32 $_tile_overlayer_lowered  }
0x9b: {  	s22 =	simm.s32 $0x1BFF;
	s21 =	sshll.u32 s5, $0x1;
	s2 =	sadd.s32 s19, s18  }
0x9c: {  	s6 =	simm.s32 $0x0;
	s20 =	sshll.u32 s4, $0x1;
	s4 =	sadd.s32 s21, s2  }
0x9d: {  	[timem:s6], [sflag:s22] =	dma.local [hbm:s4], s20  }
0x9e: {  	_ =	swait.ge [sflag:s22], s20  }
0x9f: {  	s3 =	ssub.s32 $0x0, s20;
	[sflag:s22] =	ssyncset.done $0x0  }
0xa0: {  	[sflag:s22] =	ssyncadd.s32 s3;
	_ =	sdelay $0x1  }
0xa1: {  	s23 =	simm.s32 $0x1B8B  }
0xa2: {  	_ =	swait.ge [sflag:s23], $0x1  }
0xa3: {  	[sflag:s23] =	ssyncset.done $0x0  }
0xa4: {  	s25 =	simm.s32 $0x1B8E;
	s24 =	sld [smem:$0x3FFE];
	[sflag:s23] =	ssyncadd.s32 $0xFFFFFFFF  }
0xa5: {  	s26 =	simm.s32 $execute0_lowered;
	[smem:$0x3FD2] =	sst s25  }
0xa6: {  	s4 =	sshll.u32 s26, $0x1;
	_ =	strace $0x80000046;
	[dreg:$0x1] =	wrdreg $0xFFFFFFFF  }
0xa7: {  	s28 =	simm.s32 $_size_execute0_lowered;
	s2 =	sadd.s32 s2, s4;
	[dreg:$0x0] =	wrdreg $0x0  }
0xa8: {  	s4 =	sshll.u32 s28, $0x1;
	[dreg:$0x2] =	wrdreg s2  }
0xa9: {  	[dreg:$0x3] =	wrdreg s4  }
0xaa: {  	[dreg:$0x4] =	wrdreg $0xC0  }
0xab: {  	_ =	task [dreg:s6], $0x5FFFF  }
0xac: {  	[dreg:$0x1] =	wrdreg $0xFFFFFFFF  }
0xad: {  	[dreg:$0x0] =	wrdreg $0x60  }
0xae: {  	[dreg:$0x2] =	wrdreg s24  }
0xaf: {  	[dreg:$0x3] =	wrdreg $0x9  }
0xb0: {  	_ =	task.clear_ibuf [dreg:s6], $0x4FFFF;
	_ =	strace $0x90000046  }
0xb1: {  	s29 =	simm.s32 $0x9;
	_ =	strace $0x80000048  }
0xb2: {  	_ =	swait.ge [sflag:s29], $0x1  }
0xb3: {  	[sflag:s29] =	ssyncadd.s32 $0xFFFFFFFF  }
0xb4: {  	_ =	strace $0x90000048  }
0xb5: {  	_ =	sfence  }
0xb6: {  	s30 =	sld [smem:$0x0];
	_ =	sdelay $0x2  }
0xb7: {  	s31 =	sshll.u32 s1, $0xD;
	s1 =	sshrl.u32 s1, $0x2  }
0xb8: {  	s3 =	sand.u32 $0x4000, s31;
	s1 =	sadd.s32 s1, s30  }
0xb9: {  	s0 =	sor.u32 s3, s0;
	s1 =	sshll.u32 s1, $0x11  }
0xba: {  	s0 =	sor.u32 s1, s0  }
0xbb: {  	s0 =	sadd.s32 $0x8F2B, s0  }
0xbc: {  	[sflag:s0] =	ssyncadd.remote.s32 $0x1  }
0xbd: {  	_ =	sfence.sel $0xFFFF  }
0xbe: {  	[dreg:$0x0] =	wrdreg $0xFFFFFFFF;
	(pc) =	sbr.abs _section_cstart, $3  }
0xbf: {  	[dreg:$0x1] =	wrdreg $0xFFFFFFFF  }
0xc0: {  	_ =	task.clear_ibuf [dreg:s6], $0x2FFFF;
	_ =	strace $0x9FFFFFFF  }
0xc1: {  	(tm) =	ssettm $0x7FFFFFFF  }
tec
execute0_lowered:
.L_overlay_start_1:
0x0: {  	(tag) =	ssettag $0x1  }
0x1: {  	s4 =	rddreg [dreg:$0x0];
	s2 =	srdreg.scid  }
0x2: {  	s1 =	stileid.u32;
	s0 =	rddreg [dreg:$0x1]  }
0x3: {  	s9 =	simm.s32 $0x1;
	s10 =	simm.s32 $0x1000;
	s11 =	simm.s32 $0x2000  }
0x4: {  	s12 =	simm.s32 $0x4000;
	s13 =	simm.s32 $0x5000;
	s14 =	simm.s32 $0x6000  }
0x5: {  	s15 =	simm.s32 $0x7000;
	s16 =	simm.s32 $0x0;
	s3 =	sand.u32 $0x1, s2  }
0x6: {  	s5 =	sshll.u32 s1, $0x1;
	s2 =	simm.s32 $0x0;
	s6 =	sshrl.u32 s1, $0x2  }
0x7: {  	s5 =	sor.u32 s3, s5;
	[smem:$0x7FF] =	sst s2;
	s6 =	smul.u32 $0x3000, s6  }
.Ltmp0:
0x8: {  	s3 =	ssub.s32 $0x2, s3;
	s7 =	sshll.u32 s5, $0x4;
	(pc) =	sbr.rel .LBB2_1-.Ltmp0, $4  }
0x9: {  	_ =	strace $0x80000047;
	s8 =	sshrl.u32 s3, $0x1;
	s5 =	sand.u32 $0x7, s5  }
0xa: {  	s7 =	sadd.s32 s7, s4;
	s6 =	sshrl.u32 s6, $0x3;
	s8 =	ssub.s32 s3, s8  }
0xb: {  	s3 =	smul.u32 $0xA0, s5;
	s4 =	sadd.s32 s4, s6;
	s7 =	sadd.s32 $0x1800, s7  }
0xc: {  	vm1 =	vmmov $0xff;
	s8 =	smax.u32 s8, $0x1;
	s5 =	sadd.s32 $0x200, s4;
	s6 =	sadd.s32 $0x400, s4  }
.LBB2_11:
0xd: {  	s16 =	sadd.s32 $0x1, s16  }
0xe: {  	p0 =	sne.s32 s16, s8  }
.Ltmp1:
0xf: {  	[tilespmem:$0x7000] =	vst v0;
	(pc) =	sbr.rel @!p0 .LBB2_12-.Ltmp1, $4  }
0x10: {  	[hbm4b:s7+s2] =	stream.linear.scatter [tilespmem:s15], [sflag:$0x1], $0x80, $0x38;
	[tilespmem:$0x7080] =	vst v63  }
0x11: {  	_ =	swait.ge [sflag:s9], $0x80  }
0x12: {  	[sflag:s9] =	ssyncset.done $0x0  }
0x13: {  	[sflag:s9] =	ssyncadd.s32 $0xFFFFFF80  }
.LBB2_1:
0x14: {  	[tilespmem:s2], [sflag:$0x1] =	stream.linear.gather [hbm4b:s4+s2], $0x1000, $0x38;
	[tilespmem:$0x7080] =	vst v63  }
0x15: {  	_ =	swait.ge [sflag:s9], $0x1000  }
0x16: {  	[sflag:s9] =	ssyncset.done $0x0  }
0x17: {  	[sflag:s9] =	ssyncadd.s32 $0xFFFFF000  }
0x18: {  	[tilespmem:s10], [sflag:$0x1] =	stream.linear.gather [hbm4b:s5+s2], $0x1000, $0x38;
	[tilespmem:$0x7080] =	vst v63  }
0x19: {  	_ =	swait.ge [sflag:s9], $0x1000  }
0x1a: {  	[sflag:s9] =	ssyncset.done $0x0  }
0x1b: {  	[sflag:s9] =	ssyncadd.s32 $0xFFFFF000  }
0x1c: {  	[tilespmem:s11], [sflag:$0x1] =	stream.linear.gather [hbm4b:s6+s2], $0x1000, $0x38;
	[tilespmem:$0x7080] =	vst v63  }
0x1d: {  	_ =	swait.ge [sflag:s9], $0x1000  }
0x1e: {  	[sflag:s9] =	ssyncset.done $0x0  }
0x1f: {  	s18 =	simm.s32 $0x0;
	[sflag:s9] =	ssyncadd.s32 $0xFFFFF000  }
0x20: {  	v0 =	vld [tilespmem:s18+$0x0]  }
0x21: {  	v1 =	vld [tilespmem:s18+$0x1000]  }
0x22: {  	v4 =	vld [tilespmem:s18+$0x2000];
	_ =	sdelay $0x3  }
0x23: {  	s17 =	simm.s32 $0x10;
	v3 =	vmul.f32 v0, v0;
	v5 =	vmul.f32 v1, v1;
	v6 =	vshrl.u32 v0, $0x10  }
0x24: {  	v2 =	vld [tilespmem:s17+$0x0];
	v7 =	vshrl.u32 v1, $0x10;
	v8 =	vmul.f32 v4, v4;
	v9 =	vshrl.u32 v4, $0x10  }
0x25: {  	v6 =	vand.u32 $0x1, v6;
	v7 =	vand.u32 $0x1, v7;
	v5 =	vadd.f32 v5, v3;
	v3 =	vld [tilespmem:s17+$0x1000]  }
0x26: {  	v6 =	vadd.s32 v6, v0;
	v1 =	vadd.s32 v7, v1;
	v7 =	vand.u32 $0x1, v9  }
0x27: {  	v0 =	vld [tilespmem:s17+$0x2000];
	v6 =	vadd.s32 $0x7FFF, v6;
	v4 =	vadd.s32 v7, v4  }
0x28: {  	v1 =	vadd.s32 $0x7FFF, v1;
	v5 =	vadd.f32 v8, v5;
	v6 =	vand.u32 $0xFFFF0000, v6  }
0x29: {  	v7 =	vshrl.u32 v2, $0x10;
	v4 =	vadd.s32 $0x7FFF, v4;
	v9 =	vand.u32 $0xFFFF0000, v1;
	[tilespmem:s18+$0x4000] =	vst v6  }
0x2a: {  	s19 =	simm.s32 $0x20;
	[tilespmem:s18+$0x3000] =	vst v5;
	v5 =	vmul.f32 v2, v2;
	v6 =	vshrl.u32 v3, $0x10;
	v8 =	vmul.f32 v3, v3  }
0x2b: {  	s20 =	simm.s32 $0xC0;
	v7 =	vand.u32 $0x1, v7;
	v4 =	vand.u32 $0xFFFF0000, v4;
	v1 =	vld [tilespmem:s19+$0x0];
	[tilespmem:s18+$0x5000] =	vst v9;
	v6 =	vand.u32 $0x1, v6  }
.LBB2_2:
0x2c: {  	p0 =	sne.s32 s20, $0x3FC0;
	v9 =	vld [tilespmem:s19+$0x1000];
	v5 =	vadd.f32 v8, v5;
	v8 =	vmul.f32 v0, v0;
	v10 =	vshrl.u32 v0, $0x10;
	[tilespmem:s18+$0x6000] =	vst v4;
	s18 =	smov.u32 s17;
	s17 =	smov.u32 s19  }
0x2d: {  	v2 =	vadd.s32 v7, v2;
	v3 =	vadd.s32 v6, v3;
	v4 =	vand.u32 $0x1, v10  }
.Ltmp2:
0x2e: {  	v11 =	vadd.s32 $0x7FFF, v2;
	v5 =	vadd.f32 v8, v5;
	v4 =	vadd.s32 v4, v0;
	v0 =	vld [tilespmem:s17+$0x2000];
	(pc) =	sbr.rel @p0 .LBB2_2-.Ltmp2, $4  }
0x2f: {  	v6 =	vand.u32 $0xFFFF0000, v11;
	v8 =	vadd.s32 $0x7FFF, v3;
	v12 =	vadd.s32 $0x7FFF, v4  }
0x30: {  	v10 =	vand.u32 $0xFFFF0000, v8;
	v7 =	vshrl.u32 v1, $0x10;
	[tilespmem:s18+$0x3000] =	vst v5;
	v4 =	vand.u32 $0xFFFF0000, v12;
	v2 =	vmovc v1  }
0x31: {  	s19 =	sshra.s32 s20, $0x2;
	v5 =	vmul.f32 v1, v2;
	v8 =	vmul.f32 v9, v9;
	v11 =	vshrl.u32 v9, $0x10;
	[tilespmem:s18+$0x4000] =	vst v6;
	v3 =	vmovc v9  }
0x32: {  	s20 =	sadd.s32 $0x40, s20;
	v7 =	vand.u32 $0x1, v7;
	v1 =	vld [tilespmem:s19+$0x0];
	v6 =	vand.u32 $0x1, v11;
	[tilespmem:s18+$0x5000] =	vst v10  }
0x33: {  	v9 =	vld [tilespmem:s19+$0x1000];
	v5 =	vadd.f32 v8, v5;
	[tilespmem:s18+$0x6000] =	vst v4;
	v55 =	vmul.f32 v0, v0  }
0x34: {  	v56 =	vshrl.u32 v0, $0x10;
	v2 =	vadd.s32 v7, v2;
	v3 =	vadd.s32 v6, v3;
	v57 =	vld [tilespmem:s19+$0x2000]  }
0x35: {  	v58 =	vand.u32 $0x1, v56;
	v2 =	vadd.s32 $0x7FFF, v2;
	v3 =	vadd.s32 $0x7FFF, v3  }
0x36: {  	v4 =	vadd.f32 v55, v5;
	v0 =	vadd.s32 v58, v0;
	v2 =	vand.u32 $0xFFFF0000, v2  }
0x37: {  	v3 =	vand.u32 $0xFFFF0000, v3;
	v0 =	vadd.s32 $0x7FFF, v0;
	v59 =	vmul.f32 v1, v1  }
0x38: {  	[tilespmem:s17+$0x4000] =	vst v2;
	v61 =	vshrl.u32 v1, $0x10;
	v0 =	vand.u32 $0xFFFF0000, v0;
	v60 =	vmul.f32 v9, v9  }
0x39: {  	[tilespmem:s17+$0x5000] =	vst v3;
	v62 =	vshrl.u32 v9, $0x10;
	v2 =	vand.u32 $0x1, v61;
	v63 =	vmul.f32 v57, v57  }
0x3a: {  	[tilespmem:s17+$0x3000] =	vst v4;
	v4 =	vand.u32 $0x1, v62;
	v1 =	vadd.s32 v2, v1;
	v5 =	vadd.f32 v60, v59  }
0x3b: {  	[tilespmem:s17+$0x6000] =	vst v0;
	v3 =	vshrl.u32 v57, $0x10;
	v0 =	vadd.s32 v4, v9;
	v1 =	vadd.s32 $0x7FFF, v1  }
.Ltmp3:
0x3c: {  	v3 =	vand.u32 $0x1, v3;
	v1 =	vand.u32 $0xFFFF0000, v1;
	v2 =	vadd.f32 v63, v5;
	(pc) =	sbr.rel .LBB2_4-.Ltmp3, $4  }
0x3d: {  	v3 =	vadd.s32 v3, v57;
	v0 =	vadd.s32 $0x7FFF, v0;
	[tilespmem:s19+$0x4000] =	vst v1  }
0x3e: {  	v0 =	vand.u32 $0xFFFF0000, v0;
	[tilespmem:s19+$0x3000] =	vst v2;
	v2 =	vadd.s32 $0x7FFF, v3  }
0x3f: {  	[tilespmem:s19+$0x5000] =	vst v0;
	v1 =	vand.u32 $0xFFFF0000, v2  }
0x40: {  	s17 =	simm.s32 $0x0;
	v0 =	vimm.f32 $0.0e+00;
	[tilespmem:s19+$0x6000] =	vst v1  }
.LBB2_10:
0x41: {  	v2 =	vmul.f32 v2, v2;
	v3 =	vmul.f32 v3, v3;
	_ =	sdelay $0x1  }
0x42: {  	v1 =	vmul.f32 v1, v1;
	v2 =	vadd.f32 v3, v2;
	_ =	sdelay $0x1  }
0x43: {  	v1 =	vadd.f32 v1, v2;
	_ =	sdelay $0x1  }
0x44: {  	v1 =	vadd.f32 v7, v1;
	_ =	sdelay $0x1  }
0x45: {  	v1 =	vmax.f32 v1, $0.0e+00  }
0x46: {  	vm0 =	vgt.f32 v1, $0.0e+00  }
0x47: {  	vm0 =	vmand vm0, vm1  }
0x48: {  	v1 =	vnsel vm0, $0x3F800000, v1  }
0x49: {  	v2 =	vshra.s32 v1, $0x1  }
0x4a: {  	v2 =	vadd.s32 $0x1FBD1DF5, v2  }
0x4b: {  	(erf) = vrcp.f32 v2;
	_ =	sdelay $0x8  }
0x4c: {  	v3 =	vpop (erf)  }
0x4d: {  	v3 =	vmul.f32 v3, v1;
	_ =	sdelay $0x1  }
0x4e: {  	v2 =	vadd.f32 v2, v3;
	_ =	sdelay $0x1  }
0x4f: {  	v2 =	vmul.f32 $5.000000000e-01, v2;
	_ =	sdelay $0x1  }
0x50: {  	(erf) = vrcp.f32 v2;
	_ =	sdelay $0x8  }
0x51: {  	v3 =	vpop (erf)  }
0x52: {  	v3 =	vmul.f32 v3, v1;
	_ =	sdelay $0x1  }
0x53: {  	v2 =	vadd.f32 v3, v2;
	_ =	sdelay $0x1  }
0x54: {  	v2 =	vmul.f32 $5.000000000e-01, v2;
	_ =	sdelay $0x1  }
0x55: {  	(erf) = vrcp.f32 v2;
	_ =	sdelay $0x8  }
0x56: {  	v3 =	vpop (erf)  }
0x57: {  	v1 =	vmul.f32 v3, v1  }
0x58: {  	s17 =	sadd.s32 $0x1, s17  }
0x59: {  	p0 =	sne.s32 s17, $0xA0;
	v1 =	vadd.f32 v1, v2  }
.Ltmp4:
0x5a: {  	_ = 	snop;
	(pc) =	sbr.rel @!p0 .LBB2_11-.Ltmp4, $3  }
0x5b: {  	v1 =	vmul.f32 $5.000000000e-01, v1;
	_ =	sdelay $0x1  }
0x5c: {  	v1 =	vnsel vm0, $0x0, v1  }
0x5d: {  	v0 =	vadd.f32 v1, v0  }
.LBB2_4:
0x5e: {  	s19 =	simm.s32 $0x3040  }
0x5f: {  	v7 =	vld [tilespmem:s19+$0x30]  }
0x60: {  	s22 =	simm.s32 $0x5040;
	v9 =	vld [tilespmem:s19+$0xFFFFFFF0]  }
0x61: {  	s20 =	simm.s32 $0x4040;
	v11 =	vld [tilespmem:s22+$0xFFFFFFF0]  }
0x62: {  	v12 =	vld [tilespmem:s20+$0xFFFFFFF0]  }
0x63: {  	v13 =	vld [tilespmem:s22+$0xFFFFFFE0]  }
0x64: {  	v14 =	vld [tilespmem:s19+$0xFFFFFFE0]  }
0x65: {  	v15 =	vld [tilespmem:s22+$0xFFFFFFD0]  }
0x66: {  	s18 =	sadd.s32 s3, s17;
	v16 =	vld [tilespmem:s19+$0xFFFFFFC0]  }
0x67: {  	v4 =	vmov s18;
	v17 =	vld [tilespmem:s20+$0xFFFFFFE0]  }
0x68: {  	v18 =	vld [tilespmem:s20+$0xFFFFFFC0]  }
0x69: {  	v19 =	vld [tilespmem:s20+$0xFFFFFFD0]  }
0x6a: {  	s18 =	simm.s32 $0x6040;
	v20 =	vld [tilespmem:s22+$0xFFFFFFC0]  }
0x6b: {  	v10 =	vld [tilespmem:s18+$0xFFFFFFF0]  }
0x6c: {  	v5 =	vld.idx.msk [tilespmem:v4+s12+$0x0], $0xffff  }
0x6d: {  	v8 =	vld.idx.msk [tilespmem:v4+s14+$0x0], $0xffff  }
0x6e: {  	v6 =	vld.idx.msk [tilespmem:v4+s13+$0x0], $0xffff  }
0x6f: {  	v2 =	vld.idx.msk [tilespmem:v4+s2+$0x0], $0xffff  }
0x70: {  	v3 =	vld.idx.msk [tilespmem:v4+s10+$0x0], $0xffff  }
0x71: {  	v1 =	vld.idx.msk [tilespmem:v4+s11+$0x0], $0xffff;
	v4 =	vmul.f32 $-2.000000000e+00, v5  }
0x72: {  	v21 =	vld [tilespmem:s19+$0xFFFFFFD0];
	v5 =	vmul.f32 $-2.000000000e+00, v8  }
0x73: {  	v24 =	vld [tilespmem:s18+$0x0];
	v6 =	vmul.f32 $-2.000000000e+00, v6;
	v8 =	vmul.f32 v12, v4  }
0x74: {  	v12 =	vld [tilespmem:s18+$0xFFFFFFC0];
	v18 =	vmul.f32 v18, v4;
	v10 =	vmul.f32 v10, v5  }
0x75: {  	v22 =	vld [tilespmem:s18+$0xFFFFFFD0];
	v17 =	vmul.f32 v17, v4;
	v11 =	vmul.f32 v11, v6  }
0x76: {  	v15 =	vmul.f32 v15, v6;
	v8 =	vadd.f32 v8, v9;
	v9 =	vmul.f32 v19, v4;
	v19 =	vld [tilespmem:s18+$0xFFFFFFE0]  }
0x77: {  	v16 =	vadd.f32 v18, v16;
	v18 =	vmul.f32 v20, v6;
	v14 =	vadd.f32 v17, v14;
	v17 =	vld [tilespmem:s22+$0x0]  }
0x78: {  	v13 =	vmul.f32 v13, v6;
	v24 =	vmul.f32 v24, v5;
	v20 =	vld [tilespmem:s20+$0x0];
	v9 =	vadd.f32 v9, v21  }
0x79: {  	v21 =	vld [tilespmem:s22+$0x10];
	v16 =	vadd.f32 v18, v16;
	v11 =	vadd.f32 v11, v8;
	v12 =	vmul.f32 v12, v5  }
0x7a: {  	v18 =	vld [tilespmem:s20+$0x10];
	v13 =	vadd.f32 v13, v14;
	v9 =	vadd.f32 v15, v9;
	v15 =	vmul.f32 v22, v5  }
0x7b: {  	v8 =	vimm.f32 $+Inf;
	v14 =	vmul.f32 v19, v5;
	v19 =	vld [tilespmem:s19+$0x0];
	v12 =	vadd.f32 v12, v16  }
0x7c: {  	v22 =	vld [tilespmem:s20+$0x20];
	v10 =	vadd.f32 v10, v11;
	v26 =	vmul.f32 v17, v6;
	v9 =	vadd.f32 v15, v9  }
0x7d: {  	v25 =	vld [tilespmem:s19+$0x10];
	v11 =	vadd.f32 v14, v13;
	v13 =	vmul.f32 v20, v4;
	v15 =	vmin.f32 v8, v12  }
0x7e: {  	v14 =	vmul.f32 v21, v6;
	v20 =	vmax.f32 v8, v12;
	v21 =	vld [tilespmem:s22+$0x20];
	v23 =	vmin.f32 v15, v9  }
0x7f: {  	v17 =	vld [tilespmem:s18+$0x10];
	v12 =	vmax.f32 v15, v9;
	v16 =	vmin.f32 v23, v11;
	v9 =	vmax.f32 v23, v11  }
0x80: {  	v11 =	vadd.f32 v13, v19;
	v13 =	vmax.f32 v8, v20;
	v19 =	vmul.f32 v18, v4;
	v18 =	vld [tilespmem:s20+$0x30]  }
0x81: {  	v15 =	vmin.f32 v8, v20;
	v22 =	vmul.f32 v22, v4;
	v20 =	vld [tilespmem:s19+$0x20];
	v27 =	vmax.f32 v8, v13  }
0x82: {  	s21 =	simm.s32 $0x0;
	s23 =	simm.s32 $0x60C0;
	v23 =	vadd.f32 v26, v11;
	v11 =	vmin.f32 v8, v27;
	v25 =	vadd.f32 v19, v25;
	v19 =	vld [tilespmem:s22+$0x30];
	s22 =	simm.s32 $0x50C0  }
.LBB2_5:
0x83: {  	s21 =	sadd.s32 $0x8, s21;
	v26 =	vmin.f32 v15, v12;
	v12 =	vmax.f32 v15, v12;
	v15 =	vmul.f32 v21, v6;
	v21 =	vld [tilespmem:s18+$0x20];
	s19 =	sadd.s32 $0x80, s19;
	s20 =	sadd.s32 $0x80, s20  }
0x84: {  	v28 =	vmax.f32 v16, v10;
	v27 =	vld [tilespmem:s19+$0x30];
	p0 =	slt.u32 s21, $0xF8;
	v23 =	vadd.f32 v24, v23;
	v14 =	vadd.f32 v14, v25  }
0x85: {  	v8 =	vmin.f32 v8, v13;
	v10 =	vmin.f32 v16, v10;
	v13 =	vmul.f32 v17, v5;
	v16 =	vld [tilespmem:s18+$0x30];
	s18 =	smov.u32 s23  }
0x86: {  	v24 =	vmin.f32 v8, v12;
	v18 =	vmul.f32 v18, v4;
	v17 =	vld [tilespmem:s19+$0xFFFFFFF0];
	v20 =	vadd.f32 v22, v20  }
0x87: {  	v8 =	vmax.f32 v8, v12;
	v12 =	vmax.f32 v10, v23;
	v13 =	vadd.f32 v13, v14;
	v22 =	vld [tilespmem:s23+$0xFFFFFFF0]  }
0x88: {  	v8 =	vmin.f32 v11, v8;
	v14 =	vld [tilespmem:s22+$0xFFFFFFF0];
	v11 =	vadd.f32 v15, v20;
	v15 =	vmul.f32 v19, v6  }
0x89: {  	v10 =	vmin.f32 v10, v23;
	v18 =	vadd.f32 v18, v7;
	v20 =	vmin.f32 v26, v9;
	v19 =	vld [tilespmem:s20+$0xFFFFFFF0];
	v7 =	vmovc v27  }
0x8a: {  	v21 =	vmul.f32 v21, v5;
	v25 =	vmin.f32 v20, v28;
	v23 =	vld [tilespmem:s22+$0xFFFFFFE0];
	v16 =	vmul.f32 v16, v5  }
0x8b: {  	v9 =	vmax.f32 v26, v9;
	v26 =	vmin.f32 v10, v13;
	v10 =	vmax.f32 v10, v13;
	v27 =	vld [tilespmem:s19+$0xFFFFFFE0]  }
0x8c: {  	v29 =	vmax.f32 v24, v9;
	v11 =	vadd.f32 v21, v11;
	v15 =	vadd.f32 v15, v18;
	v13 =	vld [tilespmem:s22+$0xFFFFFFD0]  }
0x8d: {  	v20 =	vmax.f32 v20, v28;
	v21 =	vmul.f32 v22, v5;
	v22 =	vmin.f32 v25, v12;
	v18 =	vld [tilespmem:s19+$0xFFFFFFC0]  }
0x8e: {  	v12 =	vmax.f32 v25, v12;
	v25 =	vmin.f32 v26, v11;
	v28 =	vld [tilespmem:s20+$0xFFFFFFE0];
	v19 =	vmul.f32 v19, v4  }
0x8f: {  	v8 =	vmin.f32 v8, v29;
	v11 =	vmax.f32 v26, v11;
	v15 =	vadd.f32 v16, v15;
	v30 =	vld [tilespmem:s20+$0xFFFFFFC0]  }
0x90: {  	v9 =	vmin.f32 v24, v9;
	v14 =	vmul.f32 v14, v6;
	v16 =	vld [tilespmem:s20+$0xFFFFFFD0];
	v17 =	vadd.f32 v19, v17  }
0x91: {  	v24 =	vmin.f32 v9, v20;
	v9 =	vmax.f32 v9, v20;
	v20 =	vmax.f32 v25, v15;
	v19 =	vld [tilespmem:s22+$0xFFFFFFC0]  }
0x92: {  	v29 =	vmax.f32 v22, v10;
	v26 =	vld [tilespmem:s19+$0xFFFFFFD0];
	v14 =	vadd.f32 v14, v17;
	v17 =	vmin.f32 v24, v12  }
0x93: {  	v12 =	vmax.f32 v24, v12;
	v31 =	vld [tilespmem:s23+$0xFFFFFFC0];
	v28 =	vmul.f32 v28, v4;
	v24 =	vmin.f32 v17, v29  }
0x94: {  	v8 =	vmin.f32 v8, v9;
	v9 =	vmin.f32 v22, v10;
	v30 =	vmul.f32 v30, v4;
	v32 =	vld [tilespmem:s23+$0xFFFFFFD0]  }
0x95: {  	v17 =	vmax.f32 v17, v29;
	v10 =	vmul.f32 v16, v4;
	v16 =	vadd.f32 v28, v27;
	v22 =	vld [tilespmem:s23+$0xFFFFFFE0]  }
0x96: {  	v8 =	vmin.f32 v8, v12;
	v18 =	vadd.f32 v30, v18;
	v19 =	vmul.f32 v19, v6  }
0x97: {  	v12 =	vmul.f32 v13, v6;
	v8 =	vmin.f32 v8, v17;
	v10 =	vadd.f32 v10, v26;
	v13 =	vld [tilespmem:s20+$0x0]  }
0x98: {  	v17 =	vadd.f32 v19, v18;
	v18 =	vmul.f32 v23, v6;
	v19 =	vmin.f32 v9, v11  }
0x99: {  	v9 =	vmax.f32 v9, v11;
	v10 =	vadd.f32 v12, v10;
	v12 =	vmul.f32 v32, v5  }
0x9a: {  	v11 =	vadd.f32 v18, v16;
	v16 =	vmul.f32 v22, v5;
	v18 =	vld [tilespmem:s22+$0x10];
	v22 =	vmin.f32 v24, v9  }
0x9b: {  	v9 =	vmax.f32 v24, v9;
	v12 =	vadd.f32 v12, v10;
	v10 =	vadd.f32 v21, v14;
	v21 =	vld [tilespmem:s22+$0x0]  }
0x9c: {  	v14 =	vmul.f32 v31, v5;
	v11 =	vadd.f32 v16, v11;
	v23 =	vld [tilespmem:s20+$0x10];
	v16 =	vmax.f32 v19, v20  }
0x9d: {  	v9 =	vmin.f32 v8, v9;
	v13 =	vmul.f32 v13, v4;
	v24 =	vld [tilespmem:s19+$0x0];
	v26 =	vmax.f32 v22, v16  }
0x9e: {  	v17 =	vadd.f32 v14, v17;
	v8 =	vmin.f32 v22, v16;
	v27 =	vld [tilespmem:s20+$0x20];
	v26 =	vmin.f32 v9, v26  }
0x9f: {  	v9 =	vmin.f32 v25, v15;
	v28 =	vld [tilespmem:s23+$0x0];
	v14 =	vmul.f32 v18, v6;
	v18 =	vmin.f32 v19, v20  }
0xa0: {  	v15 =	vmin.f32 v9, v17;
	v19 =	vmax.f32 v9, v17;
	v25 =	vld [tilespmem:s19+$0x10]  }
.Ltmp5:
0xa1: {  	v9 =	vmin.f32 v15, v12;
	v12 =	vmax.f32 v15, v12;
	v20 =	vmul.f32 v21, v6;
	v21 =	vld [tilespmem:s22+$0x20];
	(pc) =	sbr.rel @p0 .LBB2_5-.Ltmp5, $4  }
0xa2: {  	v16 =	vmin.f32 v9, v11;
	v9 =	vmax.f32 v9, v11;
	v11 =	vadd.f32 v13, v24;
	v17 =	vld [tilespmem:s23+$0x10]  }
0xa3: {  	v15 =	vmin.f32 v18, v19;
	v13 =	vmax.f32 v18, v19;
	v19 =	vmul.f32 v23, v4;
	v18 =	vld [tilespmem:s20+$0x30]  }
0xa4: {  	v24 =	vmax.f32 v8, v13;
	v22 =	vmul.f32 v27, v4;
	v23 =	vadd.f32 v20, v11;
	v20 =	vld [tilespmem:s19+$0x20]  }
0xa5: {  	s23 =	sadd.s32 $0x80, s23;
	v11 =	vmin.f32 v26, v24;
	v24 =	vmul.f32 v28, v5;
	v25 =	vadd.f32 v19, v25;
	v19 =	vld [tilespmem:s22+$0x30];
	s22 =	sadd.s32 $0x80, s22  }
0xa6: {  	v26 =	vmin.f32 v15, v12;
	v27 =	vld [tilespmem:s18+$0x20]  }
0xa7: {  	v21 =	vmul.f32 v21, v6;
	v34 =	vld [tilespmem:s18+$0x30];
	v35 =	vmin.f32 v16, v10;
	v36 =	vmax.f32 v16, v10  }
0xa8: {  	v23 =	vadd.f32 v24, v23;
	v14 =	vadd.f32 v14, v25;
	v18 =	vmul.f32 v18, v4  }
0xa9: {  	v17 =	vmul.f32 v17, v5;
	v40 =	vmin.f32 v26, v9;
	v37 =	vadd.f32 v22, v20  }
0xaa: {  	v44 =	vmin.f32 v40, v36;
	v39 =	vmul.f32 v19, v6;
	v7 =	vadd.f32 v18, v7  }
0xab: {  	v38 =	vmax.f32 v35, v23;
	v16 =	vadd.f32 v21, v37;
	v41 =	vmul.f32 v27, v5  }
0xac: {  	v14 =	vadd.f32 v17, v14;
	v43 =	vmul.f32 v34, v5;
	v7 =	vadd.f32 v39, v7  }
0xad: {  	v42 =	vmin.f32 v35, v23;
	v45 =	vmin.f32 v44, v38;
	v16 =	vadd.f32 v41, v16  }
0xae: {  	v23 =	vmin.f32 v42, v14;
	v14 =	vmax.f32 v42, v14;
	v7 =	vadd.f32 v43, v7  }
0xaf: {  	v47 =	vmin.f32 v45, v14;
	v46 =	vmin.f32 v23, v16;
	v16 =	vmax.f32 v23, v16  }
0xb0: {  	v48 =	vmax.f32 v46, v7;
	v49 =	vmin.f32 v47, v16;
	v7 =	vmin.f32 v46, v7  }
0xb1: {  	v50 =	vmin.f32 v49, v48;
	(xrf1) =	vsort.ascd.msk.f32 $0xffff, v7, v7  }
0xb2: {  	(xrf1) =	vsort.dscd.msk.f32 $0xffff, v50, v50;
	_ =	sdelay $0x8  }
0xb3: {  	v8 =	vmin.f32 v8, v13;
	v7 =	vmax.f32 v15, v12  }
0xb4: {  	v51 =	vmax.f32 v26, v9;
	v12 =	vmin.f32 v8, v7  }
0xb5: {  	v10 =	vmax.f32 v40, v36;
	v52 =	vmin.f32 v12, v51  }
0xb6: {  	v53 =	vmax.f32 v44, v38;
	v54 =	vmin.f32 v52, v10  }
0xb7: {  	v14 =	vmax.f32 v45, v14;
	v55 =	vmin.f32 v54, v53;
	v56, _, _ =	vpop (xrf1)  }
0xb8: {  	v16 =	vmax.f32 v47, v16;
	v57 =	vmin.f32 v55, v14;
	v21, _, _ =	vpop (xrf1)  }
0xb9: {  	v23 =	vmax.f32 v49, v48;
	v22 =	vmin.f32 v57, v16;
	v19 =	vmin.f32 v56, v21  }
0xba: {  	v58 =	vmin.f32 v22, v23;
	(xrf1) =	vsort.ascd.msk.f32 $0xffff, v19, v19  }
0xbb: {  	(xrf1) =	vsort.dscd.msk.f32 $0xffff, v58, v58;
	_ =	sdelay $0x8  }
0xbc: {  	v7 =	vmax.f32 v8, v7  }
0xbd: {  	v7 =	vmin.f32 v11, v7;
	v8 =	vmax.f32 v12, v51  }
0xbe: {  	v7 =	vmin.f32 v7, v8;
	v8 =	vmax.f32 v52, v10  }
0xbf: {  	v59 =	vmax.f32 v54, v53;
	v7 =	vmin.f32 v7, v8  }
0xc0: {  	v8 =	vmax.f32 v55, v14;
	v7 =	vmin.f32 v7, v59;
	v60, _, _ =	vpop (xrf1)  }
0xc1: {  	v7 =	vmin.f32 v7, v8;
	v8 =	vmax.f32 v57, v16;
	v61, _, _ =	vpop (xrf1)  }
0xc2: {  	v7 =	vmin.f32 v7, v8;
	v8 =	vmax.f32 v22, v23;
	v9 =	vmin.f32 v60, v61  }
0xc3: {  	v8 =	vmin.f32 v7, v8;
	(xrf1) =	vsort.ascd.msk.f32 $0xffff, v9, v9  }
0xc4: {  	(xrf1) =	vsort.dscd.msk.f32 $0xffff, v8, v8;
	_ =	sdelay $0xc  }
0xc5: {  	v7, _, _ =	vpop (xrf1)  }
0xc6: {  	v62, _, _ =	vpop (xrf1)  }
0xc7: {  	v7 =	vmin.f32 v7, v62  }
0xc8: {  	(xrf1) =	vsort.ascd.msk.f32 $0xffff, v7, v7;
	_ =	sdelay $0xd  }
0xc9: {  	v7, _, _ =	vpop (xrf1)  }
0xca: {  	v63 =	vbroadcast v7, $0x7;
	_ =	sdelay $0x1  }
0xcb: {  	vm0 =	vle.f32 v8, v63  }
0xcc: {  	v8 =	vmpcnt.ones.xlane vm0;
	_ =	sdelay $0x1  }
0xcd: {  	(v2sf) =	vpush v8, $0x0;
	_ =	sdelay $0xe  }
0xce: {  	s31 =	spop (v2sf)  }
0xcf: {  	p0 =	slt.s32 s31, $0x1  }
.Ltmp6:
0xd0: {  	_ = 	snop;
	(pc) =	sbr.rel @p0 .LBB2_10-.Ltmp6, $1  }
0xd1: {  	_ =	sdelay $0x3  }
0xd2: {  	s18 =	simm.s32 $0x4020  }
0xd3: {  	s19 =	simm.s32 $0x6020;
	v7 =	vld [tilespmem:s18+$0xFFFFFFE0]  }
0xd4: {  	v9 =	vld [tilespmem:s19+$0x10]  }
0xd5: {  	s20 =	simm.s32 $0x3020;
	v10 =	vld [tilespmem:s19+$0xFFFFFFF0]  }
0xd6: {  	v11 =	vld [tilespmem:s20+$0x0]  }
0xd7: {  	v12 =	vld [tilespmem:s20+$0x10]  }
0xd8: {  	v13 =	vld [tilespmem:s19+$0xFFFFFFE0]  }
0xd9: {  	v14 =	vld [tilespmem:s19+$0x0]  }
0xda: {  	v8 =	vld [tilespmem:s18+$0x10]  }
0xdb: {  	s25 =	simm.s32 $0x5020;
	v15 =	vld [tilespmem:s20+$0xFFFFFFE0]  }
0xdc: {  	v16 =	vld [tilespmem:s25+$0xFFFFFFF0]  }
0xdd: {  	v17 =	vld [tilespmem:s25+$0x0]  }
0xde: {  	v19 =	vld [tilespmem:s18+$0xFFFFFFF0]  }
0xdf: {  	v18 =	vld [tilespmem:s25+$0xFFFFFFE0]  }
0xe0: {  	v22 =	vld [tilespmem:s18+$0x0]  }
0xe1: {  	v20 =	vld [tilespmem:s20+$0xFFFFFFF0]  }
0xe2: {  	s28 =	simm.s32 $0x6060;
	v21 =	vld [tilespmem:s25+$0x10];
	v7 =	vmul.f32 v7, v4;
	v23 =	vmul.f32 v8, v4  }
0xe3: {  	s26 =	simm.s32 $0x4060;
	v24 =	vld [tilespmem:s28+$0x10];
	v19 =	vmul.f32 v19, v4;
	v13 =	vmul.f32 v13, v5  }
0xe4: {  	s30 =	simm.s32 $0x5060;
	v25 =	vld [tilespmem:s26+$0x0];
	v16 =	vmul.f32 v16, v6;
	v10 =	vmul.f32 v10, v5  }
0xe5: {  	s21 =	simm.s32 $0x50A0;
	v28 =	vld [tilespmem:s30+$0x0];
	v8 =	vimm.f32 $+Inf;
	v22 =	vmul.f32 v22, v4;
	v9 =	vmul.f32 v9, v5  }
0xe6: {  	v36 =	vld [tilespmem:s21+$0xFFFFFFF0];
	v17 =	vmul.f32 v17, v6;
	v7 =	vadd.f32 v7, v15;
	v15 =	vmul.f32 v18, v6  }
0xe7: {  	v18 =	vld [tilespmem:s26+$0xFFFFFFE0];
	v12 =	vadd.f32 v23, v12;
	v19 =	vadd.f32 v19, v20;
	v20 =	vmul.f32 v21, v6  }
0xe8: {  	v14 =	vmul.f32 v14, v5;
	v11 =	vadd.f32 v22, v11;
	v7 =	vadd.f32 v15, v7;
	v15 =	vld [tilespmem:s28+$0xFFFFFFF0]  }
0xe9: {  	v25 =	vmul.f32 v25, v4;
	v16 =	vadd.f32 v16, v19;
	v12 =	vadd.f32 v20, v12;
	v20 =	vld [tilespmem:s26+$0x10]  }
0xea: {  	v28 =	vmul.f32 v28, v6;
	v11 =	vadd.f32 v17, v11;
	v17 =	vld [tilespmem:s30+$0xFFFFFFF0];
	v7 =	vadd.f32 v13, v7  }
0xeb: {  	v24 =	vmul.f32 v24, v5;
	v36 =	vmul.f32 v36, v6;
	v10 =	vadd.f32 v10, v16  }
0xec: {  	s29 =	simm.s32 $0x3060;
	v13 =	vld [tilespmem:s28+$0xFFFFFFE0];
	v9 =	vadd.f32 v9, v12;
	v11 =	vadd.f32 v14, v11;
	v12 =	vmax.f32 v8, v7  }
0xed: {  	v16 =	vld [tilespmem:s29+$0xFFFFFFE0];
	v18 =	vmul.f32 v18, v4;
	v7 =	vmin.f32 v8, v7;
	v22 =	vmin.f32 v8, v12  }
0xee: {  	v21 =	vld [tilespmem:s29+$0x10];
	v23 =	vmax.f32 v7, v10;
	v12 =	vmax.f32 v8, v12;
	v20 =	vmul.f32 v20, v4  }
0xef: {  	v14 =	vld [tilespmem:s30+$0xFFFFFFE0];
	v7 =	vmin.f32 v7, v10;
	v15 =	vmul.f32 v15, v5;
	v17 =	vmul.f32 v17, v6  }
0xf0: {  	v10 =	vld [tilespmem:s26+$0xFFFFFFF0];
	v26 =	vmin.f32 v8, v12;
	v27 =	vmax.f32 v22, v23;
	v22 =	vmin.f32 v22, v23  }
0xf1: {  	v19 =	vld [tilespmem:s28+$0x0];
	v12 =	vmax.f32 v8, v12;
	v29 =	vmin.f32 v7, v11;
	v7 =	vmax.f32 v7, v11  }
0xf2: {  	v11 =	vld [tilespmem:s29+$0xFFFFFFF0];
	v23 =	vmax.f32 v26, v27;
	v16 =	vadd.f32 v18, v16;
	v13 =	vmul.f32 v13, v5  }
0xf3: {  	v18 =	vadd.f32 v20, v21;
	v20 =	vmin.f32 v22, v7;
	v21 =	vld [tilespmem:s30+$0x10];
	v30 =	vmin.f32 v8, v12  }
0xf4: {  	v12 =	vmax.f32 v8, v12;
	v14 =	vmul.f32 v14, v6;
	v32 =	vmax.f32 v29, v9  }
0xf5: {  	v7 =	vmax.f32 v22, v7;
	v9 =	vmin.f32 v29, v9;
	v10 =	vmul.f32 v10, v4  }
0xf6: {  	v22 =	vmax.f32 v30, v23;
	v23 =	vmin.f32 v30, v23;
	v14 =	vadd.f32 v14, v16  }
0xf7: {  	v31 =	vld [tilespmem:s29+$0x0];
	v16 =	vmul.f32 v19, v5;
	v19 =	vmax.f32 v20, v32;
	v10 =	vadd.f32 v10, v11  }
0xf8: {  	v13 =	vadd.f32 v13, v14;
	v11 =	vmin.f32 v26, v27;
	v21 =	vmul.f32 v21, v6  }
0xf9: {  	v14 =	vmin.f32 v20, v32;
	v26 =	vmin.f32 v11, v7;
	v10 =	vadd.f32 v17, v10  }
0xfa: {  	v7 =	vmax.f32 v11, v7;
	v17 =	vmin.f32 v8, v12;
	v18 =	vadd.f32 v21, v18  }
0xfb: {  	s31 =	simm.s32 $0x40A0;
	v12 =	vmax.f32 v8, v12;
	v59 =	vmin.f32 v26, v19;
	v10 =	vadd.f32 v15, v10  }
0xfc: {  	v11 =	vld [tilespmem:s31+$0x10];
	v19 =	vmax.f32 v26, v19;
	v15 =	vadd.f32 v25, v31;
	v24 =	vadd.f32 v24, v18  }
0xfd: {  	v21 =	vld [tilespmem:s31+$0xFFFFFFE0];
	v18 =	vmin.f32 v9, v13;
	v9 =	vmax.f32 v9, v13;
	v25 =	vmin.f32 v8, v12  }
0xfe: {  	v12 =	vmax.f32 v8, v12;
	v13 =	vmin.f32 v14, v9;
	v9 =	vmax.f32 v14, v9  }
0xff: {  	s18 =	simm.s32 $0x60A0;
	v14 =	vmax.f32 v17, v22;
	v29 =	vmax.f32 v8, v12;
	v12 =	vmin.f32 v8, v12  }
0x100: {  	s19 =	simm.s32 $0x30A0;
	v33 =	vld [tilespmem:s18+$0xFFFFFFF0];
	v20 =	vmax.f32 v18, v10;
	v31 =	vmin.f32 v25, v14;
	v14 =	vmax.f32 v25, v14  }
0x101: {  	v61 =	vld [tilespmem:s19+$0xFFFFFFF0];
	v15 =	vadd.f32 v28, v15;
	v28 =	vmin.f32 v59, v9;
	v9 =	vmax.f32 v59, v9  }
0x102: {  	v27 =	vld [tilespmem:s18+$0x10];
	v11 =	vmul.f32 v11, v4;
	v21 =	vmul.f32 v21, v4;
	v26 =	vmin.f32 v12, v14  }
0x103: {  	v25 =	vld [tilespmem:s19+$0x10];
	v12 =	vmax.f32 v12, v14;
	v14 =	vmin.f32 v17, v22;
	v17 =	vmin.f32 v23, v7  }
0x104: {  	v22 =	vmax.f32 v23, v7;
	v23 =	vld [tilespmem:s19+$0xFFFFFFE0];
	v34 =	vmax.f32 v13, v20;
	v37 =	vmin.f32 v13, v20  }
0x105: {  	v35 =	vmin.f32 v14, v22;
	v7 =	vmax.f32 v28, v34;
	v13 =	vmax.f32 v14, v22;
	v14 =	vld [tilespmem:s21+$0x0]  }
0x106: {  	v15 =	vadd.f32 v16, v15;
	v16 =	vmin.f32 v8, v29;
	v20 =	vmin.f32 v17, v19;
	v22 =	vld [tilespmem:s31+$0x0]  }
0x107: {  	v8 =	vmin.f32 v18, v10;
	v10 =	vld [tilespmem:s21+$0xFFFFFFE0];
	v60 =	vmin.f32 v31, v13;
	v31 =	vmax.f32 v31, v13  }
0x108: {  	v13 =	vld [tilespmem:s31+$0xFFFFFFF0];
	v16 =	vmin.f32 v16, v12;
	v12 =	vmax.f32 v17, v19;
	v19 =	vmul.f32 v27, v5  }
0x109: {  	v30 =	vld [tilespmem:s18+$0xFFFFFFE0];
	v17 =	vmin.f32 v28, v34;
	v29 =	vmin.f32 v8, v15;
	v15 =	vmax.f32 v8, v15  }
0x10a: {  	v27 =	vld [tilespmem:s19+$0x0];
	v8 =	vmin.f32 v20, v9;
	v9 =	vmax.f32 v20, v9;
	v40 =	vmax.f32 v26, v31  }
0x10b: {  	v63 =	vmax.f32 v35, v12;
	v25 =	vadd.f32 v11, v25;
	v39 =	vmul.f32 v22, v4;
	v22 =	vld [tilespmem:s21+$0x10]  }
0x10c: {  	v11 =	vmin.f32 v37, v15;
	v18 =	vadd.f32 v21, v23;
	v21 =	vld [tilespmem:s18+$0x0];
	v10 =	vmul.f32 v10, v6  }
0x10d: {  	v38 =	vmax.f32 v29, v24;
	v20 =	vmul.f32 v14, v6;
	v14 =	vmul.f32 v13, v4  }
0x10e: {  	v23 =	vmul.f32 v30, v5;
	v30 =	vmul.f32 v33, v5;
	v10 =	vadd.f32 v10, v18  }
0x10f: {  	v28 =	vmin.f32 v11, v38;
	v13 =	vmin.f32 v35, v12;
	v14 =	vadd.f32 v14, v61  }
0x110: {  	v12 =	vmax.f32 v60, v63;
	v62 =	vadd.f32 v23, v10;
	v10 =	vmul.f32 v22, v6  }
0x111: {  	v27 =	vadd.f32 v39, v27;
	v18 =	vmul.f32 v21, v5;
	v14 =	vadd.f32 v36, v14  }
0x112: {  	v21 =	vmax.f32 v11, v38;
	v11 =	vmin.f32 v13, v9;
	v10 =	vadd.f32 v10, v25  }
0x113: {  	v22 =	vmax.f32 v37, v15;
	v15 =	vmin.f32 v16, v40;
	v23 =	vadd.f32 v30, v14  }
0x114: {  	v14 =	vmin.f32 v26, v31;
	v10 =	vadd.f32 v19, v10;
	v19 =	vmin.f32 v29, v24  }
0x115: {  	v16 =	vmin.f32 v14, v12;
	v24 =	vmin.f32 v19, v62;
	v29 =	vmax.f32 v19, v62  }
0x116: {  	s22 =	simm.s32 $0x40E0;
	s20 =	simm.s32 $0x8;
	s21 =	simm.s32 $0x50E0;
	v19 =	vmin.f32 v60, v63;
	v25 =	vmin.f32 v28, v29;
	v26 =	vmax.f32 v24, v23  }
.LBB2_8:
0x117: {  	v30 =	vld [tilespmem:s22+$0xFFFFFFE0];
	s20 =	sadd.s32 $0x4, s20;
	v28 =	vmax.f32 v28, v29;
	s18 =	sadd.s32 $0x40, s18;
	s19 =	sadd.s32 $0x40, s19;
	v29 =	vmax.f32 v8, v7;
	v12 =	vmax.f32 v14, v12  }
0x118: {  	v9 =	vmax.f32 v13, v9;
	v14 =	vld [tilespmem:s18+$0x10];
	p0 =	slt.u32 s20, $0xFC;
	v13 =	vmax.f32 v11, v29;
	v12 =	vmin.f32 v15, v12  }
0x119: {  	v31 =	vmin.f32 v19, v9;
	v9 =	vmax.f32 v19, v9;
	v19 =	vmin.f32 v17, v22;
	v15 =	vld [tilespmem:s18+$0xFFFFFFF0]  }
0x11a: {  	v33 =	vmax.f32 v16, v9;
	v34 =	vmin.f32 v31, v13;
	v35 =	vmin.f32 v19, v21;
	v32 =	vld [tilespmem:s19+$0x0]  }
0x11b: {  	v9 =	vmin.f32 v16, v9;
	v13 =	vmax.f32 v31, v13;
	v16 =	vmax.f32 v19, v21;
	v36 =	vld [tilespmem:s19+$0x10]  }
0x11c: {  	v7 =	vmin.f32 v8, v7;
	v19 =	vmul.f32 v30, v4;
	v21 =	vld [tilespmem:s18+$0xFFFFFFE0];
	v30 =	vmin.f32 v9, v13  }
0x11d: {  	v8 =	vadd.f32 v20, v27;
	v13 =	vmax.f32 v9, v13;
	v9 =	vmax.f32 v17, v22;
	v31 =	vld [tilespmem:s18+$0x0]  }
0x11e: {  	v11 =	vmin.f32 v11, v29;
	v22 =	vmin.f32 v7, v9;
	v9 =	vmax.f32 v7, v9;
	v17 =	vld [tilespmem:s22+$0x10]  }
0x11f: {  	v29 =	vmax.f32 v25, v26;
	v27 =	vmin.f32 v35, v28;
	v37 =	vmin.f32 v11, v9;
	v20 =	vld [tilespmem:s19+$0xFFFFFFE0]  }
0x120: {  	v25 =	vmin.f32 v25, v26;
	v7 =	vmax.f32 v27, v29;
	v9 =	vmax.f32 v11, v9;
	v38 =	vld [tilespmem:s21+$0xFFFFFFF0]  }
0x121: {  	v8 =	vadd.f32 v18, v8;
	v12 =	vmin.f32 v12, v33;
	v18 =	vmin.f32 v22, v16;
	v11 =	vld [tilespmem:s21+$0x0]  }
0x122: {  	v23 =	vmin.f32 v24, v23;
	v28 =	vmax.f32 v35, v28;
	v33 =	vmin.f32 v34, v9;
	v26 =	vld [tilespmem:s22+$0x0]  }
0x123: {  	v35 =	vmin.f32 v23, v8;
	v34 =	vmax.f32 v34, v9;
	v24 =	vld [tilespmem:s21+$0xFFFFFFE0];
	v17 =	vmul.f32 v17, v4  }
0x124: {  	v23 =	vmax.f32 v23, v8;
	v39 =	vmul.f32 v21, v5;
	v19 =	vadd.f32 v19, v20;
	v21 =	vld [tilespmem:s22+$0xFFFFFFF0]  }
0x125: {  	v41 =	vmin.f32 v25, v23;
	v15 =	vmul.f32 v15, v5;
	v40 =	vld [tilespmem:s19+$0xFFFFFFF0];
	v36 =	vadd.f32 v17, v36  }
0x126: {  	v8 =	vmin.f32 v18, v28;
	v9 =	vmax.f32 v18, v28;
	v28 =	vmax.f32 v35, v10  }
0x127: {  	v43 =	vmin.f32 v12, v13;
	v38 =	vmul.f32 v38, v6;
	v26 =	vmul.f32 v26, v4;
	v42 =	vld [tilespmem:s21+$0x10]  }
0x128: {  	v16 =	vmax.f32 v22, v16;
	v20 =	vmul.f32 v11, v6;
	v12 =	vmul.f32 v24, v6  }
0x129: {  	v13 =	vmin.f32 v37, v16;
	v24 =	vmul.f32 v14, v5;
	v11 =	vmul.f32 v21, v4  }
0x12a: {  	v18 =	vmul.f32 v31, v5;
	v12 =	vadd.f32 v12, v19;
	v19 =	vmax.f32 v30, v34  }
0x12b: {  	v17 =	vmin.f32 v27, v29;
	v21 =	vmax.f32 v41, v28;
	v11 =	vadd.f32 v11, v40  }
0x12c: {  	v28 =	vmin.f32 v41, v28;
	v29 =	vadd.f32 v39, v12;
	v12 =	vmul.f32 v42, v6  }
0x12d: {  	v16 =	vmax.f32 v37, v16;
	v14 =	vadd.f32 v38, v11;
	v11 =	vmin.f32 v13, v9  }
.Ltmp7:
0x12e: {  	v22 =	vmax.f32 v25, v23;
	v31 =	vadd.f32 v12, v36;
	v12 =	vmax.f32 v33, v16;
	(pc) =	sbr.rel @p0 .LBB2_8-.Ltmp7, $4  }
0x12f: {  	v27 =	vadd.f32 v26, v32;
	v23 =	vadd.f32 v15, v14;
	v14 =	vmin.f32 v30, v34  }
0x130: {  	v25 =	vmin.f32 v35, v10;
	v15 =	vmin.f32 v43, v19;
	v10 =	vadd.f32 v24, v31  }
0x131: {  	v19 =	vmin.f32 v33, v16;
	v24 =	vmin.f32 v25, v29;
	v29 =	vmax.f32 v25, v29  }
0x132: {  	s22 =	sadd.s32 $0x40, s22;
	s21 =	sadd.s32 $0x40, s21;
	v16 =	vmin.f32 v14, v12;
	v25 =	vmin.f32 v28, v29;
	v26 =	vmax.f32 v24, v23  }
0x133: {  	v4 =	vadd.f32 v20, v27;
	_ =	sdelay $0x1  }
0x134: {  	v4 =	vadd.f32 v18, v4  }
0x135: {  	v5 =	vmin.f32 v24, v23  }
0x136: {  	v6 =	vmin.f32 v25, v26;
	v18 =	vmin.f32 v5, v4;
	v4 =	vmax.f32 v5, v4  }
0x137: {  	v5 =	vmin.f32 v6, v4;
	v58 =	vmax.f32 v18, v10;
	v59 =	vmin.f32 v18, v10  }
0x138: {  	v60 =	vmin.f32 v5, v58;
	(xrf1) =	vsort.ascd.msk.f32 $0xffff, v59, v59  }
0x139: {  	(xrf1) =	vsort.dscd.msk.f32 $0xffff, v60, v60;
	_ =	sdelay $0xa  }
0x13a: {  	v61 =	vmin.f32 v17, v22  }
0x13b: {  	v62 =	vmax.f32 v28, v29;
	v63 =	vmin.f32 v61, v21  }
0x13c: {  	v31 =	vmax.f32 v25, v26;
	v30 =	vmin.f32 v63, v62;
	v32, _, _ =	vpop (xrf1)  }
0x13d: {  	v33 =	vmin.f32 v30, v31;
	v4 =	vmax.f32 v6, v4;
	v6, _, _ =	vpop (xrf1)  }
0x13e: {  	v5 =	vmax.f32 v5, v58;
	v34 =	vmin.f32 v33, v4;
	v6 =	vmin.f32 v32, v6  }
0x13f: {  	v35 =	vmin.f32 v34, v5;
	(xrf1) =	vsort.ascd.msk.f32 $0xffff, v6, v6  }
0x140: {  	(xrf1) =	vsort.dscd.msk.f32 $0xffff, v35, v35;
	_ =	sdelay $0x9  }
0x141: {  	v36 =	vmax.f32 v17, v22;
	v6 =	vmin.f32 v8, v7  }
0x142: {  	v10 =	vmax.f32 v61, v21;
	v37 =	vmin.f32 v6, v36  }
0x143: {  	v18 =	vmax.f32 v63, v62;
	v38 =	vmin.f32 v37, v10  }
0x144: {  	v39 =	vmax.f32 v30, v31;
	v40 =	vmin.f32 v38, v18;
	v41, _, _ =	vpop (xrf1)  }
0x145: {  	v4 =	vmax.f32 v33, v4;
	v42 =	vmin.f32 v40, v39;
	v43, _, _ =	vpop (xrf1)  }
0x146: {  	v5 =	vmax.f32 v34, v5;
	v44 =	vmin.f32 v42, v4;
	v25 =	vmin.f32 v41, v43  }
0x147: {  	v45 =	vmin.f32 v44, v5;
	(xrf1) =	vsort.ascd.msk.f32 $0xffff, v25, v25  }
0x148: {  	(xrf1) =	vsort.dscd.msk.f32 $0xffff, v45, v45;
	_ =	sdelay $0x8  }
0x149: {  	v7 =	vmax.f32 v8, v7  }
0x14a: {  	v8 =	vmin.f32 v11, v7;
	v6 =	vmax.f32 v6, v36  }
0x14b: {  	v17 =	vmin.f32 v8, v6;
	v10 =	vmax.f32 v37, v10  }
0x14c: {  	v18 =	vmax.f32 v38, v18;
	v21 =	vmin.f32 v17, v10  }
0x14d: {  	v22 =	vmin.f32 v21, v18;
	v23 =	vmax.f32 v40, v39;
	v46, _, _ =	vpop (xrf1)  }
0x14e: {  	v47 =	vmin.f32 v22, v23;
	v4 =	vmax.f32 v42, v4;
	v48, _, _ =	vpop (xrf1)  }
0x14f: {  	v49 =	vmin.f32 v47, v4;
	v5 =	vmax.f32 v44, v5;
	v50 =	vmin.f32 v46, v48  }
0x150: {  	v51 =	vmin.f32 v49, v5;
	(xrf1) =	vsort.ascd.msk.f32 $0xffff, v50, v50  }
0x151: {  	(xrf1) =	vsort.dscd.msk.f32 $0xffff, v51, v51;
	_ =	sdelay $0x7  }
0x152: {  	v9 =	vmax.f32 v13, v9  }
0x153: {  	v52 =	vmin.f32 v19, v9;
	v7 =	vmax.f32 v11, v7  }
0x154: {  	v53 =	vmin.f32 v52, v7;
	v6 =	vmax.f32 v8, v6  }
0x155: {  	v8 =	vmin.f32 v53, v6;
	v10 =	vmax.f32 v17, v10  }
0x156: {  	v17 =	vmin.f32 v8, v10;
	v18 =	vmax.f32 v21, v18  }
0x157: {  	v54 =	vmax.f32 v22, v23;
	v21 =	vmin.f32 v17, v18;
	v55, _, _ =	vpop (xrf1)  }
0x158: {  	v23 =	vmin.f32 v21, v54;
	v4 =	vmax.f32 v47, v4;
	v24, _, _ =	vpop (xrf1)  }
0x159: {  	v5 =	vmax.f32 v49, v5;
	v25 =	vmin.f32 v23, v4;
	v22 =	vmin.f32 v55, v24  }
0x15a: {  	v56 =	vmin.f32 v25, v5;
	(xrf1) =	vsort.ascd.msk.f32 $0xffff, v22, v22  }
0x15b: {  	(xrf1) =	vsort.dscd.msk.f32 $0xffff, v56, v56;
	_ =	sdelay $0x7  }
0x15c: {  	v9 =	vmax.f32 v19, v9  }
0x15d: {  	v19 =	vmin.f32 v16, v9;
	v7 =	vmax.f32 v52, v7  }
0x15e: {  	v11 =	vmin.f32 v19, v7;
	v6 =	vmax.f32 v53, v6  }
0x15f: {  	v8 =	vmax.f32 v8, v10;
	v57 =	vmin.f32 v11, v6  }
0x160: {  	v58 =	vmin.f32 v57, v8;
	v17 =	vmax.f32 v17, v18  }
0x161: {  	v18 =	vmin.f32 v58, v17;
	v20 =	vmax.f32 v21, v54;
	v59, _, _ =	vpop (xrf1)  }
0x162: {  	v60 =	vmin.f32 v18, v20;
	v4 =	vmax.f32 v23, v4;
	v61, _, _ =	vpop (xrf1)  }
0x163: {  	v5 =	vmax.f32 v25, v5;
	v62 =	vmin.f32 v60, v4;
	v21 =	vmin.f32 v59, v61  }
0x164: {  	v63 =	vmin.f32 v62, v5;
	(xrf1) =	vsort.ascd.msk.f32 $0xffff, v21, v21  }
0x165: {  	(xrf1) =	vsort.dscd.msk.f32 $0xffff, v63, v63;
	_ =	sdelay $0x4  }
0x166: {  	v12 =	vmax.f32 v14, v12  }
0x167: {  	v12 =	vmin.f32 v15, v12;
	v9 =	vmax.f32 v16, v9  }
0x168: {  	v9 =	vmin.f32 v12, v9;
	v7 =	vmax.f32 v19, v7  }
0x169: {  	v7 =	vmin.f32 v9, v7;
	v6 =	vmax.f32 v11, v6  }
0x16a: {  	v6 =	vmin.f32 v7, v6;
	v7 =	vmax.f32 v57, v8  }
0x16b: {  	v6 =	vmin.f32 v6, v7;
	v7 =	vmax.f32 v58, v17  }
0x16c: {  	v8 =	vmax.f32 v18, v20;
	_ =	sdelay $0x1  }
0x16d: {  	v6 =	vmin.f32 v6, v7;
	v7, _, _ =	vpop (xrf1)  }
0x16e: {  	v6 =	vmin.f32 v6, v8;
	v4 =	vmax.f32 v60, v4;
	v8, _, _ =	vpop (xrf1)  }
0x16f: {  	v4 =	vmin.f32 v6, v4;
	v5 =	vmax.f32 v62, v5;
	v6 =	vmin.f32 v7, v8  }
0x170: {  	v4 =	vmin.f32 v4, v5;
	(xrf1) =	vsort.ascd.msk.f32 $0xffff, v6, v6  }
0x171: {  	(xrf1) =	vsort.dscd.msk.f32 $0xffff, v4, v4;
	_ =	sdelay $0xc  }
0x172: {  	v4, _, _ =	vpop (xrf1)  }
0x173: {  	v5, _, _ =	vpop (xrf1)  }
0x174: {  	v4 =	vmin.f32 v4, v5  }
0x175: {  	(xrf1) =	vsort.ascd.msk.f32 $0xffff, v4, v4;
	_ =	sdelay $0x9  }
.Ltmp8:
0x176: {  	_ = 	snop;
	(pc) =	sbr.rel .LBB2_10-.Ltmp8, $2  }
0x177: {  	_ =	sdelay $0x2  }
0x178: {  	v7, _, _ =	vpop (xrf1)  }
.LBB2_12:
0x179: {  	_ =	sfence.sel $0x180000  }
0x17a: {  	[bflag:$0x0] =	sbarrier.arrive $0xFFFF  }
0x17b: {  	p0 =	sne.s32 s1, $0x0;
	_ =	strace $0x90000047  }
0x17c: {  	s0 =	sadd.s32 @!p0 $0x100000, s0;
	[bflag:$0x2] =	sbarrier.arrive $0xFFFF  }
0x17d: {  	[sflag:s0] =	ssyncadd.tile.s32 @!p0 $0x1;
	_ =	shalt  }
.Lfunc_end2:
_tile_overlayer_lowered:
.L_overlay_start_2:
0x17e: {  	(tag) =	ssettag $0x2  }
0x17f: {  	s0 =	rddreg [dreg:$0x0];
	s2 =	stileid.u32  }
0x180: {  	s1 =	rddreg [dreg:$0x1];
	p0 =	sne.s32 s2, $0x0  }
0x181: {  	s3 =	rddreg [dreg:$0x2];
	[bflag:$0x3] =	sbarrier.arrive $0xFFFF;
	s2 =	simm.s32 @!p0 $0x1C01  }
0x182: {  	[timem:s3], [sflag:s2] =	dma.local @!p0 [hbm:s0], s1  }
0x183: {  	s0 =	simm.s32 @!p0 $0x1  }
0x184: {  	_ =	swait.ge @!p0 [sflag:s0], s1  }
0x185: {  	s1 =	ssub.s32 @!p0 $0x0, s1;
	[sflag:s0] =	ssyncset.done @!p0 $0x0  }
0x186: {  	[sflag:s0] =	ssyncadd.s32 @!p0 s1  }
0x187: {  	[bflag:$0x3] =	sbarrier.arrive $0xFFFF  }
0x188: {  	_ =	shalt  }

</sc_bundles>
